<compile_context>
chip_gen: v7x
topology: tpu7x:2x2x1
jax: 0.10.2.dev20260603
libtpu: 0.0.44.dev20260713+nightly
codegen_flags: <defaults>
</compile_context>

<pallas_src>
import functools

import jax
import jax.numpy as jnp
from jax import lax
from jax.experimental import pallas as pl
from jax.experimental.pallas import tpu as pltpu
from jax.experimental.pallas import tpu_sc as plsc

NC = 2
NS = 16
NW = NC * NS
CKW = 128
DEGW = 16
RING = 2


def _segsum_sc(vals, srcp, dstp, z_acc):
  n, h = vals.shape
  ch = srcp.shape[1]
  nacc = z_acc.shape[0]
  zr = nacc // NS

  scratch = [
      pltpu.VMEM((ch + RING, CKW), jnp.int32),
      pltpu.VMEM((ch, CKW), jnp.int32),
  ] + [pltpu.VMEM((CKW, h), jnp.float32) for _ in range(RING)] + [
      pltpu.VMEM_SHARED((nacc, h), jnp.float32),
      pltpu.VMEM_SHARED((nacc, h), jnp.float32),
  ] + [pltpu.SemaphoreType.DMA for _ in range(RING + 4)]

  def body(*refs):
    (vals_h, srcp_h, dstp_h, zacc_h, agg_out, src_v, dst_v) = refs[:7]
    bufs = refs[7:7 + RING]
    acc_sh, tbl_sh = refs[7 + RING:9 + RING]
    sems = refs[9 + RING:9 + 2 * RING]
    ssem = refs[9 + 2 * RING:13 + 2 * RING]
    cid = lax.axis_index("c")
    sid = lax.axis_index("s")
    wid = cid * NS + sid

    stage = [
        pltpu.make_async_copy(srcp_h.at[wid], src_v.at[pl.ds(0, ch)],
                              ssem[0]),
        pltpu.make_async_copy(dstp_h.at[wid], dst_v, ssem[1]),
        pltpu.make_async_copy(zacc_h.at[pl.ds(sid * zr, zr)],
                              acc_sh.at[pl.ds(sid * zr, zr)], ssem[2]),
    ]
    for c in stage:
      c.start()

    last = n - (NS - 1) * zr
    tbl = [
        pltpu.make_async_copy(vals_h.at[pl.ds(sid * zr, zr)],
                              tbl_sh.at[pl.ds(sid * zr, zr)], ssem[3]),
        pltpu.make_async_copy(vals_h.at[pl.ds((NS - 1) * zr, last)],
                              tbl_sh.at[pl.ds((NS - 1) * zr, last)], ssem[3]),
    ]

    @pl.when(sid < NS - 1)
    def _():
      tbl[0].start()

    @pl.when(sid == NS - 1)
    def _():
      tbl[1].start()

    for r in range(ch, ch + RING):
      for c in range(CKW // 16):
        src_v[r, pl.ds(c * 16, 16)] = jnp.zeros((16,), jnp.int32)

    for c in stage:
      c.wait()

    @pl.when(sid < NS - 1)
    def _():
      tbl[0].wait()

    @pl.when(sid == NS - 1)
    def _():
      tbl[1].wait()

    plsc.subcore_barrier()

    for b in range(RING):
      pltpu.async_copy(tbl_sh.at[src_v.at[b]], bufs[b], sems[b])

    def chunk_group(k, carry):
      for b in range(RING):
        j = RING * k + b
        pltpu.make_async_copy(tbl_sh.at[src_v.at[j]], bufs[b], sems[b]).wait()
        pltpu.sync_copy(bufs[b], acc_sh.at[dst_v.at[j]], add=True)
        pltpu.async_copy(tbl_sh.at[src_v.at[j + RING]], bufs[b], sems[b])
      return carry

    lax.fori_loop(0, ch // RING, chunk_group, 0)
    for b in range(RING):
      pltpu.make_async_copy(tbl_sh.at[src_v.at[ch + b]], bufs[b],
                            sems[b]).wait()
    plsc.subcore_barrier()

    pltpu.sync_copy(acc_sh.at[pl.ds(sid * zr, zr)],
                    agg_out.at[cid, pl.ds(sid * zr, zr)])

  mesh = plsc.VectorSubcoreMesh(core_axis_name="c", subcore_axis_name="s",
                                num_cores=NC, num_subcores=NS)
  fn = pl.kernel(body, out_type=(jax.ShapeDtypeStruct((NC, nacc, h),
                                                      jnp.float32),),
                 mesh=mesh, scratch_types=scratch,
                 compiler_params=pltpu.CompilerParams(
                     use_tc_tiling_on_sc=False))
  return fn(vals, srcp, dstp, z_acc)[0]


def _deg_sc(dstp, z_deg, ones):
  ch = dstp.shape[1]
  nacc = z_deg.shape[0]
  zr = nacc // NS

  def body(dstp_h, zdeg_h, ones_h, deg_out, dst_v, ones_v, deg_sh,
           sem0, sem1, sem2):
    cid = lax.axis_index("c")
    sid = lax.axis_index("s")
    wid = cid * NS + sid

    stage = [
        pltpu.make_async_copy(dstp_h.at[wid], dst_v, sem0),
        pltpu.make_async_copy(ones_h, ones_v, sem1),
        pltpu.make_async_copy(zdeg_h.at[pl.ds(sid * zr, zr)],
                              deg_sh.at[pl.ds(sid * zr, zr)], sem2),
    ]
    for c in stage:
      c.start()
    for c in stage:
      c.wait()
    plsc.subcore_barrier()

    def chunk(j, carry):
      pltpu.sync_copy(ones_v, deg_sh.at[dst_v.at[j]], add=True)
      return carry

    lax.fori_loop(0, ch, chunk, 0)
    plsc.subcore_barrier()

    pltpu.sync_copy(deg_sh.at[pl.ds(sid * zr, zr)],
                    deg_out.at[cid, pl.ds(sid * zr, zr)])

  mesh = plsc.VectorSubcoreMesh(core_axis_name="c", subcore_axis_name="s",
                                num_cores=NC, num_subcores=NS)
  fn = pl.kernel(body, out_type=(jax.ShapeDtypeStruct((NC, nacc, DEGW),
                                                      jnp.float32),),
                 mesh=mesh,
                 scratch_types=[
                     pltpu.VMEM((ch, CKW), jnp.int32),
                     pltpu.VMEM((CKW, DEGW), jnp.float32),
                     pltpu.VMEM_SHARED((nacc, DEGW), jnp.float32),
                     pltpu.SemaphoreType.DMA,
                     pltpu.SemaphoreType.DMA,
                     pltpu.SemaphoreType.DMA,
                 ],
                 compiler_params=pltpu.CompilerParams(
                     use_tc_tiling_on_sc=False))
  return fn(dstp, z_deg, ones)[0]


def _tc_pre(x, w_self, w_neigh, b):
  n, d = x.shape
  h = w_self.shape[1]
  blk = 1000

  def body(x_ref, ws_ref, wn_ref, b_ref, t_ref, u_ref):
    xb = x_ref[...]
    t_ref[...] = jnp.dot(xb, ws_ref[...],
                         preferred_element_type=jnp.float32) + b_ref[...]
    u_ref[...] = jnp.dot(xb, wn_ref[...], preferred_element_type=jnp.float32)

  return pl.pallas_call(
      body,
      grid=(n // blk,),
      in_specs=[
          pl.BlockSpec((blk, d), lambda i: (i, 0)),
          pl.BlockSpec((d, h), lambda i: (0, 0)),
          pl.BlockSpec((d, h), lambda i: (0, 0)),
          pl.BlockSpec((1, h), lambda i: (0, 0)),
      ],
      out_specs=[
          pl.BlockSpec((blk, h), lambda i: (i, 0)),
          pl.BlockSpec((blk, h), lambda i: (i, 0)),
      ],
      out_shape=[
          jax.ShapeDtypeStruct((n, h), jnp.float32),
          jax.ShapeDtypeStruct((n, h), jnp.float32),
      ],
  )(x, w_self, w_neigh, b.reshape(1, h))


def _tc_mid(t1, agg, deg, w_self, w_neigh, b):
  n, h = t1.shape
  blk = 1000

  def body(t1_ref, agg_ref, deg_ref, ws_ref, wn_ref, b_ref, t2_ref, u2_ref):
    acc = agg_ref[0] + agg_ref[1]
    d = deg_ref[0, :, :1] + deg_ref[1, :, :1]
    rdeg = 1.0 / jnp.maximum(d, 1.0)
    h1 = jnp.maximum(t1_ref[...] + acc * rdeg, 0.0)
    t2_ref[...] = jnp.dot(h1, ws_ref[...],
                          preferred_element_type=jnp.float32) + b_ref[...]
    u2_ref[...] = jnp.dot(h1, wn_ref[...], preferred_element_type=jnp.float32)

  return pl.pallas_call(
      body,
      grid=(n // blk,),
      in_specs=[
          pl.BlockSpec((blk, h), lambda i: (i, 0)),
          pl.BlockSpec((NC, blk, h), lambda i: (0, i, 0)),
          pl.BlockSpec((NC, blk, DEGW), lambda i: (0, i, 0)),
          pl.BlockSpec((h, h), lambda i: (0, 0)),
          pl.BlockSpec((h, h), lambda i: (0, 0)),
          pl.BlockSpec((1, h), lambda i: (0, 0)),
      ],
      out_specs=[
          pl.BlockSpec((blk, h), lambda i: (i, 0)),
          pl.BlockSpec((blk, h), lambda i: (i, 0)),
      ],
      out_shape=[
          jax.ShapeDtypeStruct((n, h), jnp.float32),
          jax.ShapeDtypeStruct((n, h), jnp.float32),
      ],
  )(t1, agg, deg, w_self, w_neigh, b.reshape(1, h))


def _tc_out(tn, t2, agg, deg, w_l1, b_l1, w_out, b_out):
  n, h = t2.shape
  mlp = w_l1.shape[1]
  b = tn.shape[0]
  nacc = agg.shape[1]
  blk = 1000

  def body(tn_ref, t2_ref, agg_ref, deg_ref, t2f_ref, aggf_ref, degf_ref,
           wl1_ref, bl1_ref, wout_ref, bout_ref, o_ref, te_scr,
           t2g, aggg, degg, s0, s1, s2):
    @pl.when(pl.program_id(0) == 0)
    def _():
      cps = []
      for i in range(b):
        r = tn_ref[i]
        cps.append(pltpu.make_async_copy(t2f_ref.at[pl.ds(r, 1)],
                                         t2g.at[pl.ds(i, 1)], s0))
        for c in range(NC):
          cps.append(pltpu.make_async_copy(aggf_ref.at[c, pl.ds(r, 1)],
                                           aggg.at[c, pl.ds(i, 1)], s1))
          cps.append(pltpu.make_async_copy(degf_ref.at[c, pl.ds(r, 1)],
                                           degg.at[c, pl.ds(i, 1)], s2))
      for cp in cps:
        cp.start()
      for cp in cps:
        cp.wait()
      acc = aggg[0] + aggg[1]
      dg = degg[0, :, :1] + degg[1, :, :1]
      te_scr[...] = jnp.maximum(
          t2g[...] + acc * (1.0 / jnp.maximum(dg, 1.0)), 0.0)

    acc = agg_ref[0] + agg_ref[1]
    d = deg_ref[0, :, :1] + deg_ref[1, :, :1]
    h2 = jnp.maximum(t2_ref[...] + acc * (1.0 / jnp.maximum(d, 1.0)), 0.0)
    hidden = jnp.maximum(
        jnp.dot(h2, wl1_ref[...],
                preferred_element_type=jnp.float32) + bl1_ref[...], 0.0)
    raw = jnp.dot(hidden, wout_ref[...],
                  preferred_element_type=jnp.float32) + bout_ref[...]
    o_ref[...] = lax.dot_general(raw, te_scr[...], (((1,), (1,)), ((), ())),
                                 preferred_element_type=jnp.float32)

  return pl.pallas_call(
      body,
      grid=(n // blk,),
      in_specs=[
          pl.BlockSpec(memory_space=pltpu.SMEM),
          pl.BlockSpec((blk, h), lambda i: (i, 0)),
          pl.BlockSpec((NC, blk, h), lambda i: (0, i, 0)),
          pl.BlockSpec((NC, blk, DEGW), lambda i: (0, i, 0)),
          pl.BlockSpec(memory_space=pl.ANY),
          pl.BlockSpec(memory_space=pl.ANY),
          pl.BlockSpec(memory_space=pl.ANY),
          pl.BlockSpec((h, mlp), lambda i: (0, 0)),
          pl.BlockSpec((1, mlp), lambda i: (0, 0)),
          pl.BlockSpec((mlp, h), lambda i: (0, 0)),
          pl.BlockSpec((1, h), lambda i: (0, 0)),
      ],
      out_specs=pl.BlockSpec((blk, b), lambda i: (i, 0)),
      out_shape=jax.ShapeDtypeStruct((n, b), jnp.float32),
      scratch_shapes=[
          pltpu.VMEM((b, h), jnp.float32),
          pltpu.VMEM((b, h), jnp.float32),
          pltpu.VMEM((NC, b, h), jnp.float32),
          pltpu.VMEM((NC, b, DEGW), jnp.float32),
          pltpu.SemaphoreType.DMA,
          pltpu.SemaphoreType.DMA,
          pltpu.SemaphoreType.DMA,
      ],
  )(tn, t2, agg, deg, t2, agg, deg, w_l1, b_l1.reshape(1, mlp),
    w_out, b_out.reshape(1, h))


def kernel(x, edge_index, target_nodes, W1_self, W1_neigh, b1,
           W2_self, W2_neigh, b2, W_l1, b_l1, W_out, b_out):
  n = x.shape[0]
  e = edge_index.shape[1]
  h = W1_self.shape[1]

  ch = -(-e // (NW * CKW))
  ch = -(-ch // RING) * RING
  pad = NW * ch * CKW - e
  src = edge_index[0].astype(jnp.int32)
  dst = edge_index[1].astype(jnp.int32)
  srcp = jnp.concatenate([src, jnp.zeros((pad,), jnp.int32)]).reshape(
      NW, ch, CKW)
  dstp = jnp.concatenate([dst, jnp.full((pad,), n, jnp.int32)]).reshape(
      NW, ch, CKW)

  zr = -(-(n + 1) // NS)
  zr = -(-zr // 8) * 8
  nacc = NS * zr
  z_acc = jnp.zeros((nacc, h), jnp.float32)
  z_deg = jnp.zeros((nacc, DEGW), jnp.float32)
  ones = jnp.ones((CKW, DEGW), jnp.float32)

  deg = _deg_sc(dstp, z_deg, ones)
  t1, u1 = _tc_pre(x, W1_self, W1_neigh, b1)
  agg1 = _segsum_sc(u1, srcp, dstp, z_acc)
  t2, u2 = _tc_mid(t1, agg1, deg, W2_self, W2_neigh, b2)
  agg2 = _segsum_sc(u2, srcp, dstp, z_acc)
  preds = _tc_out(target_nodes.astype(jnp.int32), t2, agg2, deg,
                  W_l1, b_l1, W_out, b_out)
  return jnp.transpose(preds)[:, :, None]

# --- scband reference (transcript-rebuilt; emitter-appended) ---
"""Pipeline reference for scband-qnet-node-88416196755624 (READ-ONLY COPY).

The authoritative reference and input builder live on the scoring server;
editing this copy changes nothing except your own understanding.
"""

import jax, jax.numpy as jnp
import numpy as np

N = 10000
E = 320000
D = 128
H = 64
MLP = 128
B = 16


def setup_inputs(seed: int = 0) -> dict:
    key = jax.random.key(seed)
    ks = jax.random.split(key, 16)
    x = jax.random.normal(ks[0], (N, D), dtype=jnp.float32)
    edge_index = jax.random.randint(ks[1], (2, E), 0, N)
    target_nodes = jax.random.randint(ks[2], (B,), 0, N)
    # SAGEConv 1: num_features -> latent_dim
    W1_self = jax.random.normal(ks[3], (D, H), dtype=jnp.float32) / np.sqrt(D)
    W1_neigh = jax.random.normal(ks[4], (D, H), dtype=jnp.float32) / np.sqrt(D)
    b1 = jnp.zeros((H,), dtype=jnp.float32)
    # SAGEConv 2: latent_dim -> latent_dim
    W2_self = jax.random.normal(ks[5], (H, H), dtype=jnp.float32) / np.sqrt(H)
    W2_neigh = jax.random.normal(ks[6], (H, H), dtype=jnp.float32) / np.sqrt(H)
    b2 = jnp.zeros((H,), dtype=jnp.float32)
    # linear_1: latent_dim -> mlp_hidden
    W_l1 = jax.random.normal(ks[7], (H, MLP), dtype=jnp.float32) / np.sqrt(H)
    b_l1 = jnp.zeros((MLP,), dtype=jnp.float32)
    # linear_out: mlp_hidden -> latent_dim (bilin_q=True so last_wout=embed_dim)
    W_out = jax.random.normal(ks[8], (MLP, H), dtype=jnp.float32) / np.sqrt(MLP)
    b_out = jnp.zeros((H,), dtype=jnp.float32)
    return {"x": x, "edge_index": edge_index, "target_nodes": target_nodes,
            "W1_self": W1_self, "W1_neigh": W1_neigh, "b1": b1,
            "W2_self": W2_self, "W2_neigh": W2_neigh, "b2": b2,
            "W_l1": W_l1, "b_l1": b_l1, "W_out": W_out, "b_out": b_out}


def _sage_conv(h, edge_index, W_self, W_neigh, b, n_nodes):
    # GraphSAGE with mean aggregation: W_self @ h + W_neigh @ mean_{j in N(i)} h_j + b
    src = edge_index[0]
    dst = edge_index[1]
    msg = h[src]
    agg = jax.ops.segment_sum(msg, dst, num_segments=n_nodes)
    deg = jax.ops.segment_sum(jnp.ones((src.shape[0],), dtype=h.dtype), dst, num_segments=n_nodes)
    mean = agg / jnp.clip(deg, 1.0)[:, None]
    return h @ W_self + mean @ W_neigh + b


def reference(x, edge_index, target_nodes, W1_self, W1_neigh, b1,
              W2_self, W2_neigh, b2, W_l1, b_l1, W_out, b_out):
    n = x.shape[0]
    # conv1 over the base graph, shared across all states
    h1 = jax.nn.relu(_sage_conv(x, edge_index, W1_self, W1_neigh, b1, n))
    # conv2 over the (perturbed) graph edges for each state; edges shared here
    h2 = jax.nn.relu(_sage_conv(h1, edge_index, W2_self, W2_neigh, b2, n))
    # target node embedding per state (bilin_q=True branch, region=None, actions=None)
    target_embed = h2[target_nodes]            # [B, H]
    hidden = jax.nn.relu(h2 @ W_l1 + b_l1)     # [N, MLP]
    raw = hidden @ W_out + b_out               # [N, H]
    preds = raw @ target_embed.T               # [N, B]
    # list_pred stacked: per target node a [N, 1] Q-vector -> [B, N, 1]
    return jnp.transpose(preds)[:, :, None]

if __name__ == "__main__":
    import jax
    _d = setup_inputs()
    print(jax.jit(kernel)(*tuple(_d.values())))

</pallas_src>

<mosaic_0001>
#map = affine_map<(d0, d1) -> (0, 0)>
#map1 = affine_map<(d0, d1) -> (0, 0, 0)>
module attributes {stable_mosaic.version = 14 : i64} {
  func.func @body(%arg0: i32, %arg1: i32, %arg2: memref<10000x64xf32, #tpu.memory_space<hbm>>, %arg3: memref<32x80x128xi32, #tpu.memory_space<hbm>>, %arg4: memref<32x80x128xi32, #tpu.memory_space<hbm>>, %arg5: memref<10112x64xf32, #tpu.memory_space<hbm>>, %arg6: memref<2x10112x64xf32, #tpu.memory_space<hbm>>, %arg7: memref<82x128xi32, #tpu.memory_space<vmem>>, %arg8: memref<80x128xi32, #tpu.memory_space<vmem>>, %arg9: memref<128x64xf32, #tpu.memory_space<vmem>>, %arg10: memref<128x64xf32, #tpu.memory_space<vmem>>, %arg11: memref<10112x64xf32, #tpu.memory_space<vmem_shared>>, %arg12: memref<10112x64xf32, #tpu.memory_space<vmem_shared>>, %arg13: memref<!tpu.dma_semaphore, #tpu.memory_space<semaphore_mem>>, %arg14: memref<!tpu.dma_semaphore, #tpu.memory_space<semaphore_mem>>, %arg15: memref<!tpu.dma_semaphore, #tpu.memory_space<semaphore_mem>>, %arg16: memref<!tpu.dma_semaphore, #tpu.memory_space<semaphore_mem>>, %arg17: memref<!tpu.dma_semaphore, #tpu.memory_space<semaphore_mem>>, %arg18: memref<!tpu.dma_semaphore, #tpu.memory_space<semaphore_mem>>) attributes {dimension_semantics = [#tpu.dimension_semantics<core_parallel>, #tpu.dimension_semantics<subcore_parallel>], iteration_bounds = array<i64: 2, 16>, scalar_prefetch = 0 : i64, scratch_operands = 12 : i64, tpu.core_type = #tpu.core_type<sc_vector_subcore>, window_params = [{transform_indices = #map}, {transform_indices = #map1}, {transform_indices = #map1}, {transform_indices = #map}, {transform_indices = #map1}]} {
    %mul3A = arith.constant 16 : i32
    %mul3A_0 = arith.muli %arg0, %mul3A : i32
    %add3A = arith.addi %mul3A_0, %arg1 : i32
    %mul3A_1 = arith.constant 632 : i32
    %mul3A_2 = arith.muli %arg1, %mul3A_1 : i32
    %mul3A_3 = arith.constant 632 : i32
    %mul3A_4 = arith.muli %arg1, %mul3A_3 : i32
    %dma_start3A = arith.constant 0 : i32
    %dma_start3A_5 = arith.constant 0 : i32
    %dma_start3A_6 = tpu.memref_slice %arg7[%dma_start3A, %dma_start3A_5] : memref<82x128xi32, #tpu.memory_space<vmem>> -> memref<80x128xi32, #tpu.memory_space<vmem>>
    %dma_start3A_7 = arith.constant 0 : i32
    %dma_start3A_8 = arith.constant 0 : i32
    %dma_start3A_9 = tpu.memref_slice %arg3[%add3A, %dma_start3A_7, %dma_start3A_8] : memref<32x80x128xi32, #tpu.memory_space<hbm>> -> memref<1x80x128xi32, #tpu.memory_space<hbm>>
    %dma_start3A_10 = tpu.memref_squeeze %dma_start3A_9 : memref<1x80x128xi32, #tpu.memory_space<hbm>> -> memref<80x128xi32, #tpu.memory_space<hbm>>
    %dma_start3A_11 = arith.constant 0 : i32
    %dma_start3A_12 = arith.constant 0 : i32
    %dma_start3A_13 = tpu.memref_slice %arg7[%dma_start3A_11, %dma_start3A_12] : memref<82x128xi32, #tpu.memory_space<vmem>> -> memref<80x128xi32, #tpu.memory_space<vmem>>
    %dma_start3A_14 = arith.constant 0 : i32
    %dma_start3A_15 = arith.constant 0 : i32
    %dma_start3A_16 = tpu.memref_slice %arg3[%add3A, %dma_start3A_14, %dma_start3A_15] : memref<32x80x128xi32, #tpu.memory_space<hbm>> -> memref<1x80x128xi32, #tpu.memory_space<hbm>>
    %dma_start3A_17 = tpu.memref_squeeze %dma_start3A_16 : memref<1x80x128xi32, #tpu.memory_space<hbm>> -> memref<80x128xi32, #tpu.memory_space<hbm>>
    tpu.enqueue_dma source(%dma_start3A_17 : memref<80x128xi32, #tpu.memory_space<hbm>>) target(%dma_start3A_13 : memref<80x128xi32, #tpu.memory_space<vmem>>) target_semaphore(%arg15 : memref<!tpu.dma_semaphore, #tpu.memory_space<semaphore_mem>>)
    %dma_start3A_18 = arith.constant 0 : i32
    %dma_start3A_19 = arith.constant 0 : i32
    %dma_start3A_20 = tpu.memref_slice %arg4[%add3A, %dma_start3A_18, %dma_start3A_19] : memref<32x80x128xi32, #tpu.memory_space<hbm>> -> memref<1x80x128xi32, #tpu.memory_space<hbm>>
    %dma_start3A_21 = tpu.memref_squeeze %dma_start3A_20 : memref<1x80x128xi32, #tpu.memory_space<hbm>> -> memref<80x128xi32, #tpu.memory_space<hbm>>
    %dma_start3A_22 = arith.constant 0 : i32
    %dma_start3A_23 = arith.constant 0 : i32
    %dma_start3A_24 = tpu.memref_slice %arg4[%add3A, %dma_start3A_22, %dma_start3A_23] : memref<32x80x128xi32, #tpu.memory_space<hbm>> -> memref<1x80x128xi32, #tpu.memory_space<hbm>>
    %dma_start3A_25 = tpu.memref_squeeze %dma_start3A_24 : memref<1x80x128xi32, #tpu.memory_space<hbm>> -> memref<80x128xi32, #tpu.memory_space<hbm>>
    tpu.enqueue_dma source(%dma_start3A_25 : memref<80x128xi32, #tpu.memory_space<hbm>>) target(%arg8 : memref<80x128xi32, #tpu.memory_space<vmem>>) target_semaphore(%arg16 : memref<!tpu.dma_semaphore, #tpu.memory_space<semaphore_mem>>)
    %dma_start3A_26 = arith.constant 0 : i32
    %dma_start3A_27 = tpu.memref_slice %arg11[%mul3A_4, %dma_start3A_26] : memref<10112x64xf32, #tpu.memory_space<vmem_shared>> -> memref<632x64xf32, #tpu.memory_space<vmem_shared>>
    %dma_start3A_28 = arith.constant 0 : i32
    %dma_start3A_29 = tpu.memref_slice %arg5[%mul3A_2, %dma_start3A_28] : memref<10112x64xf32, #tpu.memory_space<hbm>> -> memref<632x64xf32, #tpu.memory_space<hbm>>
    tpu.enqueue_dma source(%dma_start3A_29 : memref<632x64xf32, #tpu.memory_space<hbm>>) target(%dma_start3A_27 : memref<632x64xf32, #tpu.memory_space<vmem_shared>>) target_semaphore(%arg17 : memref<!tpu.dma_semaphore, #tpu.memory_space<semaphore_mem>>)
    %mul3A_30 = arith.constant 632 : i32
    %mul3A_31 = arith.muli %arg1, %mul3A_30 : i32
    %mul3A_32 = arith.constant 632 : i32
    %mul3A_33 = arith.muli %arg1, %mul3A_32 : i32
    %lt3A = arith.constant 15 : i32
    %lt3A_34 = arith.cmpi slt, %arg1, %lt3A : i32
    %convert_element_type3A = arith.extui %lt3A_34 : i1 to i32
    %cond3A = arith.constant 0 : i32
    %cond3A_35 = arith.cmpi ne, %convert_element_type3A, %cond3A : i32
    scf.if %cond3A_35 {
      %dma_start3A_239 = arith.constant 0 : i32
      %dma_start3A_240 = tpu.memref_slice %arg12[%mul3A_33, %dma_start3A_239] : memref<10112x64xf32, #tpu.memory_space<vmem_shared>> -> memref<632x64xf32, #tpu.memory_space<vmem_shared>>
      %dma_start3A_241 = arith.constant 0 : i32
      %dma_start3A_242 = tpu.memref_slice %arg2[%mul3A_31, %dma_start3A_241] : memref<10000x64xf32, #tpu.memory_space<hbm>> -> memref<632x64xf32, #tpu.memory_space<hbm>>
      tpu.enqueue_dma source(%dma_start3A_242 : memref<632x64xf32, #tpu.memory_space<hbm>>) target(%dma_start3A_240 : memref<632x64xf32, #tpu.memory_space<vmem_shared>>) target_semaphore(%arg18 : memref<!tpu.dma_semaphore, #tpu.memory_space<semaphore_mem>>)
    } else {
    }
    %eq3A = arith.constant 15 : i32
    %eq3A_36 = arith.cmpi eq, %arg1, %eq3A : i32
    %convert_element_type3A_37 = arith.extui %eq3A_36 : i1 to i32
    %cond3A_38 = arith.constant 0 : i32
    %cond3A_39 = arith.cmpi ne, %convert_element_type3A_37, %cond3A_38 : i32
    scf.if %cond3A_39 {
      %dma_start3A_239 = arith.constant 9480 : i32
      %dma_start3A_240 = arith.constant 0 : i32
      %dma_start3A_241 = tpu.memref_slice %arg12[%dma_start3A_239, %dma_start3A_240] : memref<10112x64xf32, #tpu.memory_space<vmem_shared>> -> memref<520x64xf32, #tpu.memory_space<vmem_shared>>
      %dma_start3A_242 = arith.constant 9480 : i32
      %dma_start3A_243 = arith.constant 0 : i32
      %dma_start3A_244 = tpu.memref_slice %arg2[%dma_start3A_242, %dma_start3A_243] : memref<10000x64xf32, #tpu.memory_space<hbm>> -> memref<520x64xf32, #tpu.memory_space<hbm>>
      tpu.enqueue_dma source(%dma_start3A_244 : memref<520x64xf32, #tpu.memory_space<hbm>>) target(%dma_start3A_241 : memref<520x64xf32, #tpu.memory_space<vmem_shared>>) target_semaphore(%arg18 : memref<!tpu.dma_semaphore, #tpu.memory_space<semaphore_mem>>)
    } else {
    }
    %broadcast_in_dim3A = arith.constant 0 : i32
    %broadcast_in_dim3A_40 = vector.broadcast %broadcast_in_dim3A : i32 to vector<16xi32>
    %swap3A = arith.constant 80 : i32
    %swap3A_41 = arith.index_cast %swap3A : i32 to index
    %swap3A_42 = arith.constant 0 : index
    %swap3A_43 = tpu.vector_load %arg7[%swap3A_41, %swap3A_42] {strides = array<i32>} : memref<82x128xi32, #tpu.memory_space<vmem>>, vector<1x16xi32>,
    %swap3A_44 = vector.shape_cast %swap3A_43 : vector<1x16xi32> to vector<16xi32>
    %swap3A_45 = vector.shape_cast %broadcast_in_dim3A_40 : vector<16xi32> to vector<1x16xi32>
    tpu.vector_store %arg7[%swap3A_41, %swap3A_42], %swap3A_45 {strides = array<i32>} : memref<82x128xi32, #tpu.memory_space<vmem>>, vector<1x16xi32>,
    %broadcast_in_dim3A_46 = arith.constant 0 : i32
    %broadcast_in_dim3A_47 = vector.broadcast %broadcast_in_dim3A_46 : i32 to vector<16xi32>
    %swap3A_48 = arith.constant 80 : i32
    %swap3A_49 = arith.index_cast %swap3A_48 : i32 to index
    %swap3A_50 = arith.constant 16 : index
    %swap3A_51 = tpu.vector_load %arg7[%swap3A_49, %swap3A_50] {strides = array<i32>} : memref<82x128xi32, #tpu.memory_space<vmem>>, vector<1x16xi32>,
    %swap3A_52 = vector.shape_cast %swap3A_51 : vector<1x16xi32> to vector<16xi32>
    %swap3A_53 = vector.shape_cast %broadcast_in_dim3A_47 : vector<16xi32> to vector<1x16xi32>
    tpu.vector_store %arg7[%swap3A_49, %swap3A_50], %swap3A_53 {strides = array<i32>} : memref<82x128xi32, #tpu.memory_space<vmem>>, vector<1x16xi32>,
    %broadcast_in_dim3A_54 = arith.constant 0 : i32
    %broadcast_in_dim3A_55 = vector.broadcast %broadcast_in_dim3A_54 : i32 to vector<16xi32>
    %swap3A_56 = arith.constant 80 : i32
    %swap3A_57 = arith.index_cast %swap3A_56 : i32 to index
    %swap3A_58 = arith.constant 32 : index
    %swap3A_59 = tpu.vector_load %arg7[%swap3A_57, %swap3A_58] {strides = array<i32>} : memref<82x128xi32, #tpu.memory_space<vmem>>, vector<1x16xi32>,
    %swap3A_60 = vector.shape_cast %swap3A_59 : vector<1x16xi32> to vector<16xi32>
    %swap3A_61 = vector.shape_cast %broadcast_in_dim3A_55 : vector<16xi32> to vector<1x16xi32>
    tpu.vector_store %arg7[%swap3A_57, %swap3A_58], %swap3A_61 {strides = array<i32>} : memref<82x128xi32, #tpu.memory_space<vmem>>, vector<1x16xi32>,
    %broadcast_in_dim3A_62 = arith.constant 0 : i32
    %broadcast_in_dim3A_63 = vector.broadcast %broadcast_in_dim3A_62 : i32 to vector<16xi32>
    %swap3A_64 = arith.constant 80 : i32
    %swap3A_65 = arith.index_cast %swap3A_64 : i32 to index
    %swap3A_66 = arith.constant 48 : index
    %swap3A_67 = tpu.vector_load %arg7[%swap3A_65, %swap3A_66] {strides = array<i32>} : memref<82x128xi32, #tpu.memory_space<vmem>>, vector<1x16xi32>,
    %swap3A_68 = vector.shape_cast %swap3A_67 : vector<1x16xi32> to vector<16xi32>
    %swap3A_69 = vector.shape_cast %broadcast_in_dim3A_63 : vector<16xi32> to vector<1x16xi32>
    tpu.vector_store %arg7[%swap3A_65, %swap3A_66], %swap3A_69 {strides = array<i32>} : memref<82x128xi32, #tpu.memory_space<vmem>>, vector<1x16xi32>,
    %broadcast_in_dim3A_70 = arith.constant 0 : i32
    %broadcast_in_dim3A_71 = vector.broadcast %broadcast_in_dim3A_70 : i32 to vector<16xi32>
    %swap3A_72 = arith.constant 80 : i32
    %swap3A_73 = arith.index_cast %swap3A_72 : i32 to index
    %swap3A_74 = arith.constant 64 : index
    %swap3A_75 = tpu.vector_load %arg7[%swap3A_73, %swap3A_74] {strides = array<i32>} : memref<82x128xi32, #tpu.memory_space<vmem>>, vector<1x16xi32>,
    %swap3A_76 = vector.shape_cast %swap3A_75 : vector<1x16xi32> to vector<16xi32>
    %swap3A_77 = vector.shape_cast %broadcast_in_dim3A_71 : vector<16xi32> to vector<1x16xi32>
    tpu.vector_store %arg7[%swap3A_73, %swap3A_74], %swap3A_77 {strides = array<i32>} : memref<82x128xi32, #tpu.memory_space<vmem>>, vector<1x16xi32>,
    %broadcast_in_dim3A_78 = arith.constant 0 : i32
    %broadcast_in_dim3A_79 = vector.broadcast %broadcast_in_dim3A_78 : i32 to vector<16xi32>
    %swap3A_80 = arith.constant 80 : i32
    %swap3A_81 = arith.index_cast %swap3A_80 : i32 to index
    %swap3A_82 = arith.constant 80 : index
    %swap3A_83 = tpu.vector_load %arg7[%swap3A_81, %swap3A_82] {strides = array<i32>} : memref<82x128xi32, #tpu.memory_space<vmem>>, vector<1x16xi32>,
    %swap3A_84 = vector.shape_cast %swap3A_83 : vector<1x16xi32> to vector<16xi32>
    %swap3A_85 = vector.shape_cast %broadcast_in_dim3A_79 : vector<16xi32> to vector<1x16xi32>
    tpu.vector_store %arg7[%swap3A_81, %swap3A_82], %swap3A_85 {strides = array<i32>} : memref<82x128xi32, #tpu.memory_space<vmem>>, vector<1x16xi32>,
    %broadcast_in_dim3A_86 = arith.constant 0 : i32
    %broadcast_in_dim3A_87 = vector.broadcast %broadcast_in_dim3A_86 : i32 to vector<16xi32>
    %swap3A_88 = arith.constant 80 : i32
    %swap3A_89 = arith.index_cast %swap3A_88 : i32 to index
    %swap3A_90 = arith.constant 96 : index
    %swap3A_91 = tpu.vector_load %arg7[%swap3A_89, %swap3A_90] {strides = array<i32>} : memref<82x128xi32, #tpu.memory_space<vmem>>, vector<1x16xi32>,
    %swap3A_92 = vector.shape_cast %swap3A_91 : vector<1x16xi32> to vector<16xi32>
    %swap3A_93 = vector.shape_cast %broadcast_in_dim3A_87 : vector<16xi32> to vector<1x16xi32>
    tpu.vector_store %arg7[%swap3A_89, %swap3A_90], %swap3A_93 {strides = array<i32>} : memref<82x128xi32, #tpu.memory_space<vmem>>, vector<1x16xi32>,
    %broadcast_in_dim3A_94 = arith.constant 0 : i32
    %broadcast_in_dim3A_95 = vector.broadcast %broadcast_in_dim3A_94 : i32 to vector<16xi32>
    %swap3A_96 = arith.constant 80 : i32
    %swap3A_97 = arith.index_cast %swap3A_96 : i32 to index
    %swap3A_98 = arith.constant 112 : index
    %swap3A_99 = tpu.vector_load %arg7[%swap3A_97, %swap3A_98] {strides = array<i32>} : memref<82x128xi32, #tpu.memory_space<vmem>>, vector<1x16xi32>,
    %swap3A_100 = vector.shape_cast %swap3A_99 : vector<1x16xi32> to vector<16xi32>
    %swap3A_101 = vector.shape_cast %broadcast_in_dim3A_95 : vector<16xi32> to vector<1x16xi32>
    tpu.vector_store %arg7[%swap3A_97, %swap3A_98], %swap3A_101 {strides = array<i32>} : memref<82x128xi32, #tpu.memory_space<vmem>>, vector<1x16xi32>,
    %broadcast_in_dim3A_102 = arith.constant 0 : i32
    %broadcast_in_dim3A_103 = vector.broadcast %broadcast_in_dim3A_102 : i32 to vector<16xi32>
    %swap3A_104 = arith.constant 81 : i32
    %swap3A_105 = arith.index_cast %swap3A_104 : i32 to index
    %swap3A_106 = arith.constant 0 : index
    %swap3A_107 = tpu.vector_load %arg7[%swap3A_105, %swap3A_106] {strides = array<i32>} : memref<82x128xi32, #tpu.memory_space<vmem>>, vector<1x16xi32>,
    %swap3A_108 = vector.shape_cast %swap3A_107 : vector<1x16xi32> to vector<16xi32>
    %swap3A_109 = vector.shape_cast %broadcast_in_dim3A_103 : vector<16xi32> to vector<1x16xi32>
    tpu.vector_store %arg7[%swap3A_105, %swap3A_106], %swap3A_109 {strides = array<i32>} : memref<82x128xi32, #tpu.memory_space<vmem>>, vector<1x16xi32>,
    %broadcast_in_dim3A_110 = arith.constant 0 : i32
    %broadcast_in_dim3A_111 = vector.broadcast %broadcast_in_dim3A_110 : i32 to vector<16xi32>
    %swap3A_112 = arith.constant 81 : i32
    %swap3A_113 = arith.index_cast %swap3A_112 : i32 to index
    %swap3A_114 = arith.constant 16 : index
    %swap3A_115 = tpu.vector_load %arg7[%swap3A_113, %swap3A_114] {strides = array<i32>} : memref<82x128xi32, #tpu.memory_space<vmem>>, vector<1x16xi32>,
    %swap3A_116 = vector.shape_cast %swap3A_115 : vector<1x16xi32> to vector<16xi32>
    %swap3A_117 = vector.shape_cast %broadcast_in_dim3A_111 : vector<16xi32> to vector<1x16xi32>
    tpu.vector_store %arg7[%swap3A_113, %swap3A_114], %swap3A_117 {strides = array<i32>} : memref<82x128xi32, #tpu.memory_space<vmem>>, vector<1x16xi32>,
    %broadcast_in_dim3A_118 = arith.constant 0 : i32
    %broadcast_in_dim3A_119 = vector.broadcast %broadcast_in_dim3A_118 : i32 to vector<16xi32>
    %swap3A_120 = arith.constant 81 : i32
    %swap3A_121 = arith.index_cast %swap3A_120 : i32 to index
    %swap3A_122 = arith.constant 32 : index
    %swap3A_123 = tpu.vector_load %arg7[%swap3A_121, %swap3A_122] {strides = array<i32>} : memref<82x128xi32, #tpu.memory_space<vmem>>, vector<1x16xi32>,
    %swap3A_124 = vector.shape_cast %swap3A_123 : vector<1x16xi32> to vector<16xi32>
    %swap3A_125 = vector.shape_cast %broadcast_in_dim3A_119 : vector<16xi32> to vector<1x16xi32>
    tpu.vector_store %arg7[%swap3A_121, %swap3A_122], %swap3A_125 {strides = array<i32>} : memref<82x128xi32, #tpu.memory_space<vmem>>, vector<1x16xi32>,
    %broadcast_in_dim3A_126 = arith.constant 0 : i32
    %broadcast_in_dim3A_127 = vector.broadcast %broadcast_in_dim3A_126 : i32 to vector<16xi32>
    %swap3A_128 = arith.constant 81 : i32
    %swap3A_129 = arith.index_cast %swap3A_128 : i32 to index
    %swap3A_130 = arith.constant 48 : index
    %swap3A_131 = tpu.vector_load %arg7[%swap3A_129, %swap3A_130] {strides = array<i32>} : memref<82x128xi32, #tpu.memory_space<vmem>>, vector<1x16xi32>,
    %swap3A_132 = vector.shape_cast %swap3A_131 : vector<1x16xi32> to vector<16xi32>
    %swap3A_133 = vector.shape_cast %broadcast_in_dim3A_127 : vector<16xi32> to vector<1x16xi32>
    tpu.vector_store %arg7[%swap3A_129, %swap3A_130], %swap3A_133 {strides = array<i32>} : memref<82x128xi32, #tpu.memory_space<vmem>>, vector<1x16xi32>,
    %broadcast_in_dim3A_134 = arith.constant 0 : i32
    %broadcast_in_dim3A_135 = vector.broadcast %broadcast_in_dim3A_134 : i32 to vector<16xi32>
    %swap3A_136 = arith.constant 81 : i32
    %swap3A_137 = arith.index_cast %swap3A_136 : i32 to index
    %swap3A_138 = arith.constant 64 : index
    %swap3A_139 = tpu.vector_load %arg7[%swap3A_137, %swap3A_138] {strides = array<i32>} : memref<82x128xi32, #tpu.memory_space<vmem>>, vector<1x16xi32>,
    %swap3A_140 = vector.shape_cast %swap3A_139 : vector<1x16xi32> to vector<16xi32>
    %swap3A_141 = vector.shape_cast %broadcast_in_dim3A_135 : vector<16xi32> to vector<1x16xi32>
    tpu.vector_store %arg7[%swap3A_137, %swap3A_138], %swap3A_141 {strides = array<i32>} : memref<82x128xi32, #tpu.memory_space<vmem>>, vector<1x16xi32>,
    %broadcast_in_dim3A_142 = arith.constant 0 : i32
    %broadcast_in_dim3A_143 = vector.broadcast %broadcast_in_dim3A_142 : i32 to vector<16xi32>
    %swap3A_144 = arith.constant 81 : i32
    %swap3A_145 = arith.index_cast %swap3A_144 : i32 to index
    %swap3A_146 = arith.constant 80 : index
    %swap3A_147 = tpu.vector_load %arg7[%swap3A_145, %swap3A_146] {strides = array<i32>} : memref<82x128xi32, #tpu.memory_space<vmem>>, vector<1x16xi32>,
    %swap3A_148 = vector.shape_cast %swap3A_147 : vector<1x16xi32> to vector<16xi32>
    %swap3A_149 = vector.shape_cast %broadcast_in_dim3A_143 : vector<16xi32> to vector<1x16xi32>
    tpu.vector_store %arg7[%swap3A_145, %swap3A_146], %swap3A_149 {strides = array<i32>} : memref<82x128xi32, #tpu.memory_space<vmem>>, vector<1x16xi32>,
    %broadcast_in_dim3A_150 = arith.constant 0 : i32
    %broadcast_in_dim3A_151 = vector.broadcast %broadcast_in_dim3A_150 : i32 to vector<16xi32>
    %swap3A_152 = arith.constant 81 : i32
    %swap3A_153 = arith.index_cast %swap3A_152 : i32 to index
    %swap3A_154 = arith.constant 96 : index
    %swap3A_155 = tpu.vector_load %arg7[%swap3A_153, %swap3A_154] {strides = array<i32>} : memref<82x128xi32, #tpu.memory_space<vmem>>, vector<1x16xi32>,
    %swap3A_156 = vector.shape_cast %swap3A_155 : vector<1x16xi32> to vector<16xi32>
    %swap3A_157 = vector.shape_cast %broadcast_in_dim3A_151 : vector<16xi32> to vector<1x16xi32>
    tpu.vector_store %arg7[%swap3A_153, %swap3A_154], %swap3A_157 {strides = array<i32>} : memref<82x128xi32, #tpu.memory_space<vmem>>, vector<1x16xi32>,
    %broadcast_in_dim3A_158 = arith.constant 0 : i32
    %broadcast_in_dim3A_159 = vector.broadcast %broadcast_in_dim3A_158 : i32 to vector<16xi32>
    %swap3A_160 = arith.constant 81 : i32
    %swap3A_161 = arith.index_cast %swap3A_160 : i32 to index
    %swap3A_162 = arith.constant 112 : index
    %swap3A_163 = tpu.vector_load %arg7[%swap3A_161, %swap3A_162] {strides = array<i32>} : memref<82x128xi32, #tpu.memory_space<vmem>>, vector<1x16xi32>,
    %swap3A_164 = vector.shape_cast %swap3A_163 : vector<1x16xi32> to vector<16xi32>
    %swap3A_165 = vector.shape_cast %broadcast_in_dim3A_159 : vector<16xi32> to vector<1x16xi32>
    tpu.vector_store %arg7[%swap3A_161, %swap3A_162], %swap3A_165 {strides = array<i32>} : memref<82x128xi32, #tpu.memory_space<vmem>>, vector<1x16xi32>,
    %dma_wait3A = arith.constant 0 : i32
    %dma_wait3A_166 = arith.constant 0 : i32
    %dma_wait3A_167 = tpu.memref_slice %arg7[%dma_wait3A, %dma_wait3A_166] : memref<82x128xi32, #tpu.memory_space<vmem>> -> memref<80x128xi32, #tpu.memory_space<vmem>>
    %dma_wait3A_168 = arith.constant 0 : i32
    %dma_wait3A_169 = arith.constant 0 : i32
    %dma_wait3A_170 = tpu.memref_slice %arg3[%add3A, %dma_wait3A_168, %dma_wait3A_169] : memref<32x80x128xi32, #tpu.memory_space<hbm>> -> memref<1x80x128xi32, #tpu.memory_space<hbm>>
    %dma_wait3A_171 = tpu.memref_squeeze %dma_wait3A_170 : memref<1x80x128xi32, #tpu.memory_space<hbm>> -> memref<80x128xi32, #tpu.memory_space<hbm>>
    %dma_wait3A_172 = arith.constant 0 : i32
    %dma_wait3A_173 = arith.constant 0 : i32
    %dma_wait3A_174 = tpu.memref_slice %arg7[%dma_wait3A_172, %dma_wait3A_173] : memref<82x128xi32, #tpu.memory_space<vmem>> -> memref<80x128xi32, #tpu.memory_space<vmem>>
    %dma_wait3A_175 = arith.constant 0 : i32
    %dma_wait3A_176 = arith.constant 0 : i32
    %dma_wait3A_177 = tpu.memref_slice %arg3[%add3A, %dma_wait3A_175, %dma_wait3A_176] : memref<32x80x128xi32, #tpu.memory_space<hbm>> -> memref<1x80x128xi32, #tpu.memory_space<hbm>>
    %dma_wait3A_178 = tpu.memref_squeeze %dma_wait3A_177 : memref<1x80x128xi32, #tpu.memory_space<hbm>> -> memref<80x128xi32, #tpu.memory_space<hbm>>
    tpu.wait_dma2 semaphore(%arg15 : memref<!tpu.dma_semaphore, #tpu.memory_space<semaphore_mem>>) src(%dma_wait3A_178 : memref<80x128xi32, #tpu.memory_space<hbm>>) dst(%dma_wait3A_174 : memref<80x128xi32, #tpu.memory_space<vmem>>)
    %dma_wait3A_179 = arith.constant 0 : i32
    %dma_wait3A_180 = arith.constant 0 : i32
    %dma_wait3A_181 = tpu.memref_slice %arg4[%add3A, %dma_wait3A_179, %dma_wait3A_180] : memref<32x80x128xi32, #tpu.memory_space<hbm>> -> memref<1x80x128xi32, #tpu.memory_space<hbm>>
    %dma_wait3A_182 = tpu.memref_squeeze %dma_wait3A_181 : memref<1x80x128xi32, #tpu.memory_space<hbm>> -> memref<80x128xi32, #tpu.memory_space<hbm>>
    %dma_wait3A_183 = arith.constant 0 : i32
    %dma_wait3A_184 = arith.constant 0 : i32
    %dma_wait3A_185 = tpu.memref_slice %arg4[%add3A, %dma_wait3A_183, %dma_wait3A_184] : memref<32x80x128xi32, #tpu.memory_space<hbm>> -> memref<1x80x128xi32, #tpu.memory_space<hbm>>
    %dma_wait3A_186 = tpu.memref_squeeze %dma_wait3A_185 : memref<1x80x128xi32, #tpu.memory_space<hbm>> -> memref<80x128xi32, #tpu.memory_space<hbm>>
    tpu.wait_dma2 semaphore(%arg16 : memref<!tpu.dma_semaphore, #tpu.memory_space<semaphore_mem>>) src(%dma_wait3A_186 : memref<80x128xi32, #tpu.memory_space<hbm>>) dst(%arg8 : memref<80x128xi32, #tpu.memory_space<vmem>>)
    %dma_wait3A_187 = arith.constant 0 : i32
    %dma_wait3A_188 = tpu.memref_slice %arg11[%mul3A_4, %dma_wait3A_187] : memref<10112x64xf32, #tpu.memory_space<vmem_shared>> -> memref<632x64xf32, #tpu.memory_space<vmem_shared>>
    %dma_wait3A_189 = arith.constant 0 : i32
    %dma_wait3A_190 = tpu.memref_slice %arg5[%mul3A_2, %dma_wait3A_189] : memref<10112x64xf32, #tpu.memory_space<hbm>> -> memref<632x64xf32, #tpu.memory_space<hbm>>
    tpu.wait_dma2 semaphore(%arg17 : memref<!tpu.dma_semaphore, #tpu.memory_space<semaphore_mem>>) src(%dma_wait3A_190 : memref<632x64xf32, #tpu.memory_space<hbm>>) dst(%dma_wait3A_188 : memref<632x64xf32, #tpu.memory_space<vmem_shared>>)
    %lt3A_191 = arith.constant 15 : i32
    %lt3A_192 = arith.cmpi slt, %arg1, %lt3A_191 : i32
    %convert_element_type3A_193 = arith.extui %lt3A_192 : i1 to i32
    %cond3A_194 = arith.constant 0 : i32
    %cond3A_195 = arith.cmpi ne, %convert_element_type3A_193, %cond3A_194 : i32
    scf.if %cond3A_195 {
      %dma_wait3A_239 = arith.constant 0 : i32
      %dma_wait3A_240 = tpu.memref_slice %arg12[%mul3A_33, %dma_wait3A_239] : memref<10112x64xf32, #tpu.memory_space<vmem_shared>> -> memref<632x64xf32, #tpu.memory_space<vmem_shared>>
      %dma_wait3A_241 = arith.constant 0 : i32
      %dma_wait3A_242 = tpu.memref_slice %arg2[%mul3A_31, %dma_wait3A_241] : memref<10000x64xf32, #tpu.memory_space<hbm>> -> memref<632x64xf32, #tpu.memory_space<hbm>>
      tpu.wait_dma2 semaphore(%arg18 : memref<!tpu.dma_semaphore, #tpu.memory_space<semaphore_mem>>) src(%dma_wait3A_242 : memref<632x64xf32, #tpu.memory_space<hbm>>) dst(%dma_wait3A_240 : memref<632x64xf32, #tpu.memory_space<vmem_shared>>)
    } else {
    }
    %eq3A_196 = arith.constant 15 : i32
    %eq3A_197 = arith.cmpi eq, %arg1, %eq3A_196 : i32
    %convert_element_type3A_198 = arith.extui %eq3A_197 : i1 to i32
    %cond3A_199 = arith.constant 0 : i32
    %cond3A_200 = arith.cmpi ne, %convert_element_type3A_198, %cond3A_199 : i32
    scf.if %cond3A_200 {
      %dma_wait3A_239 = arith.constant 9480 : i32
      %dma_wait3A_240 = arith.constant 0 : i32
      %dma_wait3A_241 = tpu.memref_slice %arg12[%dma_wait3A_239, %dma_wait3A_240] : memref<10112x64xf32, #tpu.memory_space<vmem_shared>> -> memref<520x64xf32, #tpu.memory_space<vmem_shared>>
      %dma_wait3A_242 = arith.constant 9480 : i32
      %dma_wait3A_243 = arith.constant 0 : i32
      %dma_wait3A_244 = tpu.memref_slice %arg2[%dma_wait3A_242, %dma_wait3A_243] : memref<10000x64xf32, #tpu.memory_space<hbm>> -> memref<520x64xf32, #tpu.memory_space<hbm>>
      tpu.wait_dma2 semaphore(%arg18 : memref<!tpu.dma_semaphore, #tpu.memory_space<semaphore_mem>>) src(%dma_wait3A_244 : memref<520x64xf32, #tpu.memory_space<hbm>>) dst(%dma_wait3A_241 : memref<520x64xf32, #tpu.memory_space<vmem_shared>>)
    } else {
    }
    %barrier3A = arith.constant 0 : index
    tpu.barrier barrier_id(%barrier3A)
    %dma_start3A_201 = arith.constant 0 : i32
    %dma_start3A_202 = arith.constant 0 : i32
    %dma_start3A_203 = tpu.memref_slice %arg7[%dma_start3A_201, %dma_start3A_202] : memref<82x128xi32, #tpu.memory_space<vmem>> -> memref<1x128xi32, #tpu.memory_space<vmem>>
    %dma_start3A_204 = tpu.memref_squeeze %dma_start3A_203 : memref<1x128xi32, #tpu.memory_space<vmem>> -> memref<128xi32, #tpu.memory_space<vmem>>
    %dma_start3A_205 = arith.constant 0 : i32
    %dma_start3A_206 = arith.constant 0 : i32
    %dma_start3A_207 = tpu.memref_slice %arg12[%dma_start3A_205, %dma_start3A_206] : memref<10112x64xf32, #tpu.memory_space<vmem_shared>> -> memref<10112x64xf32, #tpu.memory_space<vmem_shared>>
    tpu.enqueue_indirect_dma source(%dma_start3A_207 : memref<10112x64xf32, #tpu.memory_space<vmem_shared>>) target(%arg9 : memref<128x64xf32, #tpu.memory_space<vmem>>) offsets(%dma_start3A_204 : memref<128xi32, #tpu.memory_space<vmem>>) semaphore(%arg13 : memref<!tpu.dma_semaphore, #tpu.memory_space<semaphore_mem>>)
    %dma_start3A_208 = arith.constant 1 : i32
    %dma_start3A_209 = arith.constant 0 : i32
    %dma_start3A_210 = tpu.memref_slice %arg7[%dma_start3A_208, %dma_start3A_209] : memref<82x128xi32, #tpu.memory_space<vmem>> -> memref<1x128xi32, #tpu.memory_space<vmem>>
    %dma_start3A_211 = tpu.memref_squeeze %dma_start3A_210 : memref<1x128xi32, #tpu.memory_space<vmem>> -> memref<128xi32, #tpu.memory_space<vmem>>
    %dma_start3A_212 = arith.constant 0 : i32
    %dma_start3A_213 = arith.constant 0 : i32
    %dma_start3A_214 = tpu.memref_slice %arg12[%dma_start3A_212, %dma_start3A_213] : memref<10112x64xf32, #tpu.memory_space<vmem_shared>> -> memref<10112x64xf32, #tpu.memory_space<vmem_shared>>
    tpu.enqueue_indirect_dma source(%dma_start3A_214 : memref<10112x64xf32, #tpu.memory_space<vmem_shared>>) target(%arg10 : memref<128x64xf32, #tpu.memory_space<vmem>>) offsets(%dma_start3A_211 : memref<128xi32, #tpu.memory_space<vmem>>) semaphore(%arg14 : memref<!tpu.dma_semaphore, #tpu.memory_space<semaphore_mem>>)
    %scan3A = arith.constant 0 : i32
    %scan3A_215 = arith.constant 0 : i32
    %scan3A_216 = arith.constant 40 : i32
    %scan3A_217 = arith.addi %scan3A_215, %scan3A_216 : i32
    %scan3A_218 = arith.constant 1 : i32
    scf.for %scan3A_239 = %scan3A_215 to %scan3A_217 step %scan3A_218  : i32 {
      %mul3A_240 = arith.constant 2 : i32
      %mul3A_241 = arith.muli %mul3A_240, %scan3A_239 : i32
      %add3A_242 = arith.constant 0 : i32
      %add3A_243 = arith.addi %mul3A_241, %add3A_242 : i32
      %dma_wait3A_244 = arith.constant 0 : i32
      %dma_wait3A_245 = tpu.memref_slice %arg7[%add3A_243, %dma_wait3A_244] : memref<82x128xi32, #tpu.memory_space<vmem>> -> memref<1x128xi32, #tpu.memory_space<vmem>>
      %dma_wait3A_246 = tpu.memref_squeeze %dma_wait3A_245 : memref<1x128xi32, #tpu.memory_space<vmem>> -> memref<128xi32, #tpu.memory_space<vmem>>
      %dma_wait3A_247 = arith.constant 0 : i32
      %dma_wait3A_248 = arith.constant 0 : i32
      %dma_wait3A_249 = tpu.memref_slice %arg12[%dma_wait3A_247, %dma_wait3A_248] : memref<10112x64xf32, #tpu.memory_space<vmem_shared>> -> memref<10112x64xf32, #tpu.memory_space<vmem_shared>>
      tpu.wait_indirect_dma semaphore(%arg13 : memref<!tpu.dma_semaphore, #tpu.memory_space<semaphore_mem>>) src(%dma_wait3A_249 : memref<10112x64xf32, #tpu.memory_space<vmem_shared>>) dst(%arg9 : memref<128x64xf32, #tpu.memory_space<vmem>>)
      "tpu.region"() ({
        %run_scoped3A = tpu.sem_alloc : memref<!tpu.dma_semaphore, #tpu.memory_space<semaphore_mem>>
        %dma_start3A_276 = arith.constant 0 : i32
        %dma_start3A_277 = tpu.memref_slice %arg8[%add3A_243, %dma_start3A_276] : memref<80x128xi32, #tpu.memory_space<vmem>> -> memref<1x128xi32, #tpu.memory_space<vmem>>
        %dma_start3A_278 = tpu.memref_squeeze %dma_start3A_277 : memref<1x128xi32, #tpu.memory_space<vmem>> -> memref<128xi32, #tpu.memory_space<vmem>>
        %dma_start3A_279 = arith.constant 0 : i32
        %dma_start3A_280 = arith.constant 0 : i32
        %dma_start3A_281 = tpu.memref_slice %arg11[%dma_start3A_279, %dma_start3A_280] : memref<10112x64xf32, #tpu.memory_space<vmem_shared>> -> memref<10112x64xf32, #tpu.memory_space<vmem_shared>>
        tpu.enqueue_indirect_dma source(%arg9 : memref<128x64xf32, #tpu.memory_space<vmem>>) target(%dma_start3A_281 : memref<10112x64xf32, #tpu.memory_space<vmem_shared>>) offsets(%dma_start3A_278 : memref<128xi32, #tpu.memory_space<vmem>>) semaphore(%run_scoped3A : memref<!tpu.dma_semaphore, #tpu.memory_space<semaphore_mem>>) {add = true}
        %dma_wait3A_282 = arith.constant 0 : i32
        %dma_wait3A_283 = tpu.memref_slice %arg8[%add3A_243, %dma_wait3A_282] : memref<80x128xi32, #tpu.memory_space<vmem>> -> memref<1x128xi32, #tpu.memory_space<vmem>>
        %dma_wait3A_284 = tpu.memref_squeeze %dma_wait3A_283 : memref<1x128xi32, #tpu.memory_space<vmem>> -> memref<128xi32, #tpu.memory_space<vmem>>
        %dma_wait3A_285 = arith.constant 0 : i32
        %dma_wait3A_286 = arith.constant 0 : i32
        %dma_wait3A_287 = tpu.memref_slice %arg11[%dma_wait3A_285, %dma_wait3A_286] : memref<10112x64xf32, #tpu.memory_space<vmem_shared>> -> memref<10112x64xf32, #tpu.memory_space<vmem_shared>>
        tpu.wait_indirect_dma semaphore(%run_scoped3A : memref<!tpu.dma_semaphore, #tpu.memory_space<semaphore_mem>>) src(%arg9 : memref<128x64xf32, #tpu.memory_space<vmem>>) dst(%dma_wait3A_287 : memref<10112x64xf32, #tpu.memory_space<vmem_shared>>)
        tpu.yield
      }) : () -> ()
      %add3A_250 = arith.constant 2 : i32
      %add3A_251 = arith.addi %add3A_243, %add3A_250 : i32
      %dma_start3A_252 = arith.constant 0 : i32
      %dma_start3A_253 = tpu.memref_slice %arg7[%add3A_251, %dma_start3A_252] : memref<82x128xi32, #tpu.memory_space<vmem>> -> memref<1x128xi32, #tpu.memory_space<vmem>>
      %dma_start3A_254 = tpu.memref_squeeze %dma_start3A_253 : memref<1x128xi32, #tpu.memory_space<vmem>> -> memref<128xi32, #tpu.memory_space<vmem>>
      %dma_start3A_255 = arith.constant 0 : i32
      %dma_start3A_256 = arith.constant 0 : i32
      %dma_start3A_257 = tpu.memref_slice %arg12[%dma_start3A_255, %dma_start3A_256] : memref<10112x64xf32, #tpu.memory_space<vmem_shared>> -> memref<10112x64xf32, #tpu.memory_space<vmem_shared>>
      tpu.enqueue_indirect_dma source(%dma_start3A_257 : memref<10112x64xf32, #tpu.memory_space<vmem_shared>>) target(%arg9 : memref<128x64xf32, #tpu.memory_space<vmem>>) offsets(%dma_start3A_254 : memref<128xi32, #tpu.memory_space<vmem>>) semaphore(%arg13 : memref<!tpu.dma_semaphore, #tpu.memory_space<semaphore_mem>>)
      %mul3A_258 = arith.constant 2 : i32
      %mul3A_259 = arith.muli %mul3A_258, %scan3A_239 : i32
      %add3A_260 = arith.constant 1 : i32
      %add3A_261 = arith.addi %mul3A_259, %add3A_260 : i32
      %dma_wait3A_262 = arith.constant 0 : i32
      %dma_wait3A_263 = tpu.memref_slice %arg7[%add3A_261, %dma_wait3A_262] : memref<82x128xi32, #tpu.memory_space<vmem>> -> memref<1x128xi32, #tpu.memory_space<vmem>>
      %dma_wait3A_264 = tpu.memref_squeeze %dma_wait3A_263 : memref<1x128xi32, #tpu.memory_space<vmem>> -> memref<128xi32, #tpu.memory_space<vmem>>
      %dma_wait3A_265 = arith.constant 0 : i32
      %dma_wait3A_266 = arith.constant 0 : i32
      %dma_wait3A_267 = tpu.memref_slice %arg12[%dma_wait3A_265, %dma_wait3A_266] : memref<10112x64xf32, #tpu.memory_space<vmem_shared>> -> memref<10112x64xf32, #tpu.memory_space<vmem_shared>>
      tpu.wait_indirect_dma semaphore(%arg14 : memref<!tpu.dma_semaphore, #tpu.memory_space<semaphore_mem>>) src(%dma_wait3A_267 : memref<10112x64xf32, #tpu.memory_space<vmem_shared>>) dst(%arg10 : memref<128x64xf32, #tpu.memory_space<vmem>>)
      "tpu.region"() ({
        %run_scoped3A = tpu.sem_alloc : memref<!tpu.dma_semaphore, #tpu.memory_space<semaphore_mem>>
        %dma_start3A_276 = arith.constant 0 : i32
        %dma_start3A_277 = tpu.memref_slice %arg8[%add3A_261, %dma_start3A_276] : memref<80x128xi32, #tpu.memory_space<vmem>> -> memref<1x128xi32, #tpu.memory_space<vmem>>
        %dma_start3A_278 = tpu.memref_squeeze %dma_start3A_277 : memref<1x128xi32, #tpu.memory_space<vmem>> -> memref<128xi32, #tpu.memory_space<vmem>>
        %dma_start3A_279 = arith.constant 0 : i32
        %dma_start3A_280 = arith.constant 0 : i32
        %dma_start3A_281 = tpu.memref_slice %arg11[%dma_start3A_279, %dma_start3A_280] : memref<10112x64xf32, #tpu.memory_space<vmem_shared>> -> memref<10112x64xf32, #tpu.memory_space<vmem_shared>>
        tpu.enqueue_indirect_dma source(%arg10 : memref<128x64xf32, #tpu.memory_space<vmem>>) target(%dma_start3A_281 : memref<10112x64xf32, #tpu.memory_space<vmem_shared>>) offsets(%dma_start3A_278 : memref<128xi32, #tpu.memory_space<vmem>>) semaphore(%run_scoped3A : memref<!tpu.dma_semaphore, #tpu.memory_space<semaphore_mem>>) {add = true}
        %dma_wait3A_282 = arith.constant 0 : i32
        %dma_wait3A_283 = tpu.memref_slice %arg8[%add3A_261, %dma_wait3A_282] : memref<80x128xi32, #tpu.memory_space<vmem>> -> memref<1x128xi32, #tpu.memory_space<vmem>>
        %dma_wait3A_284 = tpu.memref_squeeze %dma_wait3A_283 : memref<1x128xi32, #tpu.memory_space<vmem>> -> memref<128xi32, #tpu.memory_space<vmem>>
        %dma_wait3A_285 = arith.constant 0 : i32
        %dma_wait3A_286 = arith.constant 0 : i32
        %dma_wait3A_287 = tpu.memref_slice %arg11[%dma_wait3A_285, %dma_wait3A_286] : memref<10112x64xf32, #tpu.memory_space<vmem_shared>> -> memref<10112x64xf32, #tpu.memory_space<vmem_shared>>
        tpu.wait_indirect_dma semaphore(%run_scoped3A : memref<!tpu.dma_semaphore, #tpu.memory_space<semaphore_mem>>) src(%arg10 : memref<128x64xf32, #tpu.memory_space<vmem>>) dst(%dma_wait3A_287 : memref<10112x64xf32, #tpu.memory_space<vmem_shared>>)
        tpu.yield
      }) : () -> ()
      %add3A_268 = arith.constant 2 : i32
      %add3A_269 = arith.addi %add3A_261, %add3A_268 : i32
      %dma_start3A_270 = arith.constant 0 : i32
      %dma_start3A_271 = tpu.memref_slice %arg7[%add3A_269, %dma_start3A_270] : memref<82x128xi32, #tpu.memory_space<vmem>> -> memref<1x128xi32, #tpu.memory_space<vmem>>
      %dma_start3A_272 = tpu.memref_squeeze %dma_start3A_271 : memref<1x128xi32, #tpu.memory_space<vmem>> -> memref<128xi32, #tpu.memory_space<vmem>>
      %dma_start3A_273 = arith.constant 0 : i32
      %dma_start3A_274 = arith.constant 0 : i32
      %dma_start3A_275 = tpu.memref_slice %arg12[%dma_start3A_273, %dma_start3A_274] : memref<10112x64xf32, #tpu.memory_space<vmem_shared>> -> memref<10112x64xf32, #tpu.memory_space<vmem_shared>>
      tpu.enqueue_indirect_dma source(%dma_start3A_275 : memref<10112x64xf32, #tpu.memory_space<vmem_shared>>) target(%arg10 : memref<128x64xf32, #tpu.memory_space<vmem>>) offsets(%dma_start3A_272 : memref<128xi32, #tpu.memory_space<vmem>>) semaphore(%arg14 : memref<!tpu.dma_semaphore, #tpu.memory_space<semaphore_mem>>)
    }
    %scan3A_219 = arith.constant 40 : i32
    %dma_wait3A_220 = arith.constant 80 : i32
    %dma_wait3A_221 = arith.constant 0 : i32
    %dma_wait3A_222 = tpu.memref_slice %arg7[%dma_wait3A_220, %dma_wait3A_221] : memref<82x128xi32, #tpu.memory_space<vmem>> -> memref<1x128xi32, #tpu.memory_space<vmem>>
    %dma_wait3A_223 = tpu.memref_squeeze %dma_wait3A_222 : memref<1x128xi32, #tpu.memory_space<vmem>> -> memref<128xi32, #tpu.memory_space<vmem>>
    %dma_wait3A_224 = arith.constant 0 : i32
    %dma_wait3A_225 = arith.constant 0 : i32
    %dma_wait3A_226 = tpu.memref_slice %arg12[%dma_wait3A_224, %dma_wait3A_225] : memref<10112x64xf32, #tpu.memory_space<vmem_shared>> -> memref<10112x64xf32, #tpu.memory_space<vmem_shared>>
    tpu.wait_indirect_dma semaphore(%arg13 : memref<!tpu.dma_semaphore, #tpu.memory_space<semaphore_mem>>) src(%dma_wait3A_226 : memref<10112x64xf32, #tpu.memory_space<vmem_shared>>) dst(%arg9 : memref<128x64xf32, #tpu.memory_space<vmem>>)
    %dma_wait3A_227 = arith.constant 81 : i32
    %dma_wait3A_228 = arith.constant 0 : i32
    %dma_wait3A_229 = tpu.memref_slice %arg7[%dma_wait3A_227, %dma_wait3A_228] : memref<82x128xi32, #tpu.memory_space<vmem>> -> memref<1x128xi32, #tpu.memory_space<vmem>>
    %dma_wait3A_230 = tpu.memref_squeeze %dma_wait3A_229 : memref<1x128xi32, #tpu.memory_space<vmem>> -> memref<128xi32, #tpu.memory_space<vmem>>
    %dma_wait3A_231 = arith.constant 0 : i32
    %dma_wait3A_232 = arith.constant 0 : i32
    %dma_wait3A_233 = tpu.memref_slice %arg12[%dma_wait3A_231, %dma_wait3A_232] : memref<10112x64xf32, #tpu.memory_space<vmem_shared>> -> memref<10112x64xf32, #tpu.memory_space<vmem_shared>>
    tpu.wait_indirect_dma semaphore(%arg14 : memref<!tpu.dma_semaphore, #tpu.memory_space<semaphore_mem>>) src(%dma_wait3A_233 : memref<10112x64xf32, #tpu.memory_space<vmem_shared>>) dst(%arg10 : memref<128x64xf32, #tpu.memory_space<vmem>>)
    %barrier3A_234 = arith.constant 0 : index
    tpu.barrier barrier_id(%barrier3A_234)
    %mul3A_235 = arith.constant 632 : i32
    %mul3A_236 = arith.muli %arg1, %mul3A_235 : i32
    %mul3A_237 = arith.constant 632 : i32
    %mul3A_238 = arith.muli %arg1, %mul3A_237 : i32
    "tpu.region"() ({
      %run_scoped3A = tpu.sem_alloc : memref<!tpu.dma_semaphore, #tpu.memory_space<semaphore_mem>>
      %dma_start3A_239 = arith.constant 0 : i32
      %dma_start3A_240 = tpu.memref_slice %arg6[%arg0, %mul3A_238, %dma_start3A_239] : memref<2x10112x64xf32, #tpu.memory_space<hbm>> -> memref<1x632x64xf32, #tpu.memory_space<hbm>>
      %dma_start3A_241 = tpu.memref_squeeze %dma_start3A_240 : memref<1x632x64xf32, #tpu.memory_space<hbm>> -> memref<632x64xf32, #tpu.memory_space<hbm>>
      %dma_start3A_242 = arith.constant 0 : i32
      %dma_start3A_243 = tpu.memref_slice %arg11[%mul3A_236, %dma_start3A_242] : memref<10112x64xf32, #tpu.memory_space<vmem_shared>> -> memref<632x64xf32, #tpu.memory_space<vmem_shared>>
      tpu.enqueue_dma source(%dma_start3A_243 : memref<632x64xf32, #tpu.memory_space<vmem_shared>>) target(%dma_start3A_241 : memref<632x64xf32, #tpu.memory_space<hbm>>) target_semaphore(%run_scoped3A : memref<!tpu.dma_semaphore, #tpu.memory_space<semaphore_mem>>)
      %dma_wait3A_244 = arith.constant 0 : i32
      %dma_wait3A_245 = tpu.memref_slice %arg6[%arg0, %mul3A_238, %dma_wait3A_244] : memref<2x10112x64xf32, #tpu.memory_space<hbm>> -> memref<1x632x64xf32, #tpu.memory_space<hbm>>
      %dma_wait3A_246 = tpu.memref_squeeze %dma_wait3A_245 : memref<1x632x64xf32, #tpu.memory_space<hbm>> -> memref<632x64xf32, #tpu.memory_space<hbm>>
      %dma_wait3A_247 = arith.constant 0 : i32
      %dma_wait3A_248 = tpu.memref_slice %arg11[%mul3A_236, %dma_wait3A_247] : memref<10112x64xf32, #tpu.memory_space<vmem_shared>> -> memref<632x64xf32, #tpu.memory_space<vmem_shared>>
      tpu.wait_dma2 semaphore(%run_scoped3A : memref<!tpu.dma_semaphore, #tpu.memory_space<semaphore_mem>>) src(%dma_wait3A_248 : memref<632x64xf32, #tpu.memory_space<vmem_shared>>) dst(%dma_wait3A_246 : memref<632x64xf32, #tpu.memory_space<hbm>>)
      tpu.yield
    }) : () -> ()
    return
  }
}

#map = affine_map<(d0, d1) -> (0, 0, 0)>
#map1 = affine_map<(d0, d1) -> (0, 0)>
module attributes {stable_mosaic.version = 14 : i64} {
  func.func @body(%arg0: i32, %arg1: i32, %arg2: memref<32x80x128xi32, #tpu.memory_space<hbm>>, %arg3: memref<10112x16xf32, #tpu.memory_space<hbm>>, %arg4: memref<128x16xf32, #tpu.memory_space<hbm>>, %arg5: memref<2x10112x16xf32, #tpu.memory_space<hbm>>, %arg6: memref<80x128xi32, #tpu.memory_space<vmem>>, %arg7: memref<128x16xf32, #tpu.memory_space<vmem>>, %arg8: memref<10112x16xf32, #tpu.memory_space<vmem_shared>>, %arg9: memref<!tpu.dma_semaphore, #tpu.memory_space<semaphore_mem>>, %arg10: memref<!tpu.dma_semaphore, #tpu.memory_space<semaphore_mem>>, %arg11: memref<!tpu.dma_semaphore, #tpu.memory_space<semaphore_mem>>) attributes {dimension_semantics = [#tpu.dimension_semantics<core_parallel>, #tpu.dimension_semantics<subcore_parallel>], iteration_bounds = array<i64: 2, 16>, scalar_prefetch = 0 : i64, scratch_operands = 6 : i64, tpu.core_type = #tpu.core_type<sc_vector_subcore>, window_params = [{transform_indices = #map}, {transform_indices = #map1}, {transform_indices = #map1}, {transform_indices = #map}]} {
    %mul3A = arith.constant 16 : i32
    %mul3A_0 = arith.muli %arg0, %mul3A : i32
    %add3A = arith.addi %mul3A_0, %arg1 : i32
    %mul3A_1 = arith.constant 632 : i32
    %mul3A_2 = arith.muli %arg1, %mul3A_1 : i32
    %mul3A_3 = arith.constant 632 : i32
    %mul3A_4 = arith.muli %arg1, %mul3A_3 : i32
    %dma_start3A = arith.constant 0 : i32
    %dma_start3A_5 = arith.constant 0 : i32
    %dma_start3A_6 = tpu.memref_slice %arg2[%add3A, %dma_start3A, %dma_start3A_5] : memref<32x80x128xi32, #tpu.memory_space<hbm>> -> memref<1x80x128xi32, #tpu.memory_space<hbm>>
    %dma_start3A_7 = tpu.memref_squeeze %dma_start3A_6 : memref<1x80x128xi32, #tpu.memory_space<hbm>> -> memref<80x128xi32, #tpu.memory_space<hbm>>
    %dma_start3A_8 = arith.constant 0 : i32
    %dma_start3A_9 = arith.constant 0 : i32
    %dma_start3A_10 = tpu.memref_slice %arg2[%add3A, %dma_start3A_8, %dma_start3A_9] : memref<32x80x128xi32, #tpu.memory_space<hbm>> -> memref<1x80x128xi32, #tpu.memory_space<hbm>>
    %dma_start3A_11 = tpu.memref_squeeze %dma_start3A_10 : memref<1x80x128xi32, #tpu.memory_space<hbm>> -> memref<80x128xi32, #tpu.memory_space<hbm>>
    tpu.enqueue_dma source(%dma_start3A_11 : memref<80x128xi32, #tpu.memory_space<hbm>>) target(%arg6 : memref<80x128xi32, #tpu.memory_space<vmem>>) target_semaphore(%arg9 : memref<!tpu.dma_semaphore, #tpu.memory_space<semaphore_mem>>)
    tpu.enqueue_dma source(%arg4 : memref<128x16xf32, #tpu.memory_space<hbm>>) target(%arg7 : memref<128x16xf32, #tpu.memory_space<vmem>>) target_semaphore(%arg10 : memref<!tpu.dma_semaphore, #tpu.memory_space<semaphore_mem>>)
    %dma_start3A_12 = arith.constant 0 : i32
    %dma_start3A_13 = tpu.memref_slice %arg8[%mul3A_4, %dma_start3A_12] : memref<10112x16xf32, #tpu.memory_space<vmem_shared>> -> memref<632x16xf32, #tpu.memory_space<vmem_shared>>
    %dma_start3A_14 = arith.constant 0 : i32
    %dma_start3A_15 = tpu.memref_slice %arg3[%mul3A_2, %dma_start3A_14] : memref<10112x16xf32, #tpu.memory_space<hbm>> -> memref<632x16xf32, #tpu.memory_space<hbm>>
    tpu.enqueue_dma source(%dma_start3A_15 : memref<632x16xf32, #tpu.memory_space<hbm>>) target(%dma_start3A_13 : memref<632x16xf32, #tpu.memory_space<vmem_shared>>) target_semaphore(%arg11 : memref<!tpu.dma_semaphore, #tpu.memory_space<semaphore_mem>>)
    %dma_wait3A = arith.constant 0 : i32
    %dma_wait3A_16 = arith.constant 0 : i32
    %dma_wait3A_17 = tpu.memref_slice %arg2[%add3A, %dma_wait3A, %dma_wait3A_16] : memref<32x80x128xi32, #tpu.memory_space<hbm>> -> memref<1x80x128xi32, #tpu.memory_space<hbm>>
    %dma_wait3A_18 = tpu.memref_squeeze %dma_wait3A_17 : memref<1x80x128xi32, #tpu.memory_space<hbm>> -> memref<80x128xi32, #tpu.memory_space<hbm>>
    %dma_wait3A_19 = arith.constant 0 : i32
    %dma_wait3A_20 = arith.constant 0 : i32
    %dma_wait3A_21 = tpu.memref_slice %arg2[%add3A, %dma_wait3A_19, %dma_wait3A_20] : memref<32x80x128xi32, #tpu.memory_space<hbm>> -> memref<1x80x128xi32, #tpu.memory_space<hbm>>
    %dma_wait3A_22 = tpu.memref_squeeze %dma_wait3A_21 : memref<1x80x128xi32, #tpu.memory_space<hbm>> -> memref<80x128xi32, #tpu.memory_space<hbm>>
    tpu.wait_dma2 semaphore(%arg9 : memref<!tpu.dma_semaphore, #tpu.memory_space<semaphore_mem>>) src(%dma_wait3A_22 : memref<80x128xi32, #tpu.memory_space<hbm>>) dst(%arg6 : memref<80x128xi32, #tpu.memory_space<vmem>>)
    tpu.wait_dma2 semaphore(%arg10 : memref<!tpu.dma_semaphore, #tpu.memory_space<semaphore_mem>>) src(%arg4 : memref<128x16xf32, #tpu.memory_space<hbm>>) dst(%arg7 : memref<128x16xf32, #tpu.memory_space<vmem>>)
    %dma_wait3A_23 = arith.constant 0 : i32
    %dma_wait3A_24 = tpu.memref_slice %arg8[%mul3A_4, %dma_wait3A_23] : memref<10112x16xf32, #tpu.memory_space<vmem_shared>> -> memref<632x16xf32, #tpu.memory_space<vmem_shared>>
    %dma_wait3A_25 = arith.constant 0 : i32
    %dma_wait3A_26 = tpu.memref_slice %arg3[%mul3A_2, %dma_wait3A_25] : memref<10112x16xf32, #tpu.memory_space<hbm>> -> memref<632x16xf32, #tpu.memory_space<hbm>>
    tpu.wait_dma2 semaphore(%arg11 : memref<!tpu.dma_semaphore, #tpu.memory_space<semaphore_mem>>) src(%dma_wait3A_26 : memref<632x16xf32, #tpu.memory_space<hbm>>) dst(%dma_wait3A_24 : memref<632x16xf32, #tpu.memory_space<vmem_shared>>)
    %barrier3A = arith.constant 0 : index
    tpu.barrier barrier_id(%barrier3A)
    %scan3A = arith.constant 0 : i32
    %scan3A_27 = arith.constant 0 : i32
    %scan3A_28 = arith.constant 80 : i32
    %scan3A_29 = arith.addi %scan3A_27, %scan3A_28 : i32
    %scan3A_30 = arith.constant 1 : i32
    scf.for %scan3A_37 = %scan3A_27 to %scan3A_29 step %scan3A_30  : i32 {
      "tpu.region"() ({
        %run_scoped3A = tpu.sem_alloc : memref<!tpu.dma_semaphore, #tpu.memory_space<semaphore_mem>>
        %dma_start3A_38 = arith.constant 0 : i32
        %dma_start3A_39 = tpu.memref_slice %arg6[%scan3A_37, %dma_start3A_38] : memref<80x128xi32, #tpu.memory_space<vmem>> -> memref<1x128xi32, #tpu.memory_space<vmem>>
        %dma_start3A_40 = tpu.memref_squeeze %dma_start3A_39 : memref<1x128xi32, #tpu.memory_space<vmem>> -> memref<128xi32, #tpu.memory_space<vmem>>
        %dma_start3A_41 = arith.constant 0 : i32
        %dma_start3A_42 = arith.constant 0 : i32
        %dma_start3A_43 = tpu.memref_slice %arg8[%dma_start3A_41, %dma_start3A_42] : memref<10112x16xf32, #tpu.memory_space<vmem_shared>> -> memref<10112x16xf32, #tpu.memory_space<vmem_shared>>
        tpu.enqueue_indirect_dma source(%arg7 : memref<128x16xf32, #tpu.memory_space<vmem>>) target(%dma_start3A_43 : memref<10112x16xf32, #tpu.memory_space<vmem_shared>>) offsets(%dma_start3A_40 : memref<128xi32, #tpu.memory_space<vmem>>) semaphore(%run_scoped3A : memref<!tpu.dma_semaphore, #tpu.memory_space<semaphore_mem>>) {add = true}
        %dma_wait3A_44 = arith.constant 0 : i32
        %dma_wait3A_45 = tpu.memref_slice %arg6[%scan3A_37, %dma_wait3A_44] : memref<80x128xi32, #tpu.memory_space<vmem>> -> memref<1x128xi32, #tpu.memory_space<vmem>>
        %dma_wait3A_46 = tpu.memref_squeeze %dma_wait3A_45 : memref<1x128xi32, #tpu.memory_space<vmem>> -> memref<128xi32, #tpu.memory_space<vmem>>
        %dma_wait3A_47 = arith.constant 0 : i32
        %dma_wait3A_48 = arith.constant 0 : i32
        %dma_wait3A_49 = tpu.memref_slice %arg8[%dma_wait3A_47, %dma_wait3A_48] : memref<10112x16xf32, #tpu.memory_space<vmem_shared>> -> memref<10112x16xf32, #tpu.memory_space<vmem_shared>>
        tpu.wait_indirect_dma semaphore(%run_scoped3A : memref<!tpu.dma_semaphore, #tpu.memory_space<semaphore_mem>>) src(%arg7 : memref<128x16xf32, #tpu.memory_space<vmem>>) dst(%dma_wait3A_49 : memref<10112x16xf32, #tpu.memory_space<vmem_shared>>)
        tpu.yield
      }) : () -> ()
    }
    %scan3A_31 = arith.constant 80 : i32
    %barrier3A_32 = arith.constant 0 : index
    tpu.barrier barrier_id(%barrier3A_32)
    %mul3A_33 = arith.constant 632 : i32
    %mul3A_34 = arith.muli %arg1, %mul3A_33 : i32
    %mul3A_35 = arith.constant 632 : i32
    %mul3A_36 = arith.muli %arg1, %mul3A_35 : i32
    "tpu.region"() ({
      %run_scoped3A = tpu.sem_alloc : memref<!tpu.dma_semaphore, #tpu.memory_space<semaphore_mem>>
      %dma_start3A_37 = arith.constant 0 : i32
      %dma_start3A_38 = tpu.memref_slice %arg5[%arg0, %mul3A_36, %dma_start3A_37] : memref<2x10112x16xf32, #tpu.memory_space<hbm>> -> memref<1x632x16xf32, #tpu.memory_space<hbm>>
      %dma_start3A_39 = tpu.memref_squeeze %dma_start3A_38 : memref<1x632x16xf32, #tpu.memory_space<hbm>> -> memref<632x16xf32, #tpu.memory_space<hbm>>
      %dma_start3A_40 = arith.constant 0 : i32
      %dma_start3A_41 = tpu.memref_slice %arg8[%mul3A_34, %dma_start3A_40] : memref<10112x16xf32, #tpu.memory_space<vmem_shared>> -> memref<632x16xf32, #tpu.memory_space<vmem_shared>>
      tpu.enqueue_dma source(%dma_start3A_41 : memref<632x16xf32, #tpu.memory_space<vmem_shared>>) target(%dma_start3A_39 : memref<632x16xf32, #tpu.memory_space<hbm>>) target_semaphore(%run_scoped3A : memref<!tpu.dma_semaphore, #tpu.memory_space<semaphore_mem>>)
      %dma_wait3A_42 = arith.constant 0 : i32
      %dma_wait3A_43 = tpu.memref_slice %arg5[%arg0, %mul3A_36, %dma_wait3A_42] : memref<2x10112x16xf32, #tpu.memory_space<hbm>> -> memref<1x632x16xf32, #tpu.memory_space<hbm>>
      %dma_wait3A_44 = tpu.memref_squeeze %dma_wait3A_43 : memref<1x632x16xf32, #tpu.memory_space<hbm>> -> memref<632x16xf32, #tpu.memory_space<hbm>>
      %dma_wait3A_45 = arith.constant 0 : i32
      %dma_wait3A_46 = tpu.memref_slice %arg8[%mul3A_34, %dma_wait3A_45] : memref<10112x16xf32, #tpu.memory_space<vmem_shared>> -> memref<632x16xf32, #tpu.memory_space<vmem_shared>>
      tpu.wait_dma2 semaphore(%run_scoped3A : memref<!tpu.dma_semaphore, #tpu.memory_space<semaphore_mem>>) src(%dma_wait3A_46 : memref<632x16xf32, #tpu.memory_space<vmem_shared>>) dst(%dma_wait3A_44 : memref<632x16xf32, #tpu.memory_space<hbm>>)
      tpu.yield
    }) : () -> ()
    return
  }
}

#map = affine_map<(d0, d1) -> (0, 0)>
#map1 = affine_map<(d0, d1) -> (0, 0, 0)>
module attributes {stable_mosaic.version = 14 : i64} {
  func.func @body(%arg0: i32, %arg1: i32, %arg2: memref<10000x64xf32, #tpu.memory_space<hbm>>, %arg3: memref<32x80x128xi32, #tpu.memory_space<hbm>>, %arg4: memref<32x80x128xi32, #tpu.memory_space<hbm>>, %arg5: memref<10112x64xf32, #tpu.memory_space<hbm>>, %arg6: memref<2x10112x64xf32, #tpu.memory_space<hbm>>, %arg7: memref<82x128xi32, #tpu.memory_space<vmem>>, %arg8: memref<80x128xi32, #tpu.memory_space<vmem>>, %arg9: memref<128x64xf32, #tpu.memory_space<vmem>>, %arg10: memref<128x64xf32, #tpu.memory_space<vmem>>, %arg11: memref<10112x64xf32, #tpu.memory_space<vmem_shared>>, %arg12: memref<10112x64xf32, #tpu.memory_space<vmem_shared>>, %arg13: memref<!tpu.dma_semaphore, #tpu.memory_space<semaphore_mem>>, %arg14: memref<!tpu.dma_semaphore, #tpu.memory_space<semaphore_mem>>, %arg15: memref<!tpu.dma_semaphore, #tpu.memory_space<semaphore_mem>>, %arg16: memref<!tpu.dma_semaphore, #tpu.memory_space<semaphore_mem>>, %arg17: memref<!tpu.dma_semaphore, #tpu.memory_space<semaphore_mem>>, %arg18: memref<!tpu.dma_semaphore, #tpu.memory_space<semaphore_mem>>) attributes {dimension_semantics = [#tpu.dimension_semantics<core_parallel>, #tpu.dimension_semantics<subcore_parallel>], iteration_bounds = array<i64: 2, 16>, scalar_prefetch = 0 : i64, scratch_operands = 12 : i64, tpu.core_type = #tpu.core_type<sc_vector_subcore>, window_params = [{transform_indices = #map}, {transform_indices = #map1}, {transform_indices = #map1}, {transform_indices = #map}, {transform_indices = #map1}]} {
    %mul3A = arith.constant 16 : i32
    %mul3A_0 = arith.muli %arg0, %mul3A : i32
    %add3A = arith.addi %mul3A_0, %arg1 : i32
    %mul3A_1 = arith.constant 632 : i32
    %mul3A_2 = arith.muli %arg1, %mul3A_1 : i32
    %mul3A_3 = arith.constant 632 : i32
    %mul3A_4 = arith.muli %arg1, %mul3A_3 : i32
    %dma_start3A = arith.constant 0 : i32
    %dma_start3A_5 = arith.constant 0 : i32
    %dma_start3A_6 = tpu.memref_slice %arg7[%dma_start3A, %dma_start3A_5] : memref<82x128xi32, #tpu.memory_space<vmem>> -> memref<80x128xi32, #tpu.memory_space<vmem>>
    %dma_start3A_7 = arith.constant 0 : i32
    %dma_start3A_8 = arith.constant 0 : i32
    %dma_start3A_9 = tpu.memref_slice %arg3[%add3A, %dma_start3A_7, %dma_start3A_8] : memref<32x80x128xi32, #tpu.memory_space<hbm>> -> memref<1x80x128xi32, #tpu.memory_space<hbm>>
    %dma_start3A_10 = tpu.memref_squeeze %dma_start3A_9 : memref<1x80x128xi32, #tpu.memory_space<hbm>> -> memref<80x128xi32, #tpu.memory_space<hbm>>
    %dma_start3A_11 = arith.constant 0 : i32
    %dma_start3A_12 = arith.constant 0 : i32
    %dma_start3A_13 = tpu.memref_slice %arg7[%dma_start3A_11, %dma_start3A_12] : memref<82x128xi32, #tpu.memory_space<vmem>> -> memref<80x128xi32, #tpu.memory_space<vmem>>
    %dma_start3A_14 = arith.constant 0 : i32
    %dma_start3A_15 = arith.constant 0 : i32
    %dma_start3A_16 = tpu.memref_slice %arg3[%add3A, %dma_start3A_14, %dma_start3A_15] : memref<32x80x128xi32, #tpu.memory_space<hbm>> -> memref<1x80x128xi32, #tpu.memory_space<hbm>>
    %dma_start3A_17 = tpu.memref_squeeze %dma_start3A_16 : memref<1x80x128xi32, #tpu.memory_space<hbm>> -> memref<80x128xi32, #tpu.memory_space<hbm>>
    tpu.enqueue_dma source(%dma_start3A_17 : memref<80x128xi32, #tpu.memory_space<hbm>>) target(%dma_start3A_13 : memref<80x128xi32, #tpu.memory_space<vmem>>) target_semaphore(%arg15 : memref<!tpu.dma_semaphore, #tpu.memory_space<semaphore_mem>>)
    %dma_start3A_18 = arith.constant 0 : i32
    %dma_start3A_19 = arith.constant 0 : i32
    %dma_start3A_20 = tpu.memref_slice %arg4[%add3A, %dma_start3A_18, %dma_start3A_19] : memref<32x80x128xi32, #tpu.memory_space<hbm>> -> memref<1x80x128xi32, #tpu.memory_space<hbm>>
    %dma_start3A_21 = tpu.memref_squeeze %dma_start3A_20 : memref<1x80x128xi32, #tpu.memory_space<hbm>> -> memref<80x128xi32, #tpu.memory_space<hbm>>
    %dma_start3A_22 = arith.constant 0 : i32
    %dma_start3A_23 = arith.constant 0 : i32
    %dma_start3A_24 = tpu.memref_slice %arg4[%add3A, %dma_start3A_22, %dma_start3A_23] : memref<32x80x128xi32, #tpu.memory_space<hbm>> -> memref<1x80x128xi32, #tpu.memory_space<hbm>>
    %dma_start3A_25 = tpu.memref_squeeze %dma_start3A_24 : memref<1x80x128xi32, #tpu.memory_space<hbm>> -> memref<80x128xi32, #tpu.memory_space<hbm>>
    tpu.enqueue_dma source(%dma_start3A_25 : memref<80x128xi32, #tpu.memory_space<hbm>>) target(%arg8 : memref<80x128xi32, #tpu.memory_space<vmem>>) target_semaphore(%arg16 : memref<!tpu.dma_semaphore, #tpu.memory_space<semaphore_mem>>)
    %dma_start3A_26 = arith.constant 0 : i32
    %dma_start3A_27 = tpu.memref_slice %arg11[%mul3A_4, %dma_start3A_26] : memref<10112x64xf32, #tpu.memory_space<vmem_shared>> -> memref<632x64xf32, #tpu.memory_space<vmem_shared>>
    %dma_start3A_28 = arith.constant 0 : i32
    %dma_start3A_29 = tpu.memref_slice %arg5[%mul3A_2, %dma_start3A_28] : memref<10112x64xf32, #tpu.memory_space<hbm>> -> memref<632x64xf32, #tpu.memory_space<hbm>>
    tpu.enqueue_dma source(%dma_start3A_29 : memref<632x64xf32, #tpu.memory_space<hbm>>) target(%dma_start3A_27 : memref<632x64xf32, #tpu.memory_space<vmem_shared>>) target_semaphore(%arg17 : memref<!tpu.dma_semaphore, #tpu.memory_space<semaphore_mem>>)
    %mul3A_30 = arith.constant 632 : i32
    %mul3A_31 = arith.muli %arg1, %mul3A_30 : i32
    %mul3A_32 = arith.constant 632 : i32
    %mul3A_33 = arith.muli %arg1, %mul3A_32 : i32
    %lt3A = arith.constant 15 : i32
    %lt3A_34 = arith.cmpi slt, %arg1, %lt3A : i32
    %convert_element_type3A = arith.extui %lt3A_34 : i1 to i32
    %cond3A = arith.constant 0 : i32
    %cond3A_35 = arith.cmpi ne, %convert_element_type3A, %cond3A : i32
    scf.if %cond3A_35 {
      %dma_start3A_239 = arith.constant 0 : i32
      %dma_start3A_240 = tpu.memref_slice %arg12[%mul3A_33, %dma_start3A_239] : memref<10112x64xf32, #tpu.memory_space<vmem_shared>> -> memref<632x64xf32, #tpu.memory_space<vmem_shared>>
      %dma_start3A_241 = arith.constant 0 : i32
      %dma_start3A_242 = tpu.memref_slice %arg2[%mul3A_31, %dma_start3A_241] : memref<10000x64xf32, #tpu.memory_space<hbm>> -> memref<632x64xf32, #tpu.memory_space<hbm>>
      tpu.enqueue_dma source(%dma_start3A_242 : memref<632x64xf32, #tpu.memory_space<hbm>>) target(%dma_start3A_240 : memref<632x64xf32, #tpu.memory_space<vmem_shared>>) target_semaphore(%arg18 : memref<!tpu.dma_semaphore, #tpu.memory_space<semaphore_mem>>)
    } else {
    }
    %eq3A = arith.constant 15 : i32
    %eq3A_36 = arith.cmpi eq, %arg1, %eq3A : i32
    %convert_element_type3A_37 = arith.extui %eq3A_36 : i1 to i32
    %cond3A_38 = arith.constant 0 : i32
    %cond3A_39 = arith.cmpi ne, %convert_element_type3A_37, %cond3A_38 : i32
    scf.if %cond3A_39 {
      %dma_start3A_239 = arith.constant 9480 : i32
      %dma_start3A_240 = arith.constant 0 : i32
      %dma_start3A_241 = tpu.memref_slice %arg12[%dma_start3A_239, %dma_start3A_240] : memref<10112x64xf32, #tpu.memory_space<vmem_shared>> -> memref<520x64xf32, #tpu.memory_space<vmem_shared>>
      %dma_start3A_242 = arith.constant 9480 : i32
      %dma_start3A_243 = arith.constant 0 : i32
      %dma_start3A_244 = tpu.memref_slice %arg2[%dma_start3A_242, %dma_start3A_243] : memref<10000x64xf32, #tpu.memory_space<hbm>> -> memref<520x64xf32, #tpu.memory_space<hbm>>
      tpu.enqueue_dma source(%dma_start3A_244 : memref<520x64xf32, #tpu.memory_space<hbm>>) target(%dma_start3A_241 : memref<520x64xf32, #tpu.memory_space<vmem_shared>>) target_semaphore(%arg18 : memref<!tpu.dma_semaphore, #tpu.memory_space<semaphore_mem>>)
    } else {
    }
    %broadcast_in_dim3A = arith.constant 0 : i32
    %broadcast_in_dim3A_40 = vector.broadcast %broadcast_in_dim3A : i32 to vector<16xi32>
    %swap3A = arith.constant 80 : i32
    %swap3A_41 = arith.index_cast %swap3A : i32 to index
    %swap3A_42 = arith.constant 0 : index
    %swap3A_43 = tpu.vector_load %arg7[%swap3A_41, %swap3A_42] {strides = array<i32>} : memref<82x128xi32, #tpu.memory_space<vmem>>, vector<1x16xi32>,
    %swap3A_44 = vector.shape_cast %swap3A_43 : vector<1x16xi32> to vector<16xi32>
    %swap3A_45 = vector.shape_cast %broadcast_in_dim3A_40 : vector<16xi32> to vector<1x16xi32>
    tpu.vector_store %arg7[%swap3A_41, %swap3A_42], %swap3A_45 {strides = array<i32>} : memref<82x128xi32, #tpu.memory_space<vmem>>, vector<1x16xi32>,
    %broadcast_in_dim3A_46 = arith.constant 0 : i32
    %broadcast_in_dim3A_47 = vector.broadcast %broadcast_in_dim3A_46 : i32 to vector<16xi32>
    %swap3A_48 = arith.constant 80 : i32
    %swap3A_49 = arith.index_cast %swap3A_48 : i32 to index
    %swap3A_50 = arith.constant 16 : index
    %swap3A_51 = tpu.vector_load %arg7[%swap3A_49, %swap3A_50] {strides = array<i32>} : memref<82x128xi32, #tpu.memory_space<vmem>>, vector<1x16xi32>,
    %swap3A_52 = vector.shape_cast %swap3A_51 : vector<1x16xi32> to vector<16xi32>
    %swap3A_53 = vector.shape_cast %broadcast_in_dim3A_47 : vector<16xi32> to vector<1x16xi32>
    tpu.vector_store %arg7[%swap3A_49, %swap3A_50], %swap3A_53 {strides = array<i32>} : memref<82x128xi32, #tpu.memory_space<vmem>>, vector<1x16xi32>,
    %broadcast_in_dim3A_54 = arith.constant 0 : i32
    %broadcast_in_dim3A_55 = vector.broadcast %broadcast_in_dim3A_54 : i32 to vector<16xi32>
    %swap3A_56 = arith.constant 80 : i32
    %swap3A_57 = arith.index_cast %swap3A_56 : i32 to index
    %swap3A_58 = arith.constant 32 : index
    %swap3A_59 = tpu.vector_load %arg7[%swap3A_57, %swap3A_58] {strides = array<i32>} : memref<82x128xi32, #tpu.memory_space<vmem>>, vector<1x16xi32>,
    %swap3A_60 = vector.shape_cast %swap3A_59 : vector<1x16xi32> to vector<16xi32>
    %swap3A_61 = vector.shape_cast %broadcast_in_dim3A_55 : vector<16xi32> to vector<1x16xi32>
    tpu.vector_store %arg7[%swap3A_57, %swap3A_58], %swap3A_61 {strides = array<i32>} : memref<82x128xi32, #tpu.memory_space<vmem>>, vector<1x16xi32>,
    %broadcast_in_dim3A_62 = arith.constant 0 : i32
    %broadcast_in_dim3A_63 = vector.broadcast %broadcast_in_dim3A_62 : i32 to vector<16xi32>
    %swap3A_64 = arith.constant 80 : i32
    %swap3A_65 = arith.index_cast %swap3A_64 : i32 to index
    %swap3A_66 = arith.constant 48 : index
    %swap3A_67 = tpu.vector_load %arg7[%swap3A_65, %swap3A_66] {strides = array<i32>} : memref<82x128xi32, #tpu.memory_space<vmem>>, vector<1x16xi32>,
    %swap3A_68 = vector.shape_cast %swap3A_67 : vector<1x16xi32> to vector<16xi32>
    %swap3A_69 = vector.shape_cast %broadcast_in_dim3A_63 : vector<16xi32> to vector<1x16xi32>
    tpu.vector_store %arg7[%swap3A_65, %swap3A_66], %swap3A_69 {strides = array<i32>} : memref<82x128xi32, #tpu.memory_space<vmem>>, vector<1x16xi32>,
    %broadcast_in_dim3A_70 = arith.constant 0 : i32
    %broadcast_in_dim3A_71 = vector.broadcast %broadcast_in_dim3A_70 : i32 to vector<16xi32>
    %swap3A_72 = arith.constant 80 : i32
    %swap3A_73 = arith.index_cast %swap3A_72 : i32 to index
    %swap3A_74 = arith.constant 64 : index
    %swap3A_75 = tpu.vector_load %arg7[%swap3A_73, %swap3A_74] {strides = array<i32>} : memref<82x128xi32, #tpu.memory_space<vmem>>, vector<1x16xi32>,
    %swap3A_76 = vector.shape_cast %swap3A_75 : vector<1x16xi32> to vector<16xi32>
    %swap3A_77 = vector.shape_cast %broadcast_in_dim3A_71 : vector<16xi32> to vector<1x16xi32>
    tpu.vector_store %arg7[%swap3A_73, %swap3A_74], %swap3A_77 {strides = array<i32>} : memref<82x128xi32, #tpu.memory_space<vmem>>, vector<1x16xi32>,
    %broadcast_in_dim3A_78 = arith.constant 0 : i32
    %broadcast_in_dim3A_79 = vector.broadcast %broadcast_in_dim3A_78 : i32 to vector<16xi32>
    %swap3A_80 = arith.constant 80 : i32
    %swap3A_81 = arith.index_cast %swap3A_80 : i32 to index
    %swap3A_82 = arith.constant 80 : index
    %swap3A_83 = tpu.vector_load %arg7[%swap3A_81, %swap3A_82] {strides = array<i32>} : memref<82x128xi32, #tpu.memory_space<vmem>>, vector<1x16xi32>,
    %swap3A_84 = vector.shape_cast %swap3A_83 : vector<1x16xi32> to vector<16xi32>
    %swap3A_85 = vector.shape_cast %broadcast_in_dim3A_79 : vector<16xi32> to vector<1x16xi32>
    tpu.vector_store %arg7[%swap3A_81, %swap3A_82], %swap3A_85 {strides = array<i32>} : memref<82x128xi32, #tpu.memory_space<vmem>>, vector<1x16xi32>,
    %broadcast_in_dim3A_86 = arith.constant 0 : i32
    %broadcast_in_dim3A_87 = vector.broadcast %broadcast_in_dim3A_86 : i32 to vector<16xi32>
    %swap3A_88 = arith.constant 80 : i32
    %swap3A_89 = arith.index_cast %swap3A_88 : i32 to index
    %swap3A_90 = arith.constant 96 : index
    %swap3A_91 = tpu.vector_load %arg7[%swap3A_89, %swap3A_90] {strides = array<i32>} : memref<82x128xi32, #tpu.memory_space<vmem>>, vector<1x16xi32>,
    %swap3A_92 = vector.shape_cast %swap3A_91 : vector<1x16xi32> to vector<16xi32>
    %swap3A_93 = vector.shape_cast %broadcast_in_dim3A_87 : vector<16xi32> to vector<1x16xi32>
    tpu.vector_store %arg7[%swap3A_89, %swap3A_90], %swap3A_93 {strides = array<i32>} : memref<82x128xi32, #tpu.memory_space<vmem>>, vector<1x16xi32>,
    %broadcast_in_dim3A_94 = arith.constant 0 : i32
    %broadcast_in_dim3A_95 = vector.broadcast %broadcast_in_dim3A_94 : i32 to vector<16xi32>
    %swap3A_96 = arith.constant 80 : i32
    %swap3A_97 = arith.index_cast %swap3A_96 : i32 to index
    %swap3A_98 = arith.constant 112 : index
    %swap3A_99 = tpu.vector_load %arg7[%swap3A_97, %swap3A_98] {strides = array<i32>} : memref<82x128xi32, #tpu.memory_space<vmem>>, vector<1x16xi32>,
    %swap3A_100 = vector.shape_cast %swap3A_99 : vector<1x16xi32> to vector<16xi32>
    %swap3A_101 = vector.shape_cast %broadcast_in_dim3A_95 : vector<16xi32> to vector<1x16xi32>
    tpu.vector_store %arg7[%swap3A_97, %swap3A_98], %swap3A_101 {strides = array<i32>} : memref<82x128xi32, #tpu.memory_space<vmem>>, vector<1x16xi32>,
    %broadcast_in_dim3A_102 = arith.constant 0 : i32
    %broadcast_in_dim3A_103 = vector.broadcast %broadcast_in_dim3A_102 : i32 to vector<16xi32>
    %swap3A_104 = arith.constant 81 : i32
    %swap3A_105 = arith.index_cast %swap3A_104 : i32 to index
    %swap3A_106 = arith.constant 0 : index
    %swap3A_107 = tpu.vector_load %arg7[%swap3A_105, %swap3A_106] {strides = array<i32>} : memref<82x128xi32, #tpu.memory_space<vmem>>, vector<1x16xi32>,
    %swap3A_108 = vector.shape_cast %swap3A_107 : vector<1x16xi32> to vector<16xi32>
    %swap3A_109 = vector.shape_cast %broadcast_in_dim3A_103 : vector<16xi32> to vector<1x16xi32>
    tpu.vector_store %arg7[%swap3A_105, %swap3A_106], %swap3A_109 {strides = array<i32>} : memref<82x128xi32, #tpu.memory_space<vmem>>, vector<1x16xi32>,
    %broadcast_in_dim3A_110 = arith.constant 0 : i32
    %broadcast_in_dim3A_111 = vector.broadcast %broadcast_in_dim3A_110 : i32 to vector<16xi32>
    %swap3A_112 = arith.constant 81 : i32
    %swap3A_113 = arith.index_cast %swap3A_112 : i32 to index
    %swap3A_114 = arith.constant 16 : index
    %swap3A_115 = tpu.vector_load %arg7[%swap3A_113, %swap3A_114] {strides = array<i32>} : memref<82x128xi32, #tpu.memory_space<vmem>>, vector<1x16xi32>,
    %swap3A_116 = vector.shape_cast %swap3A_115 : vector<1x16xi32> to vector<16xi32>
    %swap3A_117 = vector.shape_cast %broadcast_in_dim3A_111 : vector<16xi32> to vector<1x16xi32>
    tpu.vector_store %arg7[%swap3A_113, %swap3A_114], %swap3A_117 {strides = array<i32>} : memref<82x128xi32, #tpu.memory_space<vmem>>, vector<1x16xi32>,
    %broadcast_in_dim3A_118 = arith.constant 0 : i32
    %broadcast_in_dim3A_119 = vector.broadcast %broadcast_in_dim3A_118 : i32 to vector<16xi32>
    %swap3A_120 = arith.constant 81 : i32
    %swap3A_121 = arith.index_cast %swap3A_120 : i32 to index
    %swap3A_122 = arith.constant 32 : index
    %swap3A_123 = tpu.vector_load %arg7[%swap3A_121, %swap3A_122] {strides = array<i32>} : memref<82x128xi32, #tpu.memory_space<vmem>>, vector<1x16xi32>,
    %swap3A_124 = vector.shape_cast %swap3A_123 : vector<1x16xi32> to vector<16xi32>
    %swap3A_125 = vector.shape_cast %broadcast_in_dim3A_119 : vector<16xi32> to vector<1x16xi32>
    tpu.vector_store %arg7[%swap3A_121, %swap3A_122], %swap3A_125 {strides = array<i32>} : memref<82x128xi32, #tpu.memory_space<vmem>>, vector<1x16xi32>,
    %broadcast_in_dim3A_126 = arith.constant 0 : i32
    %broadcast_in_dim3A_127 = vector.broadcast %broadcast_in_dim3A_126 : i32 to vector<16xi32>
    %swap3A_128 = arith.constant 81 : i32
    %swap3A_129 = arith.index_cast %swap3A_128 : i32 to index
    %swap3A_130 = arith.constant 48 : index
    %swap3A_131 = tpu.vector_load %arg7[%swap3A_129, %swap3A_130] {strides = array<i32>} : memref<82x128xi32, #tpu.memory_space<vmem>>, vector<1x16xi32>,
    %swap3A_132 = vector.shape_cast %swap3A_131 : vector<1x16xi32> to vector<16xi32>
    %swap3A_133 = vector.shape_cast %broadcast_in_dim3A_127 : vector<16xi32> to vector<1x16xi32>
    tpu.vector_store %arg7[%swap3A_129, %swap3A_130], %swap3A_133 {strides = array<i32>} : memref<82x128xi32, #tpu.memory_space<vmem>>, vector<1x16xi32>,
    %broadcast_in_dim3A_134 = arith.constant 0 : i32
    %broadcast_in_dim3A_135 = vector.broadcast %broadcast_in_dim3A_134 : i32 to vector<16xi32>
    %swap3A_136 = arith.constant 81 : i32
    %swap3A_137 = arith.index_cast %swap3A_136 : i32 to index
    %swap3A_138 = arith.constant 64 : index
    %swap3A_139 = tpu.vector_load %arg7[%swap3A_137, %swap3A_138] {strides = array<i32>} : memref<82x128xi32, #tpu.memory_space<vmem>>, vector<1x16xi32>,
    %swap3A_140 = vector.shape_cast %swap3A_139 : vector<1x16xi32> to vector<16xi32>
    %swap3A_141 = vector.shape_cast %broadcast_in_dim3A_135 : vector<16xi32> to vector<1x16xi32>
    tpu.vector_store %arg7[%swap3A_137, %swap3A_138], %swap3A_141 {strides = array<i32>} : memref<82x128xi32, #tpu.memory_space<vmem>>, vector<1x16xi32>,
    %broadcast_in_dim3A_142 = arith.constant 0 : i32
    %broadcast_in_dim3A_143 = vector.broadcast %broadcast_in_dim3A_142 : i32 to vector<16xi32>
    %swap3A_144 = arith.constant 81 : i32
    %swap3A_145 = arith.index_cast %swap3A_144 : i32 to index
    %swap3A_146 = arith.constant 80 : index
    %swap3A_147 = tpu.vector_load %arg7[%swap3A_145, %swap3A_146] {strides = array<i32>} : memref<82x128xi32, #tpu.memory_space<vmem>>, vector<1x16xi32>,
    %swap3A_148 = vector.shape_cast %swap3A_147 : vector<1x16xi32> to vector<16xi32>
    %swap3A_149 = vector.shape_cast %broadcast_in_dim3A_143 : vector<16xi32> to vector<1x16xi32>
    tpu.vector_store %arg7[%swap3A_145, %swap3A_146], %swap3A_149 {strides = array<i32>} : memref<82x128xi32, #tpu.memory_space<vmem>>, vector<1x16xi32>,
    %broadcast_in_dim3A_150 = arith.constant 0 : i32
    %broadcast_in_dim3A_151 = vector.broadcast %broadcast_in_dim3A_150 : i32 to vector<16xi32>
    %swap3A_152 = arith.constant 81 : i32
    %swap3A_153 = arith.index_cast %swap3A_152 : i32 to index
    %swap3A_154 = arith.constant 96 : index
    %swap3A_155 = tpu.vector_load %arg7[%swap3A_153, %swap3A_154] {strides = array<i32>} : memref<82x128xi32, #tpu.memory_space<vmem>>, vector<1x16xi32>,
    %swap3A_156 = vector.shape_cast %swap3A_155 : vector<1x16xi32> to vector<16xi32>
    %swap3A_157 = vector.shape_cast %broadcast_in_dim3A_151 : vector<16xi32> to vector<1x16xi32>
    tpu.vector_store %arg7[%swap3A_153, %swap3A_154], %swap3A_157 {strides = array<i32>} : memref<82x128xi32, #tpu.memory_space<vmem>>, vector<1x16xi32>,
    %broadcast_in_dim3A_158 = arith.constant 0 : i32
    %broadcast_in_dim3A_159 = vector.broadcast %broadcast_in_dim3A_158 : i32 to vector<16xi32>
    %swap3A_160 = arith.constant 81 : i32
    %swap3A_161 = arith.index_cast %swap3A_160 : i32 to index
    %swap3A_162 = arith.constant 112 : index
    %swap3A_163 = tpu.vector_load %arg7[%swap3A_161, %swap3A_162] {strides = array<i32>} : memref<82x128xi32, #tpu.memory_space<vmem>>, vector<1x16xi32>,
    %swap3A_164 = vector.shape_cast %swap3A_163 : vector<1x16xi32> to vector<16xi32>
    %swap3A_165 = vector.shape_cast %broadcast_in_dim3A_159 : vector<16xi32> to vector<1x16xi32>
    tpu.vector_store %arg7[%swap3A_161, %swap3A_162], %swap3A_165 {strides = array<i32>} : memref<82x128xi32, #tpu.memory_space<vmem>>, vector<1x16xi32>,
    %dma_wait3A = arith.constant 0 : i32
    %dma_wait3A_166 = arith.constant 0 : i32
    %dma_wait3A_167 = tpu.memref_slice %arg7[%dma_wait3A, %dma_wait3A_166] : memref<82x128xi32, #tpu.memory_space<vmem>> -> memref<80x128xi32, #tpu.memory_space<vmem>>
    %dma_wait3A_168 = arith.constant 0 : i32
    %dma_wait3A_169 = arith.constant 0 : i32
    %dma_wait3A_170 = tpu.memref_slice %arg3[%add3A, %dma_wait3A_168, %dma_wait3A_169] : memref<32x80x128xi32, #tpu.memory_space<hbm>> -> memref<1x80x128xi32, #tpu.memory_space<hbm>>
    %dma_wait3A_171 = tpu.memref_squeeze %dma_wait3A_170 : memref<1x80x128xi32, #tpu.memory_space<hbm>> -> memref<80x128xi32, #tpu.memory_space<hbm>>
    %dma_wait3A_172 = arith.constant 0 : i32
    %dma_wait3A_173 = arith.constant 0 : i32
    %dma_wait3A_174 = tpu.memref_slice %arg7[%dma_wait3A_172, %dma_wait3A_173] : memref<82x128xi32, #tpu.memory_space<vmem>> -> memref<80x128xi32, #tpu.memory_space<vmem>>
    %dma_wait3A_175 = arith.constant 0 : i32
    %dma_wait3A_176 = arith.constant 0 : i32
    %dma_wait3A_177 = tpu.memref_slice %arg3[%add3A, %dma_wait3A_175, %dma_wait3A_176] : memref<32x80x128xi32, #tpu.memory_space<hbm>> -> memref<1x80x128xi32, #tpu.memory_space<hbm>>
    %dma_wait3A_178 = tpu.memref_squeeze %dma_wait3A_177 : memref<1x80x128xi32, #tpu.memory_space<hbm>> -> memref<80x128xi32, #tpu.memory_space<hbm>>
    tpu.wait_dma2 semaphore(%arg15 : memref<!tpu.dma_semaphore, #tpu.memory_space<semaphore_mem>>) src(%dma_wait3A_178 : memref<80x128xi32, #tpu.memory_space<hbm>>) dst(%dma_wait3A_174 : memref<80x128xi32, #tpu.memory_space<vmem>>)
    %dma_wait3A_179 = arith.constant 0 : i32
    %dma_wait3A_180 = arith.constant 0 : i32
    %dma_wait3A_181 = tpu.memref_slice %arg4[%add3A, %dma_wait3A_179, %dma_wait3A_180] : memref<32x80x128xi32, #tpu.memory_space<hbm>> -> memref<1x80x128xi32, #tpu.memory_space<hbm>>
    %dma_wait3A_182 = tpu.memref_squeeze %dma_wait3A_181 : memref<1x80x128xi32, #tpu.memory_space<hbm>> -> memref<80x128xi32, #tpu.memory_space<hbm>>
    %dma_wait3A_183 = arith.constant 0 : i32
    %dma_wait3A_184 = arith.constant 0 : i32
    %dma_wait3A_185 = tpu.memref_slice %arg4[%add3A, %dma_wait3A_183, %dma_wait3A_184] : memref<32x80x128xi32, #tpu.memory_space<hbm>> -> memref<1x80x128xi32, #tpu.memory_space<hbm>>
    %dma_wait3A_186 = tpu.memref_squeeze %dma_wait3A_185 : memref<1x80x128xi32, #tpu.memory_space<hbm>> -> memref<80x128xi32, #tpu.memory_space<hbm>>
    tpu.wait_dma2 semaphore(%arg16 : memref<!tpu.dma_semaphore, #tpu.memory_space<semaphore_mem>>) src(%dma_wait3A_186 : memref<80x128xi32, #tpu.memory_space<hbm>>) dst(%arg8 : memref<80x128xi32, #tpu.memory_space<vmem>>)
    %dma_wait3A_187 = arith.constant 0 : i32
    %dma_wait3A_188 = tpu.memref_slice %arg11[%mul3A_4, %dma_wait3A_187] : memref<10112x64xf32, #tpu.memory_space<vmem_shared>> -> memref<632x64xf32, #tpu.memory_space<vmem_shared>>
    %dma_wait3A_189 = arith.constant 0 : i32
    %dma_wait3A_190 = tpu.memref_slice %arg5[%mul3A_2, %dma_wait3A_189] : memref<10112x64xf32, #tpu.memory_space<hbm>> -> memref<632x64xf32, #tpu.memory_space<hbm>>
    tpu.wait_dma2 semaphore(%arg17 : memref<!tpu.dma_semaphore, #tpu.memory_space<semaphore_mem>>) src(%dma_wait3A_190 : memref<632x64xf32, #tpu.memory_space<hbm>>) dst(%dma_wait3A_188 : memref<632x64xf32, #tpu.memory_space<vmem_shared>>)
    %lt3A_191 = arith.constant 15 : i32
    %lt3A_192 = arith.cmpi slt, %arg1, %lt3A_191 : i32
    %convert_element_type3A_193 = arith.extui %lt3A_192 : i1 to i32
    %cond3A_194 = arith.constant 0 : i32
    %cond3A_195 = arith.cmpi ne, %convert_element_type3A_193, %cond3A_194 : i32
    scf.if %cond3A_195 {
      %dma_wait3A_239 = arith.constant 0 : i32
      %dma_wait3A_240 = tpu.memref_slice %arg12[%mul3A_33, %dma_wait3A_239] : memref<10112x64xf32, #tpu.memory_space<vmem_shared>> -> memref<632x64xf32, #tpu.memory_space<vmem_shared>>
      %dma_wait3A_241 = arith.constant 0 : i32
      %dma_wait3A_242 = tpu.memref_slice %arg2[%mul3A_31, %dma_wait3A_241] : memref<10000x64xf32, #tpu.memory_space<hbm>> -> memref<632x64xf32, #tpu.memory_space<hbm>>
      tpu.wait_dma2 semaphore(%arg18 : memref<!tpu.dma_semaphore, #tpu.memory_space<semaphore_mem>>) src(%dma_wait3A_242 : memref<632x64xf32, #tpu.memory_space<hbm>>) dst(%dma_wait3A_240 : memref<632x64xf32, #tpu.memory_space<vmem_shared>>)
    } else {
    }
    %eq3A_196 = arith.constant 15 : i32
    %eq3A_197 = arith.cmpi eq, %arg1, %eq3A_196 : i32
    %convert_element_type3A_198 = arith.extui %eq3A_197 : i1 to i32
    %cond3A_199 = arith.constant 0 : i32
    %cond3A_200 = arith.cmpi ne, %convert_element_type3A_198, %cond3A_199 : i32
    scf.if %cond3A_200 {
      %dma_wait3A_239 = arith.constant 9480 : i32
      %dma_wait3A_240 = arith.constant 0 : i32
      %dma_wait3A_241 = tpu.memref_slice %arg12[%dma_wait3A_239, %dma_wait3A_240] : memref<10112x64xf32, #tpu.memory_space<vmem_shared>> -> memref<520x64xf32, #tpu.memory_space<vmem_shared>>
      %dma_wait3A_242 = arith.constant 9480 : i32
      %dma_wait3A_243 = arith.constant 0 : i32
      %dma_wait3A_244 = tpu.memref_slice %arg2[%dma_wait3A_242, %dma_wait3A_243] : memref<10000x64xf32, #tpu.memory_space<hbm>> -> memref<520x64xf32, #tpu.memory_space<hbm>>
      tpu.wait_dma2 semaphore(%arg18 : memref<!tpu.dma_semaphore, #tpu.memory_space<semaphore_mem>>) src(%dma_wait3A_244 : memref<520x64xf32, #tpu.memory_space<hbm>>) dst(%dma_wait3A_241 : memref<520x64xf32, #tpu.memory_space<vmem_shared>>)
    } else {
    }
    %barrier3A = arith.constant 0 : index
    tpu.barrier barrier_id(%barrier3A)
    %dma_start3A_201 = arith.constant 0 : i32
    %dma_start3A_202 = arith.constant 0 : i32
    %dma_start3A_203 = tpu.memref_slice %arg7[%dma_start3A_201, %dma_start3A_202] : memref<82x128xi32, #tpu.memory_space<vmem>> -> memref<1x128xi32, #tpu.memory_space<vmem>>
    %dma_start3A_204 = tpu.memref_squeeze %dma_start3A_203 : memref<1x128xi32, #tpu.memory_space<vmem>> -> memref<128xi32, #tpu.memory_space<vmem>>
    %dma_start3A_205 = arith.constant 0 : i32
    %dma_start3A_206 = arith.constant 0 : i32
    %dma_start3A_207 = tpu.memref_slice %arg12[%dma_start3A_205, %dma_start3A_206] : memref<10112x64xf32, #tpu.memory_space<vmem_shared>> -> memref<10112x64xf32, #tpu.memory_space<vmem_shared>>
    tpu.enqueue_indirect_dma source(%dma_start3A_207 : memref<10112x64xf32, #tpu.memory_space<vmem_shared>>) target(%arg9 : memref<128x64xf32, #tpu.memory_space<vmem>>) offsets(%dma_start3A_204 : memref<128xi32, #tpu.memory_space<vmem>>) semaphore(%arg13 : memref<!tpu.dma_semaphore, #tpu.memory_space<semaphore_mem>>)
    %dma_start3A_208 = arith.constant 1 : i32
    %dma_start3A_209 = arith.constant 0 : i32
    %dma_start3A_210 = tpu.memref_slice %arg7[%dma_start3A_208, %dma_start3A_209] : memref<82x128xi32, #tpu.memory_space<vmem>> -> memref<1x128xi32, #tpu.memory_space<vmem>>
    %dma_start3A_211 = tpu.memref_squeeze %dma_start3A_210 : memref<1x128xi32, #tpu.memory_space<vmem>> -> memref<128xi32, #tpu.memory_space<vmem>>
    %dma_start3A_212 = arith.constant 0 : i32
    %dma_start3A_213 = arith.constant 0 : i32
    %dma_start3A_214 = tpu.memref_slice %arg12[%dma_start3A_212, %dma_start3A_213] : memref<10112x64xf32, #tpu.memory_space<vmem_shared>> -> memref<10112x64xf32, #tpu.memory_space<vmem_shared>>
    tpu.enqueue_indirect_dma source(%dma_start3A_214 : memref<10112x64xf32, #tpu.memory_space<vmem_shared>>) target(%arg10 : memref<128x64xf32, #tpu.memory_space<vmem>>) offsets(%dma_start3A_211 : memref<128xi32, #tpu.memory_space<vmem>>) semaphore(%arg14 : memref<!tpu.dma_semaphore, #tpu.memory_space<semaphore_mem>>)
    %scan3A = arith.constant 0 : i32
    %scan3A_215 = arith.constant 0 : i32
    %scan3A_216 = arith.constant 40 : i32
    %scan3A_217 = arith.addi %scan3A_215, %scan3A_216 : i32
    %scan3A_218 = arith.constant 1 : i32
    scf.for %scan3A_239 = %scan3A_215 to %scan3A_217 step %scan3A_218  : i32 {
      %mul3A_240 = arith.constant 2 : i32
      %mul3A_241 = arith.muli %mul3A_240, %scan3A_239 : i32
      %add3A_242 = arith.constant 0 : i32
      %add3A_243 = arith.addi %mul3A_241, %add3A_242 : i32
      %dma_wait3A_244 = arith.constant 0 : i32
      %dma_wait3A_245 = tpu.memref_slice %arg7[%add3A_243, %dma_wait3A_244] : memref<82x128xi32, #tpu.memory_space<vmem>> -> memref<1x128xi32, #tpu.memory_space<vmem>>
      %dma_wait3A_246 = tpu.memref_squeeze %dma_wait3A_245 : memref<1x128xi32, #tpu.memory_space<vmem>> -> memref<128xi32, #tpu.memory_space<vmem>>
      %dma_wait3A_247 = arith.constant 0 : i32
      %dma_wait3A_248 = arith.constant 0 : i32
      %dma_wait3A_249 = tpu.memref_slice %arg12[%dma_wait3A_247, %dma_wait3A_248] : memref<10112x64xf32, #tpu.memory_space<vmem_shared>> -> memref<10112x64xf32, #tpu.memory_space<vmem_shared>>
      tpu.wait_indirect_dma semaphore(%arg13 : memref<!tpu.dma_semaphore, #tpu.memory_space<semaphore_mem>>) src(%dma_wait3A_249 : memref<10112x64xf32, #tpu.memory_space<vmem_shared>>) dst(%arg9 : memref<128x64xf32, #tpu.memory_space<vmem>>)
      "tpu.region"() ({
        %run_scoped3A = tpu.sem_alloc : memref<!tpu.dma_semaphore, #tpu.memory_space<semaphore_mem>>
        %dma_start3A_276 = arith.constant 0 : i32
        %dma_start3A_277 = tpu.memref_slice %arg8[%add3A_243, %dma_start3A_276] : memref<80x128xi32, #tpu.memory_space<vmem>> -> memref<1x128xi32, #tpu.memory_space<vmem>>
        %dma_start3A_278 = tpu.memref_squeeze %dma_start3A_277 : memref<1x128xi32, #tpu.memory_space<vmem>> -> memref<128xi32, #tpu.memory_space<vmem>>
        %dma_start3A_279 = arith.constant 0 : i32
        %dma_start3A_280 = arith.constant 0 : i32
        %dma_start3A_281 = tpu.memref_slice %arg11[%dma_start3A_279, %dma_start3A_280] : memref<10112x64xf32, #tpu.memory_space<vmem_shared>> -> memref<10112x64xf32, #tpu.memory_space<vmem_shared>>
        tpu.enqueue_indirect_dma source(%arg9 : memref<128x64xf32, #tpu.memory_space<vmem>>) target(%dma_start3A_281 : memref<10112x64xf32, #tpu.memory_space<vmem_shared>>) offsets(%dma_start3A_278 : memref<128xi32, #tpu.memory_space<vmem>>) semaphore(%run_scoped3A : memref<!tpu.dma_semaphore, #tpu.memory_space<semaphore_mem>>) {add = true}
        %dma_wait3A_282 = arith.constant 0 : i32
        %dma_wait3A_283 = tpu.memref_slice %arg8[%add3A_243, %dma_wait3A_282] : memref<80x128xi32, #tpu.memory_space<vmem>> -> memref<1x128xi32, #tpu.memory_space<vmem>>
        %dma_wait3A_284 = tpu.memref_squeeze %dma_wait3A_283 : memref<1x128xi32, #tpu.memory_space<vmem>> -> memref<128xi32, #tpu.memory_space<vmem>>
        %dma_wait3A_285 = arith.constant 0 : i32
        %dma_wait3A_286 = arith.constant 0 : i32
        %dma_wait3A_287 = tpu.memref_slice %arg11[%dma_wait3A_285, %dma_wait3A_286] : memref<10112x64xf32, #tpu.memory_space<vmem_shared>> -> memref<10112x64xf32, #tpu.memory_space<vmem_shared>>
        tpu.wait_indirect_dma semaphore(%run_scoped3A : memref<!tpu.dma_semaphore, #tpu.memory_space<semaphore_mem>>) src(%arg9 : memref<128x64xf32, #tpu.memory_space<vmem>>) dst(%dma_wait3A_287 : memref<10112x64xf32, #tpu.memory_space<vmem_shared>>)
        tpu.yield
      }) : () -> ()
      %add3A_250 = arith.constant 2 : i32
      %add3A_251 = arith.addi %add3A_243, %add3A_250 : i32
      %dma_start3A_252 = arith.constant 0 : i32
      %dma_start3A_253 = tpu.memref_slice %arg7[%add3A_251, %dma_start3A_252] : memref<82x128xi32, #tpu.memory_space<vmem>> -> memref<1x128xi32, #tpu.memory_space<vmem>>
      %dma_start3A_254 = tpu.memref_squeeze %dma_start3A_253 : memref<1x128xi32, #tpu.memory_space<vmem>> -> memref<128xi32, #tpu.memory_space<vmem>>
      %dma_start3A_255 = arith.constant 0 : i32
      %dma_start3A_256 = arith.constant 0 : i32
      %dma_start3A_257 = tpu.memref_slice %arg12[%dma_start3A_255, %dma_start3A_256] : memref<10112x64xf32, #tpu.memory_space<vmem_shared>> -> memref<10112x64xf32, #tpu.memory_space<vmem_shared>>
      tpu.enqueue_indirect_dma source(%dma_start3A_257 : memref<10112x64xf32, #tpu.memory_space<vmem_shared>>) target(%arg9 : memref<128x64xf32, #tpu.memory_space<vmem>>) offsets(%dma_start3A_254 : memref<128xi32, #tpu.memory_space<vmem>>) semaphore(%arg13 : memref<!tpu.dma_semaphore, #tpu.memory_space<semaphore_mem>>)
      %mul3A_258 = arith.constant 2 : i32
      %mul3A_259 = arith.muli %mul3A_258, %scan3A_239 : i32
      %add3A_260 = arith.constant 1 : i32
      %add3A_261 = arith.addi %mul3A_259, %add3A_260 : i32
      %dma_wait3A_262 = arith.constant 0 : i32
      %dma_wait3A_263 = tpu.memref_slice %arg7[%add3A_261, %dma_wait3A_262] : memref<82x128xi32, #tpu.memory_space<vmem>> -> memref<1x128xi32, #tpu.memory_space<vmem>>
      %dma_wait3A_264 = tpu.memref_squeeze %dma_wait3A_263 : memref<1x128xi32, #tpu.memory_space<vmem>> -> memref<128xi32, #tpu.memory_space<vmem>>
      %dma_wait3A_265 = arith.constant 0 : i32
      %dma_wait3A_266 = arith.constant 0 : i32
      %dma_wait3A_267 = tpu.memref_slice %arg12[%dma_wait3A_265, %dma_wait3A_266] : memref<10112x64xf32, #tpu.memory_space<vmem_shared>> -> memref<10112x64xf32, #tpu.memory_space<vmem_shared>>
      tpu.wait_indirect_dma semaphore(%arg14 : memref<!tpu.dma_semaphore, #tpu.memory_space<semaphore_mem>>) src(%dma_wait3A_267 : memref<10112x64xf32, #tpu.memory_space<vmem_shared>>) dst(%arg10 : memref<128x64xf32, #tpu.memory_space<vmem>>)
      "tpu.region"() ({
        %run_scoped3A = tpu.sem_alloc : memref<!tpu.dma_semaphore, #tpu.memory_space<semaphore_mem>>
        %dma_start3A_276 = arith.constant 0 : i32
        %dma_start3A_277 = tpu.memref_slice %arg8[%add3A_261, %dma_start3A_276] : memref<80x128xi32, #tpu.memory_space<vmem>> -> memref<1x128xi32, #tpu.memory_space<vmem>>
        %dma_start3A_278 = tpu.memref_squeeze %dma_start3A_277 : memref<1x128xi32, #tpu.memory_space<vmem>> -> memref<128xi32, #tpu.memory_space<vmem>>
        %dma_start3A_279 = arith.constant 0 : i32
        %dma_start3A_280 = arith.constant 0 : i32
        %dma_start3A_281 = tpu.memref_slice %arg11[%dma_start3A_279, %dma_start3A_280] : memref<10112x64xf32, #tpu.memory_space<vmem_shared>> -> memref<10112x64xf32, #tpu.memory_space<vmem_shared>>
        tpu.enqueue_indirect_dma source(%arg10 : memref<128x64xf32, #tpu.memory_space<vmem>>) target(%dma_start3A_281 : memref<10112x64xf32, #tpu.memory_space<vmem_shared>>) offsets(%dma_start3A_278 : memref<128xi32, #tpu.memory_space<vmem>>) semaphore(%run_scoped3A : memref<!tpu.dma_semaphore, #tpu.memory_space<semaphore_mem>>) {add = true}
        %dma_wait3A_282 = arith.constant 0 : i32
        %dma_wait3A_283 = tpu.memref_slice %arg8[%add3A_261, %dma_wait3A_282] : memref<80x128xi32, #tpu.memory_space<vmem>> -> memref<1x128xi32, #tpu.memory_space<vmem>>
        %dma_wait3A_284 = tpu.memref_squeeze %dma_wait3A_283 : memref<1x128xi32, #tpu.memory_space<vmem>> -> memref<128xi32, #tpu.memory_space<vmem>>
        %dma_wait3A_285 = arith.constant 0 : i32
        %dma_wait3A_286 = arith.constant 0 : i32
        %dma_wait3A_287 = tpu.memref_slice %arg11[%dma_wait3A_285, %dma_wait3A_286] : memref<10112x64xf32, #tpu.memory_space<vmem_shared>> -> memref<10112x64xf32, #tpu.memory_space<vmem_shared>>
        tpu.wait_indirect_dma semaphore(%run_scoped3A : memref<!tpu.dma_semaphore, #tpu.memory_space<semaphore_mem>>) src(%arg10 : memref<128x64xf32, #tpu.memory_space<vmem>>) dst(%dma_wait3A_287 : memref<10112x64xf32, #tpu.memory_space<vmem_shared>>)
        tpu.yield
      }) : () -> ()
      %add3A_268 = arith.constant 2 : i32
      %add3A_269 = arith.addi %add3A_261, %add3A_268 : i32
      %dma_start3A_270 = arith.constant 0 : i32
      %dma_start3A_271 = tpu.memref_slice %arg7[%add3A_269, %dma_start3A_270] : memref<82x128xi32, #tpu.memory_space<vmem>> -> memref<1x128xi32, #tpu.memory_space<vmem>>
      %dma_start3A_272 = tpu.memref_squeeze %dma_start3A_271 : memref<1x128xi32, #tpu.memory_space<vmem>> -> memref<128xi32, #tpu.memory_space<vmem>>
      %dma_start3A_273 = arith.constant 0 : i32
      %dma_start3A_274 = arith.constant 0 : i32
      %dma_start3A_275 = tpu.memref_slice %arg12[%dma_start3A_273, %dma_start3A_274] : memref<10112x64xf32, #tpu.memory_space<vmem_shared>> -> memref<10112x64xf32, #tpu.memory_space<vmem_shared>>
      tpu.enqueue_indirect_dma source(%dma_start3A_275 : memref<10112x64xf32, #tpu.memory_space<vmem_shared>>) target(%arg10 : memref<128x64xf32, #tpu.memory_space<vmem>>) offsets(%dma_start3A_272 : memref<128xi32, #tpu.memory_space<vmem>>) semaphore(%arg14 : memref<!tpu.dma_semaphore, #tpu.memory_space<semaphore_mem>>)
    }
    %scan3A_219 = arith.constant 40 : i32
    %dma_wait3A_220 = arith.constant 80 : i32
    %dma_wait3A_221 = arith.constant 0 : i32
    %dma_wait3A_222 = tpu.memref_slice %arg7[%dma_wait3A_220, %dma_wait3A_221] : memref<82x128xi32, #tpu.memory_space<vmem>> -> memref<1x128xi32, #tpu.memory_space<vmem>>
    %dma_wait3A_223 = tpu.memref_squeeze %dma_wait3A_222 : memref<1x128xi32, #tpu.memory_space<vmem>> -> memref<128xi32, #tpu.memory_space<vmem>>
    %dma_wait3A_224 = arith.constant 0 : i32
    %dma_wait3A_225 = arith.constant 0 : i32
    %dma_wait3A_226 = tpu.memref_slice %arg12[%dma_wait3A_224, %dma_wait3A_225] : memref<10112x64xf32, #tpu.memory_space<vmem_shared>> -> memref<10112x64xf32, #tpu.memory_space<vmem_shared>>
    tpu.wait_indirect_dma semaphore(%arg13 : memref<!tpu.dma_semaphore, #tpu.memory_space<semaphore_mem>>) src(%dma_wait3A_226 : memref<10112x64xf32, #tpu.memory_space<vmem_shared>>) dst(%arg9 : memref<128x64xf32, #tpu.memory_space<vmem>>)
    %dma_wait3A_227 = arith.constant 81 : i32
    %dma_wait3A_228 = arith.constant 0 : i32
    %dma_wait3A_229 = tpu.memref_slice %arg7[%dma_wait3A_227, %dma_wait3A_228] : memref<82x128xi32, #tpu.memory_space<vmem>> -> memref<1x128xi32, #tpu.memory_space<vmem>>
    %dma_wait3A_230 = tpu.memref_squeeze %dma_wait3A_229 : memref<1x128xi32, #tpu.memory_space<vmem>> -> memref<128xi32, #tpu.memory_space<vmem>>
    %dma_wait3A_231 = arith.constant 0 : i32
    %dma_wait3A_232 = arith.constant 0 : i32
    %dma_wait3A_233 = tpu.memref_slice %arg12[%dma_wait3A_231, %dma_wait3A_232] : memref<10112x64xf32, #tpu.memory_space<vmem_shared>> -> memref<10112x64xf32, #tpu.memory_space<vmem_shared>>
    tpu.wait_indirect_dma semaphore(%arg14 : memref<!tpu.dma_semaphore, #tpu.memory_space<semaphore_mem>>) src(%dma_wait3A_233 : memref<10112x64xf32, #tpu.memory_space<vmem_shared>>) dst(%arg10 : memref<128x64xf32, #tpu.memory_space<vmem>>)
    %barrier3A_234 = arith.constant 0 : index
    tpu.barrier barrier_id(%barrier3A_234)
    %mul3A_235 = arith.constant 632 : i32
    %mul3A_236 = arith.muli %arg1, %mul3A_235 : i32
    %mul3A_237 = arith.constant 632 : i32
    %mul3A_238 = arith.muli %arg1, %mul3A_237 : i32
    "tpu.region"() ({
      %run_scoped3A = tpu.sem_alloc : memref<!tpu.dma_semaphore, #tpu.memory_space<semaphore_mem>>
      %dma_start3A_239 = arith.constant 0 : i32
      %dma_start3A_240 = tpu.memref_slice %arg6[%arg0, %mul3A_238, %dma_start3A_239] : memref<2x10112x64xf32, #tpu.memory_space<hbm>> -> memref<1x632x64xf32, #tpu.memory_space<hbm>>
      %dma_start3A_241 = tpu.memref_squeeze %dma_start3A_240 : memref<1x632x64xf32, #tpu.memory_space<hbm>> -> memref<632x64xf32, #tpu.memory_space<hbm>>
      %dma_start3A_242 = arith.constant 0 : i32
      %dma_start3A_243 = tpu.memref_slice %arg11[%mul3A_236, %dma_start3A_242] : memref<10112x64xf32, #tpu.memory_space<vmem_shared>> -> memref<632x64xf32, #tpu.memory_space<vmem_shared>>
      tpu.enqueue_dma source(%dma_start3A_243 : memref<632x64xf32, #tpu.memory_space<vmem_shared>>) target(%dma_start3A_241 : memref<632x64xf32, #tpu.memory_space<hbm>>) target_semaphore(%run_scoped3A : memref<!tpu.dma_semaphore, #tpu.memory_space<semaphore_mem>>)
      %dma_wait3A_244 = arith.constant 0 : i32
      %dma_wait3A_245 = tpu.memref_slice %arg6[%arg0, %mul3A_238, %dma_wait3A_244] : memref<2x10112x64xf32, #tpu.memory_space<hbm>> -> memref<1x632x64xf32, #tpu.memory_space<hbm>>
      %dma_wait3A_246 = tpu.memref_squeeze %dma_wait3A_245 : memref<1x632x64xf32, #tpu.memory_space<hbm>> -> memref<632x64xf32, #tpu.memory_space<hbm>>
      %dma_wait3A_247 = arith.constant 0 : i32
      %dma_wait3A_248 = tpu.memref_slice %arg11[%mul3A_236, %dma_wait3A_247] : memref<10112x64xf32, #tpu.memory_space<vmem_shared>> -> memref<632x64xf32, #tpu.memory_space<vmem_shared>>
      tpu.wait_dma2 semaphore(%run_scoped3A : memref<!tpu.dma_semaphore, #tpu.memory_space<semaphore_mem>>) src(%dma_wait3A_248 : memref<632x64xf32, #tpu.memory_space<vmem_shared>>) dst(%dma_wait3A_246 : memref<632x64xf32, #tpu.memory_space<hbm>>)
      tpu.yield
    }) : () -> ()
    return
  }
}

module attributes {stable_mosaic.version = 14 : i64} {
  func.func @body(%arg0: i32, %arg1: memref<1000x128xf32, #tpu.memory_space<vmem>>, %arg2: memref<128x64xf32, #tpu.memory_space<vmem>>, %arg3: memref<128x64xf32, #tpu.memory_space<vmem>>, %arg4: memref<1x64xf32, #tpu.memory_space<vmem>>, %arg5: memref<1000x64xf32, #tpu.memory_space<vmem>>, %arg6: memref<1000x64xf32, #tpu.memory_space<vmem>>) attributes {dimension_semantics = [#tpu.dimension_semantics<arbitrary>], iteration_bounds = array<i64: 10>, scalar_prefetch = 0 : i64, scratch_operands = 0 : i64, tpu.core_type = #tpu.core_type<tc>, window_params = [{transform_indices = @transform_0, window_bounds = array<i64: 1000, 128>}, {pipeline_mode = #tpu.pipeline_mode<synchronous>, transform_indices = @transform_1, window_bounds = array<i64: 128, 64>}, {pipeline_mode = #tpu.pipeline_mode<synchronous>, transform_indices = @transform_2, window_bounds = array<i64: 128, 64>}, {pipeline_mode = #tpu.pipeline_mode<synchronous>, transform_indices = @transform_3, window_bounds = array<i64: 1, 64>}, {transform_indices = @transform_4, window_bounds = array<i64: 1000, 64>}, {transform_indices = @transform_5, window_bounds = array<i64: 1000, 64>}]} {
    %get3A = arith.constant 0 : index
    %get3A_0 = arith.constant 0 : index
    %get3A_1 = vector.load %arg1[%get3A, %get3A_0] : memref<1000x128xf32, #tpu.memory_space<vmem>>, vector<1000x128xf32>
    %get3A_2 = arith.constant 0 : index
    %get3A_3 = arith.constant 0 : index
    %get3A_4 = vector.load %arg2[%get3A_2, %get3A_3] : memref<128x64xf32, #tpu.memory_space<vmem>>, vector<128x64xf32>
    %dot_general3A = arith.constant dense<0.000000e+00> : vector<1000x64xf32>
    %dot_general3A_5 = tpu.matmul %get3A_1, %get3A_4, %dot_general3A {dimension_numbers = #tpu.dot_dimension_numbers<[1], [0], [0], [1], [0, 0, 1, 1], [], []>, transpose_lhs_hint = false} : vector<1000x128xf32>, vector<128x64xf32>, vector<1000x64xf32> -> vector<1000x64xf32>
    %get3A_6 = arith.constant 0 : index
    %get3A_7 = arith.constant 0 : index
    %get3A_8 = vector.load %arg4[%get3A_6, %get3A_7] : memref<1x64xf32, #tpu.memory_space<vmem>>, vector<1x64xf32>
    %add3A = vector.broadcast %get3A_8 : vector<1x64xf32> to vector<1000x64xf32>
    %add3A_9 = arith.addf %dot_general3A_5, %add3A : vector<1000x64xf32>
    %swap3A = arith.constant 0 : index
    %swap3A_10 = arith.constant 0 : index
    %swap3A_11 = vector.load %arg5[%swap3A, %swap3A_10] : memref<1000x64xf32, #tpu.memory_space<vmem>>, vector<1000x64xf32>
    tpu.vector_store %arg5[%swap3A, %swap3A_10], %add3A_9 {strides = array<i32>} : memref<1000x64xf32, #tpu.memory_space<vmem>>, vector<1000x64xf32>,
    %get3A_12 = arith.constant 0 : index
    %get3A_13 = arith.constant 0 : index
    %get3A_14 = vector.load %arg3[%get3A_12, %get3A_13] : memref<128x64xf32, #tpu.memory_space<vmem>>, vector<128x64xf32>
    %dot_general3A_15 = arith.constant dense<0.000000e+00> : vector<1000x64xf32>
    %dot_general3A_16 = tpu.matmul %get3A_1, %get3A_14, %dot_general3A_15 {dimension_numbers = #tpu.dot_dimension_numbers<[1], [0], [0], [1], [0, 0, 1, 1], [], []>, transpose_lhs_hint = false} : vector<1000x128xf32>, vector<128x64xf32>, vector<1000x64xf32> -> vector<1000x64xf32>
    %swap3A_17 = arith.constant 0 : index
    %swap3A_18 = arith.constant 0 : index
    %swap3A_19 = vector.load %arg6[%swap3A_17, %swap3A_18] : memref<1000x64xf32, #tpu.memory_space<vmem>>, vector<1000x64xf32>
    tpu.vector_store %arg6[%swap3A_17, %swap3A_18], %dot_general3A_16 {strides = array<i32>} : memref<1000x64xf32, #tpu.memory_space<vmem>>, vector<1000x64xf32>,
    return
  }
  func.func @transform_0(%arg0: i32) -> (i32, i32) {
    %c0_i32 = arith.constant 0 : i32
    %c0_i32_0 = arith.constant 0 : i32
    return %arg0, %c0_i32 : i32, i32
  }
  func.func @transform_1(%arg0: i32) -> (i32, i32) {
    %c0_i32 = arith.constant 0 : i32
    %c0_i32_0 = arith.constant 0 : i32
    %c0_i32_1 = arith.constant 0 : i32
    return %c0_i32, %c0_i32_0 : i32, i32
  }
  func.func @transform_2(%arg0: i32) -> (i32, i32) {
    %c0_i32 = arith.constant 0 : i32
    %c0_i32_0 = arith.constant 0 : i32
    %c0_i32_1 = arith.constant 0 : i32
    return %c0_i32, %c0_i32_0 : i32, i32
  }
  func.func @transform_3(%arg0: i32) -> (i32, i32) {
    %c0_i32 = arith.constant 0 : i32
    %c0_i32_0 = arith.constant 0 : i32
    %c0_i32_1 = arith.constant 0 : i32
    return %c0_i32, %c0_i32_0 : i32, i32
  }
  func.func @transform_4(%arg0: i32) -> (i32, i32) {
    %c0_i32 = arith.constant 0 : i32
    %c0_i32_0 = arith.constant 0 : i32
    return %arg0, %c0_i32 : i32, i32
  }
  func.func @transform_5(%arg0: i32) -> (i32, i32) {
    %c0_i32 = arith.constant 0 : i32
    %c0_i32_0 = arith.constant 0 : i32
    return %arg0, %c0_i32 : i32, i32
  }
}

module attributes {stable_mosaic.version = 14 : i64} {
  func.func @body(%arg0: i32, %arg1: memref<1000x64xf32, #tpu.memory_space<vmem>>, %arg2: memref<2x1000x64xf32, #tpu.memory_space<vmem>>, %arg3: memref<2x1000x16xf32, #tpu.memory_space<vmem>>, %arg4: memref<64x64xf32, #tpu.memory_space<vmem>>, %arg5: memref<64x64xf32, #tpu.memory_space<vmem>>, %arg6: memref<1x64xf32, #tpu.memory_space<vmem>>, %arg7: memref<1000x64xf32, #tpu.memory_space<vmem>>, %arg8: memref<1000x64xf32, #tpu.memory_space<vmem>>) attributes {dimension_semantics = [#tpu.dimension_semantics<arbitrary>], iteration_bounds = array<i64: 10>, scalar_prefetch = 0 : i64, scratch_operands = 0 : i64, tpu.core_type = #tpu.core_type<tc>, window_params = [{transform_indices = @transform_0, window_bounds = array<i64: 1000, 64>}, {transform_indices = @transform_1, window_bounds = array<i64: 2, 1000, 64>}, {transform_indices = @transform_2, window_bounds = array<i64: 2, 1000, 16>}, {pipeline_mode = #tpu.pipeline_mode<synchronous>, transform_indices = @transform_3, window_bounds = array<i64: 64, 64>}, {pipeline_mode = #tpu.pipeline_mode<synchronous>, transform_indices = @transform_4, window_bounds = array<i64: 64, 64>}, {pipeline_mode = #tpu.pipeline_mode<synchronous>, transform_indices = @transform_5, window_bounds = array<i64: 1, 64>}, {transform_indices = @transform_6, window_bounds = array<i64: 1000, 64>}, {transform_indices = @transform_7, window_bounds = array<i64: 1000, 64>}]} {
    %get3A = arith.constant 0 : index
    %get3A_0 = arith.constant 0 : index
    %get3A_1 = arith.constant 0 : index
    %get3A_2 = vector.load %arg2[%get3A, %get3A_0, %get3A_1] : memref<2x1000x64xf32, #tpu.memory_space<vmem>>, vector<1x1000x64xf32>
    %get3A_3 = vector.shape_cast %get3A_2 : vector<1x1000x64xf32> to vector<1000x64xf32>
    %get3A_4 = arith.constant 1 : index
    %get3A_5 = arith.constant 0 : index
    %get3A_6 = arith.constant 0 : index
    %get3A_7 = vector.load %arg2[%get3A_4, %get3A_5, %get3A_6] : memref<2x1000x64xf32, #tpu.memory_space<vmem>>, vector<1x1000x64xf32>
    %get3A_8 = vector.shape_cast %get3A_7 : vector<1x1000x64xf32> to vector<1000x64xf32>
    %add3A = arith.addf %get3A_3, %get3A_8 : vector<1000x64xf32>
    %get3A_9 = arith.constant 0 : index
    %get3A_10 = arith.constant 0 : index
    %get3A_11 = arith.constant 0 : index
    %get3A_12 = vector.load %arg3[%get3A_9, %get3A_10, %get3A_11] : memref<2x1000x16xf32, #tpu.memory_space<vmem>>, vector<1x1000x1xf32>
    %get3A_13 = vector.shape_cast %get3A_12 : vector<1x1000x1xf32> to vector<1000x1xf32>
    %get3A_14 = arith.constant 1 : index
    %get3A_15 = arith.constant 0 : index
    %get3A_16 = arith.constant 0 : index
    %get3A_17 = vector.load %arg3[%get3A_14, %get3A_15, %get3A_16] : memref<2x1000x16xf32, #tpu.memory_space<vmem>>, vector<1x1000x1xf32>
    %get3A_18 = vector.shape_cast %get3A_17 : vector<1x1000x1xf32> to vector<1000x1xf32>
    %add3A_19 = arith.addf %get3A_13, %get3A_18 : vector<1000x1xf32>
    %max3A = arith.constant 1.000000e+00 : f32
    %max3A_20 = vector.broadcast %max3A : f32 to vector<1000x1xf32>
    %max3A_21 = arith.maximumf %add3A_19, %max3A_20 : vector<1000x1xf32>
    %div3A = arith.constant 1.000000e+00 : f32
    %div3A_22 = vector.broadcast %div3A : f32 to vector<1000x1xf32>
    %div3A_23 = arith.divf %div3A_22, %max3A_21 : vector<1000x1xf32>
    %get3A_24 = arith.constant 0 : index
    %get3A_25 = arith.constant 0 : index
    %get3A_26 = vector.load %arg1[%get3A_24, %get3A_25] : memref<1000x64xf32, #tpu.memory_space<vmem>>, vector<1000x64xf32>
    %mul3A = vector.broadcast %div3A_23 : vector<1000x1xf32> to vector<1000x64xf32>
    %mul3A_27 = arith.mulf %add3A, %mul3A : vector<1000x64xf32>
    %add3A_28 = arith.addf %get3A_26, %mul3A_27 : vector<1000x64xf32>
    %max3A_29 = arith.constant 0.000000e+00 : f32
    %max3A_30 = vector.broadcast %max3A_29 : f32 to vector<1000x64xf32>
    %max3A_31 = arith.maximumf %add3A_28, %max3A_30 : vector<1000x64xf32>
    %get3A_32 = arith.constant 0 : index
    %get3A_33 = arith.constant 0 : index
    %get3A_34 = vector.load %arg4[%get3A_32, %get3A_33] : memref<64x64xf32, #tpu.memory_space<vmem>>, vector<64x64xf32>
    %dot_general3A = arith.constant dense<0.000000e+00> : vector<1000x64xf32>
    %dot_general3A_35 = tpu.matmul %max3A_31, %get3A_34, %dot_general3A {dimension_numbers = #tpu.dot_dimension_numbers<[1], [0], [0], [1], [0, 0, 1, 1], [], []>, transpose_lhs_hint = false} : vector<1000x64xf32>, vector<64x64xf32>, vector<1000x64xf32> -> vector<1000x64xf32>
    %get3A_36 = arith.constant 0 : index
    %get3A_37 = arith.constant 0 : index
    %get3A_38 = vector.load %arg6[%get3A_36, %get3A_37] : memref<1x64xf32, #tpu.memory_space<vmem>>, vector<1x64xf32>
    %add3A_39 = vector.broadcast %get3A_38 : vector<1x64xf32> to vector<1000x64xf32>
    %add3A_40 = arith.addf %dot_general3A_35, %add3A_39 : vector<1000x64xf32>
    %swap3A = arith.constant 0 : index
    %swap3A_41 = arith.constant 0 : index
    %swap3A_42 = vector.load %arg7[%swap3A, %swap3A_41] : memref<1000x64xf32, #tpu.memory_space<vmem>>, vector<1000x64xf32>
    tpu.vector_store %arg7[%swap3A, %swap3A_41], %add3A_40 {strides = array<i32>} : memref<1000x64xf32, #tpu.memory_space<vmem>>, vector<1000x64xf32>,
    %get3A_43 = arith.constant 0 : index
    %get3A_44 = arith.constant 0 : index
    %get3A_45 = vector.load %arg5[%get3A_43, %get3A_44] : memref<64x64xf32, #tpu.memory_space<vmem>>, vector<64x64xf32>
    %dot_general3A_46 = arith.constant dense<0.000000e+00> : vector<1000x64xf32>
    %dot_general3A_47 = tpu.matmul %max3A_31, %get3A_45, %dot_general3A_46 {dimension_numbers = #tpu.dot_dimension_numbers<[1], [0], [0], [1], [0, 0, 1, 1], [], []>, transpose_lhs_hint = false} : vector<1000x64xf32>, vector<64x64xf32>, vector<1000x64xf32> -> vector<1000x64xf32>
    %swap3A_48 = arith.constant 0 : index
    %swap3A_49 = arith.constant 0 : index
    %swap3A_50 = vector.load %arg8[%swap3A_48, %swap3A_49] : memref<1000x64xf32, #tpu.memory_space<vmem>>, vector<1000x64xf32>
    tpu.vector_store %arg8[%swap3A_48, %swap3A_49], %dot_general3A_47 {strides = array<i32>} : memref<1000x64xf32, #tpu.memory_space<vmem>>, vector<1000x64xf32>,
    return
  }
  func.func @transform_0(%arg0: i32) -> (i32, i32) {
    %c0_i32 = arith.constant 0 : i32
    %c0_i32_0 = arith.constant 0 : i32
    return %arg0, %c0_i32 : i32, i32
  }
  func.func @transform_1(%arg0: i32) -> (i32, i32, i32) {
    %c0_i32 = arith.constant 0 : i32
    %c0_i32_0 = arith.constant 0 : i32
    %c0_i32_1 = arith.constant 0 : i32
    return %c0_i32, %arg0, %c0_i32_0 : i32, i32, i32
  }
  func.func @transform_2(%arg0: i32) -> (i32, i32, i32) {
    %c0_i32 = arith.constant 0 : i32
    %c0_i32_0 = arith.constant 0 : i32
    %c0_i32_1 = arith.constant 0 : i32
    return %c0_i32, %arg0, %c0_i32_0 : i32, i32, i32
  }
  func.func @transform_3(%arg0: i32) -> (i32, i32) {
    %c0_i32 = arith.constant 0 : i32
    %c0_i32_0 = arith.constant 0 : i32
    %c0_i32_1 = arith.constant 0 : i32
    return %c0_i32, %c0_i32_0 : i32, i32
  }
  func.func @transform_4(%arg0: i32) -> (i32, i32) {
    %c0_i32 = arith.constant 0 : i32
    %c0_i32_0 = arith.constant 0 : i32
    %c0_i32_1 = arith.constant 0 : i32
    return %c0_i32, %c0_i32_0 : i32, i32
  }
  func.func @transform_5(%arg0: i32) -> (i32, i32) {
    %c0_i32 = arith.constant 0 : i32
    %c0_i32_0 = arith.constant 0 : i32
    %c0_i32_1 = arith.constant 0 : i32
    return %c0_i32, %c0_i32_0 : i32, i32
  }
  func.func @transform_6(%arg0: i32) -> (i32, i32) {
    %c0_i32 = arith.constant 0 : i32
    %c0_i32_0 = arith.constant 0 : i32
    return %arg0, %c0_i32 : i32, i32
  }
  func.func @transform_7(%arg0: i32) -> (i32, i32) {
    %c0_i32 = arith.constant 0 : i32
    %c0_i32_0 = arith.constant 0 : i32
    return %arg0, %c0_i32 : i32, i32
  }
}

module attributes {stable_mosaic.version = 14 : i64} {
  func.func @body(%arg0: i32, %arg1: memref<16xi32, #tpu.memory_space<smem>>, %arg2: memref<1000x64xf32, #tpu.memory_space<vmem>>, %arg3: memref<2x1000x64xf32, #tpu.memory_space<vmem>>, %arg4: memref<2x1000x16xf32, #tpu.memory_space<vmem>>, %arg5: memref<10000x64xf32, #tpu.memory_space<any>>, %arg6: memref<2x10112x64xf32, #tpu.memory_space<any>>, %arg7: memref<2x10112x16xf32, #tpu.memory_space<any>>, %arg8: memref<64x128xf32, #tpu.memory_space<vmem>>, %arg9: memref<1x128xf32, #tpu.memory_space<vmem>>, %arg10: memref<128x64xf32, #tpu.memory_space<vmem>>, %arg11: memref<1x64xf32, #tpu.memory_space<vmem>>, %arg12: memref<1000x16xf32, #tpu.memory_space<vmem>>, %arg13: memref<16x64xf32, #tpu.memory_space<vmem>>, %arg14: memref<16x64xf32, #tpu.memory_space<vmem>>, %arg15: memref<2x16x64xf32, #tpu.memory_space<vmem>>, %arg16: memref<2x16x16xf32, #tpu.memory_space<vmem>>, %arg17: memref<!tpu.dma_semaphore, #tpu.memory_space<semaphore_mem>>, %arg18: memref<!tpu.dma_semaphore, #tpu.memory_space<semaphore_mem>>, %arg19: memref<!tpu.dma_semaphore, #tpu.memory_space<semaphore_mem>>) attributes {dimension_semantics = [#tpu.dimension_semantics<arbitrary>], iteration_bounds = array<i64: 10>, scalar_prefetch = 0 : i64, scratch_operands = 7 : i64, tpu.core_type = #tpu.core_type<tc>, window_params = [{transform_indices = @transform_0, window_bounds = array<i64: 16>}, {transform_indices = @transform_1, window_bounds = array<i64: 1000, 64>}, {transform_indices = @transform_2, window_bounds = array<i64: 2, 1000, 64>}, {transform_indices = @transform_3, window_bounds = array<i64: 2, 1000, 16>}, {}, {}, {}, {pipeline_mode = #tpu.pipeline_mode<synchronous>, transform_indices = @transform_7, window_bounds = array<i64: 64, 128>}, {pipeline_mode = #tpu.pipeline_mode<synchronous>, transform_indices = @transform_8, window_bounds = array<i64: 1, 128>}, {pipeline_mode = #tpu.pipeline_mode<synchronous>, transform_indices = @transform_9, window_bounds = array<i64: 128, 64>}, {pipeline_mode = #tpu.pipeline_mode<synchronous>, transform_indices = @transform_10, window_bounds = array<i64: 1, 64>}, {transform_indices = @transform_11, window_bounds = array<i64: 1000, 16>}]} {
    %eq3A = arith.constant 0 : i32
    %eq3A_0 = arith.cmpi eq, %arg0, %eq3A : i32
    %convert_element_type3A = arith.extui %eq3A_0 : i1 to i32
    %cond3A = arith.constant 0 : i32
    %cond3A_1 = arith.cmpi ne, %convert_element_type3A, %cond3A : i32
    scf.if %cond3A_1 {
      %get3A_63 = arith.constant 0 : index
      %get3A_64 = memref.load %arg1[%get3A_63] : memref<16xi32, #tpu.memory_space<smem>>
      %get3A_65 = arith.constant 1 : index
      %get3A_66 = memref.load %arg1[%get3A_65] : memref<16xi32, #tpu.memory_space<smem>>
      %get3A_67 = arith.constant 2 : index
      %get3A_68 = memref.load %arg1[%get3A_67] : memref<16xi32, #tpu.memory_space<smem>>
      %get3A_69 = arith.constant 3 : index
      %get3A_70 = memref.load %arg1[%get3A_69] : memref<16xi32, #tpu.memory_space<smem>>
      %get3A_71 = arith.constant 4 : index
      %get3A_72 = memref.load %arg1[%get3A_71] : memref<16xi32, #tpu.memory_space<smem>>
      %get3A_73 = arith.constant 5 : index
      %get3A_74 = memref.load %arg1[%get3A_73] : memref<16xi32, #tpu.memory_space<smem>>
      %get3A_75 = arith.constant 6 : index
      %get3A_76 = memref.load %arg1[%get3A_75] : memref<16xi32, #tpu.memory_space<smem>>
      %get3A_77 = arith.constant 7 : index
      %get3A_78 = memref.load %arg1[%get3A_77] : memref<16xi32, #tpu.memory_space<smem>>
      %get3A_79 = arith.constant 8 : index
      %get3A_80 = memref.load %arg1[%get3A_79] : memref<16xi32, #tpu.memory_space<smem>>
      %get3A_81 = arith.constant 9 : index
      %get3A_82 = memref.load %arg1[%get3A_81] : memref<16xi32, #tpu.memory_space<smem>>
      %get3A_83 = arith.constant 10 : index
      %get3A_84 = memref.load %arg1[%get3A_83] : memref<16xi32, #tpu.memory_space<smem>>
      %get3A_85 = arith.constant 11 : index
      %get3A_86 = memref.load %arg1[%get3A_85] : memref<16xi32, #tpu.memory_space<smem>>
      %get3A_87 = arith.constant 12 : index
      %get3A_88 = memref.load %arg1[%get3A_87] : memref<16xi32, #tpu.memory_space<smem>>
      %get3A_89 = arith.constant 13 : index
      %get3A_90 = memref.load %arg1[%get3A_89] : memref<16xi32, #tpu.memory_space<smem>>
      %get3A_91 = arith.constant 14 : index
      %get3A_92 = memref.load %arg1[%get3A_91] : memref<16xi32, #tpu.memory_space<smem>>
      %get3A_93 = arith.constant 15 : index
      %get3A_94 = memref.load %arg1[%get3A_93] : memref<16xi32, #tpu.memory_space<smem>>
      %dma_start3A = arith.constant 0 : i32
      %dma_start3A_95 = arith.constant 0 : i32
      %dma_start3A_96 = tpu.memref_slice %arg14[%dma_start3A, %dma_start3A_95] : memref<16x64xf32, #tpu.memory_space<vmem>> -> memref<1x64xf32, #tpu.memory_space<vmem>>
      %dma_start3A_97 = arith.constant 0 : i32
      %dma_start3A_98 = tpu.memref_slice %arg5[%get3A_64, %dma_start3A_97] : memref<10000x64xf32, #tpu.memory_space<any>> -> memref<1x64xf32, #tpu.memory_space<any>>
      tpu.enqueue_dma source(%dma_start3A_98 : memref<1x64xf32, #tpu.memory_space<any>>) target(%dma_start3A_96 : memref<1x64xf32, #tpu.memory_space<vmem>>) target_semaphore(%arg17 : memref<!tpu.dma_semaphore, #tpu.memory_space<semaphore_mem>>)
      %dma_start3A_99 = arith.constant 0 : i32
      %dma_start3A_100 = arith.constant 0 : i32
      %dma_start3A_101 = arith.constant 0 : i32
      %dma_start3A_102 = arith.constant 0 : i32
      %dma_start3A_103 = tpu.memref_slice %arg15[%dma_start3A_100, %dma_start3A_101, %dma_start3A_102] : memref<2x16x64xf32, #tpu.memory_space<vmem>> -> memref<1x1x64xf32, #tpu.memory_space<vmem>>
      %dma_start3A_104 = tpu.memref_squeeze %dma_start3A_103 : memref<1x1x64xf32, #tpu.memory_space<vmem>> -> memref<1x64xf32, #tpu.memory_space<vmem>>
      %dma_start3A_105 = arith.constant 0 : i32
      %dma_start3A_106 = tpu.memref_slice %arg6[%dma_start3A_99, %get3A_64, %dma_start3A_105] : memref<2x10112x64xf32, #tpu.memory_space<any>> -> memref<1x1x64xf32, #tpu.memory_space<any>>
      %dma_start3A_107 = tpu.memref_squeeze %dma_start3A_106 : memref<1x1x64xf32, #tpu.memory_space<any>> -> memref<1x64xf32, #tpu.memory_space<any>>
      tpu.enqueue_dma source(%dma_start3A_107 : memref<1x64xf32, #tpu.memory_space<any>>) target(%dma_start3A_104 : memref<1x64xf32, #tpu.memory_space<vmem>>) target_semaphore(%arg18 : memref<!tpu.dma_semaphore, #tpu.memory_space<semaphore_mem>>)
      %dma_start3A_108 = arith.constant 0 : i32
      %dma_start3A_109 = arith.constant 0 : i32
      %dma_start3A_110 = arith.constant 0 : i32
      %dma_start3A_111 = arith.constant 0 : i32
      %dma_start3A_112 = tpu.memref_slice %arg16[%dma_start3A_109, %dma_start3A_110, %dma_start3A_111] : memref<2x16x16xf32, #tpu.memory_space<vmem>> -> memref<1x1x16xf32, #tpu.memory_space<vmem>>
      %dma_start3A_113 = tpu.memref_squeeze %dma_start3A_112 : memref<1x1x16xf32, #tpu.memory_space<vmem>> -> memref<1x16xf32, #tpu.memory_space<vmem>>
      %dma_start3A_114 = arith.constant 0 : i32
      %dma_start3A_115 = tpu.memref_slice %arg7[%dma_start3A_108, %get3A_64, %dma_start3A_114] : memref<2x10112x16xf32, #tpu.memory_space<any>> -> memref<1x1x16xf32, #tpu.memory_space<any>>
      %dma_start3A_116 = tpu.memref_squeeze %dma_start3A_115 : memref<1x1x16xf32, #tpu.memory_space<any>> -> memref<1x16xf32, #tpu.memory_space<any>>
      tpu.enqueue_dma source(%dma_start3A_116 : memref<1x16xf32, #tpu.memory_space<any>>) target(%dma_start3A_113 : memref<1x16xf32, #tpu.memory_space<vmem>>) target_semaphore(%arg19 : memref<!tpu.dma_semaphore, #tpu.memory_space<semaphore_mem>>)
      %dma_start3A_117 = arith.constant 1 : i32
      %dma_start3A_118 = arith.constant 1 : i32
      %dma_start3A_119 = arith.constant 0 : i32
      %dma_start3A_120 = arith.constant 0 : i32
      %dma_start3A_121 = tpu.memref_slice %arg15[%dma_start3A_118, %dma_start3A_119, %dma_start3A_120] : memref<2x16x64xf32, #tpu.memory_space<vmem>> -> memref<1x1x64xf32, #tpu.memory_space<vmem>>
      %dma_start3A_122 = tpu.memref_squeeze %dma_start3A_121 : memref<1x1x64xf32, #tpu.memory_space<vmem>> -> memref<1x64xf32, #tpu.memory_space<vmem>>
      %dma_start3A_123 = arith.constant 0 : i32
      %dma_start3A_124 = tpu.memref_slice %arg6[%dma_start3A_117, %get3A_64, %dma_start3A_123] : memref<2x10112x64xf32, #tpu.memory_space<any>> -> memref<1x1x64xf32, #tpu.memory_space<any>>
      %dma_start3A_125 = tpu.memref_squeeze %dma_start3A_124 : memref<1x1x64xf32, #tpu.memory_space<any>> -> memref<1x64xf32, #tpu.memory_space<any>>
      tpu.enqueue_dma source(%dma_start3A_125 : memref<1x64xf32, #tpu.memory_space<any>>) target(%dma_start3A_122 : memref<1x64xf32, #tpu.memory_space<vmem>>) target_semaphore(%arg18 : memref<!tpu.dma_semaphore, #tpu.memory_space<semaphore_mem>>)
      %dma_start3A_126 = arith.constant 1 : i32
      %dma_start3A_127 = arith.constant 1 : i32
      %dma_start3A_128 = arith.constant 0 : i32
      %dma_start3A_129 = arith.constant 0 : i32
      %dma_start3A_130 = tpu.memref_slice %arg16[%dma_start3A_127, %dma_start3A_128, %dma_start3A_129] : memref<2x16x16xf32, #tpu.memory_space<vmem>> -> memref<1x1x16xf32, #tpu.memory_space<vmem>>
      %dma_start3A_131 = tpu.memref_squeeze %dma_start3A_130 : memref<1x1x16xf32, #tpu.memory_space<vmem>> -> memref<1x16xf32, #tpu.memory_space<vmem>>
      %dma_start3A_132 = arith.constant 0 : i32
      %dma_start3A_133 = tpu.memref_slice %arg7[%dma_start3A_126, %get3A_64, %dma_start3A_132] : memref<2x10112x16xf32, #tpu.memory_space<any>> -> memref<1x1x16xf32, #tpu.memory_space<any>>
      %dma_start3A_134 = tpu.memref_squeeze %dma_start3A_133 : memref<1x1x16xf32, #tpu.memory_space<any>> -> memref<1x16xf32, #tpu.memory_space<any>>
      tpu.enqueue_dma source(%dma_start3A_134 : memref<1x16xf32, #tpu.memory_space<any>>) target(%dma_start3A_131 : memref<1x16xf32, #tpu.memory_space<vmem>>) target_semaphore(%arg19 : memref<!tpu.dma_semaphore, #tpu.memory_space<semaphore_mem>>)
      %dma_start3A_135 = arith.constant 1 : i32
      %dma_start3A_136 = arith.constant 0 : i32
      %dma_start3A_137 = tpu.memref_slice %arg14[%dma_start3A_135, %dma_start3A_136] : memref<16x64xf32, #tpu.memory_space<vmem>> -> memref<1x64xf32, #tpu.memory_space<vmem>>
      %dma_start3A_138 = arith.constant 0 : i32
      %dma_start3A_139 = tpu.memref_slice %arg5[%get3A_66, %dma_start3A_138] : memref<10000x64xf32, #tpu.memory_space<any>> -> memref<1x64xf32, #tpu.memory_space<any>>
      tpu.enqueue_dma source(%dma_start3A_139 : memref<1x64xf32, #tpu.memory_space<any>>) target(%dma_start3A_137 : memref<1x64xf32, #tpu.memory_space<vmem>>) target_semaphore(%arg17 : memref<!tpu.dma_semaphore, #tpu.memory_space<semaphore_mem>>)
      %dma_start3A_140 = arith.constant 0 : i32
      %dma_start3A_141 = arith.constant 0 : i32
      %dma_start3A_142 = arith.constant 1 : i32
      %dma_start3A_143 = arith.constant 0 : i32
      %dma_start3A_144 = tpu.memref_slice %arg15[%dma_start3A_141, %dma_start3A_142, %dma_start3A_143] : memref<2x16x64xf32, #tpu.memory_space<vmem>> -> memref<1x1x64xf32, #tpu.memory_space<vmem>>
      %dma_start3A_145 = tpu.memref_squeeze %dma_start3A_144 : memref<1x1x64xf32, #tpu.memory_space<vmem>> -> memref<1x64xf32, #tpu.memory_space<vmem>>
      %dma_start3A_146 = arith.constant 0 : i32
      %dma_start3A_147 = tpu.memref_slice %arg6[%dma_start3A_140, %get3A_66, %dma_start3A_146] : memref<2x10112x64xf32, #tpu.memory_space<any>> -> memref<1x1x64xf32, #tpu.memory_space<any>>
      %dma_start3A_148 = tpu.memref_squeeze %dma_start3A_147 : memref<1x1x64xf32, #tpu.memory_space<any>> -> memref<1x64xf32, #tpu.memory_space<any>>
      tpu.enqueue_dma source(%dma_start3A_148 : memref<1x64xf32, #tpu.memory_space<any>>) target(%dma_start3A_145 : memref<1x64xf32, #tpu.memory_space<vmem>>) target_semaphore(%arg18 : memref<!tpu.dma_semaphore, #tpu.memory_space<semaphore_mem>>)
      %dma_start3A_149 = arith.constant 0 : i32
      %dma_start3A_150 = arith.constant 0 : i32
      %dma_start3A_151 = arith.constant 1 : i32
      %dma_start3A_152 = arith.constant 0 : i32
      %dma_start3A_153 = tpu.memref_slice %arg16[%dma_start3A_150, %dma_start3A_151, %dma_start3A_152] : memref<2x16x16xf32, #tpu.memory_space<vmem>> -> memref<1x1x16xf32, #tpu.memory_space<vmem>>
      %dma_start3A_154 = tpu.memref_squeeze %dma_start3A_153 : memref<1x1x16xf32, #tpu.memory_space<vmem>> -> memref<1x16xf32, #tpu.memory_space<vmem>>
      %dma_start3A_155 = arith.constant 0 : i32
      %dma_start3A_156 = tpu.memref_slice %arg7[%dma_start3A_149, %get3A_66, %dma_start3A_155] : memref<2x10112x16xf32, #tpu.memory_space<any>> -> memref<1x1x16xf32, #tpu.memory_space<any>>
      %dma_start3A_157 = tpu.memref_squeeze %dma_start3A_156 : memref<1x1x16xf32, #tpu.memory_space<any>> -> memref<1x16xf32, #tpu.memory_space<any>>
      tpu.enqueue_dma source(%dma_start3A_157 : memref<1x16xf32, #tpu.memory_space<any>>) target(%dma_start3A_154 : memref<1x16xf32, #tpu.memory_space<vmem>>) target_semaphore(%arg19 : memref<!tpu.dma_semaphore, #tpu.memory_space<semaphore_mem>>)
      %dma_start3A_158 = arith.constant 1 : i32
      %dma_start3A_159 = arith.constant 1 : i32
      %dma_start3A_160 = arith.constant 1 : i32
      %dma_start3A_161 = arith.constant 0 : i32
      %dma_start3A_162 = tpu.memref_slice %arg15[%dma_start3A_159, %dma_start3A_160, %dma_start3A_161] : memref<2x16x64xf32, #tpu.memory_space<vmem>> -> memref<1x1x64xf32, #tpu.memory_space<vmem>>
      %dma_start3A_163 = tpu.memref_squeeze %dma_start3A_162 : memref<1x1x64xf32, #tpu.memory_space<vmem>> -> memref<1x64xf32, #tpu.memory_space<vmem>>
      %dma_start3A_164 = arith.constant 0 : i32
      %dma_start3A_165 = tpu.memref_slice %arg6[%dma_start3A_158, %get3A_66, %dma_start3A_164] : memref<2x10112x64xf32, #tpu.memory_space<any>> -> memref<1x1x64xf32, #tpu.memory_space<any>>
      %dma_start3A_166 = tpu.memref_squeeze %dma_start3A_165 : memref<1x1x64xf32, #tpu.memory_space<any>> -> memref<1x64xf32, #tpu.memory_space<any>>
      tpu.enqueue_dma source(%dma_start3A_166 : memref<1x64xf32, #tpu.memory_space<any>>) target(%dma_start3A_163 : memref<1x64xf32, #tpu.memory_space<vmem>>) target_semaphore(%arg18 : memref<!tpu.dma_semaphore, #tpu.memory_space<semaphore_mem>>)
      %dma_start3A_167 = arith.constant 1 : i32
      %dma_start3A_168 = arith.constant 1 : i32
      %dma_start3A_169 = arith.constant 1 : i32
      %dma_start3A_170 = arith.constant 0 : i32
      %dma_start3A_171 = tpu.memref_slice %arg16[%dma_start3A_168, %dma_start3A_169, %dma_start3A_170] : memref<2x16x16xf32, #tpu.memory_space<vmem>> -> memref<1x1x16xf32, #tpu.memory_space<vmem>>
      %dma_start3A_172 = tpu.memref_squeeze %dma_start3A_171 : memref<1x1x16xf32, #tpu.memory_space<vmem>> -> memref<1x16xf32, #tpu.memory_space<vmem>>
      %dma_start3A_173 = arith.constant 0 : i32
      %dma_start3A_174 = tpu.memref_slice %arg7[%dma_start3A_167, %get3A_66, %dma_start3A_173] : memref<2x10112x16xf32, #tpu.memory_space<any>> -> memref<1x1x16xf32, #tpu.memory_space<any>>
      %dma_start3A_175 = tpu.memref_squeeze %dma_start3A_174 : memref<1x1x16xf32, #tpu.memory_space<any>> -> memref<1x16xf32, #tpu.memory_space<any>>
      tpu.enqueue_dma source(%dma_start3A_175 : memref<1x16xf32, #tpu.memory_space<any>>) target(%dma_start3A_172 : memref<1x16xf32, #tpu.memory_space<vmem>>) target_semaphore(%arg19 : memref<!tpu.dma_semaphore, #tpu.memory_space<semaphore_mem>>)
      %dma_start3A_176 = arith.constant 2 : i32
      %dma_start3A_177 = arith.constant 0 : i32
      %dma_start3A_178 = tpu.memref_slice %arg14[%dma_start3A_176, %dma_start3A_177] : memref<16x64xf32, #tpu.memory_space<vmem>> -> memref<1x64xf32, #tpu.memory_space<vmem>>
      %dma_start3A_179 = arith.constant 0 : i32
      %dma_start3A_180 = tpu.memref_slice %arg5[%get3A_68, %dma_start3A_179] : memref<10000x64xf32, #tpu.memory_space<any>> -> memref<1x64xf32, #tpu.memory_space<any>>
      tpu.enqueue_dma source(%dma_start3A_180 : memref<1x64xf32, #tpu.memory_space<any>>) target(%dma_start3A_178 : memref<1x64xf32, #tpu.memory_space<vmem>>) target_semaphore(%arg17 : memref<!tpu.dma_semaphore, #tpu.memory_space<semaphore_mem>>)
      %dma_start3A_181 = arith.constant 0 : i32
      %dma_start3A_182 = arith.constant 0 : i32
      %dma_start3A_183 = arith.constant 2 : i32
      %dma_start3A_184 = arith.constant 0 : i32
      %dma_start3A_185 = tpu.memref_slice %arg15[%dma_start3A_182, %dma_start3A_183, %dma_start3A_184] : memref<2x16x64xf32, #tpu.memory_space<vmem>> -> memref<1x1x64xf32, #tpu.memory_space<vmem>>
      %dma_start3A_186 = tpu.memref_squeeze %dma_start3A_185 : memref<1x1x64xf32, #tpu.memory_space<vmem>> -> memref<1x64xf32, #tpu.memory_space<vmem>>
      %dma_start3A_187 = arith.constant 0 : i32
      %dma_start3A_188 = tpu.memref_slice %arg6[%dma_start3A_181, %get3A_68, %dma_start3A_187] : memref<2x10112x64xf32, #tpu.memory_space<any>> -> memref<1x1x64xf32, #tpu.memory_space<any>>
      %dma_start3A_189 = tpu.memref_squeeze %dma_start3A_188 : memref<1x1x64xf32, #tpu.memory_space<any>> -> memref<1x64xf32, #tpu.memory_space<any>>
      tpu.enqueue_dma source(%dma_start3A_189 : memref<1x64xf32, #tpu.memory_space<any>>) target(%dma_start3A_186 : memref<1x64xf32, #tpu.memory_space<vmem>>) target_semaphore(%arg18 : memref<!tpu.dma_semaphore, #tpu.memory_space<semaphore_mem>>)
      %dma_start3A_190 = arith.constant 0 : i32
      %dma_start3A_191 = arith.constant 0 : i32
      %dma_start3A_192 = arith.constant 2 : i32
      %dma_start3A_193 = arith.constant 0 : i32
      %dma_start3A_194 = tpu.memref_slice %arg16[%dma_start3A_191, %dma_start3A_192, %dma_start3A_193] : memref<2x16x16xf32, #tpu.memory_space<vmem>> -> memref<1x1x16xf32, #tpu.memory_space<vmem>>
      %dma_start3A_195 = tpu.memref_squeeze %dma_start3A_194 : memref<1x1x16xf32, #tpu.memory_space<vmem>> -> memref<1x16xf32, #tpu.memory_space<vmem>>
      %dma_start3A_196 = arith.constant 0 : i32
      %dma_start3A_197 = tpu.memref_slice %arg7[%dma_start3A_190, %get3A_68, %dma_start3A_196] : memref<2x10112x16xf32, #tpu.memory_space<any>> -> memref<1x1x16xf32, #tpu.memory_space<any>>
      %dma_start3A_198 = tpu.memref_squeeze %dma_start3A_197 : memref<1x1x16xf32, #tpu.memory_space<any>> -> memref<1x16xf32, #tpu.memory_space<any>>
      tpu.enqueue_dma source(%dma_start3A_198 : memref<1x16xf32, #tpu.memory_space<any>>) target(%dma_start3A_195 : memref<1x16xf32, #tpu.memory_space<vmem>>) target_semaphore(%arg19 : memref<!tpu.dma_semaphore, #tpu.memory_space<semaphore_mem>>)
      %dma_start3A_199 = arith.constant 1 : i32
      %dma_start3A_200 = arith.constant 1 : i32
      %dma_start3A_201 = arith.constant 2 : i32
      %dma_start3A_202 = arith.constant 0 : i32
      %dma_start3A_203 = tpu.memref_slice %arg15[%dma_start3A_200, %dma_start3A_201, %dma_start3A_202] : memref<2x16x64xf32, #tpu.memory_space<vmem>> -> memref<1x1x64xf32, #tpu.memory_space<vmem>>
      %dma_start3A_204 = tpu.memref_squeeze %dma_start3A_203 : memref<1x1x64xf32, #tpu.memory_space<vmem>> -> memref<1x64xf32, #tpu.memory_space<vmem>>
      %dma_start3A_205 = arith.constant 0 : i32
      %dma_start3A_206 = tpu.memref_slice %arg6[%dma_start3A_199, %get3A_68, %dma_start3A_205] : memref<2x10112x64xf32, #tpu.memory_space<any>> -> memref<1x1x64xf32, #tpu.memory_space<any>>
      %dma_start3A_207 = tpu.memref_squeeze %dma_start3A_206 : memref<1x1x64xf32, #tpu.memory_space<any>> -> memref<1x64xf32, #tpu.memory_space<any>>
      tpu.enqueue_dma source(%dma_start3A_207 : memref<1x64xf32, #tpu.memory_space<any>>) target(%dma_start3A_204 : memref<1x64xf32, #tpu.memory_space<vmem>>) target_semaphore(%arg18 : memref<!tpu.dma_semaphore, #tpu.memory_space<semaphore_mem>>)
      %dma_start3A_208 = arith.constant 1 : i32
      %dma_start3A_209 = arith.constant 1 : i32
      %dma_start3A_210 = arith.constant 2 : i32
      %dma_start3A_211 = arith.constant 0 : i32
      %dma_start3A_212 = tpu.memref_slice %arg16[%dma_start3A_209, %dma_start3A_210, %dma_start3A_211] : memref<2x16x16xf32, #tpu.memory_space<vmem>> -> memref<1x1x16xf32, #tpu.memory_space<vmem>>
      %dma_start3A_213 = tpu.memref_squeeze %dma_start3A_212 : memref<1x1x16xf32, #tpu.memory_space<vmem>> -> memref<1x16xf32, #tpu.memory_space<vmem>>
      %dma_start3A_214 = arith.constant 0 : i32
      %dma_start3A_215 = tpu.memref_slice %arg7[%dma_start3A_208, %get3A_68, %dma_start3A_214] : memref<2x10112x16xf32, #tpu.memory_space<any>> -> memref<1x1x16xf32, #tpu.memory_space<any>>
      %dma_start3A_216 = tpu.memref_squeeze %dma_start3A_215 : memref<1x1x16xf32, #tpu.memory_space<any>> -> memref<1x16xf32, #tpu.memory_space<any>>
      tpu.enqueue_dma source(%dma_start3A_216 : memref<1x16xf32, #tpu.memory_space<any>>) target(%dma_start3A_213 : memref<1x16xf32, #tpu.memory_space<vmem>>) target_semaphore(%arg19 : memref<!tpu.dma_semaphore, #tpu.memory_space<semaphore_mem>>)
      %dma_start3A_217 = arith.constant 3 : i32
      %dma_start3A_218 = arith.constant 0 : i32
      %dma_start3A_219 = tpu.memref_slice %arg14[%dma_start3A_217, %dma_start3A_218] : memref<16x64xf32, #tpu.memory_space<vmem>> -> memref<1x64xf32, #tpu.memory_space<vmem>>
      %dma_start3A_220 = arith.constant 0 : i32
      %dma_start3A_221 = tpu.memref_slice %arg5[%get3A_70, %dma_start3A_220] : memref<10000x64xf32, #tpu.memory_space<any>> -> memref<1x64xf32, #tpu.memory_space<any>>
      tpu.enqueue_dma source(%dma_start3A_221 : memref<1x64xf32, #tpu.memory_space<any>>) target(%dma_start3A_219 : memref<1x64xf32, #tpu.memory_space<vmem>>) target_semaphore(%arg17 : memref<!tpu.dma_semaphore, #tpu.memory_space<semaphore_mem>>)
      %dma_start3A_222 = arith.constant 0 : i32
      %dma_start3A_223 = arith.constant 0 : i32
      %dma_start3A_224 = arith.constant 3 : i32
      %dma_start3A_225 = arith.constant 0 : i32
      %dma_start3A_226 = tpu.memref_slice %arg15[%dma_start3A_223, %dma_start3A_224, %dma_start3A_225] : memref<2x16x64xf32, #tpu.memory_space<vmem>> -> memref<1x1x64xf32, #tpu.memory_space<vmem>>
      %dma_start3A_227 = tpu.memref_squeeze %dma_start3A_226 : memref<1x1x64xf32, #tpu.memory_space<vmem>> -> memref<1x64xf32, #tpu.memory_space<vmem>>
      %dma_start3A_228 = arith.constant 0 : i32
      %dma_start3A_229 = tpu.memref_slice %arg6[%dma_start3A_222, %get3A_70, %dma_start3A_228] : memref<2x10112x64xf32, #tpu.memory_space<any>> -> memref<1x1x64xf32, #tpu.memory_space<any>>
      %dma_start3A_230 = tpu.memref_squeeze %dma_start3A_229 : memref<1x1x64xf32, #tpu.memory_space<any>> -> memref<1x64xf32, #tpu.memory_space<any>>
      tpu.enqueue_dma source(%dma_start3A_230 : memref<1x64xf32, #tpu.memory_space<any>>) target(%dma_start3A_227 : memref<1x64xf32, #tpu.memory_space<vmem>>) target_semaphore(%arg18 : memref<!tpu.dma_semaphore, #tpu.memory_space<semaphore_mem>>)
      %dma_start3A_231 = arith.constant 0 : i32
      %dma_start3A_232 = arith.constant 0 : i32
      %dma_start3A_233 = arith.constant 3 : i32
      %dma_start3A_234 = arith.constant 0 : i32
      %dma_start3A_235 = tpu.memref_slice %arg16[%dma_start3A_232, %dma_start3A_233, %dma_start3A_234] : memref<2x16x16xf32, #tpu.memory_space<vmem>> -> memref<1x1x16xf32, #tpu.memory_space<vmem>>
      %dma_start3A_236 = tpu.memref_squeeze %dma_start3A_235 : memref<1x1x16xf32, #tpu.memory_space<vmem>> -> memref<1x16xf32, #tpu.memory_space<vmem>>
      %dma_start3A_237 = arith.constant 0 : i32
      %dma_start3A_238 = tpu.memref_slice %arg7[%dma_start3A_231, %get3A_70, %dma_start3A_237] : memref<2x10112x16xf32, #tpu.memory_space<any>> -> memref<1x1x16xf32, #tpu.memory_space<any>>
      %dma_start3A_239 = tpu.memref_squeeze %dma_start3A_238 : memref<1x1x16xf32, #tpu.memory_space<any>> -> memref<1x16xf32, #tpu.memory_space<any>>
      tpu.enqueue_dma source(%dma_start3A_239 : memref<1x16xf32, #tpu.memory_space<any>>) target(%dma_start3A_236 : memref<1x16xf32, #tpu.memory_space<vmem>>) target_semaphore(%arg19 : memref<!tpu.dma_semaphore, #tpu.memory_space<semaphore_mem>>)
      %dma_start3A_240 = arith.constant 1 : i32
      %dma_start3A_241 = arith.constant 1 : i32
      %dma_start3A_242 = arith.constant 3 : i32
      %dma_start3A_243 = arith.constant 0 : i32
      %dma_start3A_244 = tpu.memref_slice %arg15[%dma_start3A_241, %dma_start3A_242, %dma_start3A_243] : memref<2x16x64xf32, #tpu.memory_space<vmem>> -> memref<1x1x64xf32, #tpu.memory_space<vmem>>
      %dma_start3A_245 = tpu.memref_squeeze %dma_start3A_244 : memref<1x1x64xf32, #tpu.memory_space<vmem>> -> memref<1x64xf32, #tpu.memory_space<vmem>>
      %dma_start3A_246 = arith.constant 0 : i32
      %dma_start3A_247 = tpu.memref_slice %arg6[%dma_start3A_240, %get3A_70, %dma_start3A_246] : memref<2x10112x64xf32, #tpu.memory_space<any>> -> memref<1x1x64xf32, #tpu.memory_space<any>>
      %dma_start3A_248 = tpu.memref_squeeze %dma_start3A_247 : memref<1x1x64xf32, #tpu.memory_space<any>> -> memref<1x64xf32, #tpu.memory_space<any>>
      tpu.enqueue_dma source(%dma_start3A_248 : memref<1x64xf32, #tpu.memory_space<any>>) target(%dma_start3A_245 : memref<1x64xf32, #tpu.memory_space<vmem>>) target_semaphore(%arg18 : memref<!tpu.dma_semaphore, #tpu.memory_space<semaphore_mem>>)
      %dma_start3A_249 = arith.constant 1 : i32
      %dma_start3A_250 = arith.constant 1 : i32
      %dma_start3A_251 = arith.constant 3 : i32
      %dma_start3A_252 = arith.constant 0 : i32
      %dma_start3A_253 = tpu.memref_slice %arg16[%dma_start3A_250, %dma_start3A_251, %dma_start3A_252] : memref<2x16x16xf32, #tpu.memory_space<vmem>> -> memref<1x1x16xf32, #tpu.memory_space<vmem>>
      %dma_start3A_254 = tpu.memref_squeeze %dma_start3A_253 : memref<1x1x16xf32, #tpu.memory_space<vmem>> -> memref<1x16xf32, #tpu.memory_space<vmem>>
      %dma_start3A_255 = arith.constant 0 : i32
      %dma_start3A_256 = tpu.memref_slice %arg7[%dma_start3A_249, %get3A_70, %dma_start3A_255] : memref<2x10112x16xf32, #tpu.memory_space<any>> -> memref<1x1x16xf32, #tpu.memory_space<any>>
      %dma_start3A_257 = tpu.memref_squeeze %dma_start3A_256 : memref<1x1x16xf32, #tpu.memory_space<any>> -> memref<1x16xf32, #tpu.memory_space<any>>
      tpu.enqueue_dma source(%dma_start3A_257 : memref<1x16xf32, #tpu.memory_space<any>>) target(%dma_start3A_254 : memref<1x16xf32, #tpu.memory_space<vmem>>) target_semaphore(%arg19 : memref<!tpu.dma_semaphore, #tpu.memory_space<semaphore_mem>>)
      %dma_start3A_258 = arith.constant 4 : i32
      %dma_start3A_259 = arith.constant 0 : i32
      %dma_start3A_260 = tpu.memref_slice %arg14[%dma_start3A_258, %dma_start3A_259] : memref<16x64xf32, #tpu.memory_space<vmem>> -> memref<1x64xf32, #tpu.memory_space<vmem>>
      %dma_start3A_261 = arith.constant 0 : i32
      %dma_start3A_262 = tpu.memref_slice %arg5[%get3A_72, %dma_start3A_261] : memref<10000x64xf32, #tpu.memory_space<any>> -> memref<1x64xf32, #tpu.memory_space<any>>
      tpu.enqueue_dma source(%dma_start3A_262 : memref<1x64xf32, #tpu.memory_space<any>>) target(%dma_start3A_260 : memref<1x64xf32, #tpu.memory_space<vmem>>) target_semaphore(%arg17 : memref<!tpu.dma_semaphore, #tpu.memory_space<semaphore_mem>>)
      %dma_start3A_263 = arith.constant 0 : i32
      %dma_start3A_264 = arith.constant 0 : i32
      %dma_start3A_265 = arith.constant 4 : i32
      %dma_start3A_266 = arith.constant 0 : i32
      %dma_start3A_267 = tpu.memref_slice %arg15[%dma_start3A_264, %dma_start3A_265, %dma_start3A_266] : memref<2x16x64xf32, #tpu.memory_space<vmem>> -> memref<1x1x64xf32, #tpu.memory_space<vmem>>
      %dma_start3A_268 = tpu.memref_squeeze %dma_start3A_267 : memref<1x1x64xf32, #tpu.memory_space<vmem>> -> memref<1x64xf32, #tpu.memory_space<vmem>>
      %dma_start3A_269 = arith.constant 0 : i32
      %dma_start3A_270 = tpu.memref_slice %arg6[%dma_start3A_263, %get3A_72, %dma_start3A_269] : memref<2x10112x64xf32, #tpu.memory_space<any>> -> memref<1x1x64xf32, #tpu.memory_space<any>>
      %dma_start3A_271 = tpu.memref_squeeze %dma_start3A_270 : memref<1x1x64xf32, #tpu.memory_space<any>> -> memref<1x64xf32, #tpu.memory_space<any>>
      tpu.enqueue_dma source(%dma_start3A_271 : memref<1x64xf32, #tpu.memory_space<any>>) target(%dma_start3A_268 : memref<1x64xf32, #tpu.memory_space<vmem>>) target_semaphore(%arg18 : memref<!tpu.dma_semaphore, #tpu.memory_space<semaphore_mem>>)
      %dma_start3A_272 = arith.constant 0 : i32
      %dma_start3A_273 = arith.constant 0 : i32
      %dma_start3A_274 = arith.constant 4 : i32
      %dma_start3A_275 = arith.constant 0 : i32
      %dma_start3A_276 = tpu.memref_slice %arg16[%dma_start3A_273, %dma_start3A_274, %dma_start3A_275] : memref<2x16x16xf32, #tpu.memory_space<vmem>> -> memref<1x1x16xf32, #tpu.memory_space<vmem>>
      %dma_start3A_277 = tpu.memref_squeeze %dma_start3A_276 : memref<1x1x16xf32, #tpu.memory_space<vmem>> -> memref<1x16xf32, #tpu.memory_space<vmem>>
      %dma_start3A_278 = arith.constant 0 : i32
      %dma_start3A_279 = tpu.memref_slice %arg7[%dma_start3A_272, %get3A_72, %dma_start3A_278] : memref<2x10112x16xf32, #tpu.memory_space<any>> -> memref<1x1x16xf32, #tpu.memory_space<any>>
      %dma_start3A_280 = tpu.memref_squeeze %dma_start3A_279 : memref<1x1x16xf32, #tpu.memory_space<any>> -> memref<1x16xf32, #tpu.memory_space<any>>
      tpu.enqueue_dma source(%dma_start3A_280 : memref<1x16xf32, #tpu.memory_space<any>>) target(%dma_start3A_277 : memref<1x16xf32, #tpu.memory_space<vmem>>) target_semaphore(%arg19 : memref<!tpu.dma_semaphore, #tpu.memory_space<semaphore_mem>>)
      %dma_start3A_281 = arith.constant 1 : i32
      %dma_start3A_282 = arith.constant 1 : i32
      %dma_start3A_283 = arith.constant 4 : i32
      %dma_start3A_284 = arith.constant 0 : i32
      %dma_start3A_285 = tpu.memref_slice %arg15[%dma_start3A_282, %dma_start3A_283, %dma_start3A_284] : memref<2x16x64xf32, #tpu.memory_space<vmem>> -> memref<1x1x64xf32, #tpu.memory_space<vmem>>
      %dma_start3A_286 = tpu.memref_squeeze %dma_start3A_285 : memref<1x1x64xf32, #tpu.memory_space<vmem>> -> memref<1x64xf32, #tpu.memory_space<vmem>>
      %dma_start3A_287 = arith.constant 0 : i32
      %dma_start3A_288 = tpu.memref_slice %arg6[%dma_start3A_281, %get3A_72, %dma_start3A_287] : memref<2x10112x64xf32, #tpu.memory_space<any>> -> memref<1x1x64xf32, #tpu.memory_space<any>>
      %dma_start3A_289 = tpu.memref_squeeze %dma_start3A_288 : memref<1x1x64xf32, #tpu.memory_space<any>> -> memref<1x64xf32, #tpu.memory_space<any>>
      tpu.enqueue_dma source(%dma_start3A_289 : memref<1x64xf32, #tpu.memory_space<any>>) target(%dma_start3A_286 : memref<1x64xf32, #tpu.memory_space<vmem>>) target_semaphore(%arg18 : memref<!tpu.dma_semaphore, #tpu.memory_space<semaphore_mem>>)
      %dma_start3A_290 = arith.constant 1 : i32
      %dma_start3A_291 = arith.constant 1 : i32
      %dma_start3A_292 = arith.constant 4 : i32
      %dma_start3A_293 = arith.constant 0 : i32
      %dma_start3A_294 = tpu.memref_slice %arg16[%dma_start3A_291, %dma_start3A_292, %dma_start3A_293] : memref<2x16x16xf32, #tpu.memory_space<vmem>> -> memref<1x1x16xf32, #tpu.memory_space<vmem>>
      %dma_start3A_295 = tpu.memref_squeeze %dma_start3A_294 : memref<1x1x16xf32, #tpu.memory_space<vmem>> -> memref<1x16xf32, #tpu.memory_space<vmem>>
      %dma_start3A_296 = arith.constant 0 : i32
      %dma_start3A_297 = tpu.memref_slice %arg7[%dma_start3A_290, %get3A_72, %dma_start3A_296] : memref<2x10112x16xf32, #tpu.memory_space<any>> -> memref<1x1x16xf32, #tpu.memory_space<any>>
      %dma_start3A_298 = tpu.memref_squeeze %dma_start3A_297 : memref<1x1x16xf32, #tpu.memory_space<any>> -> memref<1x16xf32, #tpu.memory_space<any>>
      tpu.enqueue_dma source(%dma_start3A_298 : memref<1x16xf32, #tpu.memory_space<any>>) target(%dma_start3A_295 : memref<1x16xf32, #tpu.memory_space<vmem>>) target_semaphore(%arg19 : memref<!tpu.dma_semaphore, #tpu.memory_space<semaphore_mem>>)
      %dma_start3A_299 = arith.constant 5 : i32
      %dma_start3A_300 = arith.constant 0 : i32
      %dma_start3A_301 = tpu.memref_slice %arg14[%dma_start3A_299, %dma_start3A_300] : memref<16x64xf32, #tpu.memory_space<vmem>> -> memref<1x64xf32, #tpu.memory_space<vmem>>
      %dma_start3A_302 = arith.constant 0 : i32
      %dma_start3A_303 = tpu.memref_slice %arg5[%get3A_74, %dma_start3A_302] : memref<10000x64xf32, #tpu.memory_space<any>> -> memref<1x64xf32, #tpu.memory_space<any>>
      tpu.enqueue_dma source(%dma_start3A_303 : memref<1x64xf32, #tpu.memory_space<any>>) target(%dma_start3A_301 : memref<1x64xf32, #tpu.memory_space<vmem>>) target_semaphore(%arg17 : memref<!tpu.dma_semaphore, #tpu.memory_space<semaphore_mem>>)
      %dma_start3A_304 = arith.constant 0 : i32
      %dma_start3A_305 = arith.constant 0 : i32
      %dma_start3A_306 = arith.constant 5 : i32
      %dma_start3A_307 = arith.constant 0 : i32
      %dma_start3A_308 = tpu.memref_slice %arg15[%dma_start3A_305, %dma_start3A_306, %dma_start3A_307] : memref<2x16x64xf32, #tpu.memory_space<vmem>> -> memref<1x1x64xf32, #tpu.memory_space<vmem>>
      %dma_start3A_309 = tpu.memref_squeeze %dma_start3A_308 : memref<1x1x64xf32, #tpu.memory_space<vmem>> -> memref<1x64xf32, #tpu.memory_space<vmem>>
      %dma_start3A_310 = arith.constant 0 : i32
      %dma_start3A_311 = tpu.memref_slice %arg6[%dma_start3A_304, %get3A_74, %dma_start3A_310] : memref<2x10112x64xf32, #tpu.memory_space<any>> -> memref<1x1x64xf32, #tpu.memory_space<any>>
      %dma_start3A_312 = tpu.memref_squeeze %dma_start3A_311 : memref<1x1x64xf32, #tpu.memory_space<any>> -> memref<1x64xf32, #tpu.memory_space<any>>
      tpu.enqueue_dma source(%dma_start3A_312 : memref<1x64xf32, #tpu.memory_space<any>>) target(%dma_start3A_309 : memref<1x64xf32, #tpu.memory_space<vmem>>) target_semaphore(%arg18 : memref<!tpu.dma_semaphore, #tpu.memory_space<semaphore_mem>>)
      %dma_start3A_313 = arith.constant 0 : i32
      %dma_start3A_314 = arith.constant 0 : i32
      %dma_start3A_315 = arith.constant 5 : i32
      %dma_start3A_316 = arith.constant 0 : i32
      %dma_start3A_317 = tpu.memref_slice %arg16[%dma_start3A_314, %dma_start3A_315, %dma_start3A_316] : memref<2x16x16xf32, #tpu.memory_space<vmem>> -> memref<1x1x16xf32, #tpu.memory_space<vmem>>
      %dma_start3A_318 = tpu.memref_squeeze %dma_start3A_317 : memref<1x1x16xf32, #tpu.memory_space<vmem>> -> memref<1x16xf32, #tpu.memory_space<vmem>>
      %dma_start3A_319 = arith.constant 0 : i32
      %dma_start3A_320 = tpu.memref_slice %arg7[%dma_start3A_313, %get3A_74, %dma_start3A_319] : memref<2x10112x16xf32, #tpu.memory_space<any>> -> memref<1x1x16xf32, #tpu.memory_space<any>>
      %dma_start3A_321 = tpu.memref_squeeze %dma_start3A_320 : memref<1x1x16xf32, #tpu.memory_space<any>> -> memref<1x16xf32, #tpu.memory_space<any>>
      tpu.enqueue_dma source(%dma_start3A_321 : memref<1x16xf32, #tpu.memory_space<any>>) target(%dma_start3A_318 : memref<1x16xf32, #tpu.memory_space<vmem>>) target_semaphore(%arg19 : memref<!tpu.dma_semaphore, #tpu.memory_space<semaphore_mem>>)
      %dma_start3A_322 = arith.constant 1 : i32
      %dma_start3A_323 = arith.constant 1 : i32
      %dma_start3A_324 = arith.constant 5 : i32
      %dma_start3A_325 = arith.constant 0 : i32
      %dma_start3A_326 = tpu.memref_slice %arg15[%dma_start3A_323, %dma_start3A_324, %dma_start3A_325] : memref<2x16x64xf32, #tpu.memory_space<vmem>> -> memref<1x1x64xf32, #tpu.memory_space<vmem>>
      %dma_start3A_327 = tpu.memref_squeeze %dma_start3A_326 : memref<1x1x64xf32, #tpu.memory_space<vmem>> -> memref<1x64xf32, #tpu.memory_space<vmem>>
      %dma_start3A_328 = arith.constant 0 : i32
      %dma_start3A_329 = tpu.memref_slice %arg6[%dma_start3A_322, %get3A_74, %dma_start3A_328] : memref<2x10112x64xf32, #tpu.memory_space<any>> -> memref<1x1x64xf32, #tpu.memory_space<any>>
      %dma_start3A_330 = tpu.memref_squeeze %dma_start3A_329 : memref<1x1x64xf32, #tpu.memory_space<any>> -> memref<1x64xf32, #tpu.memory_space<any>>
      tpu.enqueue_dma source(%dma_start3A_330 : memref<1x64xf32, #tpu.memory_space<any>>) target(%dma_start3A_327 : memref<1x64xf32, #tpu.memory_space<vmem>>) target_semaphore(%arg18 : memref<!tpu.dma_semaphore, #tpu.memory_space<semaphore_mem>>)
      %dma_start3A_331 = arith.constant 1 : i32
      %dma_start3A_332 = arith.constant 1 : i32
      %dma_start3A_333 = arith.constant 5 : i32
      %dma_start3A_334 = arith.constant 0 : i32
      %dma_start3A_335 = tpu.memref_slice %arg16[%dma_start3A_332, %dma_start3A_333, %dma_start3A_334] : memref<2x16x16xf32, #tpu.memory_space<vmem>> -> memref<1x1x16xf32, #tpu.memory_space<vmem>>
      %dma_start3A_336 = tpu.memref_squeeze %dma_start3A_335 : memref<1x1x16xf32, #tpu.memory_space<vmem>> -> memref<1x16xf32, #tpu.memory_space<vmem>>
      %dma_start3A_337 = arith.constant 0 : i32
      %dma_start3A_338 = tpu.memref_slice %arg7[%dma_start3A_331, %get3A_74, %dma_start3A_337] : memref<2x10112x16xf32, #tpu.memory_space<any>> -> memref<1x1x16xf32, #tpu.memory_space<any>>
      %dma_start3A_339 = tpu.memref_squeeze %dma_start3A_338 : memref<1x1x16xf32, #tpu.memory_space<any>> -> memref<1x16xf32, #tpu.memory_space<any>>
      tpu.enqueue_dma source(%dma_start3A_339 : memref<1x16xf32, #tpu.memory_space<any>>) target(%dma_start3A_336 : memref<1x16xf32, #tpu.memory_space<vmem>>) target_semaphore(%arg19 : memref<!tpu.dma_semaphore, #tpu.memory_space<semaphore_mem>>)
      %dma_start3A_340 = arith.constant 6 : i32
      %dma_start3A_341 = arith.constant 0 : i32
      %dma_start3A_342 = tpu.memref_slice %arg14[%dma_start3A_340, %dma_start3A_341] : memref<16x64xf32, #tpu.memory_space<vmem>> -> memref<1x64xf32, #tpu.memory_space<vmem>>
      %dma_start3A_343 = arith.constant 0 : i32
      %dma_start3A_344 = tpu.memref_slice %arg5[%get3A_76, %dma_start3A_343] : memref<10000x64xf32, #tpu.memory_space<any>> -> memref<1x64xf32, #tpu.memory_space<any>>
      tpu.enqueue_dma source(%dma_start3A_344 : memref<1x64xf32, #tpu.memory_space<any>>) target(%dma_start3A_342 : memref<1x64xf32, #tpu.memory_space<vmem>>) target_semaphore(%arg17 : memref<!tpu.dma_semaphore, #tpu.memory_space<semaphore_mem>>)
      %dma_start3A_345 = arith.constant 0 : i32
      %dma_start3A_346 = arith.constant 0 : i32
      %dma_start3A_347 = arith.constant 6 : i32
      %dma_start3A_348 = arith.constant 0 : i32
      %dma_start3A_349 = tpu.memref_slice %arg15[%dma_start3A_346, %dma_start3A_347, %dma_start3A_348] : memref<2x16x64xf32, #tpu.memory_space<vmem>> -> memref<1x1x64xf32, #tpu.memory_space<vmem>>
      %dma_start3A_350 = tpu.memref_squeeze %dma_start3A_349 : memref<1x1x64xf32, #tpu.memory_space<vmem>> -> memref<1x64xf32, #tpu.memory_space<vmem>>
      %dma_start3A_351 = arith.constant 0 : i32
      %dma_start3A_352 = tpu.memref_slice %arg6[%dma_start3A_345, %get3A_76, %dma_start3A_351] : memref<2x10112x64xf32, #tpu.memory_space<any>> -> memref<1x1x64xf32, #tpu.memory_space<any>>
      %dma_start3A_353 = tpu.memref_squeeze %dma_start3A_352 : memref<1x1x64xf32, #tpu.memory_space<any>> -> memref<1x64xf32, #tpu.memory_space<any>>
      tpu.enqueue_dma source(%dma_start3A_353 : memref<1x64xf32, #tpu.memory_space<any>>) target(%dma_start3A_350 : memref<1x64xf32, #tpu.memory_space<vmem>>) target_semaphore(%arg18 : memref<!tpu.dma_semaphore, #tpu.memory_space<semaphore_mem>>)
      %dma_start3A_354 = arith.constant 0 : i32
      %dma_start3A_355 = arith.constant 0 : i32
      %dma_start3A_356 = arith.constant 6 : i32
      %dma_start3A_357 = arith.constant 0 : i32
      %dma_start3A_358 = tpu.memref_slice %arg16[%dma_start3A_355, %dma_start3A_356, %dma_start3A_357] : memref<2x16x16xf32, #tpu.memory_space<vmem>> -> memref<1x1x16xf32, #tpu.memory_space<vmem>>
      %dma_start3A_359 = tpu.memref_squeeze %dma_start3A_358 : memref<1x1x16xf32, #tpu.memory_space<vmem>> -> memref<1x16xf32, #tpu.memory_space<vmem>>
      %dma_start3A_360 = arith.constant 0 : i32
      %dma_start3A_361 = tpu.memref_slice %arg7[%dma_start3A_354, %get3A_76, %dma_start3A_360] : memref<2x10112x16xf32, #tpu.memory_space<any>> -> memref<1x1x16xf32, #tpu.memory_space<any>>
      %dma_start3A_362 = tpu.memref_squeeze %dma_start3A_361 : memref<1x1x16xf32, #tpu.memory_space<any>> -> memref<1x16xf32, #tpu.memory_space<any>>
      tpu.enqueue_dma source(%dma_start3A_362 : memref<1x16xf32, #tpu.memory_space<any>>) target(%dma_start3A_359 : memref<1x16xf32, #tpu.memory_space<vmem>>) target_semaphore(%arg19 : memref<!tpu.dma_semaphore, #tpu.memory_space<semaphore_mem>>)
      %dma_start3A_363 = arith.constant 1 : i32
      %dma_start3A_364 = arith.constant 1 : i32
      %dma_start3A_365 = arith.constant 6 : i32
      %dma_start3A_366 = arith.constant 0 : i32
      %dma_start3A_367 = tpu.memref_slice %arg15[%dma_start3A_364, %dma_start3A_365, %dma_start3A_366] : memref<2x16x64xf32, #tpu.memory_space<vmem>> -> memref<1x1x64xf32, #tpu.memory_space<vmem>>
      %dma_start3A_368 = tpu.memref_squeeze %dma_start3A_367 : memref<1x1x64xf32, #tpu.memory_space<vmem>> -> memref<1x64xf32, #tpu.memory_space<vmem>>
      %dma_start3A_369 = arith.constant 0 : i32
      %dma_start3A_370 = tpu.memref_slice %arg6[%dma_start3A_363, %get3A_76, %dma_start3A_369] : memref<2x10112x64xf32, #tpu.memory_space<any>> -> memref<1x1x64xf32, #tpu.memory_space<any>>
      %dma_start3A_371 = tpu.memref_squeeze %dma_start3A_370 : memref<1x1x64xf32, #tpu.memory_space<any>> -> memref<1x64xf32, #tpu.memory_space<any>>
      tpu.enqueue_dma source(%dma_start3A_371 : memref<1x64xf32, #tpu.memory_space<any>>) target(%dma_start3A_368 : memref<1x64xf32, #tpu.memory_space<vmem>>) target_semaphore(%arg18 : memref<!tpu.dma_semaphore, #tpu.memory_space<semaphore_mem>>)
      %dma_start3A_372 = arith.constant 1 : i32
      %dma_start3A_373 = arith.constant 1 : i32
      %dma_start3A_374 = arith.constant 6 : i32
      %dma_start3A_375 = arith.constant 0 : i32
      %dma_start3A_376 = tpu.memref_slice %arg16[%dma_start3A_373, %dma_start3A_374, %dma_start3A_375] : memref<2x16x16xf32, #tpu.memory_space<vmem>> -> memref<1x1x16xf32, #tpu.memory_space<vmem>>
      %dma_start3A_377 = tpu.memref_squeeze %dma_start3A_376 : memref<1x1x16xf32, #tpu.memory_space<vmem>> -> memref<1x16xf32, #tpu.memory_space<vmem>>
      %dma_start3A_378 = arith.constant 0 : i32
      %dma_start3A_379 = tpu.memref_slice %arg7[%dma_start3A_372, %get3A_76, %dma_start3A_378] : memref<2x10112x16xf32, #tpu.memory_space<any>> -> memref<1x1x16xf32, #tpu.memory_space<any>>
      %dma_start3A_380 = tpu.memref_squeeze %dma_start3A_379 : memref<1x1x16xf32, #tpu.memory_space<any>> -> memref<1x16xf32, #tpu.memory_space<any>>
      tpu.enqueue_dma source(%dma_start3A_380 : memref<1x16xf32, #tpu.memory_space<any>>) target(%dma_start3A_377 : memref<1x16xf32, #tpu.memory_space<vmem>>) target_semaphore(%arg19 : memref<!tpu.dma_semaphore, #tpu.memory_space<semaphore_mem>>)
      %dma_start3A_381 = arith.constant 7 : i32
      %dma_start3A_382 = arith.constant 0 : i32
      %dma_start3A_383 = tpu.memref_slice %arg14[%dma_start3A_381, %dma_start3A_382] : memref<16x64xf32, #tpu.memory_space<vmem>> -> memref<1x64xf32, #tpu.memory_space<vmem>>
      %dma_start3A_384 = arith.constant 0 : i32
      %dma_start3A_385 = tpu.memref_slice %arg5[%get3A_78, %dma_start3A_384] : memref<10000x64xf32, #tpu.memory_space<any>> -> memref<1x64xf32, #tpu.memory_space<any>>
      tpu.enqueue_dma source(%dma_start3A_385 : memref<1x64xf32, #tpu.memory_space<any>>) target(%dma_start3A_383 : memref<1x64xf32, #tpu.memory_space<vmem>>) target_semaphore(%arg17 : memref<!tpu.dma_semaphore, #tpu.memory_space<semaphore_mem>>)
      %dma_start3A_386 = arith.constant 0 : i32
      %dma_start3A_387 = arith.constant 0 : i32
      %dma_start3A_388 = arith.constant 7 : i32
      %dma_start3A_389 = arith.constant 0 : i32
      %dma_start3A_390 = tpu.memref_slice %arg15[%dma_start3A_387, %dma_start3A_388, %dma_start3A_389] : memref<2x16x64xf32, #tpu.memory_space<vmem>> -> memref<1x1x64xf32, #tpu.memory_space<vmem>>
      %dma_start3A_391 = tpu.memref_squeeze %dma_start3A_390 : memref<1x1x64xf32, #tpu.memory_space<vmem>> -> memref<1x64xf32, #tpu.memory_space<vmem>>
      %dma_start3A_392 = arith.constant 0 : i32
      %dma_start3A_393 = tpu.memref_slice %arg6[%dma_start3A_386, %get3A_78, %dma_start3A_392] : memref<2x10112x64xf32, #tpu.memory_space<any>> -> memref<1x1x64xf32, #tpu.memory_space<any>>
      %dma_start3A_394 = tpu.memref_squeeze %dma_start3A_393 : memref<1x1x64xf32, #tpu.memory_space<any>> -> memref<1x64xf32, #tpu.memory_space<any>>
      tpu.enqueue_dma source(%dma_start3A_394 : memref<1x64xf32, #tpu.memory_space<any>>) target(%dma_start3A_391 : memref<1x64xf32, #tpu.memory_space<vmem>>) target_semaphore(%arg18 : memref<!tpu.dma_semaphore, #tpu.memory_space<semaphore_mem>>)
      %dma_start3A_395 = arith.constant 0 : i32
      %dma_start3A_396 = arith.constant 0 : i32
      %dma_start3A_397 = arith.constant 7 : i32
      %dma_start3A_398 = arith.constant 0 : i32
      %dma_start3A_399 = tpu.memref_slice %arg16[%dma_start3A_396, %dma_start3A_397, %dma_start3A_398] : memref<2x16x16xf32, #tpu.memory_space<vmem>> -> memref<1x1x16xf32, #tpu.memory_space<vmem>>
      %dma_start3A_400 = tpu.memref_squeeze %dma_start3A_399 : memref<1x1x16xf32, #tpu.memory_space<vmem>> -> memref<1x16xf32, #tpu.memory_space<vmem>>
      %dma_start3A_401 = arith.constant 0 : i32
      %dma_start3A_402 = tpu.memref_slice %arg7[%dma_start3A_395, %get3A_78, %dma_start3A_401] : memref<2x10112x16xf32, #tpu.memory_space<any>> -> memref<1x1x16xf32, #tpu.memory_space<any>>
      %dma_start3A_403 = tpu.memref_squeeze %dma_start3A_402 : memref<1x1x16xf32, #tpu.memory_space<any>> -> memref<1x16xf32, #tpu.memory_space<any>>
      tpu.enqueue_dma source(%dma_start3A_403 : memref<1x16xf32, #tpu.memory_space<any>>) target(%dma_start3A_400 : memref<1x16xf32, #tpu.memory_space<vmem>>) target_semaphore(%arg19 : memref<!tpu.dma_semaphore, #tpu.memory_space<semaphore_mem>>)
      %dma_start3A_404 = arith.constant 1 : i32
      %dma_start3A_405 = arith.constant 1 : i32
      %dma_start3A_406 = arith.constant 7 : i32
      %dma_start3A_407 = arith.constant 0 : i32
      %dma_start3A_408 = tpu.memref_slice %arg15[%dma_start3A_405, %dma_start3A_406, %dma_start3A_407] : memref<2x16x64xf32, #tpu.memory_space<vmem>> -> memref<1x1x64xf32, #tpu.memory_space<vmem>>
      %dma_start3A_409 = tpu.memref_squeeze %dma_start3A_408 : memref<1x1x64xf32, #tpu.memory_space<vmem>> -> memref<1x64xf32, #tpu.memory_space<vmem>>
      %dma_start3A_410 = arith.constant 0 : i32
      %dma_start3A_411 = tpu.memref_slice %arg6[%dma_start3A_404, %get3A_78, %dma_start3A_410] : memref<2x10112x64xf32, #tpu.memory_space<any>> -> memref<1x1x64xf32, #tpu.memory_space<any>>
      %dma_start3A_412 = tpu.memref_squeeze %dma_start3A_411 : memref<1x1x64xf32, #tpu.memory_space<any>> -> memref<1x64xf32, #tpu.memory_space<any>>
      tpu.enqueue_dma source(%dma_start3A_412 : memref<1x64xf32, #tpu.memory_space<any>>) target(%dma_start3A_409 : memref<1x64xf32, #tpu.memory_space<vmem>>) target_semaphore(%arg18 : memref<!tpu.dma_semaphore, #tpu.memory_space<semaphore_mem>>)
      %dma_start3A_413 = arith.constant 1 : i32
      %dma_start3A_414 = arith.constant 1 : i32
      %dma_start3A_415 = arith.constant 7 : i32
      %dma_start3A_416 = arith.constant 0 : i32
      %dma_start3A_417 = tpu.memref_slice %arg16[%dma_start3A_414, %dma_start3A_415, %dma_start3A_416] : memref<2x16x16xf32, #tpu.memory_space<vmem>> -> memref<1x1x16xf32, #tpu.memory_space<vmem>>
      %dma_start3A_418 = tpu.memref_squeeze %dma_start3A_417 : memref<1x1x16xf32, #tpu.memory_space<vmem>> -> memref<1x16xf32, #tpu.memory_space<vmem>>
      %dma_start3A_419 = arith.constant 0 : i32
      %dma_start3A_420 = tpu.memref_slice %arg7[%dma_start3A_413, %get3A_78, %dma_start3A_419] : memref<2x10112x16xf32, #tpu.memory_space<any>> -> memref<1x1x16xf32, #tpu.memory_space<any>>
      %dma_start3A_421 = tpu.memref_squeeze %dma_start3A_420 : memref<1x1x16xf32, #tpu.memory_space<any>> -> memref<1x16xf32, #tpu.memory_space<any>>
      tpu.enqueue_dma source(%dma_start3A_421 : memref<1x16xf32, #tpu.memory_space<any>>) target(%dma_start3A_418 : memref<1x16xf32, #tpu.memory_space<vmem>>) target_semaphore(%arg19 : memref<!tpu.dma_semaphore, #tpu.memory_space<semaphore_mem>>)
      %dma_start3A_422 = arith.constant 8 : i32
      %dma_start3A_423 = arith.constant 0 : i32
      %dma_start3A_424 = tpu.memref_slice %arg14[%dma_start3A_422, %dma_start3A_423] : memref<16x64xf32, #tpu.memory_space<vmem>> -> memref<1x64xf32, #tpu.memory_space<vmem>>
      %dma_start3A_425 = arith.constant 0 : i32
      %dma_start3A_426 = tpu.memref_slice %arg5[%get3A_80, %dma_start3A_425] : memref<10000x64xf32, #tpu.memory_space<any>> -> memref<1x64xf32, #tpu.memory_space<any>>
      tpu.enqueue_dma source(%dma_start3A_426 : memref<1x64xf32, #tpu.memory_space<any>>) target(%dma_start3A_424 : memref<1x64xf32, #tpu.memory_space<vmem>>) target_semaphore(%arg17 : memref<!tpu.dma_semaphore, #tpu.memory_space<semaphore_mem>>)
      %dma_start3A_427 = arith.constant 0 : i32
      %dma_start3A_428 = arith.constant 0 : i32
      %dma_start3A_429 = arith.constant 8 : i32
      %dma_start3A_430 = arith.constant 0 : i32
      %dma_start3A_431 = tpu.memref_slice %arg15[%dma_start3A_428, %dma_start3A_429, %dma_start3A_430] : memref<2x16x64xf32, #tpu.memory_space<vmem>> -> memref<1x1x64xf32, #tpu.memory_space<vmem>>
      %dma_start3A_432 = tpu.memref_squeeze %dma_start3A_431 : memref<1x1x64xf32, #tpu.memory_space<vmem>> -> memref<1x64xf32, #tpu.memory_space<vmem>>
      %dma_start3A_433 = arith.constant 0 : i32
      %dma_start3A_434 = tpu.memref_slice %arg6[%dma_start3A_427, %get3A_80, %dma_start3A_433] : memref<2x10112x64xf32, #tpu.memory_space<any>> -> memref<1x1x64xf32, #tpu.memory_space<any>>
      %dma_start3A_435 = tpu.memref_squeeze %dma_start3A_434 : memref<1x1x64xf32, #tpu.memory_space<any>> -> memref<1x64xf32, #tpu.memory_space<any>>
      tpu.enqueue_dma source(%dma_start3A_435 : memref<1x64xf32, #tpu.memory_space<any>>) target(%dma_start3A_432 : memref<1x64xf32, #tpu.memory_space<vmem>>) target_semaphore(%arg18 : memref<!tpu.dma_semaphore, #tpu.memory_space<semaphore_mem>>)
      %dma_start3A_436 = arith.constant 0 : i32
      %dma_start3A_437 = arith.constant 0 : i32
      %dma_start3A_438 = arith.constant 8 : i32
      %dma_start3A_439 = arith.constant 0 : i32
      %dma_start3A_440 = tpu.memref_slice %arg16[%dma_start3A_437, %dma_start3A_438, %dma_start3A_439] : memref<2x16x16xf32, #tpu.memory_space<vmem>> -> memref<1x1x16xf32, #tpu.memory_space<vmem>>
      %dma_start3A_441 = tpu.memref_squeeze %dma_start3A_440 : memref<1x1x16xf32, #tpu.memory_space<vmem>> -> memref<1x16xf32, #tpu.memory_space<vmem>>
      %dma_start3A_442 = arith.constant 0 : i32
      %dma_start3A_443 = tpu.memref_slice %arg7[%dma_start3A_436, %get3A_80, %dma_start3A_442] : memref<2x10112x16xf32, #tpu.memory_space<any>> -> memref<1x1x16xf32, #tpu.memory_space<any>>
      %dma_start3A_444 = tpu.memref_squeeze %dma_start3A_443 : memref<1x1x16xf32, #tpu.memory_space<any>> -> memref<1x16xf32, #tpu.memory_space<any>>
      tpu.enqueue_dma source(%dma_start3A_444 : memref<1x16xf32, #tpu.memory_space<any>>) target(%dma_start3A_441 : memref<1x16xf32, #tpu.memory_space<vmem>>) target_semaphore(%arg19 : memref<!tpu.dma_semaphore, #tpu.memory_space<semaphore_mem>>)
      %dma_start3A_445 = arith.constant 1 : i32
      %dma_start3A_446 = arith.constant 1 : i32
      %dma_start3A_447 = arith.constant 8 : i32
      %dma_start3A_448 = arith.constant 0 : i32
      %dma_start3A_449 = tpu.memref_slice %arg15[%dma_start3A_446, %dma_start3A_447, %dma_start3A_448] : memref<2x16x64xf32, #tpu.memory_space<vmem>> -> memref<1x1x64xf32, #tpu.memory_space<vmem>>
      %dma_start3A_450 = tpu.memref_squeeze %dma_start3A_449 : memref<1x1x64xf32, #tpu.memory_space<vmem>> -> memref<1x64xf32, #tpu.memory_space<vmem>>
      %dma_start3A_451 = arith.constant 0 : i32
      %dma_start3A_452 = tpu.memref_slice %arg6[%dma_start3A_445, %get3A_80, %dma_start3A_451] : memref<2x10112x64xf32, #tpu.memory_space<any>> -> memref<1x1x64xf32, #tpu.memory_space<any>>
      %dma_start3A_453 = tpu.memref_squeeze %dma_start3A_452 : memref<1x1x64xf32, #tpu.memory_space<any>> -> memref<1x64xf32, #tpu.memory_space<any>>
      tpu.enqueue_dma source(%dma_start3A_453 : memref<1x64xf32, #tpu.memory_space<any>>) target(%dma_start3A_450 : memref<1x64xf32, #tpu.memory_space<vmem>>) target_semaphore(%arg18 : memref<!tpu.dma_semaphore, #tpu.memory_space<semaphore_mem>>)
      %dma_start3A_454 = arith.constant 1 : i32
      %dma_start3A_455 = arith.constant 1 : i32
      %dma_start3A_456 = arith.constant 8 : i32
      %dma_start3A_457 = arith.constant 0 : i32
      %dma_start3A_458 = tpu.memref_slice %arg16[%dma_start3A_455, %dma_start3A_456, %dma_start3A_457] : memref<2x16x16xf32, #tpu.memory_space<vmem>> -> memref<1x1x16xf32, #tpu.memory_space<vmem>>
      %dma_start3A_459 = tpu.memref_squeeze %dma_start3A_458 : memref<1x1x16xf32, #tpu.memory_space<vmem>> -> memref<1x16xf32, #tpu.memory_space<vmem>>
      %dma_start3A_460 = arith.constant 0 : i32
      %dma_start3A_461 = tpu.memref_slice %arg7[%dma_start3A_454, %get3A_80, %dma_start3A_460] : memref<2x10112x16xf32, #tpu.memory_space<any>> -> memref<1x1x16xf32, #tpu.memory_space<any>>
      %dma_start3A_462 = tpu.memref_squeeze %dma_start3A_461 : memref<1x1x16xf32, #tpu.memory_space<any>> -> memref<1x16xf32, #tpu.memory_space<any>>
      tpu.enqueue_dma source(%dma_start3A_462 : memref<1x16xf32, #tpu.memory_space<any>>) target(%dma_start3A_459 : memref<1x16xf32, #tpu.memory_space<vmem>>) target_semaphore(%arg19 : memref<!tpu.dma_semaphore, #tpu.memory_space<semaphore_mem>>)
      %dma_start3A_463 = arith.constant 9 : i32
      %dma_start3A_464 = arith.constant 0 : i32
      %dma_start3A_465 = tpu.memref_slice %arg14[%dma_start3A_463, %dma_start3A_464] : memref<16x64xf32, #tpu.memory_space<vmem>> -> memref<1x64xf32, #tpu.memory_space<vmem>>
      %dma_start3A_466 = arith.constant 0 : i32
      %dma_start3A_467 = tpu.memref_slice %arg5[%get3A_82, %dma_start3A_466] : memref<10000x64xf32, #tpu.memory_space<any>> -> memref<1x64xf32, #tpu.memory_space<any>>
      tpu.enqueue_dma source(%dma_start3A_467 : memref<1x64xf32, #tpu.memory_space<any>>) target(%dma_start3A_465 : memref<1x64xf32, #tpu.memory_space<vmem>>) target_semaphore(%arg17 : memref<!tpu.dma_semaphore, #tpu.memory_space<semaphore_mem>>)
      %dma_start3A_468 = arith.constant 0 : i32
      %dma_start3A_469 = arith.constant 0 : i32
      %dma_start3A_470 = arith.constant 9 : i32
      %dma_start3A_471 = arith.constant 0 : i32
      %dma_start3A_472 = tpu.memref_slice %arg15[%dma_start3A_469, %dma_start3A_470, %dma_start3A_471] : memref<2x16x64xf32, #tpu.memory_space<vmem>> -> memref<1x1x64xf32, #tpu.memory_space<vmem>>
      %dma_start3A_473 = tpu.memref_squeeze %dma_start3A_472 : memref<1x1x64xf32, #tpu.memory_space<vmem>> -> memref<1x64xf32, #tpu.memory_space<vmem>>
      %dma_start3A_474 = arith.constant 0 : i32
      %dma_start3A_475 = tpu.memref_slice %arg6[%dma_start3A_468, %get3A_82, %dma_start3A_474] : memref<2x10112x64xf32, #tpu.memory_space<any>> -> memref<1x1x64xf32, #tpu.memory_space<any>>
      %dma_start3A_476 = tpu.memref_squeeze %dma_start3A_475 : memref<1x1x64xf32, #tpu.memory_space<any>> -> memref<1x64xf32, #tpu.memory_space<any>>
      tpu.enqueue_dma source(%dma_start3A_476 : memref<1x64xf32, #tpu.memory_space<any>>) target(%dma_start3A_473 : memref<1x64xf32, #tpu.memory_space<vmem>>) target_semaphore(%arg18 : memref<!tpu.dma_semaphore, #tpu.memory_space<semaphore_mem>>)
      %dma_start3A_477 = arith.constant 0 : i32
      %dma_start3A_478 = arith.constant 0 : i32
      %dma_start3A_479 = arith.constant 9 : i32
      %dma_start3A_480 = arith.constant 0 : i32
      %dma_start3A_481 = tpu.memref_slice %arg16[%dma_start3A_478, %dma_start3A_479, %dma_start3A_480] : memref<2x16x16xf32, #tpu.memory_space<vmem>> -> memref<1x1x16xf32, #tpu.memory_space<vmem>>
      %dma_start3A_482 = tpu.memref_squeeze %dma_start3A_481 : memref<1x1x16xf32, #tpu.memory_space<vmem>> -> memref<1x16xf32, #tpu.memory_space<vmem>>
      %dma_start3A_483 = arith.constant 0 : i32
      %dma_start3A_484 = tpu.memref_slice %arg7[%dma_start3A_477, %get3A_82, %dma_start3A_483] : memref<2x10112x16xf32, #tpu.memory_space<any>> -> memref<1x1x16xf32, #tpu.memory_space<any>>
      %dma_start3A_485 = tpu.memref_squeeze %dma_start3A_484 : memref<1x1x16xf32, #tpu.memory_space<any>> -> memref<1x16xf32, #tpu.memory_space<any>>
      tpu.enqueue_dma source(%dma_start3A_485 : memref<1x16xf32, #tpu.memory_space<any>>) target(%dma_start3A_482 : memref<1x16xf32, #tpu.memory_space<vmem>>) target_semaphore(%arg19 : memref<!tpu.dma_semaphore, #tpu.memory_space<semaphore_mem>>)
      %dma_start3A_486 = arith.constant 1 : i32
      %dma_start3A_487 = arith.constant 1 : i32
      %dma_start3A_488 = arith.constant 9 : i32
      %dma_start3A_489 = arith.constant 0 : i32
      %dma_start3A_490 = tpu.memref_slice %arg15[%dma_start3A_487, %dma_start3A_488, %dma_start3A_489] : memref<2x16x64xf32, #tpu.memory_space<vmem>> -> memref<1x1x64xf32, #tpu.memory_space<vmem>>
      %dma_start3A_491 = tpu.memref_squeeze %dma_start3A_490 : memref<1x1x64xf32, #tpu.memory_space<vmem>> -> memref<1x64xf32, #tpu.memory_space<vmem>>
      %dma_start3A_492 = arith.constant 0 : i32
      %dma_start3A_493 = tpu.memref_slice %arg6[%dma_start3A_486, %get3A_82, %dma_start3A_492] : memref<2x10112x64xf32, #tpu.memory_space<any>> -> memref<1x1x64xf32, #tpu.memory_space<any>>
      %dma_start3A_494 = tpu.memref_squeeze %dma_start3A_493 : memref<1x1x64xf32, #tpu.memory_space<any>> -> memref<1x64xf32, #tpu.memory_space<any>>
      tpu.enqueue_dma source(%dma_start3A_494 : memref<1x64xf32, #tpu.memory_space<any>>) target(%dma_start3A_491 : memref<1x64xf32, #tpu.memory_space<vmem>>) target_semaphore(%arg18 : memref<!tpu.dma_semaphore, #tpu.memory_space<semaphore_mem>>)
      %dma_start3A_495 = arith.constant 1 : i32
      %dma_start3A_496 = arith.constant 1 : i32
      %dma_start3A_497 = arith.constant 9 : i32
      %dma_start3A_498 = arith.constant 0 : i32
      %dma_start3A_499 = tpu.memref_slice %arg16[%dma_start3A_496, %dma_start3A_497, %dma_start3A_498] : memref<2x16x16xf32, #tpu.memory_space<vmem>> -> memref<1x1x16xf32, #tpu.memory_space<vmem>>
      %dma_start3A_500 = tpu.memref_squeeze %dma_start3A_499 : memref<1x1x16xf32, #tpu.memory_space<vmem>> -> memref<1x16xf32, #tpu.memory_space<vmem>>
      %dma_start3A_501 = arith.constant 0 : i32
      %dma_start3A_502 = tpu.memref_slice %arg7[%dma_start3A_495, %get3A_82, %dma_start3A_501] : memref<2x10112x16xf32, #tpu.memory_space<any>> -> memref<1x1x16xf32, #tpu.memory_space<any>>
      %dma_start3A_503 = tpu.memref_squeeze %dma_start3A_502 : memref<1x1x16xf32, #tpu.memory_space<any>> -> memref<1x16xf32, #tpu.memory_space<any>>
      tpu.enqueue_dma source(%dma_start3A_503 : memref<1x16xf32, #tpu.memory_space<any>>) target(%dma_start3A_500 : memref<1x16xf32, #tpu.memory_space<vmem>>) target_semaphore(%arg19 : memref<!tpu.dma_semaphore, #tpu.memory_space<semaphore_mem>>)
      %dma_start3A_504 = arith.constant 10 : i32
      %dma_start3A_505 = arith.constant 0 : i32
      %dma_start3A_506 = tpu.memref_slice %arg14[%dma_start3A_504, %dma_start3A_505] : memref<16x64xf32, #tpu.memory_space<vmem>> -> memref<1x64xf32, #tpu.memory_space<vmem>>
      %dma_start3A_507 = arith.constant 0 : i32
      %dma_start3A_508 = tpu.memref_slice %arg5[%get3A_84, %dma_start3A_507] : memref<10000x64xf32, #tpu.memory_space<any>> -> memref<1x64xf32, #tpu.memory_space<any>>
      tpu.enqueue_dma source(%dma_start3A_508 : memref<1x64xf32, #tpu.memory_space<any>>) target(%dma_start3A_506 : memref<1x64xf32, #tpu.memory_space<vmem>>) target_semaphore(%arg17 : memref<!tpu.dma_semaphore, #tpu.memory_space<semaphore_mem>>)
      %dma_start3A_509 = arith.constant 0 : i32
      %dma_start3A_510 = arith.constant 0 : i32
      %dma_start3A_511 = arith.constant 10 : i32
      %dma_start3A_512 = arith.constant 0 : i32
      %dma_start3A_513 = tpu.memref_slice %arg15[%dma_start3A_510, %dma_start3A_511, %dma_start3A_512] : memref<2x16x64xf32, #tpu.memory_space<vmem>> -> memref<1x1x64xf32, #tpu.memory_space<vmem>>
      %dma_start3A_514 = tpu.memref_squeeze %dma_start3A_513 : memref<1x1x64xf32, #tpu.memory_space<vmem>> -> memref<1x64xf32, #tpu.memory_space<vmem>>
      %dma_start3A_515 = arith.constant 0 : i32
      %dma_start3A_516 = tpu.memref_slice %arg6[%dma_start3A_509, %get3A_84, %dma_start3A_515] : memref<2x10112x64xf32, #tpu.memory_space<any>> -> memref<1x1x64xf32, #tpu.memory_space<any>>
      %dma_start3A_517 = tpu.memref_squeeze %dma_start3A_516 : memref<1x1x64xf32, #tpu.memory_space<any>> -> memref<1x64xf32, #tpu.memory_space<any>>
      tpu.enqueue_dma source(%dma_start3A_517 : memref<1x64xf32, #tpu.memory_space<any>>) target(%dma_start3A_514 : memref<1x64xf32, #tpu.memory_space<vmem>>) target_semaphore(%arg18 : memref<!tpu.dma_semaphore, #tpu.memory_space<semaphore_mem>>)
      %dma_start3A_518 = arith.constant 0 : i32
      %dma_start3A_519 = arith.constant 0 : i32
      %dma_start3A_520 = arith.constant 10 : i32
      %dma_start3A_521 = arith.constant 0 : i32
      %dma_start3A_522 = tpu.memref_slice %arg16[%dma_start3A_519, %dma_start3A_520, %dma_start3A_521] : memref<2x16x16xf32, #tpu.memory_space<vmem>> -> memref<1x1x16xf32, #tpu.memory_space<vmem>>
      %dma_start3A_523 = tpu.memref_squeeze %dma_start3A_522 : memref<1x1x16xf32, #tpu.memory_space<vmem>> -> memref<1x16xf32, #tpu.memory_space<vmem>>
      %dma_start3A_524 = arith.constant 0 : i32
      %dma_start3A_525 = tpu.memref_slice %arg7[%dma_start3A_518, %get3A_84, %dma_start3A_524] : memref<2x10112x16xf32, #tpu.memory_space<any>> -> memref<1x1x16xf32, #tpu.memory_space<any>>
      %dma_start3A_526 = tpu.memref_squeeze %dma_start3A_525 : memref<1x1x16xf32, #tpu.memory_space<any>> -> memref<1x16xf32, #tpu.memory_space<any>>
      tpu.enqueue_dma source(%dma_start3A_526 : memref<1x16xf32, #tpu.memory_space<any>>) target(%dma_start3A_523 : memref<1x16xf32, #tpu.memory_space<vmem>>) target_semaphore(%arg19 : memref<!tpu.dma_semaphore, #tpu.memory_space<semaphore_mem>>)
      %dma_start3A_527 = arith.constant 1 : i32
      %dma_start3A_528 = arith.constant 1 : i32
      %dma_start3A_529 = arith.constant 10 : i32
      %dma_start3A_530 = arith.constant 0 : i32
      %dma_start3A_531 = tpu.memref_slice %arg15[%dma_start3A_528, %dma_start3A_529, %dma_start3A_530] : memref<2x16x64xf32, #tpu.memory_space<vmem>> -> memref<1x1x64xf32, #tpu.memory_space<vmem>>
      %dma_start3A_532 = tpu.memref_squeeze %dma_start3A_531 : memref<1x1x64xf32, #tpu.memory_space<vmem>> -> memref<1x64xf32, #tpu.memory_space<vmem>>
      %dma_start3A_533 = arith.constant 0 : i32
      %dma_start3A_534 = tpu.memref_slice %arg6[%dma_start3A_527, %get3A_84, %dma_start3A_533] : memref<2x10112x64xf32, #tpu.memory_space<any>> -> memref<1x1x64xf32, #tpu.memory_space<any>>
      %dma_start3A_535 = tpu.memref_squeeze %dma_start3A_534 : memref<1x1x64xf32, #tpu.memory_space<any>> -> memref<1x64xf32, #tpu.memory_space<any>>
      tpu.enqueue_dma source(%dma_start3A_535 : memref<1x64xf32, #tpu.memory_space<any>>) target(%dma_start3A_532 : memref<1x64xf32, #tpu.memory_space<vmem>>) target_semaphore(%arg18 : memref<!tpu.dma_semaphore, #tpu.memory_space<semaphore_mem>>)
      %dma_start3A_536 = arith.constant 1 : i32
      %dma_start3A_537 = arith.constant 1 : i32
      %dma_start3A_538 = arith.constant 10 : i32
      %dma_start3A_539 = arith.constant 0 : i32
      %dma_start3A_540 = tpu.memref_slice %arg16[%dma_start3A_537, %dma_start3A_538, %dma_start3A_539] : memref<2x16x16xf32, #tpu.memory_space<vmem>> -> memref<1x1x16xf32, #tpu.memory_space<vmem>>
      %dma_start3A_541 = tpu.memref_squeeze %dma_start3A_540 : memref<1x1x16xf32, #tpu.memory_space<vmem>> -> memref<1x16xf32, #tpu.memory_space<vmem>>
      %dma_start3A_542 = arith.constant 0 : i32
      %dma_start3A_543 = tpu.memref_slice %arg7[%dma_start3A_536, %get3A_84, %dma_start3A_542] : memref<2x10112x16xf32, #tpu.memory_space<any>> -> memref<1x1x16xf32, #tpu.memory_space<any>>
      %dma_start3A_544 = tpu.memref_squeeze %dma_start3A_543 : memref<1x1x16xf32, #tpu.memory_space<any>> -> memref<1x16xf32, #tpu.memory_space<any>>
      tpu.enqueue_dma source(%dma_start3A_544 : memref<1x16xf32, #tpu.memory_space<any>>) target(%dma_start3A_541 : memref<1x16xf32, #tpu.memory_space<vmem>>) target_semaphore(%arg19 : memref<!tpu.dma_semaphore, #tpu.memory_space<semaphore_mem>>)
      %dma_start3A_545 = arith.constant 11 : i32
      %dma_start3A_546 = arith.constant 0 : i32
      %dma_start3A_547 = tpu.memref_slice %arg14[%dma_start3A_545, %dma_start3A_546] : memref<16x64xf32, #tpu.memory_space<vmem>> -> memref<1x64xf32, #tpu.memory_space<vmem>>
      %dma_start3A_548 = arith.constant 0 : i32
      %dma_start3A_549 = tpu.memref_slice %arg5[%get3A_86, %dma_start3A_548] : memref<10000x64xf32, #tpu.memory_space<any>> -> memref<1x64xf32, #tpu.memory_space<any>>
      tpu.enqueue_dma source(%dma_start3A_549 : memref<1x64xf32, #tpu.memory_space<any>>) target(%dma_start3A_547 : memref<1x64xf32, #tpu.memory_space<vmem>>) target_semaphore(%arg17 : memref<!tpu.dma_semaphore, #tpu.memory_space<semaphore_mem>>)
      %dma_start3A_550 = arith.constant 0 : i32
      %dma_start3A_551 = arith.constant 0 : i32
      %dma_start3A_552 = arith.constant 11 : i32
      %dma_start3A_553 = arith.constant 0 : i32
      %dma_start3A_554 = tpu.memref_slice %arg15[%dma_start3A_551, %dma_start3A_552, %dma_start3A_553] : memref<2x16x64xf32, #tpu.memory_space<vmem>> -> memref<1x1x64xf32, #tpu.memory_space<vmem>>
      %dma_start3A_555 = tpu.memref_squeeze %dma_start3A_554 : memref<1x1x64xf32, #tpu.memory_space<vmem>> -> memref<1x64xf32, #tpu.memory_space<vmem>>
      %dma_start3A_556 = arith.constant 0 : i32
      %dma_start3A_557 = tpu.memref_slice %arg6[%dma_start3A_550, %get3A_86, %dma_start3A_556] : memref<2x10112x64xf32, #tpu.memory_space<any>> -> memref<1x1x64xf32, #tpu.memory_space<any>>
      %dma_start3A_558 = tpu.memref_squeeze %dma_start3A_557 : memref<1x1x64xf32, #tpu.memory_space<any>> -> memref<1x64xf32, #tpu.memory_space<any>>
      tpu.enqueue_dma source(%dma_start3A_558 : memref<1x64xf32, #tpu.memory_space<any>>) target(%dma_start3A_555 : memref<1x64xf32, #tpu.memory_space<vmem>>) target_semaphore(%arg18 : memref<!tpu.dma_semaphore, #tpu.memory_space<semaphore_mem>>)
      %dma_start3A_559 = arith.constant 0 : i32
      %dma_start3A_560 = arith.constant 0 : i32
      %dma_start3A_561 = arith.constant 11 : i32
      %dma_start3A_562 = arith.constant 0 : i32
      %dma_start3A_563 = tpu.memref_slice %arg16[%dma_start3A_560, %dma_start3A_561, %dma_start3A_562] : memref<2x16x16xf32, #tpu.memory_space<vmem>> -> memref<1x1x16xf32, #tpu.memory_space<vmem>>
      %dma_start3A_564 = tpu.memref_squeeze %dma_start3A_563 : memref<1x1x16xf32, #tpu.memory_space<vmem>> -> memref<1x16xf32, #tpu.memory_space<vmem>>
      %dma_start3A_565 = arith.constant 0 : i32
      %dma_start3A_566 = tpu.memref_slice %arg7[%dma_start3A_559, %get3A_86, %dma_start3A_565] : memref<2x10112x16xf32, #tpu.memory_space<any>> -> memref<1x1x16xf32, #tpu.memory_space<any>>
      %dma_start3A_567 = tpu.memref_squeeze %dma_start3A_566 : memref<1x1x16xf32, #tpu.memory_space<any>> -> memref<1x16xf32, #tpu.memory_space<any>>
      tpu.enqueue_dma source(%dma_start3A_567 : memref<1x16xf32, #tpu.memory_space<any>>) target(%dma_start3A_564 : memref<1x16xf32, #tpu.memory_space<vmem>>) target_semaphore(%arg19 : memref<!tpu.dma_semaphore, #tpu.memory_space<semaphore_mem>>)
      %dma_start3A_568 = arith.constant 1 : i32
      %dma_start3A_569 = arith.constant 1 : i32
      %dma_start3A_570 = arith.constant 11 : i32
      %dma_start3A_571 = arith.constant 0 : i32
      %dma_start3A_572 = tpu.memref_slice %arg15[%dma_start3A_569, %dma_start3A_570, %dma_start3A_571] : memref<2x16x64xf32, #tpu.memory_space<vmem>> -> memref<1x1x64xf32, #tpu.memory_space<vmem>>
      %dma_start3A_573 = tpu.memref_squeeze %dma_start3A_572 : memref<1x1x64xf32, #tpu.memory_space<vmem>> -> memref<1x64xf32, #tpu.memory_space<vmem>>
      %dma_start3A_574 = arith.constant 0 : i32
      %dma_start3A_575 = tpu.memref_slice %arg6[%dma_start3A_568, %get3A_86, %dma_start3A_574] : memref<2x10112x64xf32, #tpu.memory_space<any>> -> memref<1x1x64xf32, #tpu.memory_space<any>>
      %dma_start3A_576 = tpu.memref_squeeze %dma_start3A_575 : memref<1x1x64xf32, #tpu.memory_space<any>> -> memref<1x64xf32, #tpu.memory_space<any>>
      tpu.enqueue_dma source(%dma_start3A_576 : memref<1x64xf32, #tpu.memory_space<any>>) target(%dma_start3A_573 : memref<1x64xf32, #tpu.memory_space<vmem>>) target_semaphore(%arg18 : memref<!tpu.dma_semaphore, #tpu.memory_space<semaphore_mem>>)
      %dma_start3A_577 = arith.constant 1 : i32
      %dma_start3A_578 = arith.constant 1 : i32
      %dma_start3A_579 = arith.constant 11 : i32
      %dma_start3A_580 = arith.constant 0 : i32
      %dma_start3A_581 = tpu.memref_slice %arg16[%dma_start3A_578, %dma_start3A_579, %dma_start3A_580] : memref<2x16x16xf32, #tpu.memory_space<vmem>> -> memref<1x1x16xf32, #tpu.memory_space<vmem>>
      %dma_start3A_582 = tpu.memref_squeeze %dma_start3A_581 : memref<1x1x16xf32, #tpu.memory_space<vmem>> -> memref<1x16xf32, #tpu.memory_space<vmem>>
      %dma_start3A_583 = arith.constant 0 : i32
      %dma_start3A_584 = tpu.memref_slice %arg7[%dma_start3A_577, %get3A_86, %dma_start3A_583] : memref<2x10112x16xf32, #tpu.memory_space<any>> -> memref<1x1x16xf32, #tpu.memory_space<any>>
      %dma_start3A_585 = tpu.memref_squeeze %dma_start3A_584 : memref<1x1x16xf32, #tpu.memory_space<any>> -> memref<1x16xf32, #tpu.memory_space<any>>
      tpu.enqueue_dma source(%dma_start3A_585 : memref<1x16xf32, #tpu.memory_space<any>>) target(%dma_start3A_582 : memref<1x16xf32, #tpu.memory_space<vmem>>) target_semaphore(%arg19 : memref<!tpu.dma_semaphore, #tpu.memory_space<semaphore_mem>>)
      %dma_start3A_586 = arith.constant 12 : i32
      %dma_start3A_587 = arith.constant 0 : i32
      %dma_start3A_588 = tpu.memref_slice %arg14[%dma_start3A_586, %dma_start3A_587] : memref<16x64xf32, #tpu.memory_space<vmem>> -> memref<1x64xf32, #tpu.memory_space<vmem>>
      %dma_start3A_589 = arith.constant 0 : i32
      %dma_start3A_590 = tpu.memref_slice %arg5[%get3A_88, %dma_start3A_589] : memref<10000x64xf32, #tpu.memory_space<any>> -> memref<1x64xf32, #tpu.memory_space<any>>
      tpu.enqueue_dma source(%dma_start3A_590 : memref<1x64xf32, #tpu.memory_space<any>>) target(%dma_start3A_588 : memref<1x64xf32, #tpu.memory_space<vmem>>) target_semaphore(%arg17 : memref<!tpu.dma_semaphore, #tpu.memory_space<semaphore_mem>>)
      %dma_start3A_591 = arith.constant 0 : i32
      %dma_start3A_592 = arith.constant 0 : i32
      %dma_start3A_593 = arith.constant 12 : i32
      %dma_start3A_594 = arith.constant 0 : i32
      %dma_start3A_595 = tpu.memref_slice %arg15[%dma_start3A_592, %dma_start3A_593, %dma_start3A_594] : memref<2x16x64xf32, #tpu.memory_space<vmem>> -> memref<1x1x64xf32, #tpu.memory_space<vmem>>
      %dma_start3A_596 = tpu.memref_squeeze %dma_start3A_595 : memref<1x1x64xf32, #tpu.memory_space<vmem>> -> memref<1x64xf32, #tpu.memory_space<vmem>>
      %dma_start3A_597 = arith.constant 0 : i32
      %dma_start3A_598 = tpu.memref_slice %arg6[%dma_start3A_591, %get3A_88, %dma_start3A_597] : memref<2x10112x64xf32, #tpu.memory_space<any>> -> memref<1x1x64xf32, #tpu.memory_space<any>>
      %dma_start3A_599 = tpu.memref_squeeze %dma_start3A_598 : memref<1x1x64xf32, #tpu.memory_space<any>> -> memref<1x64xf32, #tpu.memory_space<any>>
      tpu.enqueue_dma source(%dma_start3A_599 : memref<1x64xf32, #tpu.memory_space<any>>) target(%dma_start3A_596 : memref<1x64xf32, #tpu.memory_space<vmem>>) target_semaphore(%arg18 : memref<!tpu.dma_semaphore, #tpu.memory_space<semaphore_mem>>)
      %dma_start3A_600 = arith.constant 0 : i32
      %dma_start3A_601 = arith.constant 0 : i32
      %dma_start3A_602 = arith.constant 12 : i32
      %dma_start3A_603 = arith.constant 0 : i32
      %dma_start3A_604 = tpu.memref_slice %arg16[%dma_start3A_601, %dma_start3A_602, %dma_start3A_603] : memref<2x16x16xf32, #tpu.memory_space<vmem>> -> memref<1x1x16xf32, #tpu.memory_space<vmem>>
      %dma_start3A_605 = tpu.memref_squeeze %dma_start3A_604 : memref<1x1x16xf32, #tpu.memory_space<vmem>> -> memref<1x16xf32, #tpu.memory_space<vmem>>
      %dma_start3A_606 = arith.constant 0 : i32
      %dma_start3A_607 = tpu.memref_slice %arg7[%dma_start3A_600, %get3A_88, %dma_start3A_606] : memref<2x10112x16xf32, #tpu.memory_space<any>> -> memref<1x1x16xf32, #tpu.memory_space<any>>
      %dma_start3A_608 = tpu.memref_squeeze %dma_start3A_607 : memref<1x1x16xf32, #tpu.memory_space<any>> -> memref<1x16xf32, #tpu.memory_space<any>>
      tpu.enqueue_dma source(%dma_start3A_608 : memref<1x16xf32, #tpu.memory_space<any>>) target(%dma_start3A_605 : memref<1x16xf32, #tpu.memory_space<vmem>>) target_semaphore(%arg19 : memref<!tpu.dma_semaphore, #tpu.memory_space<semaphore_mem>>)
      %dma_start3A_609 = arith.constant 1 : i32
      %dma_start3A_610 = arith.constant 1 : i32
      %dma_start3A_611 = arith.constant 12 : i32
      %dma_start3A_612 = arith.constant 0 : i32
      %dma_start3A_613 = tpu.memref_slice %arg15[%dma_start3A_610, %dma_start3A_611, %dma_start3A_612] : memref<2x16x64xf32, #tpu.memory_space<vmem>> -> memref<1x1x64xf32, #tpu.memory_space<vmem>>
      %dma_start3A_614 = tpu.memref_squeeze %dma_start3A_613 : memref<1x1x64xf32, #tpu.memory_space<vmem>> -> memref<1x64xf32, #tpu.memory_space<vmem>>
      %dma_start3A_615 = arith.constant 0 : i32
      %dma_start3A_616 = tpu.memref_slice %arg6[%dma_start3A_609, %get3A_88, %dma_start3A_615] : memref<2x10112x64xf32, #tpu.memory_space<any>> -> memref<1x1x64xf32, #tpu.memory_space<any>>
      %dma_start3A_617 = tpu.memref_squeeze %dma_start3A_616 : memref<1x1x64xf32, #tpu.memory_space<any>> -> memref<1x64xf32, #tpu.memory_space<any>>
      tpu.enqueue_dma source(%dma_start3A_617 : memref<1x64xf32, #tpu.memory_space<any>>) target(%dma_start3A_614 : memref<1x64xf32, #tpu.memory_space<vmem>>) target_semaphore(%arg18 : memref<!tpu.dma_semaphore, #tpu.memory_space<semaphore_mem>>)
      %dma_start3A_618 = arith.constant 1 : i32
      %dma_start3A_619 = arith.constant 1 : i32
      %dma_start3A_620 = arith.constant 12 : i32
      %dma_start3A_621 = arith.constant 0 : i32
      %dma_start3A_622 = tpu.memref_slice %arg16[%dma_start3A_619, %dma_start3A_620, %dma_start3A_621] : memref<2x16x16xf32, #tpu.memory_space<vmem>> -> memref<1x1x16xf32, #tpu.memory_space<vmem>>
      %dma_start3A_623 = tpu.memref_squeeze %dma_start3A_622 : memref<1x1x16xf32, #tpu.memory_space<vmem>> -> memref<1x16xf32, #tpu.memory_space<vmem>>
      %dma_start3A_624 = arith.constant 0 : i32
      %dma_start3A_625 = tpu.memref_slice %arg7[%dma_start3A_618, %get3A_88, %dma_start3A_624] : memref<2x10112x16xf32, #tpu.memory_space<any>> -> memref<1x1x16xf32, #tpu.memory_space<any>>
      %dma_start3A_626 = tpu.memref_squeeze %dma_start3A_625 : memref<1x1x16xf32, #tpu.memory_space<any>> -> memref<1x16xf32, #tpu.memory_space<any>>
      tpu.enqueue_dma source(%dma_start3A_626 : memref<1x16xf32, #tpu.memory_space<any>>) target(%dma_start3A_623 : memref<1x16xf32, #tpu.memory_space<vmem>>) target_semaphore(%arg19 : memref<!tpu.dma_semaphore, #tpu.memory_space<semaphore_mem>>)
      %dma_start3A_627 = arith.constant 13 : i32
      %dma_start3A_628 = arith.constant 0 : i32
      %dma_start3A_629 = tpu.memref_slice %arg14[%dma_start3A_627, %dma_start3A_628] : memref<16x64xf32, #tpu.memory_space<vmem>> -> memref<1x64xf32, #tpu.memory_space<vmem>>
      %dma_start3A_630 = arith.constant 0 : i32
      %dma_start3A_631 = tpu.memref_slice %arg5[%get3A_90, %dma_start3A_630] : memref<10000x64xf32, #tpu.memory_space<any>> -> memref<1x64xf32, #tpu.memory_space<any>>
      tpu.enqueue_dma source(%dma_start3A_631 : memref<1x64xf32, #tpu.memory_space<any>>) target(%dma_start3A_629 : memref<1x64xf32, #tpu.memory_space<vmem>>) target_semaphore(%arg17 : memref<!tpu.dma_semaphore, #tpu.memory_space<semaphore_mem>>)
      %dma_start3A_632 = arith.constant 0 : i32
      %dma_start3A_633 = arith.constant 0 : i32
      %dma_start3A_634 = arith.constant 13 : i32
      %dma_start3A_635 = arith.constant 0 : i32
      %dma_start3A_636 = tpu.memref_slice %arg15[%dma_start3A_633, %dma_start3A_634, %dma_start3A_635] : memref<2x16x64xf32, #tpu.memory_space<vmem>> -> memref<1x1x64xf32, #tpu.memory_space<vmem>>
      %dma_start3A_637 = tpu.memref_squeeze %dma_start3A_636 : memref<1x1x64xf32, #tpu.memory_space<vmem>> -> memref<1x64xf32, #tpu.memory_space<vmem>>
      %dma_start3A_638 = arith.constant 0 : i32
      %dma_start3A_639 = tpu.memref_slice %arg6[%dma_start3A_632, %get3A_90, %dma_start3A_638] : memref<2x10112x64xf32, #tpu.memory_space<any>> -> memref<1x1x64xf32, #tpu.memory_space<any>>
      %dma_start3A_640 = tpu.memref_squeeze %dma_start3A_639 : memref<1x1x64xf32, #tpu.memory_space<any>> -> memref<1x64xf32, #tpu.memory_space<any>>
      tpu.enqueue_dma source(%dma_start3A_640 : memref<1x64xf32, #tpu.memory_space<any>>) target(%dma_start3A_637 : memref<1x64xf32, #tpu.memory_space<vmem>>) target_semaphore(%arg18 : memref<!tpu.dma_semaphore, #tpu.memory_space<semaphore_mem>>)
      %dma_start3A_641 = arith.constant 0 : i32
      %dma_start3A_642 = arith.constant 0 : i32
      %dma_start3A_643 = arith.constant 13 : i32
      %dma_start3A_644 = arith.constant 0 : i32
      %dma_start3A_645 = tpu.memref_slice %arg16[%dma_start3A_642, %dma_start3A_643, %dma_start3A_644] : memref<2x16x16xf32, #tpu.memory_space<vmem>> -> memref<1x1x16xf32, #tpu.memory_space<vmem>>
      %dma_start3A_646 = tpu.memref_squeeze %dma_start3A_645 : memref<1x1x16xf32, #tpu.memory_space<vmem>> -> memref<1x16xf32, #tpu.memory_space<vmem>>
      %dma_start3A_647 = arith.constant 0 : i32
      %dma_start3A_648 = tpu.memref_slice %arg7[%dma_start3A_641, %get3A_90, %dma_start3A_647] : memref<2x10112x16xf32, #tpu.memory_space<any>> -> memref<1x1x16xf32, #tpu.memory_space<any>>
      %dma_start3A_649 = tpu.memref_squeeze %dma_start3A_648 : memref<1x1x16xf32, #tpu.memory_space<any>> -> memref<1x16xf32, #tpu.memory_space<any>>
      tpu.enqueue_dma source(%dma_start3A_649 : memref<1x16xf32, #tpu.memory_space<any>>) target(%dma_start3A_646 : memref<1x16xf32, #tpu.memory_space<vmem>>) target_semaphore(%arg19 : memref<!tpu.dma_semaphore, #tpu.memory_space<semaphore_mem>>)
      %dma_start3A_650 = arith.constant 1 : i32
      %dma_start3A_651 = arith.constant 1 : i32
      %dma_start3A_652 = arith.constant 13 : i32
      %dma_start3A_653 = arith.constant 0 : i32
      %dma_start3A_654 = tpu.memref_slice %arg15[%dma_start3A_651, %dma_start3A_652, %dma_start3A_653] : memref<2x16x64xf32, #tpu.memory_space<vmem>> -> memref<1x1x64xf32, #tpu.memory_space<vmem>>
      %dma_start3A_655 = tpu.memref_squeeze %dma_start3A_654 : memref<1x1x64xf32, #tpu.memory_space<vmem>> -> memref<1x64xf32, #tpu.memory_space<vmem>>
      %dma_start3A_656 = arith.constant 0 : i32
      %dma_start3A_657 = tpu.memref_slice %arg6[%dma_start3A_650, %get3A_90, %dma_start3A_656] : memref<2x10112x64xf32, #tpu.memory_space<any>> -> memref<1x1x64xf32, #tpu.memory_space<any>>
      %dma_start3A_658 = tpu.memref_squeeze %dma_start3A_657 : memref<1x1x64xf32, #tpu.memory_space<any>> -> memref<1x64xf32, #tpu.memory_space<any>>
      tpu.enqueue_dma source(%dma_start3A_658 : memref<1x64xf32, #tpu.memory_space<any>>) target(%dma_start3A_655 : memref<1x64xf32, #tpu.memory_space<vmem>>) target_semaphore(%arg18 : memref<!tpu.dma_semaphore, #tpu.memory_space<semaphore_mem>>)
      %dma_start3A_659 = arith.constant 1 : i32
      %dma_start3A_660 = arith.constant 1 : i32
      %dma_start3A_661 = arith.constant 13 : i32
      %dma_start3A_662 = arith.constant 0 : i32
      %dma_start3A_663 = tpu.memref_slice %arg16[%dma_start3A_660, %dma_start3A_661, %dma_start3A_662] : memref<2x16x16xf32, #tpu.memory_space<vmem>> -> memref<1x1x16xf32, #tpu.memory_space<vmem>>
      %dma_start3A_664 = tpu.memref_squeeze %dma_start3A_663 : memref<1x1x16xf32, #tpu.memory_space<vmem>> -> memref<1x16xf32, #tpu.memory_space<vmem>>
      %dma_start3A_665 = arith.constant 0 : i32
      %dma_start3A_666 = tpu.memref_slice %arg7[%dma_start3A_659, %get3A_90, %dma_start3A_665] : memref<2x10112x16xf32, #tpu.memory_space<any>> -> memref<1x1x16xf32, #tpu.memory_space<any>>
      %dma_start3A_667 = tpu.memref_squeeze %dma_start3A_666 : memref<1x1x16xf32, #tpu.memory_space<any>> -> memref<1x16xf32, #tpu.memory_space<any>>
      tpu.enqueue_dma source(%dma_start3A_667 : memref<1x16xf32, #tpu.memory_space<any>>) target(%dma_start3A_664 : memref<1x16xf32, #tpu.memory_space<vmem>>) target_semaphore(%arg19 : memref<!tpu.dma_semaphore, #tpu.memory_space<semaphore_mem>>)
      %dma_start3A_668 = arith.constant 14 : i32
      %dma_start3A_669 = arith.constant 0 : i32
      %dma_start3A_670 = tpu.memref_slice %arg14[%dma_start3A_668, %dma_start3A_669] : memref<16x64xf32, #tpu.memory_space<vmem>> -> memref<1x64xf32, #tpu.memory_space<vmem>>
      %dma_start3A_671 = arith.constant 0 : i32
      %dma_start3A_672 = tpu.memref_slice %arg5[%get3A_92, %dma_start3A_671] : memref<10000x64xf32, #tpu.memory_space<any>> -> memref<1x64xf32, #tpu.memory_space<any>>
      tpu.enqueue_dma source(%dma_start3A_672 : memref<1x64xf32, #tpu.memory_space<any>>) target(%dma_start3A_670 : memref<1x64xf32, #tpu.memory_space<vmem>>) target_semaphore(%arg17 : memref<!tpu.dma_semaphore, #tpu.memory_space<semaphore_mem>>)
      %dma_start3A_673 = arith.constant 0 : i32
      %dma_start3A_674 = arith.constant 0 : i32
      %dma_start3A_675 = arith.constant 14 : i32
      %dma_start3A_676 = arith.constant 0 : i32
      %dma_start3A_677 = tpu.memref_slice %arg15[%dma_start3A_674, %dma_start3A_675, %dma_start3A_676] : memref<2x16x64xf32, #tpu.memory_space<vmem>> -> memref<1x1x64xf32, #tpu.memory_space<vmem>>
      %dma_start3A_678 = tpu.memref_squeeze %dma_start3A_677 : memref<1x1x64xf32, #tpu.memory_space<vmem>> -> memref<1x64xf32, #tpu.memory_space<vmem>>
      %dma_start3A_679 = arith.constant 0 : i32
      %dma_start3A_680 = tpu.memref_slice %arg6[%dma_start3A_673, %get3A_92, %dma_start3A_679] : memref<2x10112x64xf32, #tpu.memory_space<any>> -> memref<1x1x64xf32, #tpu.memory_space<any>>
      %dma_start3A_681 = tpu.memref_squeeze %dma_start3A_680 : memref<1x1x64xf32, #tpu.memory_space<any>> -> memref<1x64xf32, #tpu.memory_space<any>>
      tpu.enqueue_dma source(%dma_start3A_681 : memref<1x64xf32, #tpu.memory_space<any>>) target(%dma_start3A_678 : memref<1x64xf32, #tpu.memory_space<vmem>>) target_semaphore(%arg18 : memref<!tpu.dma_semaphore, #tpu.memory_space<semaphore_mem>>)
      %dma_start3A_682 = arith.constant 0 : i32
      %dma_start3A_683 = arith.constant 0 : i32
      %dma_start3A_684 = arith.constant 14 : i32
      %dma_start3A_685 = arith.constant 0 : i32
      %dma_start3A_686 = tpu.memref_slice %arg16[%dma_start3A_683, %dma_start3A_684, %dma_start3A_685] : memref<2x16x16xf32, #tpu.memory_space<vmem>> -> memref<1x1x16xf32, #tpu.memory_space<vmem>>
      %dma_start3A_687 = tpu.memref_squeeze %dma_start3A_686 : memref<1x1x16xf32, #tpu.memory_space<vmem>> -> memref<1x16xf32, #tpu.memory_space<vmem>>
      %dma_start3A_688 = arith.constant 0 : i32
      %dma_start3A_689 = tpu.memref_slice %arg7[%dma_start3A_682, %get3A_92, %dma_start3A_688] : memref<2x10112x16xf32, #tpu.memory_space<any>> -> memref<1x1x16xf32, #tpu.memory_space<any>>
      %dma_start3A_690 = tpu.memref_squeeze %dma_start3A_689 : memref<1x1x16xf32, #tpu.memory_space<any>> -> memref<1x16xf32, #tpu.memory_space<any>>
      tpu.enqueue_dma source(%dma_start3A_690 : memref<1x16xf32, #tpu.memory_space<any>>) target(%dma_start3A_687 : memref<1x16xf32, #tpu.memory_space<vmem>>) target_semaphore(%arg19 : memref<!tpu.dma_semaphore, #tpu.memory_space<semaphore_mem>>)
      %dma_start3A_691 = arith.constant 1 : i32
      %dma_start3A_692 = arith.constant 1 : i32
      %dma_start3A_693 = arith.constant 14 : i32
      %dma_start3A_694 = arith.constant 0 : i32
      %dma_start3A_695 = tpu.memref_slice %arg15[%dma_start3A_692, %dma_start3A_693, %dma_start3A_694] : memref<2x16x64xf32, #tpu.memory_space<vmem>> -> memref<1x1x64xf32, #tpu.memory_space<vmem>>
      %dma_start3A_696 = tpu.memref_squeeze %dma_start3A_695 : memref<1x1x64xf32, #tpu.memory_space<vmem>> -> memref<1x64xf32, #tpu.memory_space<vmem>>
      %dma_start3A_697 = arith.constant 0 : i32
      %dma_start3A_698 = tpu.memref_slice %arg6[%dma_start3A_691, %get3A_92, %dma_start3A_697] : memref<2x10112x64xf32, #tpu.memory_space<any>> -> memref<1x1x64xf32, #tpu.memory_space<any>>
      %dma_start3A_699 = tpu.memref_squeeze %dma_start3A_698 : memref<1x1x64xf32, #tpu.memory_space<any>> -> memref<1x64xf32, #tpu.memory_space<any>>
      tpu.enqueue_dma source(%dma_start3A_699 : memref<1x64xf32, #tpu.memory_space<any>>) target(%dma_start3A_696 : memref<1x64xf32, #tpu.memory_space<vmem>>) target_semaphore(%arg18 : memref<!tpu.dma_semaphore, #tpu.memory_space<semaphore_mem>>)
      %dma_start3A_700 = arith.constant 1 : i32
      %dma_start3A_701 = arith.constant 1 : i32
      %dma_start3A_702 = arith.constant 14 : i32
      %dma_start3A_703 = arith.constant 0 : i32
      %dma_start3A_704 = tpu.memref_slice %arg16[%dma_start3A_701, %dma_start3A_702, %dma_start3A_703] : memref<2x16x16xf32, #tpu.memory_space<vmem>> -> memref<1x1x16xf32, #tpu.memory_space<vmem>>
      %dma_start3A_705 = tpu.memref_squeeze %dma_start3A_704 : memref<1x1x16xf32, #tpu.memory_space<vmem>> -> memref<1x16xf32, #tpu.memory_space<vmem>>
      %dma_start3A_706 = arith.constant 0 : i32
      %dma_start3A_707 = tpu.memref_slice %arg7[%dma_start3A_700, %get3A_92, %dma_start3A_706] : memref<2x10112x16xf32, #tpu.memory_space<any>> -> memref<1x1x16xf32, #tpu.memory_space<any>>
      %dma_start3A_708 = tpu.memref_squeeze %dma_start3A_707 : memref<1x1x16xf32, #tpu.memory_space<any>> -> memref<1x16xf32, #tpu.memory_space<any>>
      tpu.enqueue_dma source(%dma_start3A_708 : memref<1x16xf32, #tpu.memory_space<any>>) target(%dma_start3A_705 : memref<1x16xf32, #tpu.memory_space<vmem>>) target_semaphore(%arg19 : memref<!tpu.dma_semaphore, #tpu.memory_space<semaphore_mem>>)
      %dma_start3A_709 = arith.constant 15 : i32
      %dma_start3A_710 = arith.constant 0 : i32
      %dma_start3A_711 = tpu.memref_slice %arg14[%dma_start3A_709, %dma_start3A_710] : memref<16x64xf32, #tpu.memory_space<vmem>> -> memref<1x64xf32, #tpu.memory_space<vmem>>
      %dma_start3A_712 = arith.constant 0 : i32
      %dma_start3A_713 = tpu.memref_slice %arg5[%get3A_94, %dma_start3A_712] : memref<10000x64xf32, #tpu.memory_space<any>> -> memref<1x64xf32, #tpu.memory_space<any>>
      tpu.enqueue_dma source(%dma_start3A_713 : memref<1x64xf32, #tpu.memory_space<any>>) target(%dma_start3A_711 : memref<1x64xf32, #tpu.memory_space<vmem>>) target_semaphore(%arg17 : memref<!tpu.dma_semaphore, #tpu.memory_space<semaphore_mem>>)
      %dma_start3A_714 = arith.constant 0 : i32
      %dma_start3A_715 = arith.constant 0 : i32
      %dma_start3A_716 = arith.constant 15 : i32
      %dma_start3A_717 = arith.constant 0 : i32
      %dma_start3A_718 = tpu.memref_slice %arg15[%dma_start3A_715, %dma_start3A_716, %dma_start3A_717] : memref<2x16x64xf32, #tpu.memory_space<vmem>> -> memref<1x1x64xf32, #tpu.memory_space<vmem>>
      %dma_start3A_719 = tpu.memref_squeeze %dma_start3A_718 : memref<1x1x64xf32, #tpu.memory_space<vmem>> -> memref<1x64xf32, #tpu.memory_space<vmem>>
      %dma_start3A_720 = arith.constant 0 : i32
      %dma_start3A_721 = tpu.memref_slice %arg6[%dma_start3A_714, %get3A_94, %dma_start3A_720] : memref<2x10112x64xf32, #tpu.memory_space<any>> -> memref<1x1x64xf32, #tpu.memory_space<any>>
      %dma_start3A_722 = tpu.memref_squeeze %dma_start3A_721 : memref<1x1x64xf32, #tpu.memory_space<any>> -> memref<1x64xf32, #tpu.memory_space<any>>
      tpu.enqueue_dma source(%dma_start3A_722 : memref<1x64xf32, #tpu.memory_space<any>>) target(%dma_start3A_719 : memref<1x64xf32, #tpu.memory_space<vmem>>) target_semaphore(%arg18 : memref<!tpu.dma_semaphore, #tpu.memory_space<semaphore_mem>>)
      %dma_start3A_723 = arith.constant 0 : i32
      %dma_start3A_724 = arith.constant 0 : i32
      %dma_start3A_725 = arith.constant 15 : i32
      %dma_start3A_726 = arith.constant 0 : i32
      %dma_start3A_727 = tpu.memref_slice %arg16[%dma_start3A_724, %dma_start3A_725, %dma_start3A_726] : memref<2x16x16xf32, #tpu.memory_space<vmem>> -> memref<1x1x16xf32, #tpu.memory_space<vmem>>
      %dma_start3A_728 = tpu.memref_squeeze %dma_start3A_727 : memref<1x1x16xf32, #tpu.memory_space<vmem>> -> memref<1x16xf32, #tpu.memory_space<vmem>>
      %dma_start3A_729 = arith.constant 0 : i32
      %dma_start3A_730 = tpu.memref_slice %arg7[%dma_start3A_723, %get3A_94, %dma_start3A_729] : memref<2x10112x16xf32, #tpu.memory_space<any>> -> memref<1x1x16xf32, #tpu.memory_space<any>>
      %dma_start3A_731 = tpu.memref_squeeze %dma_start3A_730 : memref<1x1x16xf32, #tpu.memory_space<any>> -> memref<1x16xf32, #tpu.memory_space<any>>
      tpu.enqueue_dma source(%dma_start3A_731 : memref<1x16xf32, #tpu.memory_space<any>>) target(%dma_start3A_728 : memref<1x16xf32, #tpu.memory_space<vmem>>) target_semaphore(%arg19 : memref<!tpu.dma_semaphore, #tpu.memory_space<semaphore_mem>>)
      %dma_start3A_732 = arith.constant 1 : i32
      %dma_start3A_733 = arith.constant 1 : i32
      %dma_start3A_734 = arith.constant 15 : i32
      %dma_start3A_735 = arith.constant 0 : i32
      %dma_start3A_736 = tpu.memref_slice %arg15[%dma_start3A_733, %dma_start3A_734, %dma_start3A_735] : memref<2x16x64xf32, #tpu.memory_space<vmem>> -> memref<1x1x64xf32, #tpu.memory_space<vmem>>
      %dma_start3A_737 = tpu.memref_squeeze %dma_start3A_736 : memref<1x1x64xf32, #tpu.memory_space<vmem>> -> memref<1x64xf32, #tpu.memory_space<vmem>>
      %dma_start3A_738 = arith.constant 0 : i32
      %dma_start3A_739 = tpu.memref_slice %arg6[%dma_start3A_732, %get3A_94, %dma_start3A_738] : memref<2x10112x64xf32, #tpu.memory_space<any>> -> memref<1x1x64xf32, #tpu.memory_space<any>>
      %dma_start3A_740 = tpu.memref_squeeze %dma_start3A_739 : memref<1x1x64xf32, #tpu.memory_space<any>> -> memref<1x64xf32, #tpu.memory_space<any>>
      tpu.enqueue_dma source(%dma_start3A_740 : memref<1x64xf32, #tpu.memory_space<any>>) target(%dma_start3A_737 : memref<1x64xf32, #tpu.memory_space<vmem>>) target_semaphore(%arg18 : memref<!tpu.dma_semaphore, #tpu.memory_space<semaphore_mem>>)
      %dma_start3A_741 = arith.constant 1 : i32
      %dma_start3A_742 = arith.constant 1 : i32
      %dma_start3A_743 = arith.constant 15 : i32
      %dma_start3A_744 = arith.constant 0 : i32
      %dma_start3A_745 = tpu.memref_slice %arg16[%dma_start3A_742, %dma_start3A_743, %dma_start3A_744] : memref<2x16x16xf32, #tpu.memory_space<vmem>> -> memref<1x1x16xf32, #tpu.memory_space<vmem>>
      %dma_start3A_746 = tpu.memref_squeeze %dma_start3A_745 : memref<1x1x16xf32, #tpu.memory_space<vmem>> -> memref<1x16xf32, #tpu.memory_space<vmem>>
      %dma_start3A_747 = arith.constant 0 : i32
      %dma_start3A_748 = tpu.memref_slice %arg7[%dma_start3A_741, %get3A_94, %dma_start3A_747] : memref<2x10112x16xf32, #tpu.memory_space<any>> -> memref<1x1x16xf32, #tpu.memory_space<any>>
      %dma_start3A_749 = tpu.memref_squeeze %dma_start3A_748 : memref<1x1x16xf32, #tpu.memory_space<any>> -> memref<1x16xf32, #tpu.memory_space<any>>
      tpu.enqueue_dma source(%dma_start3A_749 : memref<1x16xf32, #tpu.memory_space<any>>) target(%dma_start3A_746 : memref<1x16xf32, #tpu.memory_space<vmem>>) target_semaphore(%arg19 : memref<!tpu.dma_semaphore, #tpu.memory_space<semaphore_mem>>)
      %dma_wait3A = arith.constant 0 : i32
      %dma_wait3A_750 = arith.constant 0 : i32
      %dma_wait3A_751 = tpu.memref_slice %arg14[%dma_wait3A, %dma_wait3A_750] : memref<16x64xf32, #tpu.memory_space<vmem>> -> memref<1x64xf32, #tpu.memory_space<vmem>>
      %dma_wait3A_752 = arith.constant 0 : i32
      %dma_wait3A_753 = tpu.memref_slice %arg5[%get3A_64, %dma_wait3A_752] : memref<10000x64xf32, #tpu.memory_space<any>> -> memref<1x64xf32, #tpu.memory_space<any>>
      tpu.wait_dma2 semaphore(%arg17 : memref<!tpu.dma_semaphore, #tpu.memory_space<semaphore_mem>>) src(%dma_wait3A_753 : memref<1x64xf32, #tpu.memory_space<any>>) dst(%dma_wait3A_751 : memref<1x64xf32, #tpu.memory_space<vmem>>)
      %dma_wait3A_754 = arith.constant 0 : i32
      %dma_wait3A_755 = arith.constant 0 : i32
      %dma_wait3A_756 = arith.constant 0 : i32
      %dma_wait3A_757 = arith.constant 0 : i32
      %dma_wait3A_758 = tpu.memref_slice %arg15[%dma_wait3A_755, %dma_wait3A_756, %dma_wait3A_757] : memref<2x16x64xf32, #tpu.memory_space<vmem>> -> memref<1x1x64xf32, #tpu.memory_space<vmem>>
      %dma_wait3A_759 = tpu.memref_squeeze %dma_wait3A_758 : memref<1x1x64xf32, #tpu.memory_space<vmem>> -> memref<1x64xf32, #tpu.memory_space<vmem>>
      %dma_wait3A_760 = arith.constant 0 : i32
      %dma_wait3A_761 = tpu.memref_slice %arg6[%dma_wait3A_754, %get3A_64, %dma_wait3A_760] : memref<2x10112x64xf32, #tpu.memory_space<any>> -> memref<1x1x64xf32, #tpu.memory_space<any>>
      %dma_wait3A_762 = tpu.memref_squeeze %dma_wait3A_761 : memref<1x1x64xf32, #tpu.memory_space<any>> -> memref<1x64xf32, #tpu.memory_space<any>>
      tpu.wait_dma2 semaphore(%arg18 : memref<!tpu.dma_semaphore, #tpu.memory_space<semaphore_mem>>) src(%dma_wait3A_762 : memref<1x64xf32, #tpu.memory_space<any>>) dst(%dma_wait3A_759 : memref<1x64xf32, #tpu.memory_space<vmem>>)
      %dma_wait3A_763 = arith.constant 0 : i32
      %dma_wait3A_764 = arith.constant 0 : i32
      %dma_wait3A_765 = arith.constant 0 : i32
      %dma_wait3A_766 = arith.constant 0 : i32
      %dma_wait3A_767 = tpu.memref_slice %arg16[%dma_wait3A_764, %dma_wait3A_765, %dma_wait3A_766] : memref<2x16x16xf32, #tpu.memory_space<vmem>> -> memref<1x1x16xf32, #tpu.memory_space<vmem>>
      %dma_wait3A_768 = tpu.memref_squeeze %dma_wait3A_767 : memref<1x1x16xf32, #tpu.memory_space<vmem>> -> memref<1x16xf32, #tpu.memory_space<vmem>>
      %dma_wait3A_769 = arith.constant 0 : i32
      %dma_wait3A_770 = tpu.memref_slice %arg7[%dma_wait3A_763, %get3A_64, %dma_wait3A_769] : memref<2x10112x16xf32, #tpu.memory_space<any>> -> memref<1x1x16xf32, #tpu.memory_space<any>>
      %dma_wait3A_771 = tpu.memref_squeeze %dma_wait3A_770 : memref<1x1x16xf32, #tpu.memory_space<any>> -> memref<1x16xf32, #tpu.memory_space<any>>
      tpu.wait_dma2 semaphore(%arg19 : memref<!tpu.dma_semaphore, #tpu.memory_space<semaphore_mem>>) src(%dma_wait3A_771 : memref<1x16xf32, #tpu.memory_space<any>>) dst(%dma_wait3A_768 : memref<1x16xf32, #tpu.memory_space<vmem>>)
      %dma_wait3A_772 = arith.constant 1 : i32
      %dma_wait3A_773 = arith.constant 1 : i32
      %dma_wait3A_774 = arith.constant 0 : i32
      %dma_wait3A_775 = arith.constant 0 : i32
      %dma_wait3A_776 = tpu.memref_slice %arg15[%dma_wait3A_773, %dma_wait3A_774, %dma_wait3A_775] : memref<2x16x64xf32, #tpu.memory_space<vmem>> -> memref<1x1x64xf32, #tpu.memory_space<vmem>>
      %dma_wait3A_777 = tpu.memref_squeeze %dma_wait3A_776 : memref<1x1x64xf32, #tpu.memory_space<vmem>> -> memref<1x64xf32, #tpu.memory_space<vmem>>
      %dma_wait3A_778 = arith.constant 0 : i32
      %dma_wait3A_779 = tpu.memref_slice %arg6[%dma_wait3A_772, %get3A_64, %dma_wait3A_778] : memref<2x10112x64xf32, #tpu.memory_space<any>> -> memref<1x1x64xf32, #tpu.memory_space<any>>
      %dma_wait3A_780 = tpu.memref_squeeze %dma_wait3A_779 : memref<1x1x64xf32, #tpu.memory_space<any>> -> memref<1x64xf32, #tpu.memory_space<any>>
      tpu.wait_dma2 semaphore(%arg18 : memref<!tpu.dma_semaphore, #tpu.memory_space<semaphore_mem>>) src(%dma_wait3A_780 : memref<1x64xf32, #tpu.memory_space<any>>) dst(%dma_wait3A_777 : memref<1x64xf32, #tpu.memory_space<vmem>>)
      %dma_wait3A_781 = arith.constant 1 : i32
      %dma_wait3A_782 = arith.constant 1 : i32
      %dma_wait3A_783 = arith.constant 0 : i32
      %dma_wait3A_784 = arith.constant 0 : i32
      %dma_wait3A_785 = tpu.memref_slice %arg16[%dma_wait3A_782, %dma_wait3A_783, %dma_wait3A_784] : memref<2x16x16xf32, #tpu.memory_space<vmem>> -> memref<1x1x16xf32, #tpu.memory_space<vmem>>
      %dma_wait3A_786 = tpu.memref_squeeze %dma_wait3A_785 : memref<1x1x16xf32, #tpu.memory_space<vmem>> -> memref<1x16xf32, #tpu.memory_space<vmem>>
      %dma_wait3A_787 = arith.constant 0 : i32
      %dma_wait3A_788 = tpu.memref_slice %arg7[%dma_wait3A_781, %get3A_64, %dma_wait3A_787] : memref<2x10112x16xf32, #tpu.memory_space<any>> -> memref<1x1x16xf32, #tpu.memory_space<any>>
      %dma_wait3A_789 = tpu.memref_squeeze %dma_wait3A_788 : memref<1x1x16xf32, #tpu.memory_space<any>> -> memref<1x16xf32, #tpu.memory_space<any>>
      tpu.wait_dma2 semaphore(%arg19 : memref<!tpu.dma_semaphore, #tpu.memory_space<semaphore_mem>>) src(%dma_wait3A_789 : memref<1x16xf32, #tpu.memory_space<any>>) dst(%dma_wait3A_786 : memref<1x16xf32, #tpu.memory_space<vmem>>)
      %dma_wait3A_790 = arith.constant 1 : i32
      %dma_wait3A_791 = arith.constant 0 : i32
      %dma_wait3A_792 = tpu.memref_slice %arg14[%dma_wait3A_790, %dma_wait3A_791] : memref<16x64xf32, #tpu.memory_space<vmem>> -> memref<1x64xf32, #tpu.memory_space<vmem>>
      %dma_wait3A_793 = arith.constant 0 : i32
      %dma_wait3A_794 = tpu.memref_slice %arg5[%get3A_66, %dma_wait3A_793] : memref<10000x64xf32, #tpu.memory_space<any>> -> memref<1x64xf32, #tpu.memory_space<any>>
      tpu.wait_dma2 semaphore(%arg17 : memref<!tpu.dma_semaphore, #tpu.memory_space<semaphore_mem>>) src(%dma_wait3A_794 : memref<1x64xf32, #tpu.memory_space<any>>) dst(%dma_wait3A_792 : memref<1x64xf32, #tpu.memory_space<vmem>>)
      %dma_wait3A_795 = arith.constant 0 : i32
      %dma_wait3A_796 = arith.constant 0 : i32
      %dma_wait3A_797 = arith.constant 1 : i32
      %dma_wait3A_798 = arith.constant 0 : i32
      %dma_wait3A_799 = tpu.memref_slice %arg15[%dma_wait3A_796, %dma_wait3A_797, %dma_wait3A_798] : memref<2x16x64xf32, #tpu.memory_space<vmem>> -> memref<1x1x64xf32, #tpu.memory_space<vmem>>
      %dma_wait3A_800 = tpu.memref_squeeze %dma_wait3A_799 : memref<1x1x64xf32, #tpu.memory_space<vmem>> -> memref<1x64xf32, #tpu.memory_space<vmem>>
      %dma_wait3A_801 = arith.constant 0 : i32
      %dma_wait3A_802 = tpu.memref_slice %arg6[%dma_wait3A_795, %get3A_66, %dma_wait3A_801] : memref<2x10112x64xf32, #tpu.memory_space<any>> -> memref<1x1x64xf32, #tpu.memory_space<any>>
      %dma_wait3A_803 = tpu.memref_squeeze %dma_wait3A_802 : memref<1x1x64xf32, #tpu.memory_space<any>> -> memref<1x64xf32, #tpu.memory_space<any>>
      tpu.wait_dma2 semaphore(%arg18 : memref<!tpu.dma_semaphore, #tpu.memory_space<semaphore_mem>>) src(%dma_wait3A_803 : memref<1x64xf32, #tpu.memory_space<any>>) dst(%dma_wait3A_800 : memref<1x64xf32, #tpu.memory_space<vmem>>)
      %dma_wait3A_804 = arith.constant 0 : i32
      %dma_wait3A_805 = arith.constant 0 : i32
      %dma_wait3A_806 = arith.constant 1 : i32
      %dma_wait3A_807 = arith.constant 0 : i32
      %dma_wait3A_808 = tpu.memref_slice %arg16[%dma_wait3A_805, %dma_wait3A_806, %dma_wait3A_807] : memref<2x16x16xf32, #tpu.memory_space<vmem>> -> memref<1x1x16xf32, #tpu.memory_space<vmem>>
      %dma_wait3A_809 = tpu.memref_squeeze %dma_wait3A_808 : memref<1x1x16xf32, #tpu.memory_space<vmem>> -> memref<1x16xf32, #tpu.memory_space<vmem>>
      %dma_wait3A_810 = arith.constant 0 : i32
      %dma_wait3A_811 = tpu.memref_slice %arg7[%dma_wait3A_804, %get3A_66, %dma_wait3A_810] : memref<2x10112x16xf32, #tpu.memory_space<any>> -> memref<1x1x16xf32, #tpu.memory_space<any>>
      %dma_wait3A_812 = tpu.memref_squeeze %dma_wait3A_811 : memref<1x1x16xf32, #tpu.memory_space<any>> -> memref<1x16xf32, #tpu.memory_space<any>>
      tpu.wait_dma2 semaphore(%arg19 : memref<!tpu.dma_semaphore, #tpu.memory_space<semaphore_mem>>) src(%dma_wait3A_812 : memref<1x16xf32, #tpu.memory_space<any>>) dst(%dma_wait3A_809 : memref<1x16xf32, #tpu.memory_space<vmem>>)
      %dma_wait3A_813 = arith.constant 1 : i32
      %dma_wait3A_814 = arith.constant 1 : i32
      %dma_wait3A_815 = arith.constant 1 : i32
      %dma_wait3A_816 = arith.constant 0 : i32
      %dma_wait3A_817 = tpu.memref_slice %arg15[%dma_wait3A_814, %dma_wait3A_815, %dma_wait3A_816] : memref<2x16x64xf32, #tpu.memory_space<vmem>> -> memref<1x1x64xf32, #tpu.memory_space<vmem>>
      %dma_wait3A_818 = tpu.memref_squeeze %dma_wait3A_817 : memref<1x1x64xf32, #tpu.memory_space<vmem>> -> memref<1x64xf32, #tpu.memory_space<vmem>>
      %dma_wait3A_819 = arith.constant 0 : i32
      %dma_wait3A_820 = tpu.memref_slice %arg6[%dma_wait3A_813, %get3A_66, %dma_wait3A_819] : memref<2x10112x64xf32, #tpu.memory_space<any>> -> memref<1x1x64xf32, #tpu.memory_space<any>>
      %dma_wait3A_821 = tpu.memref_squeeze %dma_wait3A_820 : memref<1x1x64xf32, #tpu.memory_space<any>> -> memref<1x64xf32, #tpu.memory_space<any>>
      tpu.wait_dma2 semaphore(%arg18 : memref<!tpu.dma_semaphore, #tpu.memory_space<semaphore_mem>>) src(%dma_wait3A_821 : memref<1x64xf32, #tpu.memory_space<any>>) dst(%dma_wait3A_818 : memref<1x64xf32, #tpu.memory_space<vmem>>)
      %dma_wait3A_822 = arith.constant 1 : i32
      %dma_wait3A_823 = arith.constant 1 : i32
      %dma_wait3A_824 = arith.constant 1 : i32
      %dma_wait3A_825 = arith.constant 0 : i32
      %dma_wait3A_826 = tpu.memref_slice %arg16[%dma_wait3A_823, %dma_wait3A_824, %dma_wait3A_825] : memref<2x16x16xf32, #tpu.memory_space<vmem>> -> memref<1x1x16xf32, #tpu.memory_space<vmem>>
      %dma_wait3A_827 = tpu.memref_squeeze %dma_wait3A_826 : memref<1x1x16xf32, #tpu.memory_space<vmem>> -> memref<1x16xf32, #tpu.memory_space<vmem>>
      %dma_wait3A_828 = arith.constant 0 : i32
      %dma_wait3A_829 = tpu.memref_slice %arg7[%dma_wait3A_822, %get3A_66, %dma_wait3A_828] : memref<2x10112x16xf32, #tpu.memory_space<any>> -> memref<1x1x16xf32, #tpu.memory_space<any>>
      %dma_wait3A_830 = tpu.memref_squeeze %dma_wait3A_829 : memref<1x1x16xf32, #tpu.memory_space<any>> -> memref<1x16xf32, #tpu.memory_space<any>>
      tpu.wait_dma2 semaphore(%arg19 : memref<!tpu.dma_semaphore, #tpu.memory_space<semaphore_mem>>) src(%dma_wait3A_830 : memref<1x16xf32, #tpu.memory_space<any>>) dst(%dma_wait3A_827 : memref<1x16xf32, #tpu.memory_space<vmem>>)
      %dma_wait3A_831 = arith.constant 2 : i32
      %dma_wait3A_832 = arith.constant 0 : i32
      %dma_wait3A_833 = tpu.memref_slice %arg14[%dma_wait3A_831, %dma_wait3A_832] : memref<16x64xf32, #tpu.memory_space<vmem>> -> memref<1x64xf32, #tpu.memory_space<vmem>>
      %dma_wait3A_834 = arith.constant 0 : i32
      %dma_wait3A_835 = tpu.memref_slice %arg5[%get3A_68, %dma_wait3A_834] : memref<10000x64xf32, #tpu.memory_space<any>> -> memref<1x64xf32, #tpu.memory_space<any>>
      tpu.wait_dma2 semaphore(%arg17 : memref<!tpu.dma_semaphore, #tpu.memory_space<semaphore_mem>>) src(%dma_wait3A_835 : memref<1x64xf32, #tpu.memory_space<any>>) dst(%dma_wait3A_833 : memref<1x64xf32, #tpu.memory_space<vmem>>)
      %dma_wait3A_836 = arith.constant 0 : i32
      %dma_wait3A_837 = arith.constant 0 : i32
      %dma_wait3A_838 = arith.constant 2 : i32
      %dma_wait3A_839 = arith.constant 0 : i32
      %dma_wait3A_840 = tpu.memref_slice %arg15[%dma_wait3A_837, %dma_wait3A_838, %dma_wait3A_839] : memref<2x16x64xf32, #tpu.memory_space<vmem>> -> memref<1x1x64xf32, #tpu.memory_space<vmem>>
      %dma_wait3A_841 = tpu.memref_squeeze %dma_wait3A_840 : memref<1x1x64xf32, #tpu.memory_space<vmem>> -> memref<1x64xf32, #tpu.memory_space<vmem>>
      %dma_wait3A_842 = arith.constant 0 : i32
      %dma_wait3A_843 = tpu.memref_slice %arg6[%dma_wait3A_836, %get3A_68, %dma_wait3A_842] : memref<2x10112x64xf32, #tpu.memory_space<any>> -> memref<1x1x64xf32, #tpu.memory_space<any>>
      %dma_wait3A_844 = tpu.memref_squeeze %dma_wait3A_843 : memref<1x1x64xf32, #tpu.memory_space<any>> -> memref<1x64xf32, #tpu.memory_space<any>>
      tpu.wait_dma2 semaphore(%arg18 : memref<!tpu.dma_semaphore, #tpu.memory_space<semaphore_mem>>) src(%dma_wait3A_844 : memref<1x64xf32, #tpu.memory_space<any>>) dst(%dma_wait3A_841 : memref<1x64xf32, #tpu.memory_space<vmem>>)
      %dma_wait3A_845 = arith.constant 0 : i32
      %dma_wait3A_846 = arith.constant 0 : i32
      %dma_wait3A_847 = arith.constant 2 : i32
      %dma_wait3A_848 = arith.constant 0 : i32
      %dma_wait3A_849 = tpu.memref_slice %arg16[%dma_wait3A_846, %dma_wait3A_847, %dma_wait3A_848] : memref<2x16x16xf32, #tpu.memory_space<vmem>> -> memref<1x1x16xf32, #tpu.memory_space<vmem>>
      %dma_wait3A_850 = tpu.memref_squeeze %dma_wait3A_849 : memref<1x1x16xf32, #tpu.memory_space<vmem>> -> memref<1x16xf32, #tpu.memory_space<vmem>>
      %dma_wait3A_851 = arith.constant 0 : i32
      %dma_wait3A_852 = tpu.memref_slice %arg7[%dma_wait3A_845, %get3A_68, %dma_wait3A_851] : memref<2x10112x16xf32, #tpu.memory_space<any>> -> memref<1x1x16xf32, #tpu.memory_space<any>>
      %dma_wait3A_853 = tpu.memref_squeeze %dma_wait3A_852 : memref<1x1x16xf32, #tpu.memory_space<any>> -> memref<1x16xf32, #tpu.memory_space<any>>
      tpu.wait_dma2 semaphore(%arg19 : memref<!tpu.dma_semaphore, #tpu.memory_space<semaphore_mem>>) src(%dma_wait3A_853 : memref<1x16xf32, #tpu.memory_space<any>>) dst(%dma_wait3A_850 : memref<1x16xf32, #tpu.memory_space<vmem>>)
      %dma_wait3A_854 = arith.constant 1 : i32
      %dma_wait3A_855 = arith.constant 1 : i32
      %dma_wait3A_856 = arith.constant 2 : i32
      %dma_wait3A_857 = arith.constant 0 : i32
      %dma_wait3A_858 = tpu.memref_slice %arg15[%dma_wait3A_855, %dma_wait3A_856, %dma_wait3A_857] : memref<2x16x64xf32, #tpu.memory_space<vmem>> -> memref<1x1x64xf32, #tpu.memory_space<vmem>>
      %dma_wait3A_859 = tpu.memref_squeeze %dma_wait3A_858 : memref<1x1x64xf32, #tpu.memory_space<vmem>> -> memref<1x64xf32, #tpu.memory_space<vmem>>
      %dma_wait3A_860 = arith.constant 0 : i32
      %dma_wait3A_861 = tpu.memref_slice %arg6[%dma_wait3A_854, %get3A_68, %dma_wait3A_860] : memref<2x10112x64xf32, #tpu.memory_space<any>> -> memref<1x1x64xf32, #tpu.memory_space<any>>
      %dma_wait3A_862 = tpu.memref_squeeze %dma_wait3A_861 : memref<1x1x64xf32, #tpu.memory_space<any>> -> memref<1x64xf32, #tpu.memory_space<any>>
      tpu.wait_dma2 semaphore(%arg18 : memref<!tpu.dma_semaphore, #tpu.memory_space<semaphore_mem>>) src(%dma_wait3A_862 : memref<1x64xf32, #tpu.memory_space<any>>) dst(%dma_wait3A_859 : memref<1x64xf32, #tpu.memory_space<vmem>>)
      %dma_wait3A_863 = arith.constant 1 : i32
      %dma_wait3A_864 = arith.constant 1 : i32
      %dma_wait3A_865 = arith.constant 2 : i32
      %dma_wait3A_866 = arith.constant 0 : i32
      %dma_wait3A_867 = tpu.memref_slice %arg16[%dma_wait3A_864, %dma_wait3A_865, %dma_wait3A_866] : memref<2x16x16xf32, #tpu.memory_space<vmem>> -> memref<1x1x16xf32, #tpu.memory_space<vmem>>
      %dma_wait3A_868 = tpu.memref_squeeze %dma_wait3A_867 : memref<1x1x16xf32, #tpu.memory_space<vmem>> -> memref<1x16xf32, #tpu.memory_space<vmem>>
      %dma_wait3A_869 = arith.constant 0 : i32
      %dma_wait3A_870 = tpu.memref_slice %arg7[%dma_wait3A_863, %get3A_68, %dma_wait3A_869] : memref<2x10112x16xf32, #tpu.memory_space<any>> -> memref<1x1x16xf32, #tpu.memory_space<any>>
      %dma_wait3A_871 = tpu.memref_squeeze %dma_wait3A_870 : memref<1x1x16xf32, #tpu.memory_space<any>> -> memref<1x16xf32, #tpu.memory_space<any>>
      tpu.wait_dma2 semaphore(%arg19 : memref<!tpu.dma_semaphore, #tpu.memory_space<semaphore_mem>>) src(%dma_wait3A_871 : memref<1x16xf32, #tpu.memory_space<any>>) dst(%dma_wait3A_868 : memref<1x16xf32, #tpu.memory_space<vmem>>)
      %dma_wait3A_872 = arith.constant 3 : i32
      %dma_wait3A_873 = arith.constant 0 : i32
      %dma_wait3A_874 = tpu.memref_slice %arg14[%dma_wait3A_872, %dma_wait3A_873] : memref<16x64xf32, #tpu.memory_space<vmem>> -> memref<1x64xf32, #tpu.memory_space<vmem>>
      %dma_wait3A_875 = arith.constant 0 : i32
      %dma_wait3A_876 = tpu.memref_slice %arg5[%get3A_70, %dma_wait3A_875] : memref<10000x64xf32, #tpu.memory_space<any>> -> memref<1x64xf32, #tpu.memory_space<any>>
      tpu.wait_dma2 semaphore(%arg17 : memref<!tpu.dma_semaphore, #tpu.memory_space<semaphore_mem>>) src(%dma_wait3A_876 : memref<1x64xf32, #tpu.memory_space<any>>) dst(%dma_wait3A_874 : memref<1x64xf32, #tpu.memory_space<vmem>>)
      %dma_wait3A_877 = arith.constant 0 : i32
      %dma_wait3A_878 = arith.constant 0 : i32
      %dma_wait3A_879 = arith.constant 3 : i32
      %dma_wait3A_880 = arith.constant 0 : i32
      %dma_wait3A_881 = tpu.memref_slice %arg15[%dma_wait3A_878, %dma_wait3A_879, %dma_wait3A_880] : memref<2x16x64xf32, #tpu.memory_space<vmem>> -> memref<1x1x64xf32, #tpu.memory_space<vmem>>
      %dma_wait3A_882 = tpu.memref_squeeze %dma_wait3A_881 : memref<1x1x64xf32, #tpu.memory_space<vmem>> -> memref<1x64xf32, #tpu.memory_space<vmem>>
      %dma_wait3A_883 = arith.constant 0 : i32
      %dma_wait3A_884 = tpu.memref_slice %arg6[%dma_wait3A_877, %get3A_70, %dma_wait3A_883] : memref<2x10112x64xf32, #tpu.memory_space<any>> -> memref<1x1x64xf32, #tpu.memory_space<any>>
      %dma_wait3A_885 = tpu.memref_squeeze %dma_wait3A_884 : memref<1x1x64xf32, #tpu.memory_space<any>> -> memref<1x64xf32, #tpu.memory_space<any>>
      tpu.wait_dma2 semaphore(%arg18 : memref<!tpu.dma_semaphore, #tpu.memory_space<semaphore_mem>>) src(%dma_wait3A_885 : memref<1x64xf32, #tpu.memory_space<any>>) dst(%dma_wait3A_882 : memref<1x64xf32, #tpu.memory_space<vmem>>)
      %dma_wait3A_886 = arith.constant 0 : i32
      %dma_wait3A_887 = arith.constant 0 : i32
      %dma_wait3A_888 = arith.constant 3 : i32
      %dma_wait3A_889 = arith.constant 0 : i32
      %dma_wait3A_890 = tpu.memref_slice %arg16[%dma_wait3A_887, %dma_wait3A_888, %dma_wait3A_889] : memref<2x16x16xf32, #tpu.memory_space<vmem>> -> memref<1x1x16xf32, #tpu.memory_space<vmem>>
      %dma_wait3A_891 = tpu.memref_squeeze %dma_wait3A_890 : memref<1x1x16xf32, #tpu.memory_space<vmem>> -> memref<1x16xf32, #tpu.memory_space<vmem>>
      %dma_wait3A_892 = arith.constant 0 : i32
      %dma_wait3A_893 = tpu.memref_slice %arg7[%dma_wait3A_886, %get3A_70, %dma_wait3A_892] : memref<2x10112x16xf32, #tpu.memory_space<any>> -> memref<1x1x16xf32, #tpu.memory_space<any>>
      %dma_wait3A_894 = tpu.memref_squeeze %dma_wait3A_893 : memref<1x1x16xf32, #tpu.memory_space<any>> -> memref<1x16xf32, #tpu.memory_space<any>>
      tpu.wait_dma2 semaphore(%arg19 : memref<!tpu.dma_semaphore, #tpu.memory_space<semaphore_mem>>) src(%dma_wait3A_894 : memref<1x16xf32, #tpu.memory_space<any>>) dst(%dma_wait3A_891 : memref<1x16xf32, #tpu.memory_space<vmem>>)
      %dma_wait3A_895 = arith.constant 1 : i32
      %dma_wait3A_896 = arith.constant 1 : i32
      %dma_wait3A_897 = arith.constant 3 : i32
      %dma_wait3A_898 = arith.constant 0 : i32
      %dma_wait3A_899 = tpu.memref_slice %arg15[%dma_wait3A_896, %dma_wait3A_897, %dma_wait3A_898] : memref<2x16x64xf32, #tpu.memory_space<vmem>> -> memref<1x1x64xf32, #tpu.memory_space<vmem>>
      %dma_wait3A_900 = tpu.memref_squeeze %dma_wait3A_899 : memref<1x1x64xf32, #tpu.memory_space<vmem>> -> memref<1x64xf32, #tpu.memory_space<vmem>>
      %dma_wait3A_901 = arith.constant 0 : i32
      %dma_wait3A_902 = tpu.memref_slice %arg6[%dma_wait3A_895, %get3A_70, %dma_wait3A_901] : memref<2x10112x64xf32, #tpu.memory_space<any>> -> memref<1x1x64xf32, #tpu.memory_space<any>>
      %dma_wait3A_903 = tpu.memref_squeeze %dma_wait3A_902 : memref<1x1x64xf32, #tpu.memory_space<any>> -> memref<1x64xf32, #tpu.memory_space<any>>
      tpu.wait_dma2 semaphore(%arg18 : memref<!tpu.dma_semaphore, #tpu.memory_space<semaphore_mem>>) src(%dma_wait3A_903 : memref<1x64xf32, #tpu.memory_space<any>>) dst(%dma_wait3A_900 : memref<1x64xf32, #tpu.memory_space<vmem>>)
      %dma_wait3A_904 = arith.constant 1 : i32
      %dma_wait3A_905 = arith.constant 1 : i32
      %dma_wait3A_906 = arith.constant 3 : i32
      %dma_wait3A_907 = arith.constant 0 : i32
      %dma_wait3A_908 = tpu.memref_slice %arg16[%dma_wait3A_905, %dma_wait3A_906, %dma_wait3A_907] : memref<2x16x16xf32, #tpu.memory_space<vmem>> -> memref<1x1x16xf32, #tpu.memory_space<vmem>>
      %dma_wait3A_909 = tpu.memref_squeeze %dma_wait3A_908 : memref<1x1x16xf32, #tpu.memory_space<vmem>> -> memref<1x16xf32, #tpu.memory_space<vmem>>
      %dma_wait3A_910 = arith.constant 0 : i32
      %dma_wait3A_911 = tpu.memref_slice %arg7[%dma_wait3A_904, %get3A_70, %dma_wait3A_910] : memref<2x10112x16xf32, #tpu.memory_space<any>> -> memref<1x1x16xf32, #tpu.memory_space<any>>
      %dma_wait3A_912 = tpu.memref_squeeze %dma_wait3A_911 : memref<1x1x16xf32, #tpu.memory_space<any>> -> memref<1x16xf32, #tpu.memory_space<any>>
      tpu.wait_dma2 semaphore(%arg19 : memref<!tpu.dma_semaphore, #tpu.memory_space<semaphore_mem>>) src(%dma_wait3A_912 : memref<1x16xf32, #tpu.memory_space<any>>) dst(%dma_wait3A_909 : memref<1x16xf32, #tpu.memory_space<vmem>>)
      %dma_wait3A_913 = arith.constant 4 : i32
      %dma_wait3A_914 = arith.constant 0 : i32
      %dma_wait3A_915 = tpu.memref_slice %arg14[%dma_wait3A_913, %dma_wait3A_914] : memref<16x64xf32, #tpu.memory_space<vmem>> -> memref<1x64xf32, #tpu.memory_space<vmem>>
      %dma_wait3A_916 = arith.constant 0 : i32
      %dma_wait3A_917 = tpu.memref_slice %arg5[%get3A_72, %dma_wait3A_916] : memref<10000x64xf32, #tpu.memory_space<any>> -> memref<1x64xf32, #tpu.memory_space<any>>
      tpu.wait_dma2 semaphore(%arg17 : memref<!tpu.dma_semaphore, #tpu.memory_space<semaphore_mem>>) src(%dma_wait3A_917 : memref<1x64xf32, #tpu.memory_space<any>>) dst(%dma_wait3A_915 : memref<1x64xf32, #tpu.memory_space<vmem>>)
      %dma_wait3A_918 = arith.constant 0 : i32
      %dma_wait3A_919 = arith.constant 0 : i32
      %dma_wait3A_920 = arith.constant 4 : i32
      %dma_wait3A_921 = arith.constant 0 : i32
      %dma_wait3A_922 = tpu.memref_slice %arg15[%dma_wait3A_919, %dma_wait3A_920, %dma_wait3A_921] : memref<2x16x64xf32, #tpu.memory_space<vmem>> -> memref<1x1x64xf32, #tpu.memory_space<vmem>>
      %dma_wait3A_923 = tpu.memref_squeeze %dma_wait3A_922 : memref<1x1x64xf32, #tpu.memory_space<vmem>> -> memref<1x64xf32, #tpu.memory_space<vmem>>
      %dma_wait3A_924 = arith.constant 0 : i32
      %dma_wait3A_925 = tpu.memref_slice %arg6[%dma_wait3A_918, %get3A_72, %dma_wait3A_924] : memref<2x10112x64xf32, #tpu.memory_space<any>> -> memref<1x1x64xf32, #tpu.memory_space<any>>
      %dma_wait3A_926 = tpu.memref_squeeze %dma_wait3A_925 : memref<1x1x64xf32, #tpu.memory_space<any>> -> memref<1x64xf32, #tpu.memory_space<any>>
      tpu.wait_dma2 semaphore(%arg18 : memref<!tpu.dma_semaphore, #tpu.memory_space<semaphore_mem>>) src(%dma_wait3A_926 : memref<1x64xf32, #tpu.memory_space<any>>) dst(%dma_wait3A_923 : memref<1x64xf32, #tpu.memory_space<vmem>>)
      %dma_wait3A_927 = arith.constant 0 : i32
      %dma_wait3A_928 = arith.constant 0 : i32
      %dma_wait3A_929 = arith.constant 4 : i32
      %dma_wait3A_930 = arith.constant 0 : i32
      %dma_wait3A_931 = tpu.memref_slice %arg16[%dma_wait3A_928, %dma_wait3A_929, %dma_wait3A_930] : memref<2x16x16xf32, #tpu.memory_space<vmem>> -> memref<1x1x16xf32, #tpu.memory_space<vmem>>
      %dma_wait3A_932 = tpu.memref_squeeze %dma_wait3A_931 : memref<1x1x16xf32, #tpu.memory_space<vmem>> -> memref<1x16xf32, #tpu.memory_space<vmem>>
      %dma_wait3A_933 = arith.constant 0 : i32
      %dma_wait3A_934 = tpu.memref_slice %arg7[%dma_wait3A_927, %get3A_72, %dma_wait3A_933] : memref<2x10112x16xf32, #tpu.memory_space<any>> -> memref<1x1x16xf32, #tpu.memory_space<any>>
      %dma_wait3A_935 = tpu.memref_squeeze %dma_wait3A_934 : memref<1x1x16xf32, #tpu.memory_space<any>> -> memref<1x16xf32, #tpu.memory_space<any>>
      tpu.wait_dma2 semaphore(%arg19 : memref<!tpu.dma_semaphore, #tpu.memory_space<semaphore_mem>>) src(%dma_wait3A_935 : memref<1x16xf32, #tpu.memory_space<any>>) dst(%dma_wait3A_932 : memref<1x16xf32, #tpu.memory_space<vmem>>)
      %dma_wait3A_936 = arith.constant 1 : i32
      %dma_wait3A_937 = arith.constant 1 : i32
      %dma_wait3A_938 = arith.constant 4 : i32
      %dma_wait3A_939 = arith.constant 0 : i32
      %dma_wait3A_940 = tpu.memref_slice %arg15[%dma_wait3A_937, %dma_wait3A_938, %dma_wait3A_939] : memref<2x16x64xf32, #tpu.memory_space<vmem>> -> memref<1x1x64xf32, #tpu.memory_space<vmem>>
      %dma_wait3A_941 = tpu.memref_squeeze %dma_wait3A_940 : memref<1x1x64xf32, #tpu.memory_space<vmem>> -> memref<1x64xf32, #tpu.memory_space<vmem>>
      %dma_wait3A_942 = arith.constant 0 : i32
      %dma_wait3A_943 = tpu.memref_slice %arg6[%dma_wait3A_936, %get3A_72, %dma_wait3A_942] : memref<2x10112x64xf32, #tpu.memory_space<any>> -> memref<1x1x64xf32, #tpu.memory_space<any>>
      %dma_wait3A_944 = tpu.memref_squeeze %dma_wait3A_943 : memref<1x1x64xf32, #tpu.memory_space<any>> -> memref<1x64xf32, #tpu.memory_space<any>>
      tpu.wait_dma2 semaphore(%arg18 : memref<!tpu.dma_semaphore, #tpu.memory_space<semaphore_mem>>) src(%dma_wait3A_944 : memref<1x64xf32, #tpu.memory_space<any>>) dst(%dma_wait3A_941 : memref<1x64xf32, #tpu.memory_space<vmem>>)
      %dma_wait3A_945 = arith.constant 1 : i32
      %dma_wait3A_946 = arith.constant 1 : i32
      %dma_wait3A_947 = arith.constant 4 : i32
      %dma_wait3A_948 = arith.constant 0 : i32
      %dma_wait3A_949 = tpu.memref_slice %arg16[%dma_wait3A_946, %dma_wait3A_947, %dma_wait3A_948] : memref<2x16x16xf32, #tpu.memory_space<vmem>> -> memref<1x1x16xf32, #tpu.memory_space<vmem>>
      %dma_wait3A_950 = tpu.memref_squeeze %dma_wait3A_949 : memref<1x1x16xf32, #tpu.memory_space<vmem>> -> memref<1x16xf32, #tpu.memory_space<vmem>>
      %dma_wait3A_951 = arith.constant 0 : i32
      %dma_wait3A_952 = tpu.memref_slice %arg7[%dma_wait3A_945, %get3A_72, %dma_wait3A_951] : memref<2x10112x16xf32, #tpu.memory_space<any>> -> memref<1x1x16xf32, #tpu.memory_space<any>>
      %dma_wait3A_953 = tpu.memref_squeeze %dma_wait3A_952 : memref<1x1x16xf32, #tpu.memory_space<any>> -> memref<1x16xf32, #tpu.memory_space<any>>
      tpu.wait_dma2 semaphore(%arg19 : memref<!tpu.dma_semaphore, #tpu.memory_space<semaphore_mem>>) src(%dma_wait3A_953 : memref<1x16xf32, #tpu.memory_space<any>>) dst(%dma_wait3A_950 : memref<1x16xf32, #tpu.memory_space<vmem>>)
      %dma_wait3A_954 = arith.constant 5 : i32
      %dma_wait3A_955 = arith.constant 0 : i32
      %dma_wait3A_956 = tpu.memref_slice %arg14[%dma_wait3A_954, %dma_wait3A_955] : memref<16x64xf32, #tpu.memory_space<vmem>> -> memref<1x64xf32, #tpu.memory_space<vmem>>
      %dma_wait3A_957 = arith.constant 0 : i32
      %dma_wait3A_958 = tpu.memref_slice %arg5[%get3A_74, %dma_wait3A_957] : memref<10000x64xf32, #tpu.memory_space<any>> -> memref<1x64xf32, #tpu.memory_space<any>>
      tpu.wait_dma2 semaphore(%arg17 : memref<!tpu.dma_semaphore, #tpu.memory_space<semaphore_mem>>) src(%dma_wait3A_958 : memref<1x64xf32, #tpu.memory_space<any>>) dst(%dma_wait3A_956 : memref<1x64xf32, #tpu.memory_space<vmem>>)
      %dma_wait3A_959 = arith.constant 0 : i32
      %dma_wait3A_960 = arith.constant 0 : i32
      %dma_wait3A_961 = arith.constant 5 : i32
      %dma_wait3A_962 = arith.constant 0 : i32
      %dma_wait3A_963 = tpu.memref_slice %arg15[%dma_wait3A_960, %dma_wait3A_961, %dma_wait3A_962] : memref<2x16x64xf32, #tpu.memory_space<vmem>> -> memref<1x1x64xf32, #tpu.memory_space<vmem>>
      %dma_wait3A_964 = tpu.memref_squeeze %dma_wait3A_963 : memref<1x1x64xf32, #tpu.memory_space<vmem>> -> memref<1x64xf32, #tpu.memory_space<vmem>>
      %dma_wait3A_965 = arith.constant 0 : i32
      %dma_wait3A_966 = tpu.memref_slice %arg6[%dma_wait3A_959, %get3A_74, %dma_wait3A_965] : memref<2x10112x64xf32, #tpu.memory_space<any>> -> memref<1x1x64xf32, #tpu.memory_space<any>>
      %dma_wait3A_967 = tpu.memref_squeeze %dma_wait3A_966 : memref<1x1x64xf32, #tpu.memory_space<any>> -> memref<1x64xf32, #tpu.memory_space<any>>
      tpu.wait_dma2 semaphore(%arg18 : memref<!tpu.dma_semaphore, #tpu.memory_space<semaphore_mem>>) src(%dma_wait3A_967 : memref<1x64xf32, #tpu.memory_space<any>>) dst(%dma_wait3A_964 : memref<1x64xf32, #tpu.memory_space<vmem>>)
      %dma_wait3A_968 = arith.constant 0 : i32
      %dma_wait3A_969 = arith.constant 0 : i32
      %dma_wait3A_970 = arith.constant 5 : i32
      %dma_wait3A_971 = arith.constant 0 : i32
      %dma_wait3A_972 = tpu.memref_slice %arg16[%dma_wait3A_969, %dma_wait3A_970, %dma_wait3A_971] : memref<2x16x16xf32, #tpu.memory_space<vmem>> -> memref<1x1x16xf32, #tpu.memory_space<vmem>>
      %dma_wait3A_973 = tpu.memref_squeeze %dma_wait3A_972 : memref<1x1x16xf32, #tpu.memory_space<vmem>> -> memref<1x16xf32, #tpu.memory_space<vmem>>
      %dma_wait3A_974 = arith.constant 0 : i32
      %dma_wait3A_975 = tpu.memref_slice %arg7[%dma_wait3A_968, %get3A_74, %dma_wait3A_974] : memref<2x10112x16xf32, #tpu.memory_space<any>> -> memref<1x1x16xf32, #tpu.memory_space<any>>
      %dma_wait3A_976 = tpu.memref_squeeze %dma_wait3A_975 : memref<1x1x16xf32, #tpu.memory_space<any>> -> memref<1x16xf32, #tpu.memory_space<any>>
      tpu.wait_dma2 semaphore(%arg19 : memref<!tpu.dma_semaphore, #tpu.memory_space<semaphore_mem>>) src(%dma_wait3A_976 : memref<1x16xf32, #tpu.memory_space<any>>) dst(%dma_wait3A_973 : memref<1x16xf32, #tpu.memory_space<vmem>>)
      %dma_wait3A_977 = arith.constant 1 : i32
      %dma_wait3A_978 = arith.constant 1 : i32
      %dma_wait3A_979 = arith.constant 5 : i32
      %dma_wait3A_980 = arith.constant 0 : i32
      %dma_wait3A_981 = tpu.memref_slice %arg15[%dma_wait3A_978, %dma_wait3A_979, %dma_wait3A_980] : memref<2x16x64xf32, #tpu.memory_space<vmem>> -> memref<1x1x64xf32, #tpu.memory_space<vmem>>
      %dma_wait3A_982 = tpu.memref_squeeze %dma_wait3A_981 : memref<1x1x64xf32, #tpu.memory_space<vmem>> -> memref<1x64xf32, #tpu.memory_space<vmem>>
      %dma_wait3A_983 = arith.constant 0 : i32
      %dma_wait3A_984 = tpu.memref_slice %arg6[%dma_wait3A_977, %get3A_74, %dma_wait3A_983] : memref<2x10112x64xf32, #tpu.memory_space<any>> -> memref<1x1x64xf32, #tpu.memory_space<any>>
      %dma_wait3A_985 = tpu.memref_squeeze %dma_wait3A_984 : memref<1x1x64xf32, #tpu.memory_space<any>> -> memref<1x64xf32, #tpu.memory_space<any>>
      tpu.wait_dma2 semaphore(%arg18 : memref<!tpu.dma_semaphore, #tpu.memory_space<semaphore_mem>>) src(%dma_wait3A_985 : memref<1x64xf32, #tpu.memory_space<any>>) dst(%dma_wait3A_982 : memref<1x64xf32, #tpu.memory_space<vmem>>)
      %dma_wait3A_986 = arith.constant 1 : i32
      %dma_wait3A_987 = arith.constant 1 : i32
      %dma_wait3A_988 = arith.constant 5 : i32
      %dma_wait3A_989 = arith.constant 0 : i32
      %dma_wait3A_990 = tpu.memref_slice %arg16[%dma_wait3A_987, %dma_wait3A_988, %dma_wait3A_989] : memref<2x16x16xf32, #tpu.memory_space<vmem>> -> memref<1x1x16xf32, #tpu.memory_space<vmem>>
      %dma_wait3A_991 = tpu.memref_squeeze %dma_wait3A_990 : memref<1x1x16xf32, #tpu.memory_space<vmem>> -> memref<1x16xf32, #tpu.memory_space<vmem>>
      %dma_wait3A_992 = arith.constant 0 : i32
      %dma_wait3A_993 = tpu.memref_slice %arg7[%dma_wait3A_986, %get3A_74, %dma_wait3A_992] : memref<2x10112x16xf32, #tpu.memory_space<any>> -> memref<1x1x16xf32, #tpu.memory_space<any>>
      %dma_wait3A_994 = tpu.memref_squeeze %dma_wait3A_993 : memref<1x1x16xf32, #tpu.memory_space<any>> -> memref<1x16xf32, #tpu.memory_space<any>>
      tpu.wait_dma2 semaphore(%arg19 : memref<!tpu.dma_semaphore, #tpu.memory_space<semaphore_mem>>) src(%dma_wait3A_994 : memref<1x16xf32, #tpu.memory_space<any>>) dst(%dma_wait3A_991 : memref<1x16xf32, #tpu.memory_space<vmem>>)
      %dma_wait3A_995 = arith.constant 6 : i32
      %dma_wait3A_996 = arith.constant 0 : i32
      %dma_wait3A_997 = tpu.memref_slice %arg14[%dma_wait3A_995, %dma_wait3A_996] : memref<16x64xf32, #tpu.memory_space<vmem>> -> memref<1x64xf32, #tpu.memory_space<vmem>>
      %dma_wait3A_998 = arith.constant 0 : i32
      %dma_wait3A_999 = tpu.memref_slice %arg5[%get3A_76, %dma_wait3A_998] : memref<10000x64xf32, #tpu.memory_space<any>> -> memref<1x64xf32, #tpu.memory_space<any>>
      tpu.wait_dma2 semaphore(%arg17 : memref<!tpu.dma_semaphore, #tpu.memory_space<semaphore_mem>>) src(%dma_wait3A_999 : memref<1x64xf32, #tpu.memory_space<any>>) dst(%dma_wait3A_997 : memref<1x64xf32, #tpu.memory_space<vmem>>)
      %dma_wait3A_1000 = arith.constant 0 : i32
      %dma_wait3A_1001 = arith.constant 0 : i32
      %dma_wait3A_1002 = arith.constant 6 : i32
      %dma_wait3A_1003 = arith.constant 0 : i32
      %dma_wait3A_1004 = tpu.memref_slice %arg15[%dma_wait3A_1001, %dma_wait3A_1002, %dma_wait3A_1003] : memref<2x16x64xf32, #tpu.memory_space<vmem>> -> memref<1x1x64xf32, #tpu.memory_space<vmem>>
      %dma_wait3A_1005 = tpu.memref_squeeze %dma_wait3A_1004 : memref<1x1x64xf32, #tpu.memory_space<vmem>> -> memref<1x64xf32, #tpu.memory_space<vmem>>
      %dma_wait3A_1006 = arith.constant 0 : i32
      %dma_wait3A_1007 = tpu.memref_slice %arg6[%dma_wait3A_1000, %get3A_76, %dma_wait3A_1006] : memref<2x10112x64xf32, #tpu.memory_space<any>> -> memref<1x1x64xf32, #tpu.memory_space<any>>
      %dma_wait3A_1008 = tpu.memref_squeeze %dma_wait3A_1007 : memref<1x1x64xf32, #tpu.memory_space<any>> -> memref<1x64xf32, #tpu.memory_space<any>>
      tpu.wait_dma2 semaphore(%arg18 : memref<!tpu.dma_semaphore, #tpu.memory_space<semaphore_mem>>) src(%dma_wait3A_1008 : memref<1x64xf32, #tpu.memory_space<any>>) dst(%dma_wait3A_1005 : memref<1x64xf32, #tpu.memory_space<vmem>>)
      %dma_wait3A_1009 = arith.constant 0 : i32
      %dma_wait3A_1010 = arith.constant 0 : i32
      %dma_wait3A_1011 = arith.constant 6 : i32
      %dma_wait3A_1012 = arith.constant 0 : i32
      %dma_wait3A_1013 = tpu.memref_slice %arg16[%dma_wait3A_1010, %dma_wait3A_1011, %dma_wait3A_1012] : memref<2x16x16xf32, #tpu.memory_space<vmem>> -> memref<1x1x16xf32, #tpu.memory_space<vmem>>
      %dma_wait3A_1014 = tpu.memref_squeeze %dma_wait3A_1013 : memref<1x1x16xf32, #tpu.memory_space<vmem>> -> memref<1x16xf32, #tpu.memory_space<vmem>>
      %dma_wait3A_1015 = arith.constant 0 : i32
      %dma_wait3A_1016 = tpu.memref_slice %arg7[%dma_wait3A_1009, %get3A_76, %dma_wait3A_1015] : memref<2x10112x16xf32, #tpu.memory_space<any>> -> memref<1x1x16xf32, #tpu.memory_space<any>>
      %dma_wait3A_1017 = tpu.memref_squeeze %dma_wait3A_1016 : memref<1x1x16xf32, #tpu.memory_space<any>> -> memref<1x16xf32, #tpu.memory_space<any>>
      tpu.wait_dma2 semaphore(%arg19 : memref<!tpu.dma_semaphore, #tpu.memory_space<semaphore_mem>>) src(%dma_wait3A_1017 : memref<1x16xf32, #tpu.memory_space<any>>) dst(%dma_wait3A_1014 : memref<1x16xf32, #tpu.memory_space<vmem>>)
      %dma_wait3A_1018 = arith.constant 1 : i32
      %dma_wait3A_1019 = arith.constant 1 : i32
      %dma_wait3A_1020 = arith.constant 6 : i32
      %dma_wait3A_1021 = arith.constant 0 : i32
      %dma_wait3A_1022 = tpu.memref_slice %arg15[%dma_wait3A_1019, %dma_wait3A_1020, %dma_wait3A_1021] : memref<2x16x64xf32, #tpu.memory_space<vmem>> -> memref<1x1x64xf32, #tpu.memory_space<vmem>>
      %dma_wait3A_1023 = tpu.memref_squeeze %dma_wait3A_1022 : memref<1x1x64xf32, #tpu.memory_space<vmem>> -> memref<1x64xf32, #tpu.memory_space<vmem>>
      %dma_wait3A_1024 = arith.constant 0 : i32
      %dma_wait3A_1025 = tpu.memref_slice %arg6[%dma_wait3A_1018, %get3A_76, %dma_wait3A_1024] : memref<2x10112x64xf32, #tpu.memory_space<any>> -> memref<1x1x64xf32, #tpu.memory_space<any>>
      %dma_wait3A_1026 = tpu.memref_squeeze %dma_wait3A_1025 : memref<1x1x64xf32, #tpu.memory_space<any>> -> memref<1x64xf32, #tpu.memory_space<any>>
      tpu.wait_dma2 semaphore(%arg18 : memref<!tpu.dma_semaphore, #tpu.memory_space<semaphore_mem>>) src(%dma_wait3A_1026 : memref<1x64xf32, #tpu.memory_space<any>>) dst(%dma_wait3A_1023 : memref<1x64xf32, #tpu.memory_space<vmem>>)
      %dma_wait3A_1027 = arith.constant 1 : i32
      %dma_wait3A_1028 = arith.constant 1 : i32
      %dma_wait3A_1029 = arith.constant 6 : i32
      %dma_wait3A_1030 = arith.constant 0 : i32
      %dma_wait3A_1031 = tpu.memref_slice %arg16[%dma_wait3A_1028, %dma_wait3A_1029, %dma_wait3A_1030] : memref<2x16x16xf32, #tpu.memory_space<vmem>> -> memref<1x1x16xf32, #tpu.memory_space<vmem>>
      %dma_wait3A_1032 = tpu.memref_squeeze %dma_wait3A_1031 : memref<1x1x16xf32, #tpu.memory_space<vmem>> -> memref<1x16xf32, #tpu.memory_space<vmem>>
      %dma_wait3A_1033 = arith.constant 0 : i32
      %dma_wait3A_1034 = tpu.memref_slice %arg7[%dma_wait3A_1027, %get3A_76, %dma_wait3A_1033] : memref<2x10112x16xf32, #tpu.memory_space<any>> -> memref<1x1x16xf32, #tpu.memory_space<any>>
      %dma_wait3A_1035 = tpu.memref_squeeze %dma_wait3A_1034 : memref<1x1x16xf32, #tpu.memory_space<any>> -> memref<1x16xf32, #tpu.memory_space<any>>
      tpu.wait_dma2 semaphore(%arg19 : memref<!tpu.dma_semaphore, #tpu.memory_space<semaphore_mem>>) src(%dma_wait3A_1035 : memref<1x16xf32, #tpu.memory_space<any>>) dst(%dma_wait3A_1032 : memref<1x16xf32, #tpu.memory_space<vmem>>)
      %dma_wait3A_1036 = arith.constant 7 : i32
      %dma_wait3A_1037 = arith.constant 0 : i32
      %dma_wait3A_1038 = tpu.memref_slice %arg14[%dma_wait3A_1036, %dma_wait3A_1037] : memref<16x64xf32, #tpu.memory_space<vmem>> -> memref<1x64xf32, #tpu.memory_space<vmem>>
      %dma_wait3A_1039 = arith.constant 0 : i32
      %dma_wait3A_1040 = tpu.memref_slice %arg5[%get3A_78, %dma_wait3A_1039] : memref<10000x64xf32, #tpu.memory_space<any>> -> memref<1x64xf32, #tpu.memory_space<any>>
      tpu.wait_dma2 semaphore(%arg17 : memref<!tpu.dma_semaphore, #tpu.memory_space<semaphore_mem>>) src(%dma_wait3A_1040 : memref<1x64xf32, #tpu.memory_space<any>>) dst(%dma_wait3A_1038 : memref<1x64xf32, #tpu.memory_space<vmem>>)
      %dma_wait3A_1041 = arith.constant 0 : i32
      %dma_wait3A_1042 = arith.constant 0 : i32
      %dma_wait3A_1043 = arith.constant 7 : i32
      %dma_wait3A_1044 = arith.constant 0 : i32
      %dma_wait3A_1045 = tpu.memref_slice %arg15[%dma_wait3A_1042, %dma_wait3A_1043, %dma_wait3A_1044] : memref<2x16x64xf32, #tpu.memory_space<vmem>> -> memref<1x1x64xf32, #tpu.memory_space<vmem>>
      %dma_wait3A_1046 = tpu.memref_squeeze %dma_wait3A_1045 : memref<1x1x64xf32, #tpu.memory_space<vmem>> -> memref<1x64xf32, #tpu.memory_space<vmem>>
      %dma_wait3A_1047 = arith.constant 0 : i32
      %dma_wait3A_1048 = tpu.memref_slice %arg6[%dma_wait3A_1041, %get3A_78, %dma_wait3A_1047] : memref<2x10112x64xf32, #tpu.memory_space<any>> -> memref<1x1x64xf32, #tpu.memory_space<any>>
      %dma_wait3A_1049 = tpu.memref_squeeze %dma_wait3A_1048 : memref<1x1x64xf32, #tpu.memory_space<any>> -> memref<1x64xf32, #tpu.memory_space<any>>
      tpu.wait_dma2 semaphore(%arg18 : memref<!tpu.dma_semaphore, #tpu.memory_space<semaphore_mem>>) src(%dma_wait3A_1049 : memref<1x64xf32, #tpu.memory_space<any>>) dst(%dma_wait3A_1046 : memref<1x64xf32, #tpu.memory_space<vmem>>)
      %dma_wait3A_1050 = arith.constant 0 : i32
      %dma_wait3A_1051 = arith.constant 0 : i32
      %dma_wait3A_1052 = arith.constant 7 : i32
      %dma_wait3A_1053 = arith.constant 0 : i32
      %dma_wait3A_1054 = tpu.memref_slice %arg16[%dma_wait3A_1051, %dma_wait3A_1052, %dma_wait3A_1053] : memref<2x16x16xf32, #tpu.memory_space<vmem>> -> memref<1x1x16xf32, #tpu.memory_space<vmem>>
      %dma_wait3A_1055 = tpu.memref_squeeze %dma_wait3A_1054 : memref<1x1x16xf32, #tpu.memory_space<vmem>> -> memref<1x16xf32, #tpu.memory_space<vmem>>
      %dma_wait3A_1056 = arith.constant 0 : i32
      %dma_wait3A_1057 = tpu.memref_slice %arg7[%dma_wait3A_1050, %get3A_78, %dma_wait3A_1056] : memref<2x10112x16xf32, #tpu.memory_space<any>> -> memref<1x1x16xf32, #tpu.memory_space<any>>
      %dma_wait3A_1058 = tpu.memref_squeeze %dma_wait3A_1057 : memref<1x1x16xf32, #tpu.memory_space<any>> -> memref<1x16xf32, #tpu.memory_space<any>>
      tpu.wait_dma2 semaphore(%arg19 : memref<!tpu.dma_semaphore, #tpu.memory_space<semaphore_mem>>) src(%dma_wait3A_1058 : memref<1x16xf32, #tpu.memory_space<any>>) dst(%dma_wait3A_1055 : memref<1x16xf32, #tpu.memory_space<vmem>>)
      %dma_wait3A_1059 = arith.constant 1 : i32
      %dma_wait3A_1060 = arith.constant 1 : i32
      %dma_wait3A_1061 = arith.constant 7 : i32
      %dma_wait3A_1062 = arith.constant 0 : i32
      %dma_wait3A_1063 = tpu.memref_slice %arg15[%dma_wait3A_1060, %dma_wait3A_1061, %dma_wait3A_1062] : memref<2x16x64xf32, #tpu.memory_space<vmem>> -> memref<1x1x64xf32, #tpu.memory_space<vmem>>
      %dma_wait3A_1064 = tpu.memref_squeeze %dma_wait3A_1063 : memref<1x1x64xf32, #tpu.memory_space<vmem>> -> memref<1x64xf32, #tpu.memory_space<vmem>>
      %dma_wait3A_1065 = arith.constant 0 : i32
      %dma_wait3A_1066 = tpu.memref_slice %arg6[%dma_wait3A_1059, %get3A_78, %dma_wait3A_1065] : memref<2x10112x64xf32, #tpu.memory_space<any>> -> memref<1x1x64xf32, #tpu.memory_space<any>>
      %dma_wait3A_1067 = tpu.memref_squeeze %dma_wait3A_1066 : memref<1x1x64xf32, #tpu.memory_space<any>> -> memref<1x64xf32, #tpu.memory_space<any>>
      tpu.wait_dma2 semaphore(%arg18 : memref<!tpu.dma_semaphore, #tpu.memory_space<semaphore_mem>>) src(%dma_wait3A_1067 : memref<1x64xf32, #tpu.memory_space<any>>) dst(%dma_wait3A_1064 : memref<1x64xf32, #tpu.memory_space<vmem>>)
      %dma_wait3A_1068 = arith.constant 1 : i32
      %dma_wait3A_1069 = arith.constant 1 : i32
      %dma_wait3A_1070 = arith.constant 7 : i32
      %dma_wait3A_1071 = arith.constant 0 : i32
      %dma_wait3A_1072 = tpu.memref_slice %arg16[%dma_wait3A_1069, %dma_wait3A_1070, %dma_wait3A_1071] : memref<2x16x16xf32, #tpu.memory_space<vmem>> -> memref<1x1x16xf32, #tpu.memory_space<vmem>>
      %dma_wait3A_1073 = tpu.memref_squeeze %dma_wait3A_1072 : memref<1x1x16xf32, #tpu.memory_space<vmem>> -> memref<1x16xf32, #tpu.memory_space<vmem>>
      %dma_wait3A_1074 = arith.constant 0 : i32
      %dma_wait3A_1075 = tpu.memref_slice %arg7[%dma_wait3A_1068, %get3A_78, %dma_wait3A_1074] : memref<2x10112x16xf32, #tpu.memory_space<any>> -> memref<1x1x16xf32, #tpu.memory_space<any>>
      %dma_wait3A_1076 = tpu.memref_squeeze %dma_wait3A_1075 : memref<1x1x16xf32, #tpu.memory_space<any>> -> memref<1x16xf32, #tpu.memory_space<any>>
      tpu.wait_dma2 semaphore(%arg19 : memref<!tpu.dma_semaphore, #tpu.memory_space<semaphore_mem>>) src(%dma_wait3A_1076 : memref<1x16xf32, #tpu.memory_space<any>>) dst(%dma_wait3A_1073 : memref<1x16xf32, #tpu.memory_space<vmem>>)
      %dma_wait3A_1077 = arith.constant 8 : i32
      %dma_wait3A_1078 = arith.constant 0 : i32
      %dma_wait3A_1079 = tpu.memref_slice %arg14[%dma_wait3A_1077, %dma_wait3A_1078] : memref<16x64xf32, #tpu.memory_space<vmem>> -> memref<1x64xf32, #tpu.memory_space<vmem>>
      %dma_wait3A_1080 = arith.constant 0 : i32
      %dma_wait3A_1081 = tpu.memref_slice %arg5[%get3A_80, %dma_wait3A_1080] : memref<10000x64xf32, #tpu.memory_space<any>> -> memref<1x64xf32, #tpu.memory_space<any>>
      tpu.wait_dma2 semaphore(%arg17 : memref<!tpu.dma_semaphore, #tpu.memory_space<semaphore_mem>>) src(%dma_wait3A_1081 : memref<1x64xf32, #tpu.memory_space<any>>) dst(%dma_wait3A_1079 : memref<1x64xf32, #tpu.memory_space<vmem>>)
      %dma_wait3A_1082 = arith.constant 0 : i32
      %dma_wait3A_1083 = arith.constant 0 : i32
      %dma_wait3A_1084 = arith.constant 8 : i32
      %dma_wait3A_1085 = arith.constant 0 : i32
      %dma_wait3A_1086 = tpu.memref_slice %arg15[%dma_wait3A_1083, %dma_wait3A_1084, %dma_wait3A_1085] : memref<2x16x64xf32, #tpu.memory_space<vmem>> -> memref<1x1x64xf32, #tpu.memory_space<vmem>>
      %dma_wait3A_1087 = tpu.memref_squeeze %dma_wait3A_1086 : memref<1x1x64xf32, #tpu.memory_space<vmem>> -> memref<1x64xf32, #tpu.memory_space<vmem>>
      %dma_wait3A_1088 = arith.constant 0 : i32
      %dma_wait3A_1089 = tpu.memref_slice %arg6[%dma_wait3A_1082, %get3A_80, %dma_wait3A_1088] : memref<2x10112x64xf32, #tpu.memory_space<any>> -> memref<1x1x64xf32, #tpu.memory_space<any>>
      %dma_wait3A_1090 = tpu.memref_squeeze %dma_wait3A_1089 : memref<1x1x64xf32, #tpu.memory_space<any>> -> memref<1x64xf32, #tpu.memory_space<any>>
      tpu.wait_dma2 semaphore(%arg18 : memref<!tpu.dma_semaphore, #tpu.memory_space<semaphore_mem>>) src(%dma_wait3A_1090 : memref<1x64xf32, #tpu.memory_space<any>>) dst(%dma_wait3A_1087 : memref<1x64xf32, #tpu.memory_space<vmem>>)
      %dma_wait3A_1091 = arith.constant 0 : i32
      %dma_wait3A_1092 = arith.constant 0 : i32
      %dma_wait3A_1093 = arith.constant 8 : i32
      %dma_wait3A_1094 = arith.constant 0 : i32
      %dma_wait3A_1095 = tpu.memref_slice %arg16[%dma_wait3A_1092, %dma_wait3A_1093, %dma_wait3A_1094] : memref<2x16x16xf32, #tpu.memory_space<vmem>> -> memref<1x1x16xf32, #tpu.memory_space<vmem>>
      %dma_wait3A_1096 = tpu.memref_squeeze %dma_wait3A_1095 : memref<1x1x16xf32, #tpu.memory_space<vmem>> -> memref<1x16xf32, #tpu.memory_space<vmem>>
      %dma_wait3A_1097 = arith.constant 0 : i32
      %dma_wait3A_1098 = tpu.memref_slice %arg7[%dma_wait3A_1091, %get3A_80, %dma_wait3A_1097] : memref<2x10112x16xf32, #tpu.memory_space<any>> -> memref<1x1x16xf32, #tpu.memory_space<any>>
      %dma_wait3A_1099 = tpu.memref_squeeze %dma_wait3A_1098 : memref<1x1x16xf32, #tpu.memory_space<any>> -> memref<1x16xf32, #tpu.memory_space<any>>
      tpu.wait_dma2 semaphore(%arg19 : memref<!tpu.dma_semaphore, #tpu.memory_space<semaphore_mem>>) src(%dma_wait3A_1099 : memref<1x16xf32, #tpu.memory_space<any>>) dst(%dma_wait3A_1096 : memref<1x16xf32, #tpu.memory_space<vmem>>)
      %dma_wait3A_1100 = arith.constant 1 : i32
      %dma_wait3A_1101 = arith.constant 1 : i32
      %dma_wait3A_1102 = arith.constant 8 : i32
      %dma_wait3A_1103 = arith.constant 0 : i32
      %dma_wait3A_1104 = tpu.memref_slice %arg15[%dma_wait3A_1101, %dma_wait3A_1102, %dma_wait3A_1103] : memref<2x16x64xf32, #tpu.memory_space<vmem>> -> memref<1x1x64xf32, #tpu.memory_space<vmem>>
      %dma_wait3A_1105 = tpu.memref_squeeze %dma_wait3A_1104 : memref<1x1x64xf32, #tpu.memory_space<vmem>> -> memref<1x64xf32, #tpu.memory_space<vmem>>
      %dma_wait3A_1106 = arith.constant 0 : i32
      %dma_wait3A_1107 = tpu.memref_slice %arg6[%dma_wait3A_1100, %get3A_80, %dma_wait3A_1106] : memref<2x10112x64xf32, #tpu.memory_space<any>> -> memref<1x1x64xf32, #tpu.memory_space<any>>
      %dma_wait3A_1108 = tpu.memref_squeeze %dma_wait3A_1107 : memref<1x1x64xf32, #tpu.memory_space<any>> -> memref<1x64xf32, #tpu.memory_space<any>>
      tpu.wait_dma2 semaphore(%arg18 : memref<!tpu.dma_semaphore, #tpu.memory_space<semaphore_mem>>) src(%dma_wait3A_1108 : memref<1x64xf32, #tpu.memory_space<any>>) dst(%dma_wait3A_1105 : memref<1x64xf32, #tpu.memory_space<vmem>>)
      %dma_wait3A_1109 = arith.constant 1 : i32
      %dma_wait3A_1110 = arith.constant 1 : i32
      %dma_wait3A_1111 = arith.constant 8 : i32
      %dma_wait3A_1112 = arith.constant 0 : i32
      %dma_wait3A_1113 = tpu.memref_slice %arg16[%dma_wait3A_1110, %dma_wait3A_1111, %dma_wait3A_1112] : memref<2x16x16xf32, #tpu.memory_space<vmem>> -> memref<1x1x16xf32, #tpu.memory_space<vmem>>
      %dma_wait3A_1114 = tpu.memref_squeeze %dma_wait3A_1113 : memref<1x1x16xf32, #tpu.memory_space<vmem>> -> memref<1x16xf32, #tpu.memory_space<vmem>>
      %dma_wait3A_1115 = arith.constant 0 : i32
      %dma_wait3A_1116 = tpu.memref_slice %arg7[%dma_wait3A_1109, %get3A_80, %dma_wait3A_1115] : memref<2x10112x16xf32, #tpu.memory_space<any>> -> memref<1x1x16xf32, #tpu.memory_space<any>>
      %dma_wait3A_1117 = tpu.memref_squeeze %dma_wait3A_1116 : memref<1x1x16xf32, #tpu.memory_space<any>> -> memref<1x16xf32, #tpu.memory_space<any>>
      tpu.wait_dma2 semaphore(%arg19 : memref<!tpu.dma_semaphore, #tpu.memory_space<semaphore_mem>>) src(%dma_wait3A_1117 : memref<1x16xf32, #tpu.memory_space<any>>) dst(%dma_wait3A_1114 : memref<1x16xf32, #tpu.memory_space<vmem>>)
      %dma_wait3A_1118 = arith.constant 9 : i32
      %dma_wait3A_1119 = arith.constant 0 : i32
      %dma_wait3A_1120 = tpu.memref_slice %arg14[%dma_wait3A_1118, %dma_wait3A_1119] : memref<16x64xf32, #tpu.memory_space<vmem>> -> memref<1x64xf32, #tpu.memory_space<vmem>>
      %dma_wait3A_1121 = arith.constant 0 : i32
      %dma_wait3A_1122 = tpu.memref_slice %arg5[%get3A_82, %dma_wait3A_1121] : memref<10000x64xf32, #tpu.memory_space<any>> -> memref<1x64xf32, #tpu.memory_space<any>>
      tpu.wait_dma2 semaphore(%arg17 : memref<!tpu.dma_semaphore, #tpu.memory_space<semaphore_mem>>) src(%dma_wait3A_1122 : memref<1x64xf32, #tpu.memory_space<any>>) dst(%dma_wait3A_1120 : memref<1x64xf32, #tpu.memory_space<vmem>>)
      %dma_wait3A_1123 = arith.constant 0 : i32
      %dma_wait3A_1124 = arith.constant 0 : i32
      %dma_wait3A_1125 = arith.constant 9 : i32
      %dma_wait3A_1126 = arith.constant 0 : i32
      %dma_wait3A_1127 = tpu.memref_slice %arg15[%dma_wait3A_1124, %dma_wait3A_1125, %dma_wait3A_1126] : memref<2x16x64xf32, #tpu.memory_space<vmem>> -> memref<1x1x64xf32, #tpu.memory_space<vmem>>
      %dma_wait3A_1128 = tpu.memref_squeeze %dma_wait3A_1127 : memref<1x1x64xf32, #tpu.memory_space<vmem>> -> memref<1x64xf32, #tpu.memory_space<vmem>>
      %dma_wait3A_1129 = arith.constant 0 : i32
      %dma_wait3A_1130 = tpu.memref_slice %arg6[%dma_wait3A_1123, %get3A_82, %dma_wait3A_1129] : memref<2x10112x64xf32, #tpu.memory_space<any>> -> memref<1x1x64xf32, #tpu.memory_space<any>>
      %dma_wait3A_1131 = tpu.memref_squeeze %dma_wait3A_1130 : memref<1x1x64xf32, #tpu.memory_space<any>> -> memref<1x64xf32, #tpu.memory_space<any>>
      tpu.wait_dma2 semaphore(%arg18 : memref<!tpu.dma_semaphore, #tpu.memory_space<semaphore_mem>>) src(%dma_wait3A_1131 : memref<1x64xf32, #tpu.memory_space<any>>) dst(%dma_wait3A_1128 : memref<1x64xf32, #tpu.memory_space<vmem>>)
      %dma_wait3A_1132 = arith.constant 0 : i32
      %dma_wait3A_1133 = arith.constant 0 : i32
      %dma_wait3A_1134 = arith.constant 9 : i32
      %dma_wait3A_1135 = arith.constant 0 : i32
      %dma_wait3A_1136 = tpu.memref_slice %arg16[%dma_wait3A_1133, %dma_wait3A_1134, %dma_wait3A_1135] : memref<2x16x16xf32, #tpu.memory_space<vmem>> -> memref<1x1x16xf32, #tpu.memory_space<vmem>>
      %dma_wait3A_1137 = tpu.memref_squeeze %dma_wait3A_1136 : memref<1x1x16xf32, #tpu.memory_space<vmem>> -> memref<1x16xf32, #tpu.memory_space<vmem>>
      %dma_wait3A_1138 = arith.constant 0 : i32
      %dma_wait3A_1139 = tpu.memref_slice %arg7[%dma_wait3A_1132, %get3A_82, %dma_wait3A_1138] : memref<2x10112x16xf32, #tpu.memory_space<any>> -> memref<1x1x16xf32, #tpu.memory_space<any>>
      %dma_wait3A_1140 = tpu.memref_squeeze %dma_wait3A_1139 : memref<1x1x16xf32, #tpu.memory_space<any>> -> memref<1x16xf32, #tpu.memory_space<any>>
      tpu.wait_dma2 semaphore(%arg19 : memref<!tpu.dma_semaphore, #tpu.memory_space<semaphore_mem>>) src(%dma_wait3A_1140 : memref<1x16xf32, #tpu.memory_space<any>>) dst(%dma_wait3A_1137 : memref<1x16xf32, #tpu.memory_space<vmem>>)
      %dma_wait3A_1141 = arith.constant 1 : i32
      %dma_wait3A_1142 = arith.constant 1 : i32
      %dma_wait3A_1143 = arith.constant 9 : i32
      %dma_wait3A_1144 = arith.constant 0 : i32
      %dma_wait3A_1145 = tpu.memref_slice %arg15[%dma_wait3A_1142, %dma_wait3A_1143, %dma_wait3A_1144] : memref<2x16x64xf32, #tpu.memory_space<vmem>> -> memref<1x1x64xf32, #tpu.memory_space<vmem>>
      %dma_wait3A_1146 = tpu.memref_squeeze %dma_wait3A_1145 : memref<1x1x64xf32, #tpu.memory_space<vmem>> -> memref<1x64xf32, #tpu.memory_space<vmem>>
      %dma_wait3A_1147 = arith.constant 0 : i32
      %dma_wait3A_1148 = tpu.memref_slice %arg6[%dma_wait3A_1141, %get3A_82, %dma_wait3A_1147] : memref<2x10112x64xf32, #tpu.memory_space<any>> -> memref<1x1x64xf32, #tpu.memory_space<any>>
      %dma_wait3A_1149 = tpu.memref_squeeze %dma_wait3A_1148 : memref<1x1x64xf32, #tpu.memory_space<any>> -> memref<1x64xf32, #tpu.memory_space<any>>
      tpu.wait_dma2 semaphore(%arg18 : memref<!tpu.dma_semaphore, #tpu.memory_space<semaphore_mem>>) src(%dma_wait3A_1149 : memref<1x64xf32, #tpu.memory_space<any>>) dst(%dma_wait3A_1146 : memref<1x64xf32, #tpu.memory_space<vmem>>)
      %dma_wait3A_1150 = arith.constant 1 : i32
      %dma_wait3A_1151 = arith.constant 1 : i32
      %dma_wait3A_1152 = arith.constant 9 : i32
      %dma_wait3A_1153 = arith.constant 0 : i32
      %dma_wait3A_1154 = tpu.memref_slice %arg16[%dma_wait3A_1151, %dma_wait3A_1152, %dma_wait3A_1153] : memref<2x16x16xf32, #tpu.memory_space<vmem>> -> memref<1x1x16xf32, #tpu.memory_space<vmem>>
      %dma_wait3A_1155 = tpu.memref_squeeze %dma_wait3A_1154 : memref<1x1x16xf32, #tpu.memory_space<vmem>> -> memref<1x16xf32, #tpu.memory_space<vmem>>
      %dma_wait3A_1156 = arith.constant 0 : i32
      %dma_wait3A_1157 = tpu.memref_slice %arg7[%dma_wait3A_1150, %get3A_82, %dma_wait3A_1156] : memref<2x10112x16xf32, #tpu.memory_space<any>> -> memref<1x1x16xf32, #tpu.memory_space<any>>
      %dma_wait3A_1158 = tpu.memref_squeeze %dma_wait3A_1157 : memref<1x1x16xf32, #tpu.memory_space<any>> -> memref<1x16xf32, #tpu.memory_space<any>>
      tpu.wait_dma2 semaphore(%arg19 : memref<!tpu.dma_semaphore, #tpu.memory_space<semaphore_mem>>) src(%dma_wait3A_1158 : memref<1x16xf32, #tpu.memory_space<any>>) dst(%dma_wait3A_1155 : memref<1x16xf32, #tpu.memory_space<vmem>>)
      %dma_wait3A_1159 = arith.constant 10 : i32
      %dma_wait3A_1160 = arith.constant 0 : i32
      %dma_wait3A_1161 = tpu.memref_slice %arg14[%dma_wait3A_1159, %dma_wait3A_1160] : memref<16x64xf32, #tpu.memory_space<vmem>> -> memref<1x64xf32, #tpu.memory_space<vmem>>
      %dma_wait3A_1162 = arith.constant 0 : i32
      %dma_wait3A_1163 = tpu.memref_slice %arg5[%get3A_84, %dma_wait3A_1162] : memref<10000x64xf32, #tpu.memory_space<any>> -> memref<1x64xf32, #tpu.memory_space<any>>
      tpu.wait_dma2 semaphore(%arg17 : memref<!tpu.dma_semaphore, #tpu.memory_space<semaphore_mem>>) src(%dma_wait3A_1163 : memref<1x64xf32, #tpu.memory_space<any>>) dst(%dma_wait3A_1161 : memref<1x64xf32, #tpu.memory_space<vmem>>)
      %dma_wait3A_1164 = arith.constant 0 : i32
      %dma_wait3A_1165 = arith.constant 0 : i32
      %dma_wait3A_1166 = arith.constant 10 : i32
      %dma_wait3A_1167 = arith.constant 0 : i32
      %dma_wait3A_1168 = tpu.memref_slice %arg15[%dma_wait3A_1165, %dma_wait3A_1166, %dma_wait3A_1167] : memref<2x16x64xf32, #tpu.memory_space<vmem>> -> memref<1x1x64xf32, #tpu.memory_space<vmem>>
      %dma_wait3A_1169 = tpu.memref_squeeze %dma_wait3A_1168 : memref<1x1x64xf32, #tpu.memory_space<vmem>> -> memref<1x64xf32, #tpu.memory_space<vmem>>
      %dma_wait3A_1170 = arith.constant 0 : i32
      %dma_wait3A_1171 = tpu.memref_slice %arg6[%dma_wait3A_1164, %get3A_84, %dma_wait3A_1170] : memref<2x10112x64xf32, #tpu.memory_space<any>> -> memref<1x1x64xf32, #tpu.memory_space<any>>
      %dma_wait3A_1172 = tpu.memref_squeeze %dma_wait3A_1171 : memref<1x1x64xf32, #tpu.memory_space<any>> -> memref<1x64xf32, #tpu.memory_space<any>>
      tpu.wait_dma2 semaphore(%arg18 : memref<!tpu.dma_semaphore, #tpu.memory_space<semaphore_mem>>) src(%dma_wait3A_1172 : memref<1x64xf32, #tpu.memory_space<any>>) dst(%dma_wait3A_1169 : memref<1x64xf32, #tpu.memory_space<vmem>>)
      %dma_wait3A_1173 = arith.constant 0 : i32
      %dma_wait3A_1174 = arith.constant 0 : i32
      %dma_wait3A_1175 = arith.constant 10 : i32
      %dma_wait3A_1176 = arith.constant 0 : i32
      %dma_wait3A_1177 = tpu.memref_slice %arg16[%dma_wait3A_1174, %dma_wait3A_1175, %dma_wait3A_1176] : memref<2x16x16xf32, #tpu.memory_space<vmem>> -> memref<1x1x16xf32, #tpu.memory_space<vmem>>
      %dma_wait3A_1178 = tpu.memref_squeeze %dma_wait3A_1177 : memref<1x1x16xf32, #tpu.memory_space<vmem>> -> memref<1x16xf32, #tpu.memory_space<vmem>>
      %dma_wait3A_1179 = arith.constant 0 : i32
      %dma_wait3A_1180 = tpu.memref_slice %arg7[%dma_wait3A_1173, %get3A_84, %dma_wait3A_1179] : memref<2x10112x16xf32, #tpu.memory_space<any>> -> memref<1x1x16xf32, #tpu.memory_space<any>>
      %dma_wait3A_1181 = tpu.memref_squeeze %dma_wait3A_1180 : memref<1x1x16xf32, #tpu.memory_space<any>> -> memref<1x16xf32, #tpu.memory_space<any>>
      tpu.wait_dma2 semaphore(%arg19 : memref<!tpu.dma_semaphore, #tpu.memory_space<semaphore_mem>>) src(%dma_wait3A_1181 : memref<1x16xf32, #tpu.memory_space<any>>) dst(%dma_wait3A_1178 : memref<1x16xf32, #tpu.memory_space<vmem>>)
      %dma_wait3A_1182 = arith.constant 1 : i32
      %dma_wait3A_1183 = arith.constant 1 : i32
      %dma_wait3A_1184 = arith.constant 10 : i32
      %dma_wait3A_1185 = arith.constant 0 : i32
      %dma_wait3A_1186 = tpu.memref_slice %arg15[%dma_wait3A_1183, %dma_wait3A_1184, %dma_wait3A_1185] : memref<2x16x64xf32, #tpu.memory_space<vmem>> -> memref<1x1x64xf32, #tpu.memory_space<vmem>>
      %dma_wait3A_1187 = tpu.memref_squeeze %dma_wait3A_1186 : memref<1x1x64xf32, #tpu.memory_space<vmem>> -> memref<1x64xf32, #tpu.memory_space<vmem>>
      %dma_wait3A_1188 = arith.constant 0 : i32
      %dma_wait3A_1189 = tpu.memref_slice %arg6[%dma_wait3A_1182, %get3A_84, %dma_wait3A_1188] : memref<2x10112x64xf32, #tpu.memory_space<any>> -> memref<1x1x64xf32, #tpu.memory_space<any>>
      %dma_wait3A_1190 = tpu.memref_squeeze %dma_wait3A_1189 : memref<1x1x64xf32, #tpu.memory_space<any>> -> memref<1x64xf32, #tpu.memory_space<any>>
      tpu.wait_dma2 semaphore(%arg18 : memref<!tpu.dma_semaphore, #tpu.memory_space<semaphore_mem>>) src(%dma_wait3A_1190 : memref<1x64xf32, #tpu.memory_space<any>>) dst(%dma_wait3A_1187 : memref<1x64xf32, #tpu.memory_space<vmem>>)
      %dma_wait3A_1191 = arith.constant 1 : i32
      %dma_wait3A_1192 = arith.constant 1 : i32
      %dma_wait3A_1193 = arith.constant 10 : i32
      %dma_wait3A_1194 = arith.constant 0 : i32
      %dma_wait3A_1195 = tpu.memref_slice %arg16[%dma_wait3A_1192, %dma_wait3A_1193, %dma_wait3A_1194] : memref<2x16x16xf32, #tpu.memory_space<vmem>> -> memref<1x1x16xf32, #tpu.memory_space<vmem>>
      %dma_wait3A_1196 = tpu.memref_squeeze %dma_wait3A_1195 : memref<1x1x16xf32, #tpu.memory_space<vmem>> -> memref<1x16xf32, #tpu.memory_space<vmem>>
      %dma_wait3A_1197 = arith.constant 0 : i32
      %dma_wait3A_1198 = tpu.memref_slice %arg7[%dma_wait3A_1191, %get3A_84, %dma_wait3A_1197] : memref<2x10112x16xf32, #tpu.memory_space<any>> -> memref<1x1x16xf32, #tpu.memory_space<any>>
      %dma_wait3A_1199 = tpu.memref_squeeze %dma_wait3A_1198 : memref<1x1x16xf32, #tpu.memory_space<any>> -> memref<1x16xf32, #tpu.memory_space<any>>
      tpu.wait_dma2 semaphore(%arg19 : memref<!tpu.dma_semaphore, #tpu.memory_space<semaphore_mem>>) src(%dma_wait3A_1199 : memref<1x16xf32, #tpu.memory_space<any>>) dst(%dma_wait3A_1196 : memref<1x16xf32, #tpu.memory_space<vmem>>)
      %dma_wait3A_1200 = arith.constant 11 : i32
      %dma_wait3A_1201 = arith.constant 0 : i32
      %dma_wait3A_1202 = tpu.memref_slice %arg14[%dma_wait3A_1200, %dma_wait3A_1201] : memref<16x64xf32, #tpu.memory_space<vmem>> -> memref<1x64xf32, #tpu.memory_space<vmem>>
      %dma_wait3A_1203 = arith.constant 0 : i32
      %dma_wait3A_1204 = tpu.memref_slice %arg5[%get3A_86, %dma_wait3A_1203] : memref<10000x64xf32, #tpu.memory_space<any>> -> memref<1x64xf32, #tpu.memory_space<any>>
      tpu.wait_dma2 semaphore(%arg17 : memref<!tpu.dma_semaphore, #tpu.memory_space<semaphore_mem>>) src(%dma_wait3A_1204 : memref<1x64xf32, #tpu.memory_space<any>>) dst(%dma_wait3A_1202 : memref<1x64xf32, #tpu.memory_space<vmem>>)
      %dma_wait3A_1205 = arith.constant 0 : i32
      %dma_wait3A_1206 = arith.constant 0 : i32
      %dma_wait3A_1207 = arith.constant 11 : i32
      %dma_wait3A_1208 = arith.constant 0 : i32
      %dma_wait3A_1209 = tpu.memref_slice %arg15[%dma_wait3A_1206, %dma_wait3A_1207, %dma_wait3A_1208] : memref<2x16x64xf32, #tpu.memory_space<vmem>> -> memref<1x1x64xf32, #tpu.memory_space<vmem>>
      %dma_wait3A_1210 = tpu.memref_squeeze %dma_wait3A_1209 : memref<1x1x64xf32, #tpu.memory_space<vmem>> -> memref<1x64xf32, #tpu.memory_space<vmem>>
      %dma_wait3A_1211 = arith.constant 0 : i32
      %dma_wait3A_1212 = tpu.memref_slice %arg6[%dma_wait3A_1205, %get3A_86, %dma_wait3A_1211] : memref<2x10112x64xf32, #tpu.memory_space<any>> -> memref<1x1x64xf32, #tpu.memory_space<any>>
      %dma_wait3A_1213 = tpu.memref_squeeze %dma_wait3A_1212 : memref<1x1x64xf32, #tpu.memory_space<any>> -> memref<1x64xf32, #tpu.memory_space<any>>
      tpu.wait_dma2 semaphore(%arg18 : memref<!tpu.dma_semaphore, #tpu.memory_space<semaphore_mem>>) src(%dma_wait3A_1213 : memref<1x64xf32, #tpu.memory_space<any>>) dst(%dma_wait3A_1210 : memref<1x64xf32, #tpu.memory_space<vmem>>)
      %dma_wait3A_1214 = arith.constant 0 : i32
      %dma_wait3A_1215 = arith.constant 0 : i32
      %dma_wait3A_1216 = arith.constant 11 : i32
      %dma_wait3A_1217 = arith.constant 0 : i32
      %dma_wait3A_1218 = tpu.memref_slice %arg16[%dma_wait3A_1215, %dma_wait3A_1216, %dma_wait3A_1217] : memref<2x16x16xf32, #tpu.memory_space<vmem>> -> memref<1x1x16xf32, #tpu.memory_space<vmem>>
      %dma_wait3A_1219 = tpu.memref_squeeze %dma_wait3A_1218 : memref<1x1x16xf32, #tpu.memory_space<vmem>> -> memref<1x16xf32, #tpu.memory_space<vmem>>
      %dma_wait3A_1220 = arith.constant 0 : i32
      %dma_wait3A_1221 = tpu.memref_slice %arg7[%dma_wait3A_1214, %get3A_86, %dma_wait3A_1220] : memref<2x10112x16xf32, #tpu.memory_space<any>> -> memref<1x1x16xf32, #tpu.memory_space<any>>
      %dma_wait3A_1222 = tpu.memref_squeeze %dma_wait3A_1221 : memref<1x1x16xf32, #tpu.memory_space<any>> -> memref<1x16xf32, #tpu.memory_space<any>>
      tpu.wait_dma2 semaphore(%arg19 : memref<!tpu.dma_semaphore, #tpu.memory_space<semaphore_mem>>) src(%dma_wait3A_1222 : memref<1x16xf32, #tpu.memory_space<any>>) dst(%dma_wait3A_1219 : memref<1x16xf32, #tpu.memory_space<vmem>>)
      %dma_wait3A_1223 = arith.constant 1 : i32
      %dma_wait3A_1224 = arith.constant 1 : i32
      %dma_wait3A_1225 = arith.constant 11 : i32
      %dma_wait3A_1226 = arith.constant 0 : i32
      %dma_wait3A_1227 = tpu.memref_slice %arg15[%dma_wait3A_1224, %dma_wait3A_1225, %dma_wait3A_1226] : memref<2x16x64xf32, #tpu.memory_space<vmem>> -> memref<1x1x64xf32, #tpu.memory_space<vmem>>
      %dma_wait3A_1228 = tpu.memref_squeeze %dma_wait3A_1227 : memref<1x1x64xf32, #tpu.memory_space<vmem>> -> memref<1x64xf32, #tpu.memory_space<vmem>>
      %dma_wait3A_1229 = arith.constant 0 : i32
      %dma_wait3A_1230 = tpu.memref_slice %arg6[%dma_wait3A_1223, %get3A_86, %dma_wait3A_1229] : memref<2x10112x64xf32, #tpu.memory_space<any>> -> memref<1x1x64xf32, #tpu.memory_space<any>>
      %dma_wait3A_1231 = tpu.memref_squeeze %dma_wait3A_1230 : memref<1x1x64xf32, #tpu.memory_space<any>> -> memref<1x64xf32, #tpu.memory_space<any>>
      tpu.wait_dma2 semaphore(%arg18 : memref<!tpu.dma_semaphore, #tpu.memory_space<semaphore_mem>>) src(%dma_wait3A_1231 : memref<1x64xf32, #tpu.memory_space<any>>) dst(%dma_wait3A_1228 : memref<1x64xf32, #tpu.memory_space<vmem>>)
      %dma_wait3A_1232 = arith.constant 1 : i32
      %dma_wait3A_1233 = arith.constant 1 : i32
      %dma_wait3A_1234 = arith.constant 11 : i32
      %dma_wait3A_1235 = arith.constant 0 : i32
      %dma_wait3A_1236 = tpu.memref_slice %arg16[%dma_wait3A_1233, %dma_wait3A_1234, %dma_wait3A_1235] : memref<2x16x16xf32, #tpu.memory_space<vmem>> -> memref<1x1x16xf32, #tpu.memory_space<vmem>>
      %dma_wait3A_1237 = tpu.memref_squeeze %dma_wait3A_1236 : memref<1x1x16xf32, #tpu.memory_space<vmem>> -> memref<1x16xf32, #tpu.memory_space<vmem>>
      %dma_wait3A_1238 = arith.constant 0 : i32
      %dma_wait3A_1239 = tpu.memref_slice %arg7[%dma_wait3A_1232, %get3A_86, %dma_wait3A_1238] : memref<2x10112x16xf32, #tpu.memory_space<any>> -> memref<1x1x16xf32, #tpu.memory_space<any>>
      %dma_wait3A_1240 = tpu.memref_squeeze %dma_wait3A_1239 : memref<1x1x16xf32, #tpu.memory_space<any>> -> memref<1x16xf32, #tpu.memory_space<any>>
      tpu.wait_dma2 semaphore(%arg19 : memref<!tpu.dma_semaphore, #tpu.memory_space<semaphore_mem>>) src(%dma_wait3A_1240 : memref<1x16xf32, #tpu.memory_space<any>>) dst(%dma_wait3A_1237 : memref<1x16xf32, #tpu.memory_space<vmem>>)
      %dma_wait3A_1241 = arith.constant 12 : i32
      %dma_wait3A_1242 = arith.constant 0 : i32
      %dma_wait3A_1243 = tpu.memref_slice %arg14[%dma_wait3A_1241, %dma_wait3A_1242] : memref<16x64xf32, #tpu.memory_space<vmem>> -> memref<1x64xf32, #tpu.memory_space<vmem>>
      %dma_wait3A_1244 = arith.constant 0 : i32
      %dma_wait3A_1245 = tpu.memref_slice %arg5[%get3A_88, %dma_wait3A_1244] : memref<10000x64xf32, #tpu.memory_space<any>> -> memref<1x64xf32, #tpu.memory_space<any>>
      tpu.wait_dma2 semaphore(%arg17 : memref<!tpu.dma_semaphore, #tpu.memory_space<semaphore_mem>>) src(%dma_wait3A_1245 : memref<1x64xf32, #tpu.memory_space<any>>) dst(%dma_wait3A_1243 : memref<1x64xf32, #tpu.memory_space<vmem>>)
      %dma_wait3A_1246 = arith.constant 0 : i32
      %dma_wait3A_1247 = arith.constant 0 : i32
      %dma_wait3A_1248 = arith.constant 12 : i32
      %dma_wait3A_1249 = arith.constant 0 : i32
      %dma_wait3A_1250 = tpu.memref_slice %arg15[%dma_wait3A_1247, %dma_wait3A_1248, %dma_wait3A_1249] : memref<2x16x64xf32, #tpu.memory_space<vmem>> -> memref<1x1x64xf32, #tpu.memory_space<vmem>>
      %dma_wait3A_1251 = tpu.memref_squeeze %dma_wait3A_1250 : memref<1x1x64xf32, #tpu.memory_space<vmem>> -> memref<1x64xf32, #tpu.memory_space<vmem>>
      %dma_wait3A_1252 = arith.constant 0 : i32
      %dma_wait3A_1253 = tpu.memref_slice %arg6[%dma_wait3A_1246, %get3A_88, %dma_wait3A_1252] : memref<2x10112x64xf32, #tpu.memory_space<any>> -> memref<1x1x64xf32, #tpu.memory_space<any>>
      %dma_wait3A_1254 = tpu.memref_squeeze %dma_wait3A_1253 : memref<1x1x64xf32, #tpu.memory_space<any>> -> memref<1x64xf32, #tpu.memory_space<any>>
      tpu.wait_dma2 semaphore(%arg18 : memref<!tpu.dma_semaphore, #tpu.memory_space<semaphore_mem>>) src(%dma_wait3A_1254 : memref<1x64xf32, #tpu.memory_space<any>>) dst(%dma_wait3A_1251 : memref<1x64xf32, #tpu.memory_space<vmem>>)
      %dma_wait3A_1255 = arith.constant 0 : i32
      %dma_wait3A_1256 = arith.constant 0 : i32
      %dma_wait3A_1257 = arith.constant 12 : i32
      %dma_wait3A_1258 = arith.constant 0 : i32
      %dma_wait3A_1259 = tpu.memref_slice %arg16[%dma_wait3A_1256, %dma_wait3A_1257, %dma_wait3A_1258] : memref<2x16x16xf32, #tpu.memory_space<vmem>> -> memref<1x1x16xf32, #tpu.memory_space<vmem>>
      %dma_wait3A_1260 = tpu.memref_squeeze %dma_wait3A_1259 : memref<1x1x16xf32, #tpu.memory_space<vmem>> -> memref<1x16xf32, #tpu.memory_space<vmem>>
      %dma_wait3A_1261 = arith.constant 0 : i32
      %dma_wait3A_1262 = tpu.memref_slice %arg7[%dma_wait3A_1255, %get3A_88, %dma_wait3A_1261] : memref<2x10112x16xf32, #tpu.memory_space<any>> -> memref<1x1x16xf32, #tpu.memory_space<any>>
      %dma_wait3A_1263 = tpu.memref_squeeze %dma_wait3A_1262 : memref<1x1x16xf32, #tpu.memory_space<any>> -> memref<1x16xf32, #tpu.memory_space<any>>
      tpu.wait_dma2 semaphore(%arg19 : memref<!tpu.dma_semaphore, #tpu.memory_space<semaphore_mem>>) src(%dma_wait3A_1263 : memref<1x16xf32, #tpu.memory_space<any>>) dst(%dma_wait3A_1260 : memref<1x16xf32, #tpu.memory_space<vmem>>)
      %dma_wait3A_1264 = arith.constant 1 : i32
      %dma_wait3A_1265 = arith.constant 1 : i32
      %dma_wait3A_1266 = arith.constant 12 : i32
      %dma_wait3A_1267 = arith.constant 0 : i32
      %dma_wait3A_1268 = tpu.memref_slice %arg15[%dma_wait3A_1265, %dma_wait3A_1266, %dma_wait3A_1267] : memref<2x16x64xf32, #tpu.memory_space<vmem>> -> memref<1x1x64xf32, #tpu.memory_space<vmem>>
      %dma_wait3A_1269 = tpu.memref_squeeze %dma_wait3A_1268 : memref<1x1x64xf32, #tpu.memory_space<vmem>> -> memref<1x64xf32, #tpu.memory_space<vmem>>
      %dma_wait3A_1270 = arith.constant 0 : i32
      %dma_wait3A_1271 = tpu.memref_slice %arg6[%dma_wait3A_1264, %get3A_88, %dma_wait3A_1270] : memref<2x10112x64xf32, #tpu.memory_space<any>> -> memref<1x1x64xf32, #tpu.memory_space<any>>
      %dma_wait3A_1272 = tpu.memref_squeeze %dma_wait3A_1271 : memref<1x1x64xf32, #tpu.memory_space<any>> -> memref<1x64xf32, #tpu.memory_space<any>>
      tpu.wait_dma2 semaphore(%arg18 : memref<!tpu.dma_semaphore, #tpu.memory_space<semaphore_mem>>) src(%dma_wait3A_1272 : memref<1x64xf32, #tpu.memory_space<any>>) dst(%dma_wait3A_1269 : memref<1x64xf32, #tpu.memory_space<vmem>>)
      %dma_wait3A_1273 = arith.constant 1 : i32
      %dma_wait3A_1274 = arith.constant 1 : i32
      %dma_wait3A_1275 = arith.constant 12 : i32
      %dma_wait3A_1276 = arith.constant 0 : i32
      %dma_wait3A_1277 = tpu.memref_slice %arg16[%dma_wait3A_1274, %dma_wait3A_1275, %dma_wait3A_1276] : memref<2x16x16xf32, #tpu.memory_space<vmem>> -> memref<1x1x16xf32, #tpu.memory_space<vmem>>
      %dma_wait3A_1278 = tpu.memref_squeeze %dma_wait3A_1277 : memref<1x1x16xf32, #tpu.memory_space<vmem>> -> memref<1x16xf32, #tpu.memory_space<vmem>>
      %dma_wait3A_1279 = arith.constant 0 : i32
      %dma_wait3A_1280 = tpu.memref_slice %arg7[%dma_wait3A_1273, %get3A_88, %dma_wait3A_1279] : memref<2x10112x16xf32, #tpu.memory_space<any>> -> memref<1x1x16xf32, #tpu.memory_space<any>>
      %dma_wait3A_1281 = tpu.memref_squeeze %dma_wait3A_1280 : memref<1x1x16xf32, #tpu.memory_space<any>> -> memref<1x16xf32, #tpu.memory_space<any>>
      tpu.wait_dma2 semaphore(%arg19 : memref<!tpu.dma_semaphore, #tpu.memory_space<semaphore_mem>>) src(%dma_wait3A_1281 : memref<1x16xf32, #tpu.memory_space<any>>) dst(%dma_wait3A_1278 : memref<1x16xf32, #tpu.memory_space<vmem>>)
      %dma_wait3A_1282 = arith.constant 13 : i32
      %dma_wait3A_1283 = arith.constant 0 : i32
      %dma_wait3A_1284 = tpu.memref_slice %arg14[%dma_wait3A_1282, %dma_wait3A_1283] : memref<16x64xf32, #tpu.memory_space<vmem>> -> memref<1x64xf32, #tpu.memory_space<vmem>>
      %dma_wait3A_1285 = arith.constant 0 : i32
      %dma_wait3A_1286 = tpu.memref_slice %arg5[%get3A_90, %dma_wait3A_1285] : memref<10000x64xf32, #tpu.memory_space<any>> -> memref<1x64xf32, #tpu.memory_space<any>>
      tpu.wait_dma2 semaphore(%arg17 : memref<!tpu.dma_semaphore, #tpu.memory_space<semaphore_mem>>) src(%dma_wait3A_1286 : memref<1x64xf32, #tpu.memory_space<any>>) dst(%dma_wait3A_1284 : memref<1x64xf32, #tpu.memory_space<vmem>>)
      %dma_wait3A_1287 = arith.constant 0 : i32
      %dma_wait3A_1288 = arith.constant 0 : i32
      %dma_wait3A_1289 = arith.constant 13 : i32
      %dma_wait3A_1290 = arith.constant 0 : i32
      %dma_wait3A_1291 = tpu.memref_slice %arg15[%dma_wait3A_1288, %dma_wait3A_1289, %dma_wait3A_1290] : memref<2x16x64xf32, #tpu.memory_space<vmem>> -> memref<1x1x64xf32, #tpu.memory_space<vmem>>
      %dma_wait3A_1292 = tpu.memref_squeeze %dma_wait3A_1291 : memref<1x1x64xf32, #tpu.memory_space<vmem>> -> memref<1x64xf32, #tpu.memory_space<vmem>>
      %dma_wait3A_1293 = arith.constant 0 : i32
      %dma_wait3A_1294 = tpu.memref_slice %arg6[%dma_wait3A_1287, %get3A_90, %dma_wait3A_1293] : memref<2x10112x64xf32, #tpu.memory_space<any>> -> memref<1x1x64xf32, #tpu.memory_space<any>>
      %dma_wait3A_1295 = tpu.memref_squeeze %dma_wait3A_1294 : memref<1x1x64xf32, #tpu.memory_space<any>> -> memref<1x64xf32, #tpu.memory_space<any>>
      tpu.wait_dma2 semaphore(%arg18 : memref<!tpu.dma_semaphore, #tpu.memory_space<semaphore_mem>>) src(%dma_wait3A_1295 : memref<1x64xf32, #tpu.memory_space<any>>) dst(%dma_wait3A_1292 : memref<1x64xf32, #tpu.memory_space<vmem>>)
      %dma_wait3A_1296 = arith.constant 0 : i32
      %dma_wait3A_1297 = arith.constant 0 : i32
      %dma_wait3A_1298 = arith.constant 13 : i32
      %dma_wait3A_1299 = arith.constant 0 : i32
      %dma_wait3A_1300 = tpu.memref_slice %arg16[%dma_wait3A_1297, %dma_wait3A_1298, %dma_wait3A_1299] : memref<2x16x16xf32, #tpu.memory_space<vmem>> -> memref<1x1x16xf32, #tpu.memory_space<vmem>>
      %dma_wait3A_1301 = tpu.memref_squeeze %dma_wait3A_1300 : memref<1x1x16xf32, #tpu.memory_space<vmem>> -> memref<1x16xf32, #tpu.memory_space<vmem>>
      %dma_wait3A_1302 = arith.constant 0 : i32
      %dma_wait3A_1303 = tpu.memref_slice %arg7[%dma_wait3A_1296, %get3A_90, %dma_wait3A_1302] : memref<2x10112x16xf32, #tpu.memory_space<any>> -> memref<1x1x16xf32, #tpu.memory_space<any>>
      %dma_wait3A_1304 = tpu.memref_squeeze %dma_wait3A_1303 : memref<1x1x16xf32, #tpu.memory_space<any>> -> memref<1x16xf32, #tpu.memory_space<any>>
      tpu.wait_dma2 semaphore(%arg19 : memref<!tpu.dma_semaphore, #tpu.memory_space<semaphore_mem>>) src(%dma_wait3A_1304 : memref<1x16xf32, #tpu.memory_space<any>>) dst(%dma_wait3A_1301 : memref<1x16xf32, #tpu.memory_space<vmem>>)
      %dma_wait3A_1305 = arith.constant 1 : i32
      %dma_wait3A_1306 = arith.constant 1 : i32
      %dma_wait3A_1307 = arith.constant 13 : i32
      %dma_wait3A_1308 = arith.constant 0 : i32
      %dma_wait3A_1309 = tpu.memref_slice %arg15[%dma_wait3A_1306, %dma_wait3A_1307, %dma_wait3A_1308] : memref<2x16x64xf32, #tpu.memory_space<vmem>> -> memref<1x1x64xf32, #tpu.memory_space<vmem>>
      %dma_wait3A_1310 = tpu.memref_squeeze %dma_wait3A_1309 : memref<1x1x64xf32, #tpu.memory_space<vmem>> -> memref<1x64xf32, #tpu.memory_space<vmem>>
      %dma_wait3A_1311 = arith.constant 0 : i32
      %dma_wait3A_1312 = tpu.memref_slice %arg6[%dma_wait3A_1305, %get3A_90, %dma_wait3A_1311] : memref<2x10112x64xf32, #tpu.memory_space<any>> -> memref<1x1x64xf32, #tpu.memory_space<any>>
      %dma_wait3A_1313 = tpu.memref_squeeze %dma_wait3A_1312 : memref<1x1x64xf32, #tpu.memory_space<any>> -> memref<1x64xf32, #tpu.memory_space<any>>
      tpu.wait_dma2 semaphore(%arg18 : memref<!tpu.dma_semaphore, #tpu.memory_space<semaphore_mem>>) src(%dma_wait3A_1313 : memref<1x64xf32, #tpu.memory_space<any>>) dst(%dma_wait3A_1310 : memref<1x64xf32, #tpu.memory_space<vmem>>)
      %dma_wait3A_1314 = arith.constant 1 : i32
      %dma_wait3A_1315 = arith.constant 1 : i32
      %dma_wait3A_1316 = arith.constant 13 : i32
      %dma_wait3A_1317 = arith.constant 0 : i32
      %dma_wait3A_1318 = tpu.memref_slice %arg16[%dma_wait3A_1315, %dma_wait3A_1316, %dma_wait3A_1317] : memref<2x16x16xf32, #tpu.memory_space<vmem>> -> memref<1x1x16xf32, #tpu.memory_space<vmem>>
      %dma_wait3A_1319 = tpu.memref_squeeze %dma_wait3A_1318 : memref<1x1x16xf32, #tpu.memory_space<vmem>> -> memref<1x16xf32, #tpu.memory_space<vmem>>
      %dma_wait3A_1320 = arith.constant 0 : i32
      %dma_wait3A_1321 = tpu.memref_slice %arg7[%dma_wait3A_1314, %get3A_90, %dma_wait3A_1320] : memref<2x10112x16xf32, #tpu.memory_space<any>> -> memref<1x1x16xf32, #tpu.memory_space<any>>
      %dma_wait3A_1322 = tpu.memref_squeeze %dma_wait3A_1321 : memref<1x1x16xf32, #tpu.memory_space<any>> -> memref<1x16xf32, #tpu.memory_space<any>>
      tpu.wait_dma2 semaphore(%arg19 : memref<!tpu.dma_semaphore, #tpu.memory_space<semaphore_mem>>) src(%dma_wait3A_1322 : memref<1x16xf32, #tpu.memory_space<any>>) dst(%dma_wait3A_1319 : memref<1x16xf32, #tpu.memory_space<vmem>>)
      %dma_wait3A_1323 = arith.constant 14 : i32
      %dma_wait3A_1324 = arith.constant 0 : i32
      %dma_wait3A_1325 = tpu.memref_slice %arg14[%dma_wait3A_1323, %dma_wait3A_1324] : memref<16x64xf32, #tpu.memory_space<vmem>> -> memref<1x64xf32, #tpu.memory_space<vmem>>
      %dma_wait3A_1326 = arith.constant 0 : i32
      %dma_wait3A_1327 = tpu.memref_slice %arg5[%get3A_92, %dma_wait3A_1326] : memref<10000x64xf32, #tpu.memory_space<any>> -> memref<1x64xf32, #tpu.memory_space<any>>
      tpu.wait_dma2 semaphore(%arg17 : memref<!tpu.dma_semaphore, #tpu.memory_space<semaphore_mem>>) src(%dma_wait3A_1327 : memref<1x64xf32, #tpu.memory_space<any>>) dst(%dma_wait3A_1325 : memref<1x64xf32, #tpu.memory_space<vmem>>)
      %dma_wait3A_1328 = arith.constant 0 : i32
      %dma_wait3A_1329 = arith.constant 0 : i32
      %dma_wait3A_1330 = arith.constant 14 : i32
      %dma_wait3A_1331 = arith.constant 0 : i32
      %dma_wait3A_1332 = tpu.memref_slice %arg15[%dma_wait3A_1329, %dma_wait3A_1330, %dma_wait3A_1331] : memref<2x16x64xf32, #tpu.memory_space<vmem>> -> memref<1x1x64xf32, #tpu.memory_space<vmem>>
      %dma_wait3A_1333 = tpu.memref_squeeze %dma_wait3A_1332 : memref<1x1x64xf32, #tpu.memory_space<vmem>> -> memref<1x64xf32, #tpu.memory_space<vmem>>
      %dma_wait3A_1334 = arith.constant 0 : i32
      %dma_wait3A_1335 = tpu.memref_slice %arg6[%dma_wait3A_1328, %get3A_92, %dma_wait3A_1334] : memref<2x10112x64xf32, #tpu.memory_space<any>> -> memref<1x1x64xf32, #tpu.memory_space<any>>
      %dma_wait3A_1336 = tpu.memref_squeeze %dma_wait3A_1335 : memref<1x1x64xf32, #tpu.memory_space<any>> -> memref<1x64xf32, #tpu.memory_space<any>>
      tpu.wait_dma2 semaphore(%arg18 : memref<!tpu.dma_semaphore, #tpu.memory_space<semaphore_mem>>) src(%dma_wait3A_1336 : memref<1x64xf32, #tpu.memory_space<any>>) dst(%dma_wait3A_1333 : memref<1x64xf32, #tpu.memory_space<vmem>>)
      %dma_wait3A_1337 = arith.constant 0 : i32
      %dma_wait3A_1338 = arith.constant 0 : i32
      %dma_wait3A_1339 = arith.constant 14 : i32
      %dma_wait3A_1340 = arith.constant 0 : i32
      %dma_wait3A_1341 = tpu.memref_slice %arg16[%dma_wait3A_1338, %dma_wait3A_1339, %dma_wait3A_1340] : memref<2x16x16xf32, #tpu.memory_space<vmem>> -> memref<1x1x16xf32, #tpu.memory_space<vmem>>
      %dma_wait3A_1342 = tpu.memref_squeeze %dma_wait3A_1341 : memref<1x1x16xf32, #tpu.memory_space<vmem>> -> memref<1x16xf32, #tpu.memory_space<vmem>>
      %dma_wait3A_1343 = arith.constant 0 : i32
      %dma_wait3A_1344 = tpu.memref_slice %arg7[%dma_wait3A_1337, %get3A_92, %dma_wait3A_1343] : memref<2x10112x16xf32, #tpu.memory_space<any>> -> memref<1x1x16xf32, #tpu.memory_space<any>>
      %dma_wait3A_1345 = tpu.memref_squeeze %dma_wait3A_1344 : memref<1x1x16xf32, #tpu.memory_space<any>> -> memref<1x16xf32, #tpu.memory_space<any>>
      tpu.wait_dma2 semaphore(%arg19 : memref<!tpu.dma_semaphore, #tpu.memory_space<semaphore_mem>>) src(%dma_wait3A_1345 : memref<1x16xf32, #tpu.memory_space<any>>) dst(%dma_wait3A_1342 : memref<1x16xf32, #tpu.memory_space<vmem>>)
      %dma_wait3A_1346 = arith.constant 1 : i32
      %dma_wait3A_1347 = arith.constant 1 : i32
      %dma_wait3A_1348 = arith.constant 14 : i32
      %dma_wait3A_1349 = arith.constant 0 : i32
      %dma_wait3A_1350 = tpu.memref_slice %arg15[%dma_wait3A_1347, %dma_wait3A_1348, %dma_wait3A_1349] : memref<2x16x64xf32, #tpu.memory_space<vmem>> -> memref<1x1x64xf32, #tpu.memory_space<vmem>>
      %dma_wait3A_1351 = tpu.memref_squeeze %dma_wait3A_1350 : memref<1x1x64xf32, #tpu.memory_space<vmem>> -> memref<1x64xf32, #tpu.memory_space<vmem>>
      %dma_wait3A_1352 = arith.constant 0 : i32
      %dma_wait3A_1353 = tpu.memref_slice %arg6[%dma_wait3A_1346, %get3A_92, %dma_wait3A_1352] : memref<2x10112x64xf32, #tpu.memory_space<any>> -> memref<1x1x64xf32, #tpu.memory_space<any>>
      %dma_wait3A_1354 = tpu.memref_squeeze %dma_wait3A_1353 : memref<1x1x64xf32, #tpu.memory_space<any>> -> memref<1x64xf32, #tpu.memory_space<any>>
      tpu.wait_dma2 semaphore(%arg18 : memref<!tpu.dma_semaphore, #tpu.memory_space<semaphore_mem>>) src(%dma_wait3A_1354 : memref<1x64xf32, #tpu.memory_space<any>>) dst(%dma_wait3A_1351 : memref<1x64xf32, #tpu.memory_space<vmem>>)
      %dma_wait3A_1355 = arith.constant 1 : i32
      %dma_wait3A_1356 = arith.constant 1 : i32
      %dma_wait3A_1357 = arith.constant 14 : i32
      %dma_wait3A_1358 = arith.constant 0 : i32
      %dma_wait3A_1359 = tpu.memref_slice %arg16[%dma_wait3A_1356, %dma_wait3A_1357, %dma_wait3A_1358] : memref<2x16x16xf32, #tpu.memory_space<vmem>> -> memref<1x1x16xf32, #tpu.memory_space<vmem>>
      %dma_wait3A_1360 = tpu.memref_squeeze %dma_wait3A_1359 : memref<1x1x16xf32, #tpu.memory_space<vmem>> -> memref<1x16xf32, #tpu.memory_space<vmem>>
      %dma_wait3A_1361 = arith.constant 0 : i32
      %dma_wait3A_1362 = tpu.memref_slice %arg7[%dma_wait3A_1355, %get3A_92, %dma_wait3A_1361] : memref<2x10112x16xf32, #tpu.memory_space<any>> -> memref<1x1x16xf32, #tpu.memory_space<any>>
      %dma_wait3A_1363 = tpu.memref_squeeze %dma_wait3A_1362 : memref<1x1x16xf32, #tpu.memory_space<any>> -> memref<1x16xf32, #tpu.memory_space<any>>
      tpu.wait_dma2 semaphore(%arg19 : memref<!tpu.dma_semaphore, #tpu.memory_space<semaphore_mem>>) src(%dma_wait3A_1363 : memref<1x16xf32, #tpu.memory_space<any>>) dst(%dma_wait3A_1360 : memref<1x16xf32, #tpu.memory_space<vmem>>)
      %dma_wait3A_1364 = arith.constant 15 : i32
      %dma_wait3A_1365 = arith.constant 0 : i32
      %dma_wait3A_1366 = tpu.memref_slice %arg14[%dma_wait3A_1364, %dma_wait3A_1365] : memref<16x64xf32, #tpu.memory_space<vmem>> -> memref<1x64xf32, #tpu.memory_space<vmem>>
      %dma_wait3A_1367 = arith.constant 0 : i32
      %dma_wait3A_1368 = tpu.memref_slice %arg5[%get3A_94, %dma_wait3A_1367] : memref<10000x64xf32, #tpu.memory_space<any>> -> memref<1x64xf32, #tpu.memory_space<any>>
      tpu.wait_dma2 semaphore(%arg17 : memref<!tpu.dma_semaphore, #tpu.memory_space<semaphore_mem>>) src(%dma_wait3A_1368 : memref<1x64xf32, #tpu.memory_space<any>>) dst(%dma_wait3A_1366 : memref<1x64xf32, #tpu.memory_space<vmem>>)
      %dma_wait3A_1369 = arith.constant 0 : i32
      %dma_wait3A_1370 = arith.constant 0 : i32
      %dma_wait3A_1371 = arith.constant 15 : i32
      %dma_wait3A_1372 = arith.constant 0 : i32
      %dma_wait3A_1373 = tpu.memref_slice %arg15[%dma_wait3A_1370, %dma_wait3A_1371, %dma_wait3A_1372] : memref<2x16x64xf32, #tpu.memory_space<vmem>> -> memref<1x1x64xf32, #tpu.memory_space<vmem>>
      %dma_wait3A_1374 = tpu.memref_squeeze %dma_wait3A_1373 : memref<1x1x64xf32, #tpu.memory_space<vmem>> -> memref<1x64xf32, #tpu.memory_space<vmem>>
      %dma_wait3A_1375 = arith.constant 0 : i32
      %dma_wait3A_1376 = tpu.memref_slice %arg6[%dma_wait3A_1369, %get3A_94, %dma_wait3A_1375] : memref<2x10112x64xf32, #tpu.memory_space<any>> -> memref<1x1x64xf32, #tpu.memory_space<any>>
      %dma_wait3A_1377 = tpu.memref_squeeze %dma_wait3A_1376 : memref<1x1x64xf32, #tpu.memory_space<any>> -> memref<1x64xf32, #tpu.memory_space<any>>
      tpu.wait_dma2 semaphore(%arg18 : memref<!tpu.dma_semaphore, #tpu.memory_space<semaphore_mem>>) src(%dma_wait3A_1377 : memref<1x64xf32, #tpu.memory_space<any>>) dst(%dma_wait3A_1374 : memref<1x64xf32, #tpu.memory_space<vmem>>)
      %dma_wait3A_1378 = arith.constant 0 : i32
      %dma_wait3A_1379 = arith.constant 0 : i32
      %dma_wait3A_1380 = arith.constant 15 : i32
      %dma_wait3A_1381 = arith.constant 0 : i32
      %dma_wait3A_1382 = tpu.memref_slice %arg16[%dma_wait3A_1379, %dma_wait3A_1380, %dma_wait3A_1381] : memref<2x16x16xf32, #tpu.memory_space<vmem>> -> memref<1x1x16xf32, #tpu.memory_space<vmem>>
      %dma_wait3A_1383 = tpu.memref_squeeze %dma_wait3A_1382 : memref<1x1x16xf32, #tpu.memory_space<vmem>> -> memref<1x16xf32, #tpu.memory_space<vmem>>
      %dma_wait3A_1384 = arith.constant 0 : i32
      %dma_wait3A_1385 = tpu.memref_slice %arg7[%dma_wait3A_1378, %get3A_94, %dma_wait3A_1384] : memref<2x10112x16xf32, #tpu.memory_space<any>> -> memref<1x1x16xf32, #tpu.memory_space<any>>
      %dma_wait3A_1386 = tpu.memref_squeeze %dma_wait3A_1385 : memref<1x1x16xf32, #tpu.memory_space<any>> -> memref<1x16xf32, #tpu.memory_space<any>>
      tpu.wait_dma2 semaphore(%arg19 : memref<!tpu.dma_semaphore, #tpu.memory_space<semaphore_mem>>) src(%dma_wait3A_1386 : memref<1x16xf32, #tpu.memory_space<any>>) dst(%dma_wait3A_1383 : memref<1x16xf32, #tpu.memory_space<vmem>>)
      %dma_wait3A_1387 = arith.constant 1 : i32
      %dma_wait3A_1388 = arith.constant 1 : i32
      %dma_wait3A_1389 = arith.constant 15 : i32
      %dma_wait3A_1390 = arith.constant 0 : i32
      %dma_wait3A_1391 = tpu.memref_slice %arg15[%dma_wait3A_1388, %dma_wait3A_1389, %dma_wait3A_1390] : memref<2x16x64xf32, #tpu.memory_space<vmem>> -> memref<1x1x64xf32, #tpu.memory_space<vmem>>
      %dma_wait3A_1392 = tpu.memref_squeeze %dma_wait3A_1391 : memref<1x1x64xf32, #tpu.memory_space<vmem>> -> memref<1x64xf32, #tpu.memory_space<vmem>>
      %dma_wait3A_1393 = arith.constant 0 : i32
      %dma_wait3A_1394 = tpu.memref_slice %arg6[%dma_wait3A_1387, %get3A_94, %dma_wait3A_1393] : memref<2x10112x64xf32, #tpu.memory_space<any>> -> memref<1x1x64xf32, #tpu.memory_space<any>>
      %dma_wait3A_1395 = tpu.memref_squeeze %dma_wait3A_1394 : memref<1x1x64xf32, #tpu.memory_space<any>> -> memref<1x64xf32, #tpu.memory_space<any>>
      tpu.wait_dma2 semaphore(%arg18 : memref<!tpu.dma_semaphore, #tpu.memory_space<semaphore_mem>>) src(%dma_wait3A_1395 : memref<1x64xf32, #tpu.memory_space<any>>) dst(%dma_wait3A_1392 : memref<1x64xf32, #tpu.memory_space<vmem>>)
      %dma_wait3A_1396 = arith.constant 1 : i32
      %dma_wait3A_1397 = arith.constant 1 : i32
      %dma_wait3A_1398 = arith.constant 15 : i32
      %dma_wait3A_1399 = arith.constant 0 : i32
      %dma_wait3A_1400 = tpu.memref_slice %arg16[%dma_wait3A_1397, %dma_wait3A_1398, %dma_wait3A_1399] : memref<2x16x16xf32, #tpu.memory_space<vmem>> -> memref<1x1x16xf32, #tpu.memory_space<vmem>>
      %dma_wait3A_1401 = tpu.memref_squeeze %dma_wait3A_1400 : memref<1x1x16xf32, #tpu.memory_space<vmem>> -> memref<1x16xf32, #tpu.memory_space<vmem>>
      %dma_wait3A_1402 = arith.constant 0 : i32
      %dma_wait3A_1403 = tpu.memref_slice %arg7[%dma_wait3A_1396, %get3A_94, %dma_wait3A_1402] : memref<2x10112x16xf32, #tpu.memory_space<any>> -> memref<1x1x16xf32, #tpu.memory_space<any>>
      %dma_wait3A_1404 = tpu.memref_squeeze %dma_wait3A_1403 : memref<1x1x16xf32, #tpu.memory_space<any>> -> memref<1x16xf32, #tpu.memory_space<any>>
      tpu.wait_dma2 semaphore(%arg19 : memref<!tpu.dma_semaphore, #tpu.memory_space<semaphore_mem>>) src(%dma_wait3A_1404 : memref<1x16xf32, #tpu.memory_space<any>>) dst(%dma_wait3A_1401 : memref<1x16xf32, #tpu.memory_space<vmem>>)
      %get3A_1405 = arith.constant 0 : index
      %get3A_1406 = arith.constant 0 : index
      %get3A_1407 = arith.constant 0 : index
      %get3A_1408 = vector.load %arg15[%get3A_1405, %get3A_1406, %get3A_1407] : memref<2x16x64xf32, #tpu.memory_space<vmem>>, vector<1x16x64xf32>
      %get3A_1409 = vector.shape_cast %get3A_1408 : vector<1x16x64xf32> to vector<16x64xf32>
      %get3A_1410 = arith.constant 1 : index
      %get3A_1411 = arith.constant 0 : index
      %get3A_1412 = arith.constant 0 : index
      %get3A_1413 = vector.load %arg15[%get3A_1410, %get3A_1411, %get3A_1412] : memref<2x16x64xf32, #tpu.memory_space<vmem>>, vector<1x16x64xf32>
      %get3A_1414 = vector.shape_cast %get3A_1413 : vector<1x16x64xf32> to vector<16x64xf32>
      %add3A_1415 = arith.addf %get3A_1409, %get3A_1414 : vector<16x64xf32>
      %get3A_1416 = arith.constant 0 : index
      %get3A_1417 = arith.constant 0 : index
      %get3A_1418 = arith.constant 0 : index
      %get3A_1419 = vector.load %arg16[%get3A_1416, %get3A_1417, %get3A_1418] : memref<2x16x16xf32, #tpu.memory_space<vmem>>, vector<1x16x1xf32>
      %get3A_1420 = vector.shape_cast %get3A_1419 : vector<1x16x1xf32> to vector<16x1xf32>
      %get3A_1421 = arith.constant 1 : index
      %get3A_1422 = arith.constant 0 : index
      %get3A_1423 = arith.constant 0 : index
      %get3A_1424 = vector.load %arg16[%get3A_1421, %get3A_1422, %get3A_1423] : memref<2x16x16xf32, #tpu.memory_space<vmem>>, vector<1x16x1xf32>
      %get3A_1425 = vector.shape_cast %get3A_1424 : vector<1x16x1xf32> to vector<16x1xf32>
      %add3A_1426 = arith.addf %get3A_1420, %get3A_1425 : vector<16x1xf32>
      %get3A_1427 = arith.constant 0 : index
      %get3A_1428 = arith.constant 0 : index
      %get3A_1429 = vector.load %arg14[%get3A_1427, %get3A_1428] : memref<16x64xf32, #tpu.memory_space<vmem>>, vector<16x64xf32>
      %max3A_1430 = arith.constant 1.000000e+00 : f32
      %max3A_1431 = vector.broadcast %max3A_1430 : f32 to vector<16x1xf32>
      %max3A_1432 = arith.maximumf %add3A_1426, %max3A_1431 : vector<16x1xf32>
      %div3A_1433 = arith.constant 1.000000e+00 : f32
      %div3A_1434 = vector.broadcast %div3A_1433 : f32 to vector<16x1xf32>
      %div3A_1435 = arith.divf %div3A_1434, %max3A_1432 : vector<16x1xf32>
      %mul3A_1436 = vector.broadcast %div3A_1435 : vector<16x1xf32> to vector<16x64xf32>
      %mul3A_1437 = arith.mulf %add3A_1415, %mul3A_1436 : vector<16x64xf32>
      %add3A_1438 = arith.addf %get3A_1429, %mul3A_1437 : vector<16x64xf32>
      %max3A_1439 = arith.constant 0.000000e+00 : f32
      %max3A_1440 = vector.broadcast %max3A_1439 : f32 to vector<16x64xf32>
      %max3A_1441 = arith.maximumf %add3A_1438, %max3A_1440 : vector<16x64xf32>
      %swap3A_1442 = arith.constant 0 : index
      %swap3A_1443 = arith.constant 0 : index
      %swap3A_1444 = vector.load %arg13[%swap3A_1442, %swap3A_1443] : memref<16x64xf32, #tpu.memory_space<vmem>>, vector<16x64xf32>
      tpu.vector_store %arg13[%swap3A_1442, %swap3A_1443], %max3A_1441 {strides = array<i32>} : memref<16x64xf32, #tpu.memory_space<vmem>>, vector<16x64xf32>,
    } else {
    }
    %get3A = arith.constant 0 : index
    %get3A_2 = arith.constant 0 : index
    %get3A_3 = arith.constant 0 : index
    %get3A_4 = vector.load %arg3[%get3A, %get3A_2, %get3A_3] : memref<2x1000x64xf32, #tpu.memory_space<vmem>>, vector<1x1000x64xf32>
    %get3A_5 = vector.shape_cast %get3A_4 : vector<1x1000x64xf32> to vector<1000x64xf32>
    %get3A_6 = arith.constant 1 : index
    %get3A_7 = arith.constant 0 : index
    %get3A_8 = arith.constant 0 : index
    %get3A_9 = vector.load %arg3[%get3A_6, %get3A_7, %get3A_8] : memref<2x1000x64xf32, #tpu.memory_space<vmem>>, vector<1x1000x64xf32>
    %get3A_10 = vector.shape_cast %get3A_9 : vector<1x1000x64xf32> to vector<1000x64xf32>
    %add3A = arith.addf %get3A_5, %get3A_10 : vector<1000x64xf32>
    %get3A_11 = arith.constant 0 : index
    %get3A_12 = arith.constant 0 : index
    %get3A_13 = arith.constant 0 : index
    %get3A_14 = vector.load %arg4[%get3A_11, %get3A_12, %get3A_13] : memref<2x1000x16xf32, #tpu.memory_space<vmem>>, vector<1x1000x1xf32>
    %get3A_15 = vector.shape_cast %get3A_14 : vector<1x1000x1xf32> to vector<1000x1xf32>
    %get3A_16 = arith.constant 1 : index
    %get3A_17 = arith.constant 0 : index
    %get3A_18 = arith.constant 0 : index
    %get3A_19 = vector.load %arg4[%get3A_16, %get3A_17, %get3A_18] : memref<2x1000x16xf32, #tpu.memory_space<vmem>>, vector<1x1000x1xf32>
    %get3A_20 = vector.shape_cast %get3A_19 : vector<1x1000x1xf32> to vector<1000x1xf32>
    %add3A_21 = arith.addf %get3A_15, %get3A_20 : vector<1000x1xf32>
    %get3A_22 = arith.constant 0 : index
    %get3A_23 = arith.constant 0 : index
    %get3A_24 = vector.load %arg2[%get3A_22, %get3A_23] : memref<1000x64xf32, #tpu.memory_space<vmem>>, vector<1000x64xf32>
    %max3A = arith.constant 1.000000e+00 : f32
    %max3A_25 = vector.broadcast %max3A : f32 to vector<1000x1xf32>
    %max3A_26 = arith.maximumf %add3A_21, %max3A_25 : vector<1000x1xf32>
    %div3A = arith.constant 1.000000e+00 : f32
    %div3A_27 = vector.broadcast %div3A : f32 to vector<1000x1xf32>
    %div3A_28 = arith.divf %div3A_27, %max3A_26 : vector<1000x1xf32>
    %mul3A = vector.broadcast %div3A_28 : vector<1000x1xf32> to vector<1000x64xf32>
    %mul3A_29 = arith.mulf %add3A, %mul3A : vector<1000x64xf32>
    %add3A_30 = arith.addf %get3A_24, %mul3A_29 : vector<1000x64xf32>
    %max3A_31 = arith.constant 0.000000e+00 : f32
    %max3A_32 = vector.broadcast %max3A_31 : f32 to vector<1000x64xf32>
    %max3A_33 = arith.maximumf %add3A_30, %max3A_32 : vector<1000x64xf32>
    %get3A_34 = arith.constant 0 : index
    %get3A_35 = arith.constant 0 : index
    %get3A_36 = vector.load %arg8[%get3A_34, %get3A_35] : memref<64x128xf32, #tpu.memory_space<vmem>>, vector<64x128xf32>
    %dot_general3A = arith.constant dense<0.000000e+00> : vector<1000x128xf32>
    %dot_general3A_37 = tpu.matmul %max3A_33, %get3A_36, %dot_general3A {dimension_numbers = #tpu.dot_dimension_numbers<[1], [0], [0], [1], [0, 0, 1, 1], [], []>, transpose_lhs_hint = false} : vector<1000x64xf32>, vector<64x128xf32>, vector<1000x128xf32> -> vector<1000x128xf32>
    %get3A_38 = arith.constant 0 : index
    %get3A_39 = arith.constant 0 : index
    %get3A_40 = vector.load %arg9[%get3A_38, %get3A_39] : memref<1x128xf32, #tpu.memory_space<vmem>>, vector<1x128xf32>
    %add3A_41 = vector.broadcast %get3A_40 : vector<1x128xf32> to vector<1000x128xf32>
    %add3A_42 = arith.addf %dot_general3A_37, %add3A_41 : vector<1000x128xf32>
    %max3A_43 = arith.constant 0.000000e+00 : f32
    %max3A_44 = vector.broadcast %max3A_43 : f32 to vector<1000x128xf32>
    %max3A_45 = arith.maximumf %add3A_42, %max3A_44 : vector<1000x128xf32>
    %get3A_46 = arith.constant 0 : index
    %get3A_47 = arith.constant 0 : index
    %get3A_48 = vector.load %arg10[%get3A_46, %get3A_47] : memref<128x64xf32, #tpu.memory_space<vmem>>, vector<128x64xf32>
    %dot_general3A_49 = arith.constant dense<0.000000e+00> : vector<1000x64xf32>
    %dot_general3A_50 = tpu.matmul %max3A_45, %get3A_48, %dot_general3A_49 {dimension_numbers = #tpu.dot_dimension_numbers<[1], [0], [0], [1], [0, 0, 1, 1], [], []>, transpose_lhs_hint = false} : vector<1000x128xf32>, vector<128x64xf32>, vector<1000x64xf32> -> vector<1000x64xf32>
    %get3A_51 = arith.constant 0 : index
    %get3A_52 = arith.constant 0 : index
    %get3A_53 = vector.load %arg11[%get3A_51, %get3A_52] : memref<1x64xf32, #tpu.memory_space<vmem>>, vector<1x64xf32>
    %add3A_54 = vector.broadcast %get3A_53 : vector<1x64xf32> to vector<1000x64xf32>
    %add3A_55 = arith.addf %dot_general3A_50, %add3A_54 : vector<1000x64xf32>
    %get3A_56 = arith.constant 0 : index
    %get3A_57 = arith.constant 0 : index
    %get3A_58 = vector.load %arg13[%get3A_56, %get3A_57] : memref<16x64xf32, #tpu.memory_space<vmem>>, vector<16x64xf32>
    %dot_general3A_59 = arith.constant dense<0.000000e+00> : vector<1000x16xf32>
    %dot_general3A_60 = tpu.matmul %add3A_55, %get3A_58, %dot_general3A_59 {dimension_numbers = #tpu.dot_dimension_numbers<[1], [1], [0], [0], [0, 0, 1, 0], [], []>, transpose_lhs_hint = false} : vector<1000x64xf32>, vector<16x64xf32>, vector<1000x16xf32> -> vector<1000x16xf32>
    %swap3A = arith.constant 0 : index
    %swap3A_61 = arith.constant 0 : index
    %swap3A_62 = vector.load %arg12[%swap3A, %swap3A_61] : memref<1000x16xf32, #tpu.memory_space<vmem>>, vector<1000x16xf32>
    tpu.vector_store %arg12[%swap3A, %swap3A_61], %dot_general3A_60 {strides = array<i32>} : memref<1000x16xf32, #tpu.memory_space<vmem>>, vector<1000x16xf32>,
    return
  }
  func.func @transform_0(%arg0: i32) -> i32 {
    %c0_i32 = arith.constant 0 : i32
    %c0_i32_0 = arith.constant 0 : i32
    return %c0_i32 : i32
  }
  func.func @transform_1(%arg0: i32) -> (i32, i32) {
    %c0_i32 = arith.constant 0 : i32
    %c0_i32_0 = arith.constant 0 : i32
    return %arg0, %c0_i32 : i32, i32
  }
  func.func @transform_2(%arg0: i32) -> (i32, i32, i32) {
    %c0_i32 = arith.constant 0 : i32
    %c0_i32_0 = arith.constant 0 : i32
    %c0_i32_1 = arith.constant 0 : i32
    return %c0_i32, %arg0, %c0_i32_0 : i32, i32, i32
  }
  func.func @transform_3(%arg0: i32) -> (i32, i32, i32) {
    %c0_i32 = arith.constant 0 : i32
    %c0_i32_0 = arith.constant 0 : i32
    %c0_i32_1 = arith.constant 0 : i32
    return %c0_i32, %arg0, %c0_i32_0 : i32, i32, i32
  }
  func.func @transform_7(%arg0: i32) -> (i32, i32) {
    %c0_i32 = arith.constant 0 : i32
    %c0_i32_0 = arith.constant 0 : i32
    %c0_i32_1 = arith.constant 0 : i32
    return %c0_i32, %c0_i32_0 : i32, i32
  }
  func.func @transform_8(%arg0: i32) -> (i32, i32) {
    %c0_i32 = arith.constant 0 : i32
    %c0_i32_0 = arith.constant 0 : i32
    %c0_i32_1 = arith.constant 0 : i32
    return %c0_i32, %c0_i32_0 : i32, i32
  }
  func.func @transform_9(%arg0: i32) -> (i32, i32) {
    %c0_i32 = arith.constant 0 : i32
    %c0_i32_0 = arith.constant 0 : i32
    %c0_i32_1 = arith.constant 0 : i32
    return %c0_i32, %c0_i32_0 : i32, i32
  }
  func.func @transform_10(%arg0: i32) -> (i32, i32) {
    %c0_i32 = arith.constant 0 : i32
    %c0_i32_0 = arith.constant 0 : i32
    %c0_i32_1 = arith.constant 0 : i32
    return %c0_i32, %c0_i32_0 : i32, i32
  }
  func.func @transform_11(%arg0: i32) -> (i32, i32) {
    %c0_i32 = arith.constant 0 : i32
    %c0_i32_0 = arith.constant 0 : i32
    return %arg0, %c0_i32 : i32, i32
  }
}

</mosaic_0001>

<sc_bundles>
// kernel: kernel.11.cloned.1.call-start
scs
__scs_entry_jumppad:
0x0: {  	(pc) =	sbr.rel $0x88, $3  }
0x1: {  	(tag) =	ssettag $0x0;
	lr =	simm.s32 $0x1  }
0x2: {  	[smem:$0x3F94] =	sst lr;
	_ =	strace $0xD0000000  }
0x3: {  	_ = 	snop  }
0x4: {  	_ = 	snop  }
0x5: {  	_ = 	snop  }
0x6: {  	_ = 	snop  }
0x7: {  	_ = 	snop  }
__scs_overlays_trampoline_lowered:
0x8: {  	[smem:$0x3FA3] =	sst s0  }
0x9: {  	[smem:$0x3FA4] =	sst s1  }
0xa: {  	[smem:$0x3FA5] =	sst s2  }
0xb: {  	[smem:$0x3FA6] =	sst s3  }
0xc: {  	[smem:$0x3FA7] =	sst s4  }
0xd: {  	[smem:$0x3FA8] =	sst s5  }
0xe: {  	[smem:$0x3FA9] =	sst s6  }
0xf: {  	[smem:$0x3FAA] =	sst s7  }
0x10: {  	[smem:$0x3FAB] =	sst s8  }
0x11: {  	[smem:$0x3FAC] =	sst s9;
	s0 =	simm.s32 @!p0 $0x0  }
0x12: {  	s1 =	sld [smem:$0x3F92];
	s0 =	simm.s32 @p0 $0x1  }
0x13: {  	[smem:$0x3FAD] =	sst s0;
	s0 =	simm.s32 @!p1 $0x0  }
0x14: {  	s2 =	sld [smem:$0x3F91];
	s0 =	simm.s32 @p1 $0x1  }
0x15: {  	[smem:$0x3FAE] =	sst s0;
	s0 =	simm.s32 @!p2 $0x0  }
0x16: {  	s3 =	sld [smem:$0x3FDB];
	s0 =	simm.s32 @p2 $0x1  }
0x17: {  	s4 =	simm.s32 $0x1BF5;
	[smem:$0x3FB0] =	sst s0  }
0x18: {  	s0 =	sld [smem:$0x3F93];
	_ =	swait.ge [sflag:s4], $0x0  }
0x19: {  	s7 =	sld [smem:$0x3F94]  }
0x1a: {  	s8 =	sadd.s32 $0xFFFFE003, lr  }
0x1b: {  	s9 =	sadd.s32 $0xFFFFFEF7, lr;
	s5 =	simm.s32 $0xFFFFFFFF;
	p2 =	slt.u32 s8, $0xFFFFF086  }
0x1c: {  	p1 =	slt.u32 s9, $0xF7A;
	s5 =	simm.s32 @!p2 $0x0  }
0x1d: {  	s5 =	simm.s32 @p1 $0x1;
	p0 =	seq.s32 s7, s2  }
0x1e: {  	s7 =	smul.u32 @!p0 $0xF7A, s2;
	p2 =	seq.s32 @!p0 s5, $0x0  }
0x1f: {  	s9 =	smul.u32 $0xF7A, s1;
	s8 =	simm.s32 @!p0 $0x1BF5;
	p2 =	por !p2, p0  }
0x20: {  	[sflag:s8] =	ssyncset.s32 @!p0 $0xFFFFF086;
	s6 =	sadd.s32 @!p0 s3, s7;
	s7 =	simm.s32 @!p0 $0x108  }
0x21: {  	s3 =	sadd.s32 s3, s9;
	s6 =	sadd.s32 @!p0 $0x88, s6;
	s7 =	simm.s32 @p2 $0x1082  }
0x22: {  	[simem:s7], [sflag:s8] =	dma.local @!p0 [hbm:s6], $0xF7A  }
0x23: {  	s9 =	sor.u32 $0xD0000000, s2;
	s6 =	simm.s32 $0x108;
	_ =	swait.ge @!p0 [sflag:s8], $0x0  }
0x24: {  	s3 =	sadd.s32 $0x88, s3;
	s6 =	simm.s32 @!p1 $0x1082;
	[sflag:s4] =	ssyncset.s32 $0xFFFFF086  }
0x25: {  	[simem:s6], [sflag:s4] =	dma.local [hbm:s3], $0xF7A  }
0x26: {  	[smem:$0x3F94] =	sst s1;
	(tag) =	ssettag s2;
	_ =	strace s9  }
0x27: {  	s1 =	sld [smem:$0x3FA4]  }
0x28: {  	s2 =	sld [smem:$0x3FA5]  }
0x29: {  	s4 =	sld [smem:$0x3FA7]  }
0x2a: {  	p0 =	seq.s32 s5, $0x0;
	s5 =	sld [smem:$0x3FA8]  }
0x2b: {  	s6 =	sld [smem:$0x3FA9]  }
0x2c: {  	s7 =	sld [smem:$0x3FAA]  }
0x2d: {  	s3 =	simm.s32 $0x108;
	s8 =	sld [smem:$0x3FAB]  }
0x2e: {  	s3 =	simm.s32 @!p0 $0x1082;
	s9 =	sld [smem:$0x3FAC]  }
0x2f: {  	lr =	sadd.s32 s0, s3;
	s0 =	sld [smem:$0x3FA3]  }
0x30: {  	s3 =	sld [smem:$0x3FA6]  }
0x31: {  	[smem:$0x3FAF] =	sst s10  }
0x32: {  	s10 =	sld [smem:$0x3FAD];
	_ =	sdelay $0x3  }
0x33: {  	p0 =	seq.s32 s10, $0x1;
	s10 =	sld [smem:$0x3FAF];
	_ =	sdelay $0x3  }
0x34: {  	[smem:$0x3FAF] =	sst s10  }
0x35: {  	s10 =	sld [smem:$0x3FAE];
	_ =	sdelay $0x3  }
0x36: {  	p1 =	seq.s32 s10, $0x1;
	s10 =	sld [smem:$0x3FAF];
	_ =	sdelay $0x3  }
0x37: {  	[smem:$0x3FAF] =	sst s10  }
0x38: {  	s10 =	sld [smem:$0x3FB0]  }
0x39: {  	_ = 	snop;
	(pc) =	sbr.ind lr, $3  }
0x3a: {  	_ = 	snop  }
0x3b: {  	_ = 	snop  }
0x3c: {  	p2 =	seq.s32 s10, $0x1;
	s10 =	sld [smem:$0x3FAF]  }
0x3d: {  	_ =	shalt  }
0x3e: {  	_ =	shalt  }
0x3f: {  	_ =	shalt  }
0x40: {  	_ =	shalt  }
0x41: {  	_ =	shalt  }
0x42: {  	_ =	shalt  }
0x43: {  	_ =	shalt  }
0x44: {  	_ =	shalt  }
0x45: {  	_ =	shalt  }
0x46: {  	_ =	shalt  }
0x47: {  	_ =	shalt  }
0x48: {  	_ =	shalt  }
0x49: {  	_ =	shalt  }
0x4a: {  	_ =	shalt  }
0x4b: {  	_ =	shalt  }
0x4c: {  	_ =	shalt  }
0x4d: {  	_ =	shalt  }
0x4e: {  	_ =	shalt  }
0x4f: {  	_ =	shalt  }
0x50: {  	_ =	shalt  }
0x51: {  	_ =	shalt  }
0x52: {  	_ =	shalt  }
0x53: {  	_ =	shalt  }
0x54: {  	_ =	shalt  }
0x55: {  	_ =	shalt  }
0x56: {  	_ =	shalt  }
0x57: {  	_ =	shalt  }
0x58: {  	_ =	shalt  }
0x59: {  	_ =	shalt  }
0x5a: {  	_ =	shalt  }
0x5b: {  	_ =	shalt  }
0x5c: {  	_ =	shalt  }
0x5d: {  	_ =	shalt  }
0x5e: {  	_ =	shalt  }
0x5f: {  	_ =	shalt  }
0x60: {  	_ =	shalt  }
0x61: {  	_ =	shalt  }
0x62: {  	_ =	shalt  }
0x63: {  	_ =	shalt  }
0x64: {  	_ =	shalt  }
0x65: {  	_ =	shalt  }
0x66: {  	_ =	shalt  }
0x67: {  	_ =	shalt  }
0x68: {  	_ =	shalt  }
0x69: {  	_ =	shalt  }
0x6a: {  	_ =	shalt  }
0x6b: {  	_ =	shalt  }
0x6c: {  	_ =	shalt  }
0x6d: {  	_ =	shalt  }
0x6e: {  	_ =	shalt  }
0x6f: {  	_ =	shalt  }
0x70: {  	_ =	shalt  }
0x71: {  	_ =	shalt  }
0x72: {  	_ =	shalt  }
0x73: {  	_ =	shalt  }
0x74: {  	_ =	shalt  }
0x75: {  	_ =	shalt  }
0x76: {  	_ =	shalt  }
0x77: {  	_ =	shalt  }
0x78: {  	_ =	shalt  }
0x79: {  	_ =	shalt  }
0x7a: {  	_ =	shalt  }
0x7b: {  	_ =	shalt  }
0x7c: {  	_ =	shalt  }
0x7d: {  	_ =	shalt  }
0x7e: {  	_ =	shalt  }
0x7f: {  	_ =	shalt  }
0x80: {  	_ =	shalt  }
0x81: {  	_ =	shalt  }
0x82: {  	_ =	shalt  }
0x83: {  	_ =	shalt  }
0x84: {  	_ =	shalt  }
0x85: {  	_ =	shalt  }
0x86: {  	_ =	shalt  }
0x87: {  	_ =	shalt  }
.Lfunc_end0:
.L_simem_size_0:
called_computation.1_lowered:
.L_overlay_start_0:
0x88: {  	s2 =	sld [smem:$0x3FD9]  }
0x89: {  	s3 =	sld [smem:$0x3FFE];
	_ =	sdelay $0x1  }
0x8a: {  	s1 =	srdreg.scid  }
0x8b: {  	s0 =	sand.u32 $0x1, s1  }
0x8c: {  	s16 =	sshll.u32 s0, $0xA;
	s2 =	sadd.s32 s3, s2  }
0x8d: {  	s2 =	sadd.s32 s2, s16  }
0x8e: {  	[smem:$0x3FBB] =	sst s2  }
0x8f: {  	_ = 	snop  }
0x90: {  	(tm) =	ssettm $0x1  }
0x91: {  	s17 =	sld [smem:$0x3FFB];
	_ =	sdelay $0x3  }
0x92: {  	_ =	strace s17  }
0x93: {  	s2 =	sld [smem:$0x3FFC];
	_ =	sdelay $0x3  }
0x94: {  	_ =	strace s2  }
0x95: {  	s2 =	sld [smem:$0x3FFD];
	_ =	sdelay $0x3  }
0x96: {  	_ =	strace s2  }
0x97: {  	_ =	strace $0x8FFFFFFF  }
0x98: {  	s18 =	sld [smem:$0x3FDB];
	_ =	sdelay $0x1  }
0x99: {  	s19 =	simm.s32 $_scs_section_size  }
0x9a: {  	s4 =	simm.s32 $_size__tile_overlayer_lowered;
	s5 =	simm.s32 $_tile_overlayer_lowered  }
0x9b: {  	s22 =	simm.s32 $0x1BFF;
	s21 =	sshll.u32 s5, $0x1;
	s2 =	sadd.s32 s19, s18  }
0x9c: {  	s6 =	simm.s32 $0x0;
	s20 =	sshll.u32 s4, $0x1;
	s4 =	sadd.s32 s21, s2  }
0x9d: {  	[timem:s6], [sflag:s22] =	dma.local [hbm:s4], s20  }
0x9e: {  	_ =	swait.ge [sflag:s22], s20  }
0x9f: {  	s3 =	ssub.s32 $0x0, s20;
	[sflag:s22] =	ssyncset.done $0x0  }
0xa0: {  	[sflag:s22] =	ssyncadd.s32 s3;
	_ =	sdelay $0x1  }
0xa1: {  	s23 =	simm.s32 $0x1B8B  }
0xa2: {  	_ =	swait.ge [sflag:s23], $0x1  }
0xa3: {  	[sflag:s23] =	ssyncset.done $0x0  }
0xa4: {  	s25 =	simm.s32 $0x1B8E;
	s24 =	sld [smem:$0x3FFE];
	[sflag:s23] =	ssyncadd.s32 $0xFFFFFFFF  }
0xa5: {  	s26 =	simm.s32 $execute0_lowered;
	[smem:$0x3FD2] =	sst s25  }
0xa6: {  	s4 =	sshll.u32 s26, $0x1;
	_ =	strace $0x80000046;
	[dreg:$0x1] =	wrdreg $0xFFFFFFFF  }
0xa7: {  	s28 =	simm.s32 $_size_execute0_lowered;
	s2 =	sadd.s32 s2, s4;
	[dreg:$0x0] =	wrdreg $0x0  }
0xa8: {  	s4 =	sshll.u32 s28, $0x1;
	[dreg:$0x2] =	wrdreg s2  }
0xa9: {  	[dreg:$0x3] =	wrdreg s4  }
0xaa: {  	[dreg:$0x4] =	wrdreg $0xC0  }
0xab: {  	_ =	task [dreg:s6], $0x5FFFF  }
0xac: {  	[dreg:$0x1] =	wrdreg $0xFFFFFFFF  }
0xad: {  	[dreg:$0x0] =	wrdreg $0x60  }
0xae: {  	[dreg:$0x2] =	wrdreg s24  }
0xaf: {  	[dreg:$0x3] =	wrdreg $0x91000  }
0xb0: {  	[dreg:$0x4] =	wrdreg $0x12F000  }
0xb1: {  	[dreg:$0x5] =	wrdreg $0xA  }
0xb2: {  	_ =	task.clear_ibuf [dreg:s6], $0x6FFFF;
	_ =	strace $0x90000046  }
0xb3: {  	s29 =	simm.s32 $0xA;
	_ =	strace $0x80000048  }
0xb4: {  	_ =	swait.ge [sflag:s29], $0x1  }
0xb5: {  	[sflag:s29] =	ssyncadd.s32 $0xFFFFFFFF  }
0xb6: {  	_ =	strace $0x90000048  }
0xb7: {  	_ =	sfence  }
0xb8: {  	s30 =	sld [smem:$0x0];
	_ =	sdelay $0x2  }
0xb9: {  	s31 =	sshll.u32 s1, $0xD;
	s1 =	sshrl.u32 s1, $0x2  }
0xba: {  	s3 =	sand.u32 $0x4000, s31;
	s1 =	sadd.s32 s1, s30  }
0xbb: {  	s0 =	sor.u32 s3, s0;
	s1 =	sshll.u32 s1, $0x11  }
0xbc: {  	s0 =	sor.u32 s1, s0  }
0xbd: {  	s0 =	sadd.s32 $0x8F2B, s0  }
0xbe: {  	[sflag:s0] =	ssyncadd.remote.s32 $0x1  }
0xbf: {  	_ =	sfence.sel $0xFFFF  }
0xc0: {  	[dreg:$0x0] =	wrdreg $0xFFFFFFFF;
	(pc) =	sbr.abs _section_cstart, $3  }
0xc1: {  	[dreg:$0x1] =	wrdreg $0xFFFFFFFF  }
0xc2: {  	_ =	task.clear_ibuf [dreg:s6], $0x2FFFF;
	_ =	strace $0x9FFFFFFF  }
0xc3: {  	(tm) =	ssettm $0x7FFFFFFF  }
tec
execute0_lowered:
.L_overlay_start_1:
0x0: {  	(tag) =	ssettag $0x1  }
0x1: {  	s11 =	rddreg [dreg:$0x0]  }
0x2: {  	s2 =	rddreg [dreg:$0x1]  }
0x3: {  	s3 =	rddreg [dreg:$0x2];
	s1 =	stileid.u32  }
0x4: {  	s5 =	srdreg.scid;
	s4 =	simm.s32 $0x0;
	s19 =	simm.s32 $0x3  }
0x5: {  	s20 =	simm.s32 $0x4;
	s21 =	simm.s32 $0x5;
	s22 =	simm.s32 $0x80  }
0x6: {  	s23 =	simm.s32 $0x5100;
	s24 =	simm.s32 $0x7100;
	s25 =	simm.s32 $0x1  }
0x7: {  	s26 =	simm.s32 $0x7;
	s28 =	simm.s32 $0x2;
	s29 =	simm.s32 $0x0  }
0x8: {  	s10 =	smul.u32 $0x9E00, s1;
	s5 =	sand.u32 $0x1, s5;
	[smem:$0x7FF] =	sst s4  }
0x9: {  	s16 =	sadd.s32 $0x94200, s3;
	p0 =	seq.s32 s1, $0xF;
	s6 =	sshll.u32 s5, $0x4  }
0xa: {  	s7 =	smul.u32 $0x9E000, s5;
	_ =	strace $0x80000047;
	s5 =	ssub.s32 $0x2, s5  }
0xb: {  	s16 =	sshrl.u32 @p0 s16, $0x3;
	s17 =	sshll.u32 @!p0 s1, $0x6;
	s6 =	sor.u32 s1, s6  }
0xc: {  	s8 =	sshrl.u32 s10, $0x3;
	s31 =	sshrl.u32 s5, $0x1;
	s15 =	sadd.s32 s10, s2  }
0xd: {  	s18 =	sadd.s32 s10, s3;
	s17 =	sor.u32 @!p0 $0x1C06, s17;
	s6 =	smul.u32 $0x500, s6  }
0xe: {  	s7 =	sadd.s32 s10, s7;
	s12 =	sadd.s32 s8, s11;
	s14 =	ssub.s32 s5, s31  }
0xf: {  	s8 =	sshll.u32 s1, $0x6;
	s15 =	sshrl.u32 s15, $0x3;
	s18 =	sshrl.u32 @!p0 s18, $0x3  }
0x10: {  	s7 =	sshrl.u32 s7, $0x3;
	s9 =	sor.u32 $0x1C05, s8;
	s10 =	sadd.s32 $0x1E00, s12  }
0x11: {  	s6 =	sadd.s32 s6, s11;
	s13 =	sadd.s32 s7, s11;
	s7 =	sadd.s32 $0x29800, s12  }
0x12: {  	s11 =	sadd.s32 $0x14640, s11;
	s5 =	sadd.s32 $0x1F800, s6;
	s6 =	sadd.s32 $0x15800, s6  }
0x13: {  	v0 =	vimm.s32 $0x0;
	s12 =	sadd.s32 $0x3D400, s13;
	s13 =	smax.u32 s14, $0x1;
	s14 =	simm.s32 $0x2900  }
.LBB2_1:
0x14: {  	[tilespmem:s4], [sflag:$0x3] =	stream.linear.gather [hbm4b:s5+s4], $0x2800, $0x38;
	[tilespmem:$0x1CD00] =	vst v63  }
0x15: {  	s30 =	simm.s32 @p0 $0x1FC6  }
0x16: {  	[tilespmem:s14], [sflag:$0x4] =	stream.linear.gather [hbm4b:s6+s4], $0x2800, $0x38;
	[tilespmem:$0x1CD00] =	vst v63  }
0x17: {  	[spmem:s15], [sflag:s9] =	dma.local [hbm:s7], $0x13C0  }
0x18: {  	[spmem:s16], [sflag:s30] =	dma.local @p0 [hbm:s11], $0x1040  }
0x19: {  	[spmem:s18], [sflag:s17] =	dma.local @!p0 [hbm:s10], $0x13C0;
	[tilespmem:$0x2800] =	vst v0  }
0x1a: {  	[tilespmem:$0x2810] =	vst v0  }
0x1b: {  	[tilespmem:$0x2820] =	vst v0  }
0x1c: {  	[tilespmem:$0x2830] =	vst v0  }
0x1d: {  	[tilespmem:$0x2840] =	vst v0  }
0x1e: {  	[tilespmem:$0x2850] =	vst v0  }
0x1f: {  	[tilespmem:$0x2860] =	vst v0  }
0x20: {  	[tilespmem:$0x2870] =	vst v0  }
0x21: {  	[tilespmem:$0x2880] =	vst v0  }
0x22: {  	[tilespmem:$0x2890] =	vst v0  }
0x23: {  	[tilespmem:$0x28A0] =	vst v0  }
0x24: {  	[tilespmem:$0x28B0] =	vst v0  }
0x25: {  	[tilespmem:$0x28C0] =	vst v0  }
0x26: {  	[tilespmem:$0x28D0] =	vst v0  }
0x27: {  	[tilespmem:$0x28E0] =	vst v0  }
0x28: {  	[tilespmem:$0x28F0] =	vst v0  }
0x29: {  	_ =	swait.ge [sflag:s19], $0x2800  }
0x2a: {  	[sflag:s19] =	ssyncset.done $0x0  }
0x2b: {  	[sflag:s19] =	ssyncadd.s32 $0xFFFFD800  }
0x2c: {  	_ =	swait.ge [sflag:s20], $0x2800  }
0x2d: {  	[sflag:s20] =	ssyncset.done $0x0  }
0x2e: {  	[sflag:s20] =	ssyncadd.s32 $0xFFFFD800  }
0x2f: {  	_ =	swait.ge [sflag:s21], $0x13C0  }
0x30: {  	[sflag:s21] =	ssyncset.done $0x0  }
0x31: {  	s30 =	simm.s32 @p0 $0x6;
	[sflag:s21] =	ssyncadd.s32 $0xFFFFEC40  }
0x32: {  	_ =	swait.ge @p0 [sflag:s30], $0x1040  }
0x33: {  	[sflag:s30] =	ssyncset.done @p0 $0x0  }
0x34: {  	[sflag:s30] =	ssyncadd.s32 @p0 $0xFFFFEFC0;
	s30 =	simm.s32 @!p0 $0x6  }
0x35: {  	_ =	swait.ge @!p0 [sflag:s30], $0x13C0  }
0x36: {  	[sflag:s30] =	ssyncset.done @!p0 $0x0  }
0x37: {  	[sflag:s30] =	ssyncadd.s32 @!p0 $0xFFFFEC40  }
0x38: {  	[bflag:$0x0] =	sbarrier.arrive $0xFFFF  }
0x39: {  	[tilespmem:s23], [sflag:$0x1] =	stream.indirect.gather [spmem:s3], $0x40, s4, s22, $0xb8;
	[tilespmem:$0x1CD00] =	vst v63  }
0x3a: {  	_ = 	snop  }
0x3b: {  	[tilespmem:s24], [sflag:$0x2] =	stream.indirect.gather [spmem:s3], $0x40, s22, s22, $0xb8;
	[tilespmem:$0x1CD00] =	vst v63  }
0x3c: {  	_ =	swait.ge [sflag:s25], $0x2000  }
0x3d: {  	[sflag:s25] =	ssyncset.done $0x0  }
0x3e: {  	s30 =	simm.s32 $0x2900;
	[sflag:s25] =	ssyncadd.s32 $0xFFFFE000  }
0x3f: {  	[spmem:s2] =	stream.indirect.scatter.add.f32 [tilespmem:s23], [sflag:$0x7], $0x40, s30, s22, $0xb8;
	[tilespmem:$0x1CD00] =	vst v63  }
0x40: {  	_ =	swait.ge [sflag:s26], $0x2000  }
0x41: {  	[sflag:s26] =	ssyncset.done $0x0  }
0x42: {  	s30 =	simm.s32 $0x100;
	[sflag:s26] =	ssyncadd.s32 $0xFFFFE000  }
0x43: {  	[tilespmem:s23], [sflag:$0x1] =	stream.indirect.gather [spmem:s3], $0x40, s30, s22, $0xb8;
	[tilespmem:$0x1CD00] =	vst v63  }
0x44: {  	_ =	swait.ge [sflag:s28], $0x2000  }
0x45: {  	[sflag:s28] =	ssyncset.done $0x0  }
0x46: {  	s30 =	simm.s32 $0x2980;
	[sflag:s28] =	ssyncadd.s32 $0xFFFFE000  }
0x47: {  	[spmem:s2] =	stream.indirect.scatter.add.f32 [tilespmem:s24], [sflag:$0x7], $0x40, s30, s22, $0xb8;
	[tilespmem:$0x1CD00] =	vst v63  }
0x48: {  	_ =	swait.ge [sflag:s26], $0x2000  }
0x49: {  	[sflag:s26] =	ssyncset.done $0x0  }
0x4a: {  	s31 =	simm.s32 $0x180;
	s30 =	simm.s32 $0x400;
	[sflag:s26] =	ssyncadd.s32 $0xFFFFE000  }
.LBB2_2:
0x4b: {  	[tilespmem:s24], [sflag:$0x2] =	stream.indirect.gather [spmem:s3], $0x40, s31, s22, $0xb8;
	[tilespmem:$0x1CD00] =	vst v63  }
0x4c: {  	s31 =	smov.u32 s30  }
0x4d: {  	p1 =	sne.s32 s30, $0x9C00;
	s30 =	sadd.s32 $0x400, s30;
	_ =	swait.ge [sflag:s25], $0x2000  }
0x4e: {  	s31 =	sshra.s32 s31, $0x2;
	[sflag:s25] =	ssyncset.done $0x0  }
0x4f: {  	s0 =	sadd.s32 $0x2900, s31;
	[sflag:s25] =	ssyncadd.s32 $0xFFFFE000  }
0x50: {  	[spmem:s2] =	stream.indirect.scatter.add.f32 [tilespmem:s23], [sflag:$0x7], $0x40, s0, s22, $0xb8;
	[tilespmem:$0x1CD00] =	vst v63  }
0x51: {  	_ =	swait.ge [sflag:s26], $0x2000  }
0x52: {  	[sflag:s26] =	ssyncset.done $0x0  }
0x53: {  	s0 =	sadd.s32 $0x100, s31;
	[sflag:s26] =	ssyncadd.s32 $0xFFFFE000  }
0x54: {  	[tilespmem:s23], [sflag:$0x1] =	stream.indirect.gather [spmem:s3], $0x40, s0, s22, $0xb8;
	[tilespmem:$0x1CD00] =	vst v63  }
0x55: {  	_ =	swait.ge [sflag:s28], $0x2000  }
0x56: {  	[sflag:s28] =	ssyncset.done $0x0  }
.Ltmp0:
0x57: {  	s0 =	sadd.s32 $0x2980, s31;
	[sflag:s28] =	ssyncadd.s32 $0xFFFFE000;
	(pc) =	sbr.rel @p1 .LBB2_2-.Ltmp0, $4  }
0x58: {  	[spmem:s2] =	stream.indirect.scatter.add.f32 [tilespmem:s24], [sflag:$0x7], $0x40, s0, s22, $0xb8;
	[tilespmem:$0x1CD00] =	vst v63  }
0x59: {  	_ =	swait.ge [sflag:s26], $0x2000  }
0x5a: {  	[sflag:s26] =	ssyncset.done $0x0  }
0x5b: {  	s31 =	sadd.s32 $0x180, s31;
	[sflag:s26] =	ssyncadd.s32 $0xFFFFE000  }
0x5c: {  	[tilespmem:s24], [sflag:$0x2] =	stream.indirect.gather [spmem:s3], $0x40, s31, s22, $0xb8;
	[tilespmem:$0x1CD00] =	vst v63  }
0x5d: {  	_ =	swait.ge [sflag:s25], $0x2000  }
0x5e: {  	[sflag:s25] =	ssyncset.done $0x0  }
0x5f: {  	[sflag:s25] =	ssyncadd.s32 $0xFFFFE000  }
0x60: {  	_ =	swait.ge [sflag:s28], $0x2000  }
0x61: {  	s29 =	sadd.s32 $0x1, s29;
	[sflag:s28] =	ssyncset.done $0x0  }
0x62: {  	p1 =	sne.s32 s29, s13;
	[sflag:s28] =	ssyncadd.s32 $0xFFFFE000  }
.Ltmp1:
0x63: {  	s0 =	sor.u32 $0x1C07, s8;
	[bflag:$0x0] =	sbarrier.arrive $0xFFFF;
	(pc) =	sbr.rel @p1 .LBB2_1-.Ltmp1, $4  }
0x64: {  	[hbm:s12], [sflag:s0] =	dma.local [spmem:s15], $0x13C0  }
0x65: {  	_ =	swait.ge [sflag:s26], $0x13C0  }
0x66: {  	[sflag:s26] =	ssyncset.done $0x0  }
0x67: {  	[sflag:s26] =	ssyncadd.s32 $0xFFFFEC40  }
0x68: {  	_ =	sfence.sel $0x180000  }
0x69: {  	[bflag:$0x0] =	sbarrier.arrive $0xFFFF  }
0x6a: {  	_ =	strace $0x90000047  }
0x6b: {  	[bflag:$0x2] =	sbarrier.arrive $0xFFFF  }
0x6c: {  	p0 =	sne.s32 s1, $0x0;
	s0 =	rddreg [dreg:$0x3]  }
0x6d: {  	s0 =	sadd.s32 @!p0 $0x100000, s0  }
0x6e: {  	[sflag:s0] =	ssyncadd.tile.s32 @!p0 $0x1;
	_ =	shalt  }
.Lfunc_end2:
_tile_overlayer_lowered:
.L_overlay_start_2:
0x6f: {  	(tag) =	ssettag $0x2  }
0x70: {  	s0 =	rddreg [dreg:$0x0];
	s2 =	stileid.u32  }
0x71: {  	s1 =	rddreg [dreg:$0x1];
	p0 =	sne.s32 s2, $0x0  }
0x72: {  	s3 =	rddreg [dreg:$0x2];
	[bflag:$0x3] =	sbarrier.arrive $0xFFFF;
	s2 =	simm.s32 @!p0 $0x1C07  }
0x73: {  	[timem:s3], [sflag:s2] =	dma.local @!p0 [hbm:s0], s1  }
0x74: {  	s0 =	simm.s32 @!p0 $0x7  }
0x75: {  	_ =	swait.ge @!p0 [sflag:s0], s1  }
0x76: {  	s1 =	ssub.s32 @!p0 $0x0, s1;
	[sflag:s0] =	ssyncset.done @!p0 $0x0  }
0x77: {  	[sflag:s0] =	ssyncadd.s32 @!p0 s1  }
0x78: {  	[bflag:$0x3] =	sbarrier.arrive $0xFFFF  }
0x79: {  	_ =	shalt  }

// kernel: kernel.14.cloned.1.call-start
scs
__scs_entry_jumppad:
0x0: {  	(pc) =	sbr.rel $0x88, $3  }
0x1: {  	(tag) =	ssettag $0x0;
	lr =	simm.s32 $0x1  }
0x2: {  	[smem:$0x3F94] =	sst lr;
	_ =	strace $0xD0000000  }
0x3: {  	_ = 	snop  }
0x4: {  	_ = 	snop  }
0x5: {  	_ = 	snop  }
0x6: {  	_ = 	snop  }
0x7: {  	_ = 	snop  }
__scs_overlays_trampoline_lowered:
0x8: {  	[smem:$0x3FA3] =	sst s0  }
0x9: {  	[smem:$0x3FA4] =	sst s1  }
0xa: {  	[smem:$0x3FA5] =	sst s2  }
0xb: {  	[smem:$0x3FA6] =	sst s3  }
0xc: {  	[smem:$0x3FA7] =	sst s4  }
0xd: {  	[smem:$0x3FA8] =	sst s5  }
0xe: {  	[smem:$0x3FA9] =	sst s6  }
0xf: {  	[smem:$0x3FAA] =	sst s7  }
0x10: {  	[smem:$0x3FAB] =	sst s8  }
0x11: {  	[smem:$0x3FAC] =	sst s9;
	s0 =	simm.s32 @!p0 $0x0  }
0x12: {  	s1 =	sld [smem:$0x3F92];
	s0 =	simm.s32 @p0 $0x1  }
0x13: {  	[smem:$0x3FAD] =	sst s0;
	s0 =	simm.s32 @!p1 $0x0  }
0x14: {  	s2 =	sld [smem:$0x3F91];
	s0 =	simm.s32 @p1 $0x1  }
0x15: {  	[smem:$0x3FAE] =	sst s0;
	s0 =	simm.s32 @!p2 $0x0  }
0x16: {  	s3 =	sld [smem:$0x3FDB];
	s0 =	simm.s32 @p2 $0x1  }
0x17: {  	s4 =	simm.s32 $0x1BF5;
	[smem:$0x3FB0] =	sst s0  }
0x18: {  	s0 =	sld [smem:$0x3F93];
	_ =	swait.ge [sflag:s4], $0x0  }
0x19: {  	s7 =	sld [smem:$0x3F94]  }
0x1a: {  	s8 =	sadd.s32 $0xFFFFE003, lr  }
0x1b: {  	s9 =	sadd.s32 $0xFFFFFEF7, lr;
	s5 =	simm.s32 $0xFFFFFFFF;
	p2 =	slt.u32 s8, $0xFFFFF086  }
0x1c: {  	p1 =	slt.u32 s9, $0xF7A;
	s5 =	simm.s32 @!p2 $0x0  }
0x1d: {  	s5 =	simm.s32 @p1 $0x1;
	p0 =	seq.s32 s7, s2  }
0x1e: {  	s7 =	smul.u32 @!p0 $0xF7A, s2;
	p2 =	seq.s32 @!p0 s5, $0x0  }
0x1f: {  	s9 =	smul.u32 $0xF7A, s1;
	s8 =	simm.s32 @!p0 $0x1BF5;
	p2 =	por !p2, p0  }
0x20: {  	[sflag:s8] =	ssyncset.s32 @!p0 $0xFFFFF086;
	s6 =	sadd.s32 @!p0 s3, s7;
	s7 =	simm.s32 @!p0 $0x108  }
0x21: {  	s3 =	sadd.s32 s3, s9;
	s6 =	sadd.s32 @!p0 $0x88, s6;
	s7 =	simm.s32 @p2 $0x1082  }
0x22: {  	[simem:s7], [sflag:s8] =	dma.local @!p0 [hbm:s6], $0xF7A  }
0x23: {  	s9 =	sor.u32 $0xD0000000, s2;
	s6 =	simm.s32 $0x108;
	_ =	swait.ge @!p0 [sflag:s8], $0x0  }
0x24: {  	s3 =	sadd.s32 $0x88, s3;
	s6 =	simm.s32 @!p1 $0x1082;
	[sflag:s4] =	ssyncset.s32 $0xFFFFF086  }
0x25: {  	[simem:s6], [sflag:s4] =	dma.local [hbm:s3], $0xF7A  }
0x26: {  	[smem:$0x3F94] =	sst s1;
	(tag) =	ssettag s2;
	_ =	strace s9  }
0x27: {  	s1 =	sld [smem:$0x3FA4]  }
0x28: {  	s2 =	sld [smem:$0x3FA5]  }
0x29: {  	s4 =	sld [smem:$0x3FA7]  }
0x2a: {  	p0 =	seq.s32 s5, $0x0;
	s5 =	sld [smem:$0x3FA8]  }
0x2b: {  	s6 =	sld [smem:$0x3FA9]  }
0x2c: {  	s7 =	sld [smem:$0x3FAA]  }
0x2d: {  	s3 =	simm.s32 $0x108;
	s8 =	sld [smem:$0x3FAB]  }
0x2e: {  	s3 =	simm.s32 @!p0 $0x1082;
	s9 =	sld [smem:$0x3FAC]  }
0x2f: {  	lr =	sadd.s32 s0, s3;
	s0 =	sld [smem:$0x3FA3]  }
0x30: {  	s3 =	sld [smem:$0x3FA6]  }
0x31: {  	[smem:$0x3FAF] =	sst s10  }
0x32: {  	s10 =	sld [smem:$0x3FAD];
	_ =	sdelay $0x3  }
0x33: {  	p0 =	seq.s32 s10, $0x1;
	s10 =	sld [smem:$0x3FAF];
	_ =	sdelay $0x3  }
0x34: {  	[smem:$0x3FAF] =	sst s10  }
0x35: {  	s10 =	sld [smem:$0x3FAE];
	_ =	sdelay $0x3  }
0x36: {  	p1 =	seq.s32 s10, $0x1;
	s10 =	sld [smem:$0x3FAF];
	_ =	sdelay $0x3  }
0x37: {  	[smem:$0x3FAF] =	sst s10  }
0x38: {  	s10 =	sld [smem:$0x3FB0]  }
0x39: {  	_ = 	snop;
	(pc) =	sbr.ind lr, $3  }
0x3a: {  	_ = 	snop  }
0x3b: {  	_ = 	snop  }
0x3c: {  	p2 =	seq.s32 s10, $0x1;
	s10 =	sld [smem:$0x3FAF]  }
0x3d: {  	_ =	shalt  }
0x3e: {  	_ =	shalt  }
0x3f: {  	_ =	shalt  }
0x40: {  	_ =	shalt  }
0x41: {  	_ =	shalt  }
0x42: {  	_ =	shalt  }
0x43: {  	_ =	shalt  }
0x44: {  	_ =	shalt  }
0x45: {  	_ =	shalt  }
0x46: {  	_ =	shalt  }
0x47: {  	_ =	shalt  }
0x48: {  	_ =	shalt  }
0x49: {  	_ =	shalt  }
0x4a: {  	_ =	shalt  }
0x4b: {  	_ =	shalt  }
0x4c: {  	_ =	shalt  }
0x4d: {  	_ =	shalt  }
0x4e: {  	_ =	shalt  }
0x4f: {  	_ =	shalt  }
0x50: {  	_ =	shalt  }
0x51: {  	_ =	shalt  }
0x52: {  	_ =	shalt  }
0x53: {  	_ =	shalt  }
0x54: {  	_ =	shalt  }
0x55: {  	_ =	shalt  }
0x56: {  	_ =	shalt  }
0x57: {  	_ =	shalt  }
0x58: {  	_ =	shalt  }
0x59: {  	_ =	shalt  }
0x5a: {  	_ =	shalt  }
0x5b: {  	_ =	shalt  }
0x5c: {  	_ =	shalt  }
0x5d: {  	_ =	shalt  }
0x5e: {  	_ =	shalt  }
0x5f: {  	_ =	shalt  }
0x60: {  	_ =	shalt  }
0x61: {  	_ =	shalt  }
0x62: {  	_ =	shalt  }
0x63: {  	_ =	shalt  }
0x64: {  	_ =	shalt  }
0x65: {  	_ =	shalt  }
0x66: {  	_ =	shalt  }
0x67: {  	_ =	shalt  }
0x68: {  	_ =	shalt  }
0x69: {  	_ =	shalt  }
0x6a: {  	_ =	shalt  }
0x6b: {  	_ =	shalt  }
0x6c: {  	_ =	shalt  }
0x6d: {  	_ =	shalt  }
0x6e: {  	_ =	shalt  }
0x6f: {  	_ =	shalt  }
0x70: {  	_ =	shalt  }
0x71: {  	_ =	shalt  }
0x72: {  	_ =	shalt  }
0x73: {  	_ =	shalt  }
0x74: {  	_ =	shalt  }
0x75: {  	_ =	shalt  }
0x76: {  	_ =	shalt  }
0x77: {  	_ =	shalt  }
0x78: {  	_ =	shalt  }
0x79: {  	_ =	shalt  }
0x7a: {  	_ =	shalt  }
0x7b: {  	_ =	shalt  }
0x7c: {  	_ =	shalt  }
0x7d: {  	_ =	shalt  }
0x7e: {  	_ =	shalt  }
0x7f: {  	_ =	shalt  }
0x80: {  	_ =	shalt  }
0x81: {  	_ =	shalt  }
0x82: {  	_ =	shalt  }
0x83: {  	_ =	shalt  }
0x84: {  	_ =	shalt  }
0x85: {  	_ =	shalt  }
0x86: {  	_ =	shalt  }
0x87: {  	_ =	shalt  }
.Lfunc_end0:
.L_simem_size_0:
called_computation.2_lowered:
.L_overlay_start_0:
0x88: {  	s2 =	sld [smem:$0x3FD9]  }
0x89: {  	s3 =	sld [smem:$0x3FFE];
	_ =	sdelay $0x1  }
0x8a: {  	s1 =	srdreg.scid  }
0x8b: {  	s0 =	sand.u32 $0x1, s1  }
0x8c: {  	s16 =	sshll.u32 s0, $0xA;
	s2 =	sadd.s32 s3, s2  }
0x8d: {  	s2 =	sadd.s32 s2, s16  }
0x8e: {  	[smem:$0x3FBB] =	sst s2  }
0x8f: {  	_ = 	snop  }
0x90: {  	(tm) =	ssettm $0x1  }
0x91: {  	s17 =	sld [smem:$0x3FFB];
	_ =	sdelay $0x3  }
0x92: {  	_ =	strace s17  }
0x93: {  	s2 =	sld [smem:$0x3FFC];
	_ =	sdelay $0x3  }
0x94: {  	_ =	strace s2  }
0x95: {  	s2 =	sld [smem:$0x3FFD];
	_ =	sdelay $0x3  }
0x96: {  	_ =	strace s2  }
0x97: {  	_ =	strace $0x8FFFFFFF  }
0x98: {  	s18 =	sld [smem:$0x3FDB];
	_ =	sdelay $0x1  }
0x99: {  	s19 =	simm.s32 $_scs_section_size  }
0x9a: {  	s4 =	simm.s32 $_size__tile_overlayer_lowered;
	s5 =	simm.s32 $_tile_overlayer_lowered  }
0x9b: {  	s22 =	simm.s32 $0x1BFF;
	s21 =	sshll.u32 s5, $0x1;
	s2 =	sadd.s32 s19, s18  }
0x9c: {  	s6 =	simm.s32 $0x0;
	s20 =	sshll.u32 s4, $0x1;
	s4 =	sadd.s32 s21, s2  }
0x9d: {  	[timem:s6], [sflag:s22] =	dma.local [hbm:s4], s20  }
0x9e: {  	_ =	swait.ge [sflag:s22], s20  }
0x9f: {  	s3 =	ssub.s32 $0x0, s20;
	[sflag:s22] =	ssyncset.done $0x0  }
0xa0: {  	[sflag:s22] =	ssyncadd.s32 s3;
	_ =	sdelay $0x1  }
0xa1: {  	s23 =	simm.s32 $0x1B8B  }
0xa2: {  	_ =	swait.ge [sflag:s23], $0x1  }
0xa3: {  	[sflag:s23] =	ssyncset.done $0x0  }
0xa4: {  	s25 =	simm.s32 $0x1B8E;
	s24 =	sld [smem:$0x3FFE];
	[sflag:s23] =	ssyncadd.s32 $0xFFFFFFFF  }
0xa5: {  	s26 =	simm.s32 $execute0_lowered;
	[smem:$0x3FD2] =	sst s25  }
0xa6: {  	s4 =	sshll.u32 s26, $0x1;
	_ =	strace $0x8000004C;
	[dreg:$0x1] =	wrdreg $0xFFFFFFFF  }
0xa7: {  	s28 =	simm.s32 $_size_execute0_lowered;
	s2 =	sadd.s32 s2, s4;
	[dreg:$0x0] =	wrdreg $0x0  }
0xa8: {  	s4 =	sshll.u32 s28, $0x1;
	[dreg:$0x2] =	wrdreg s2  }
0xa9: {  	[dreg:$0x3] =	wrdreg s4  }
0xaa: {  	[dreg:$0x4] =	wrdreg $0xC0  }
0xab: {  	_ =	task [dreg:s6], $0x5FFFF  }
0xac: {  	[dreg:$0x1] =	wrdreg $0xFFFFFFFF  }
0xad: {  	[dreg:$0x0] =	wrdreg $0x60  }
0xae: {  	[dreg:$0x2] =	wrdreg s24  }
0xaf: {  	[dreg:$0x3] =	wrdreg $0x91000  }
0xb0: {  	[dreg:$0x4] =	wrdreg $0x12F000  }
0xb1: {  	[dreg:$0x5] =	wrdreg $0x9  }
0xb2: {  	_ =	task.clear_ibuf [dreg:s6], $0x6FFFF;
	_ =	strace $0x9000004C  }
0xb3: {  	s29 =	simm.s32 $0x9;
	_ =	strace $0x8000004E  }
0xb4: {  	_ =	swait.ge [sflag:s29], $0x1  }
0xb5: {  	[sflag:s29] =	ssyncadd.s32 $0xFFFFFFFF  }
0xb6: {  	_ =	strace $0x9000004E  }
0xb7: {  	_ =	sfence  }
0xb8: {  	s30 =	sld [smem:$0x0];
	_ =	sdelay $0x2  }
0xb9: {  	s31 =	sshll.u32 s1, $0xD;
	s1 =	sshrl.u32 s1, $0x2  }
0xba: {  	s3 =	sand.u32 $0x4000, s31;
	s1 =	sadd.s32 s1, s30  }
0xbb: {  	s0 =	sor.u32 s3, s0;
	s1 =	sshll.u32 s1, $0x11  }
0xbc: {  	s0 =	sor.u32 s1, s0  }
0xbd: {  	s0 =	sadd.s32 $0x8F2B, s0  }
0xbe: {  	[sflag:s0] =	ssyncadd.remote.s32 $0x1  }
0xbf: {  	_ =	sfence.sel $0xFFFF  }
0xc0: {  	[dreg:$0x0] =	wrdreg $0xFFFFFFFF;
	(pc) =	sbr.abs _section_cstart, $3  }
0xc1: {  	[dreg:$0x1] =	wrdreg $0xFFFFFFFF  }
0xc2: {  	_ =	task.clear_ibuf [dreg:s6], $0x2FFFF;
	_ =	strace $0x9FFFFFFF  }
0xc3: {  	(tm) =	ssettm $0x7FFFFFFF  }
tec
execute0_lowered:
.L_overlay_start_1:
0x0: {  	(tag) =	ssettag $0x1  }
0x1: {  	s11 =	rddreg [dreg:$0x0]  }
0x2: {  	s2 =	rddreg [dreg:$0x1]  }
0x3: {  	s3 =	rddreg [dreg:$0x2];
	s1 =	stileid.u32  }
0x4: {  	s5 =	srdreg.scid;
	s4 =	simm.s32 $0x0;
	s19 =	simm.s32 $0x3  }
0x5: {  	s20 =	simm.s32 $0x4;
	s21 =	simm.s32 $0x5;
	s22 =	simm.s32 $0x80  }
0x6: {  	s23 =	simm.s32 $0x5100;
	s24 =	simm.s32 $0x7100;
	s25 =	simm.s32 $0x1  }
0x7: {  	s26 =	simm.s32 $0x7;
	s28 =	simm.s32 $0x2;
	s29 =	simm.s32 $0x0  }
0x8: {  	s10 =	smul.u32 $0x9E00, s1;
	s5 =	sand.u32 $0x1, s5;
	[smem:$0x7FF] =	sst s4  }
0x9: {  	s16 =	sadd.s32 $0x94200, s3;
	p0 =	seq.s32 s1, $0xF;
	s6 =	sshll.u32 s5, $0x4  }
0xa: {  	s7 =	smul.u32 $0x9E000, s5;
	_ =	strace $0x8000004D;
	s5 =	ssub.s32 $0x2, s5  }
0xb: {  	s16 =	sshrl.u32 @p0 s16, $0x3;
	s17 =	sshll.u32 @!p0 s1, $0x6;
	s6 =	sor.u32 s1, s6  }
0xc: {  	s8 =	sshrl.u32 s10, $0x3;
	s31 =	sshrl.u32 s5, $0x1;
	s15 =	sadd.s32 s10, s2  }
0xd: {  	s18 =	sadd.s32 s10, s3;
	s17 =	sor.u32 @!p0 $0x1C06, s17;
	s6 =	smul.u32 $0x500, s6  }
0xe: {  	s7 =	sadd.s32 s10, s7;
	s12 =	sadd.s32 s8, s11;
	s14 =	ssub.s32 s5, s31  }
0xf: {  	s8 =	sshll.u32 s1, $0x6;
	s15 =	sshrl.u32 s15, $0x3;
	s18 =	sshrl.u32 @!p0 s18, $0x3  }
0x10: {  	s7 =	sshrl.u32 s7, $0x3;
	s9 =	sor.u32 $0x1C05, s8;
	s10 =	sadd.s32 $0x1E00, s12  }
0x11: {  	s6 =	sadd.s32 s6, s11;
	s13 =	sadd.s32 s7, s11;
	s7 =	sadd.s32 $0x29800, s12  }
0x12: {  	s11 =	sadd.s32 $0x14640, s11;
	s5 =	sadd.s32 $0x1F800, s6;
	s6 =	sadd.s32 $0x15800, s6  }
0x13: {  	v0 =	vimm.s32 $0x0;
	s12 =	sadd.s32 $0x3D400, s13;
	s13 =	smax.u32 s14, $0x1;
	s14 =	simm.s32 $0x2900  }
.LBB2_1:
0x14: {  	[tilespmem:s4], [sflag:$0x3] =	stream.linear.gather [hbm4b:s5+s4], $0x2800, $0x38;
	[tilespmem:$0x1CD00] =	vst v63  }
0x15: {  	s30 =	simm.s32 @p0 $0x1FC6  }
0x16: {  	[tilespmem:s14], [sflag:$0x4] =	stream.linear.gather [hbm4b:s6+s4], $0x2800, $0x38;
	[tilespmem:$0x1CD00] =	vst v63  }
0x17: {  	[spmem:s15], [sflag:s9] =	dma.local [hbm:s7], $0x13C0  }
0x18: {  	[spmem:s16], [sflag:s30] =	dma.local @p0 [hbm:s11], $0x1040  }
0x19: {  	[spmem:s18], [sflag:s17] =	dma.local @!p0 [hbm:s10], $0x13C0;
	[tilespmem:$0x2800] =	vst v0  }
0x1a: {  	[tilespmem:$0x2810] =	vst v0  }
0x1b: {  	[tilespmem:$0x2820] =	vst v0  }
0x1c: {  	[tilespmem:$0x2830] =	vst v0  }
0x1d: {  	[tilespmem:$0x2840] =	vst v0  }
0x1e: {  	[tilespmem:$0x2850] =	vst v0  }
0x1f: {  	[tilespmem:$0x2860] =	vst v0  }
0x20: {  	[tilespmem:$0x2870] =	vst v0  }
0x21: {  	[tilespmem:$0x2880] =	vst v0  }
0x22: {  	[tilespmem:$0x2890] =	vst v0  }
0x23: {  	[tilespmem:$0x28A0] =	vst v0  }
0x24: {  	[tilespmem:$0x28B0] =	vst v0  }
0x25: {  	[tilespmem:$0x28C0] =	vst v0  }
0x26: {  	[tilespmem:$0x28D0] =	vst v0  }
0x27: {  	[tilespmem:$0x28E0] =	vst v0  }
0x28: {  	[tilespmem:$0x28F0] =	vst v0  }
0x29: {  	_ =	swait.ge [sflag:s19], $0x2800  }
0x2a: {  	[sflag:s19] =	ssyncset.done $0x0  }
0x2b: {  	[sflag:s19] =	ssyncadd.s32 $0xFFFFD800  }
0x2c: {  	_ =	swait.ge [sflag:s20], $0x2800  }
0x2d: {  	[sflag:s20] =	ssyncset.done $0x0  }
0x2e: {  	[sflag:s20] =	ssyncadd.s32 $0xFFFFD800  }
0x2f: {  	_ =	swait.ge [sflag:s21], $0x13C0  }
0x30: {  	[sflag:s21] =	ssyncset.done $0x0  }
0x31: {  	s30 =	simm.s32 @p0 $0x6;
	[sflag:s21] =	ssyncadd.s32 $0xFFFFEC40  }
0x32: {  	_ =	swait.ge @p0 [sflag:s30], $0x1040  }
0x33: {  	[sflag:s30] =	ssyncset.done @p0 $0x0  }
0x34: {  	[sflag:s30] =	ssyncadd.s32 @p0 $0xFFFFEFC0;
	s30 =	simm.s32 @!p0 $0x6  }
0x35: {  	_ =	swait.ge @!p0 [sflag:s30], $0x13C0  }
0x36: {  	[sflag:s30] =	ssyncset.done @!p0 $0x0  }
0x37: {  	[sflag:s30] =	ssyncadd.s32 @!p0 $0xFFFFEC40  }
0x38: {  	[bflag:$0x0] =	sbarrier.arrive $0xFFFF  }
0x39: {  	[tilespmem:s23], [sflag:$0x1] =	stream.indirect.gather [spmem:s3], $0x40, s4, s22, $0xb8;
	[tilespmem:$0x1CD00] =	vst v63  }
0x3a: {  	_ = 	snop  }
0x3b: {  	[tilespmem:s24], [sflag:$0x2] =	stream.indirect.gather [spmem:s3], $0x40, s22, s22, $0xb8;
	[tilespmem:$0x1CD00] =	vst v63  }
0x3c: {  	_ =	swait.ge [sflag:s25], $0x2000  }
0x3d: {  	[sflag:s25] =	ssyncset.done $0x0  }
0x3e: {  	s30 =	simm.s32 $0x2900;
	[sflag:s25] =	ssyncadd.s32 $0xFFFFE000  }
0x3f: {  	[spmem:s2] =	stream.indirect.scatter.add.f32 [tilespmem:s23], [sflag:$0x7], $0x40, s30, s22, $0xb8;
	[tilespmem:$0x1CD00] =	vst v63  }
0x40: {  	_ =	swait.ge [sflag:s26], $0x2000  }
0x41: {  	[sflag:s26] =	ssyncset.done $0x0  }
0x42: {  	s30 =	simm.s32 $0x100;
	[sflag:s26] =	ssyncadd.s32 $0xFFFFE000  }
0x43: {  	[tilespmem:s23], [sflag:$0x1] =	stream.indirect.gather [spmem:s3], $0x40, s30, s22, $0xb8;
	[tilespmem:$0x1CD00] =	vst v63  }
0x44: {  	_ =	swait.ge [sflag:s28], $0x2000  }
0x45: {  	[sflag:s28] =	ssyncset.done $0x0  }
0x46: {  	s30 =	simm.s32 $0x2980;
	[sflag:s28] =	ssyncadd.s32 $0xFFFFE000  }
0x47: {  	[spmem:s2] =	stream.indirect.scatter.add.f32 [tilespmem:s24], [sflag:$0x7], $0x40, s30, s22, $0xb8;
	[tilespmem:$0x1CD00] =	vst v63  }
0x48: {  	_ =	swait.ge [sflag:s26], $0x2000  }
0x49: {  	[sflag:s26] =	ssyncset.done $0x0  }
0x4a: {  	s31 =	simm.s32 $0x180;
	s30 =	simm.s32 $0x400;
	[sflag:s26] =	ssyncadd.s32 $0xFFFFE000  }
.LBB2_2:
0x4b: {  	[tilespmem:s24], [sflag:$0x2] =	stream.indirect.gather [spmem:s3], $0x40, s31, s22, $0xb8;
	[tilespmem:$0x1CD00] =	vst v63  }
0x4c: {  	s31 =	smov.u32 s30  }
0x4d: {  	p1 =	sne.s32 s30, $0x9C00;
	s30 =	sadd.s32 $0x400, s30;
	_ =	swait.ge [sflag:s25], $0x2000  }
0x4e: {  	s31 =	sshra.s32 s31, $0x2;
	[sflag:s25] =	ssyncset.done $0x0  }
0x4f: {  	s0 =	sadd.s32 $0x2900, s31;
	[sflag:s25] =	ssyncadd.s32 $0xFFFFE000  }
0x50: {  	[spmem:s2] =	stream.indirect.scatter.add.f32 [tilespmem:s23], [sflag:$0x7], $0x40, s0, s22, $0xb8;
	[tilespmem:$0x1CD00] =	vst v63  }
0x51: {  	_ =	swait.ge [sflag:s26], $0x2000  }
0x52: {  	[sflag:s26] =	ssyncset.done $0x0  }
0x53: {  	s0 =	sadd.s32 $0x100, s31;
	[sflag:s26] =	ssyncadd.s32 $0xFFFFE000  }
0x54: {  	[tilespmem:s23], [sflag:$0x1] =	stream.indirect.gather [spmem:s3], $0x40, s0, s22, $0xb8;
	[tilespmem:$0x1CD00] =	vst v63  }
0x55: {  	_ =	swait.ge [sflag:s28], $0x2000  }
0x56: {  	[sflag:s28] =	ssyncset.done $0x0  }
.Ltmp0:
0x57: {  	s0 =	sadd.s32 $0x2980, s31;
	[sflag:s28] =	ssyncadd.s32 $0xFFFFE000;
	(pc) =	sbr.rel @p1 .LBB2_2-.Ltmp0, $4  }
0x58: {  	[spmem:s2] =	stream.indirect.scatter.add.f32 [tilespmem:s24], [sflag:$0x7], $0x40, s0, s22, $0xb8;
	[tilespmem:$0x1CD00] =	vst v63  }
0x59: {  	_ =	swait.ge [sflag:s26], $0x2000  }
0x5a: {  	[sflag:s26] =	ssyncset.done $0x0  }
0x5b: {  	s31 =	sadd.s32 $0x180, s31;
	[sflag:s26] =	ssyncadd.s32 $0xFFFFE000  }
0x5c: {  	[tilespmem:s24], [sflag:$0x2] =	stream.indirect.gather [spmem:s3], $0x40, s31, s22, $0xb8;
	[tilespmem:$0x1CD00] =	vst v63  }
0x5d: {  	_ =	swait.ge [sflag:s25], $0x2000  }
0x5e: {  	[sflag:s25] =	ssyncset.done $0x0  }
0x5f: {  	[sflag:s25] =	ssyncadd.s32 $0xFFFFE000  }
0x60: {  	_ =	swait.ge [sflag:s28], $0x2000  }
0x61: {  	s29 =	sadd.s32 $0x1, s29;
	[sflag:s28] =	ssyncset.done $0x0  }
0x62: {  	p1 =	sne.s32 s29, s13;
	[sflag:s28] =	ssyncadd.s32 $0xFFFFE000  }
.Ltmp1:
0x63: {  	s0 =	sor.u32 $0x1C07, s8;
	[bflag:$0x0] =	sbarrier.arrive $0xFFFF;
	(pc) =	sbr.rel @p1 .LBB2_1-.Ltmp1, $4  }
0x64: {  	[hbm:s12], [sflag:s0] =	dma.local [spmem:s15], $0x13C0  }
0x65: {  	_ =	swait.ge [sflag:s26], $0x13C0  }
0x66: {  	[sflag:s26] =	ssyncset.done $0x0  }
0x67: {  	[sflag:s26] =	ssyncadd.s32 $0xFFFFEC40  }
0x68: {  	_ =	sfence.sel $0x180000  }
0x69: {  	[bflag:$0x0] =	sbarrier.arrive $0xFFFF  }
0x6a: {  	_ =	strace $0x9000004D  }
0x6b: {  	[bflag:$0x2] =	sbarrier.arrive $0xFFFF  }
0x6c: {  	p0 =	sne.s32 s1, $0x0;
	s0 =	rddreg [dreg:$0x3]  }
0x6d: {  	s0 =	sadd.s32 @!p0 $0x100000, s0  }
0x6e: {  	[sflag:s0] =	ssyncadd.tile.s32 @!p0 $0x1;
	_ =	shalt  }
.Lfunc_end2:
_tile_overlayer_lowered:
.L_overlay_start_2:
0x6f: {  	(tag) =	ssettag $0x2  }
0x70: {  	s0 =	rddreg [dreg:$0x0];
	s2 =	stileid.u32  }
0x71: {  	s1 =	rddreg [dreg:$0x1];
	p0 =	sne.s32 s2, $0x0  }
0x72: {  	s3 =	rddreg [dreg:$0x2];
	[bflag:$0x3] =	sbarrier.arrive $0xFFFF;
	s2 =	simm.s32 @!p0 $0x1C07  }
0x73: {  	[timem:s3], [sflag:s2] =	dma.local @!p0 [hbm:s0], s1  }
0x74: {  	s0 =	simm.s32 @!p0 $0x7  }
0x75: {  	_ =	swait.ge @!p0 [sflag:s0], s1  }
0x76: {  	s1 =	ssub.s32 @!p0 $0x0, s1;
	[sflag:s0] =	ssyncset.done @!p0 $0x0  }
0x77: {  	[sflag:s0] =	ssyncadd.s32 @!p0 s1  }
0x78: {  	[bflag:$0x3] =	sbarrier.arrive $0xFFFF  }
0x79: {  	_ =	shalt  }

// kernel: kernel.8.cloned.1.call-start
scs
__scs_entry_jumppad:
0x0: {  	(pc) =	sbr.rel $0x88, $3  }
0x1: {  	(tag) =	ssettag $0x0;
	lr =	simm.s32 $0x1  }
0x2: {  	[smem:$0x3F94] =	sst lr;
	_ =	strace $0xD0000000  }
0x3: {  	_ = 	snop  }
0x4: {  	_ = 	snop  }
0x5: {  	_ = 	snop  }
0x6: {  	_ = 	snop  }
0x7: {  	_ = 	snop  }
__scs_overlays_trampoline_lowered:
0x8: {  	[smem:$0x3FA3] =	sst s0  }
0x9: {  	[smem:$0x3FA4] =	sst s1  }
0xa: {  	[smem:$0x3FA5] =	sst s2  }
0xb: {  	[smem:$0x3FA6] =	sst s3  }
0xc: {  	[smem:$0x3FA7] =	sst s4  }
0xd: {  	[smem:$0x3FA8] =	sst s5  }
0xe: {  	[smem:$0x3FA9] =	sst s6  }
0xf: {  	[smem:$0x3FAA] =	sst s7  }
0x10: {  	[smem:$0x3FAB] =	sst s8  }
0x11: {  	[smem:$0x3FAC] =	sst s9;
	s0 =	simm.s32 @!p0 $0x0  }
0x12: {  	s1 =	sld [smem:$0x3F92];
	s0 =	simm.s32 @p0 $0x1  }
0x13: {  	[smem:$0x3FAD] =	sst s0;
	s0 =	simm.s32 @!p1 $0x0  }
0x14: {  	s2 =	sld [smem:$0x3F91];
	s0 =	simm.s32 @p1 $0x1  }
0x15: {  	[smem:$0x3FAE] =	sst s0;
	s0 =	simm.s32 @!p2 $0x0  }
0x16: {  	s3 =	sld [smem:$0x3FDB];
	s0 =	simm.s32 @p2 $0x1  }
0x17: {  	s4 =	simm.s32 $0x1BF5;
	[smem:$0x3FB0] =	sst s0  }
0x18: {  	s0 =	sld [smem:$0x3F93];
	_ =	swait.ge [sflag:s4], $0x0  }
0x19: {  	s7 =	sld [smem:$0x3F94]  }
0x1a: {  	s8 =	sadd.s32 $0xFFFFE003, lr  }
0x1b: {  	s9 =	sadd.s32 $0xFFFFFEF7, lr;
	s5 =	simm.s32 $0xFFFFFFFF;
	p2 =	slt.u32 s8, $0xFFFFF086  }
0x1c: {  	p1 =	slt.u32 s9, $0xF7A;
	s5 =	simm.s32 @!p2 $0x0  }
0x1d: {  	s5 =	simm.s32 @p1 $0x1;
	p0 =	seq.s32 s7, s2  }
0x1e: {  	s7 =	smul.u32 @!p0 $0xF7A, s2;
	p2 =	seq.s32 @!p0 s5, $0x0  }
0x1f: {  	s9 =	smul.u32 $0xF7A, s1;
	s8 =	simm.s32 @!p0 $0x1BF5;
	p2 =	por !p2, p0  }
0x20: {  	[sflag:s8] =	ssyncset.s32 @!p0 $0xFFFFF086;
	s6 =	sadd.s32 @!p0 s3, s7;
	s7 =	simm.s32 @!p0 $0x108  }
0x21: {  	s3 =	sadd.s32 s3, s9;
	s6 =	sadd.s32 @!p0 $0x88, s6;
	s7 =	simm.s32 @p2 $0x1082  }
0x22: {  	[simem:s7], [sflag:s8] =	dma.local @!p0 [hbm:s6], $0xF7A  }
0x23: {  	s9 =	sor.u32 $0xD0000000, s2;
	s6 =	simm.s32 $0x108;
	_ =	swait.ge @!p0 [sflag:s8], $0x0  }
0x24: {  	s3 =	sadd.s32 $0x88, s3;
	s6 =	simm.s32 @!p1 $0x1082;
	[sflag:s4] =	ssyncset.s32 $0xFFFFF086  }
0x25: {  	[simem:s6], [sflag:s4] =	dma.local [hbm:s3], $0xF7A  }
0x26: {  	[smem:$0x3F94] =	sst s1;
	(tag) =	ssettag s2;
	_ =	strace s9  }
0x27: {  	s1 =	sld [smem:$0x3FA4]  }
0x28: {  	s2 =	sld [smem:$0x3FA5]  }
0x29: {  	s4 =	sld [smem:$0x3FA7]  }
0x2a: {  	p0 =	seq.s32 s5, $0x0;
	s5 =	sld [smem:$0x3FA8]  }
0x2b: {  	s6 =	sld [smem:$0x3FA9]  }
0x2c: {  	s7 =	sld [smem:$0x3FAA]  }
0x2d: {  	s3 =	simm.s32 $0x108;
	s8 =	sld [smem:$0x3FAB]  }
0x2e: {  	s3 =	simm.s32 @!p0 $0x1082;
	s9 =	sld [smem:$0x3FAC]  }
0x2f: {  	lr =	sadd.s32 s0, s3;
	s0 =	sld [smem:$0x3FA3]  }
0x30: {  	s3 =	sld [smem:$0x3FA6]  }
0x31: {  	[smem:$0x3FAF] =	sst s10  }
0x32: {  	s10 =	sld [smem:$0x3FAD];
	_ =	sdelay $0x3  }
0x33: {  	p0 =	seq.s32 s10, $0x1;
	s10 =	sld [smem:$0x3FAF];
	_ =	sdelay $0x3  }
0x34: {  	[smem:$0x3FAF] =	sst s10  }
0x35: {  	s10 =	sld [smem:$0x3FAE];
	_ =	sdelay $0x3  }
0x36: {  	p1 =	seq.s32 s10, $0x1;
	s10 =	sld [smem:$0x3FAF];
	_ =	sdelay $0x3  }
0x37: {  	[smem:$0x3FAF] =	sst s10  }
0x38: {  	s10 =	sld [smem:$0x3FB0]  }
0x39: {  	_ = 	snop;
	(pc) =	sbr.ind lr, $3  }
0x3a: {  	_ = 	snop  }
0x3b: {  	_ = 	snop  }
0x3c: {  	p2 =	seq.s32 s10, $0x1;
	s10 =	sld [smem:$0x3FAF]  }
0x3d: {  	_ =	shalt  }
0x3e: {  	_ =	shalt  }
0x3f: {  	_ =	shalt  }
0x40: {  	_ =	shalt  }
0x41: {  	_ =	shalt  }
0x42: {  	_ =	shalt  }
0x43: {  	_ =	shalt  }
0x44: {  	_ =	shalt  }
0x45: {  	_ =	shalt  }
0x46: {  	_ =	shalt  }
0x47: {  	_ =	shalt  }
0x48: {  	_ =	shalt  }
0x49: {  	_ =	shalt  }
0x4a: {  	_ =	shalt  }
0x4b: {  	_ =	shalt  }
0x4c: {  	_ =	shalt  }
0x4d: {  	_ =	shalt  }
0x4e: {  	_ =	shalt  }
0x4f: {  	_ =	shalt  }
0x50: {  	_ =	shalt  }
0x51: {  	_ =	shalt  }
0x52: {  	_ =	shalt  }
0x53: {  	_ =	shalt  }
0x54: {  	_ =	shalt  }
0x55: {  	_ =	shalt  }
0x56: {  	_ =	shalt  }
0x57: {  	_ =	shalt  }
0x58: {  	_ =	shalt  }
0x59: {  	_ =	shalt  }
0x5a: {  	_ =	shalt  }
0x5b: {  	_ =	shalt  }
0x5c: {  	_ =	shalt  }
0x5d: {  	_ =	shalt  }
0x5e: {  	_ =	shalt  }
0x5f: {  	_ =	shalt  }
0x60: {  	_ =	shalt  }
0x61: {  	_ =	shalt  }
0x62: {  	_ =	shalt  }
0x63: {  	_ =	shalt  }
0x64: {  	_ =	shalt  }
0x65: {  	_ =	shalt  }
0x66: {  	_ =	shalt  }
0x67: {  	_ =	shalt  }
0x68: {  	_ =	shalt  }
0x69: {  	_ =	shalt  }
0x6a: {  	_ =	shalt  }
0x6b: {  	_ =	shalt  }
0x6c: {  	_ =	shalt  }
0x6d: {  	_ =	shalt  }
0x6e: {  	_ =	shalt  }
0x6f: {  	_ =	shalt  }
0x70: {  	_ =	shalt  }
0x71: {  	_ =	shalt  }
0x72: {  	_ =	shalt  }
0x73: {  	_ =	shalt  }
0x74: {  	_ =	shalt  }
0x75: {  	_ =	shalt  }
0x76: {  	_ =	shalt  }
0x77: {  	_ =	shalt  }
0x78: {  	_ =	shalt  }
0x79: {  	_ =	shalt  }
0x7a: {  	_ =	shalt  }
0x7b: {  	_ =	shalt  }
0x7c: {  	_ =	shalt  }
0x7d: {  	_ =	shalt  }
0x7e: {  	_ =	shalt  }
0x7f: {  	_ =	shalt  }
0x80: {  	_ =	shalt  }
0x81: {  	_ =	shalt  }
0x82: {  	_ =	shalt  }
0x83: {  	_ =	shalt  }
0x84: {  	_ =	shalt  }
0x85: {  	_ =	shalt  }
0x86: {  	_ =	shalt  }
0x87: {  	_ =	shalt  }
.Lfunc_end0:
.L_simem_size_0:
called_computation_lowered:
.L_overlay_start_0:
0x88: {  	s2 =	sld [smem:$0x3FD9]  }
0x89: {  	s3 =	sld [smem:$0x3FFE];
	_ =	sdelay $0x1  }
0x8a: {  	s1 =	srdreg.scid  }
0x8b: {  	s0 =	sand.u32 $0x1, s1  }
0x8c: {  	s17 =	sshll.u32 s0, $0xA;
	s2 =	sadd.s32 s3, s2  }
0x8d: {  	s2 =	sadd.s32 s2, s17  }
0x8e: {  	[smem:$0x3FBB] =	sst s2  }
0x8f: {  	_ = 	snop  }
0x90: {  	s18 =	sld [smem:$0x3FD0];
	(tm) =	ssettm $0x1  }
0x91: {  	s19 =	sld [smem:$0x3FFB];
	_ =	sdelay $0x3  }
0x92: {  	_ =	strace s19  }
0x93: {  	s2 =	sld [smem:$0x3FFC];
	_ =	sdelay $0x3  }
0x94: {  	_ =	strace s2  }
0x95: {  	s2 =	sld [smem:$0x3FFD];
	_ =	sdelay $0x3  }
0x96: {  	_ =	strace s2  }
0x97: {  	_ =	strace $0x8FFFFFFF  }
0x98: {  	s20 =	sld [smem:$0x3FDB];
	_ =	sdelay $0x1  }
0x99: {  	s4 =	simm.s32 $_scs_section_size  }
0x9a: {  	s5 =	simm.s32 $_size__tile_overlayer_lowered;
	s6 =	simm.s32 $_tile_overlayer_lowered  }
0x9b: {  	s7 =	simm.s32 $0x1BFF;
	s21 =	sshll.u32 s6, $0x1;
	s4 =	sadd.s32 s4, s20  }
0x9c: {  	s22 =	simm.s32 $0x0;
	s5 =	sshll.u32 s5, $0x1;
	s6 =	sadd.s32 s21, s4  }
0x9d: {  	[timem:s22], [sflag:s7] =	dma.local [hbm:s6], s5  }
0x9e: {  	_ =	swait.ge [sflag:s7], s5  }
0x9f: {  	s5 =	ssub.s32 $0x0, s5;
	[sflag:s7] =	ssyncset.done $0x0  }
0xa0: {  	[sflag:s7] =	ssyncadd.s32 s5;
	_ =	sdelay $0x1  }
0xa1: {  	s23 =	simm.s32 $0x1B8B  }
0xa2: {  	_ =	swait.ge [sflag:s23], $0x1  }
0xa3: {  	[sflag:s23] =	ssyncset.done $0x0  }
0xa4: {  	[sflag:s23] =	ssyncadd.s32 $0xFFFFFFFF  }
0xa5: {  	s5 =	sld [smem:$0x0]  }
0xa6: {  	s6 =	sand.u32 $0xFFFFFFFE, s1  }
0xa7: {  	p0 =	sne.s32 s1, s6  }
0xa8: {  	s6 =	sshll.u32 @p0 s6, $0xE  }
0xa9: {  	s6 =	sadd.s32 @p0 $0x11B8D, s6;
	s7 =	sshll.u32 @p0 s5, $0x11  }
0xaa: {  	s6 =	sor.u32 @p0 s7, s6  }
0xab: {  	[sflag:s6] =	ssyncadd.remote.s32 @p0 $0x1;
	_ =	sdelay $0x1  }
0xac: {  	s6 =	simm.s32 @p0 $0x1B8D  }
0xad: {  	_ =	swait.eq @p0 [sflag:s6], $0x1  }
0xae: {  	[sflag:s6] =	ssyncadd.s32 @p0 $0xFFFFFFFF  }
0xaf: {  	s7 =	sshll.u32 @!p0 s1, $0xE  }
0xb0: {  	s7 =	sor.u32 @!p0 $0x4000, s7;
	s6 =	simm.s32 @!p0 $0x1B8D  }
0xb1: {  	s5 =	sshll.u32 @!p0 s5, $0x11;
	s7 =	sadd.s32 @!p0 $0x11B8D, s7;
	_ =	swait.eq @!p0 [sflag:s6], $0x1  }
0xb2: {  	s5 =	sor.u32 @!p0 s5, s7;
	[sflag:s6] =	ssyncadd.s32 @!p0 $0xFFFFFFFF  }
0xb3: {  	s25 =	simm.s32 $0x1B8E;
	s24 =	sld [smem:$0x3FFE];
	[sflag:s5] =	ssyncadd.remote.s32 @!p0 $0x1  }
0xb4: {  	s26 =	simm.s32 $execute0_lowered;
	[smem:$0x3FD2] =	sst s25  }
0xb5: {  	s6 =	sshll.u32 s26, $0x1;
	_ =	strace $0x80000049;
	[dreg:$0x1] =	wrdreg $0xFFFFFFFF  }
0xb6: {  	s28 =	simm.s32 $_size_execute0_lowered;
	s4 =	sadd.s32 s4, s6;
	[dreg:$0x0] =	wrdreg $0x0  }
0xb7: {  	s6 =	sshll.u32 s28, $0x1;
	[dreg:$0x2] =	wrdreg s4  }
0xb8: {  	[dreg:$0x3] =	wrdreg s6  }
0xb9: {  	[dreg:$0x4] =	wrdreg $0xC0  }
0xba: {  	_ =	task [dreg:s22], $0x5FFFF  }
0xbb: {  	[dreg:$0x1] =	wrdreg $0xFFFFFFFF  }
0xbc: {  	[dreg:$0x0] =	wrdreg $0x60  }
0xbd: {  	[dreg:$0x2] =	wrdreg s24  }
0xbe: {  	[dreg:$0x3] =	wrdreg s18  }
0xbf: {  	[dreg:$0x4] =	wrdreg $0x30000  }
0xc0: {  	[dreg:$0x5] =	wrdreg $0x9  }
0xc1: {  	_ =	task.clear_ibuf [dreg:s22], $0x6FFFF;
	_ =	strace $0x90000049  }
0xc2: {  	s29 =	simm.s32 $0x9;
	_ =	strace $0x8000004B  }
0xc3: {  	_ =	swait.ge [sflag:s29], $0x1  }
0xc4: {  	[sflag:s29] =	ssyncadd.s32 $0xFFFFFFFF  }
0xc5: {  	_ =	strace $0x9000004B  }
0xc6: {  	_ =	sfence  }
0xc7: {  	s30 =	sld [smem:$0x0];
	_ =	sdelay $0x2  }
0xc8: {  	s31 =	sshll.u32 s1, $0xD;
	s1 =	sshrl.u32 s1, $0x2  }
0xc9: {  	s4 =	sand.u32 $0x4000, s31;
	s1 =	sadd.s32 s1, s30  }
0xca: {  	s0 =	sor.u32 s4, s0;
	s1 =	sshll.u32 s1, $0x11  }
0xcb: {  	s0 =	sor.u32 s1, s0  }
0xcc: {  	s0 =	sadd.s32 $0x8F2B, s0  }
0xcd: {  	[sflag:s0] =	ssyncadd.remote.s32 $0x1  }
0xce: {  	_ =	sfence.sel $0xFFFF  }
0xcf: {  	[dreg:$0x0] =	wrdreg $0xFFFFFFFF;
	(pc) =	sbr.abs _section_cstart, $3  }
0xd0: {  	[dreg:$0x1] =	wrdreg $0xFFFFFFFF  }
0xd1: {  	_ =	task.clear_ibuf [dreg:s22], $0x2FFFF;
	_ =	strace $0x9FFFFFFF  }
0xd2: {  	(tm) =	ssettm $0x7FFFFFFF  }
0xd3: {  	_ =	shalt  }
tec
execute0_lowered:
.L_overlay_start_1:
0x0: {  	(tag) =	ssettag $0x1  }
0x1: {  	s5 =	rddreg [dreg:$0x0]  }
0x2: {  	s6 =	rddreg [dreg:$0x1]  }
0x3: {  	s0 =	srdreg.scid;
	s2 =	rddreg [dreg:$0x2]  }
0x4: {  	s1 =	stileid.u32;
	s3 =	simm.s32 $0x0;
	s12 =	simm.s32 $0x1  }
0x5: {  	s13 =	simm.s32 $0x2;
	s14 =	simm.s32 $0x3;
	s15 =	simm.s32 $0x80  }
0x6: {  	s16 =	simm.s32 $0x4;
	s4 =	sand.u32 $0x1, s0;
	s0 =	rddreg [dreg:$0x3]  }
0x7: {  	s18 =	simm.s32 $0x0;
	s8 =	smul.u32 $0x2780, s1;
	[smem:$0x7FF] =	sst s3  }
0x8: {  	s17 =	sshll.u32 s1, $0x6;
	s7 =	sshll.u32 s4, $0x4;
	s9 =	smul.u32 $0x27800, s4  }
0x9: {  	_ =	strace $0x8000004A;
	s10 =	ssub.s32 $0x2, s4;
	s4 =	sadd.s32 $0x64C00, s5  }
0xa: {  	s7 =	sor.u32 s1, s7;
	s30 =	sshrl.u32 s10, $0x1;
	s31 =	sshrl.u32 s8, $0x3  }
0xb: {  	s11 =	sadd.s32 s8, s2;
	s7 =	smul.u32 $0x500, s7;
	s9 =	sadd.s32 s8, s9  }
0xc: {  	s10 =	ssub.s32 s10, s30;
	s6 =	sadd.s32 s6, s31;
	s9 =	sshrl.u32 s9, $0x3  }
0xd: {  	s11 =	sshrl.u32 s11, $0x3;
	s7 =	sadd.s32 s7, s5;
	s9 =	sadd.s32 s9, s5  }
0xe: {  	s5 =	sadd.s32 $0x15800, s7;
	s7 =	sor.u32 $0x1C03, s17;
	s8 =	sadd.s32 $0x64E00, s9  }
0xf: {  	s9 =	smax.u32 s10, $0x1;
	s10 =	simm.s32 $0x2800;
	s17 =	sor.u32 $0x1C04, s17  }
.LBB2_1:
0x10: {  	[tilespmem:s3], [sflag:$0x1] =	stream.linear.gather [hbm4b:s5+s3], $0x2800, $0x38;
	[tilespmem:$0x5780] =	vst v63  }
0x11: {  	_ = 	snop  }
0x12: {  	[tilespmem:s10], [sflag:$0x2] =	stream.linear.gather [hbm4b:s4+s3], $0x800, $0x38;
	[tilespmem:$0x5780] =	vst v63  }
0x13: {  	[spmem:s11], [sflag:s7] =	dma.local [hbm:s6], $0x4F0  }
0x14: {  	_ =	swait.ge [sflag:s12], $0x2800  }
0x15: {  	[sflag:s12] =	ssyncset.done $0x0  }
0x16: {  	[sflag:s12] =	ssyncadd.s32 $0xFFFFD800  }
0x17: {  	_ =	swait.ge [sflag:s13], $0x800  }
0x18: {  	[sflag:s13] =	ssyncset.done $0x0  }
0x19: {  	[sflag:s13] =	ssyncadd.s32 $0xFFFFF800  }
0x1a: {  	_ =	swait.ge [sflag:s14], $0x4F0  }
0x1b: {  	[sflag:s14] =	ssyncset.done $0x0  }
0x1c: {  	[sflag:s14] =	ssyncadd.s32 $0xFFFFFB10  }
0x1d: {  	s19 =	simm.s32 $0x0;
	[bflag:$0x0] =	sbarrier.arrive $0xFFFF  }
0x1e: {  	[spmem:s2] =	stream.indirect.scatter.add.f32 [tilespmem:s10], [sflag:$0x4], $0x10, s19, s15, $0xb8;
	[tilespmem:$0x5780] =	vst v63  }
0x1f: {  	_ =	swait.ge [sflag:s16], $0x800  }
0x20: {  	s19 =	simm.s32 $0x200;
	[sflag:s16] =	ssyncset.done $0x0  }
.LBB2_2:
0x21: {  	s20 =	sshra.s32 s19, $0x2;
	[sflag:s16] =	ssyncadd.s32 $0xFFFFF800;
	p0 =	sne.s32 s19, $0x9E00  }
0x22: {  	[spmem:s2] =	stream.indirect.scatter.add.f32 [tilespmem:s10], [sflag:$0x4], $0x10, s20, s15, $0xb8;
	[tilespmem:$0x5780] =	vst v63  }
.Ltmp0:
0x23: {  	_ = 	snop;
	(pc) =	sbr.rel @p0 .LBB2_2-.Ltmp0, $4  }
0x24: {  	_ = 	snop  }
0x25: {  	s19 =	sadd.s32 $0x200, s19  }
0x26: {  	_ =	swait.ge [sflag:s16], $0x800  }
0x27: {  	[sflag:s16] =	ssyncset.done $0x0  }
0x28: {  	s18 =	sadd.s32 $0x1, s18  }
0x29: {  	[sflag:s16] =	ssyncadd.s32 $0xFFFFF800;
	p0 =	sne.s32 s18, s9  }
.Ltmp1:
0x2a: {  	[bflag:$0x0] =	sbarrier.arrive $0xFFFF;
	(pc) =	sbr.rel @p0 .LBB2_1-.Ltmp1, $4  }
0x2b: {  	[hbm:s8], [sflag:s17] =	dma.local [spmem:s11], $0x4F0  }
0x2c: {  	_ =	swait.ge [sflag:s16], $0x4F0  }
0x2d: {  	[sflag:s16] =	ssyncset.done $0x0  }
0x2e: {  	[sflag:s16] =	ssyncadd.s32 $0xFFFFFB10  }
0x2f: {  	_ =	sfence.sel $0x180000  }
0x30: {  	[bflag:$0x0] =	sbarrier.arrive $0xFFFF  }
0x31: {  	p0 =	sne.s32 s1, $0x0;
	_ =	strace $0x9000004A  }
0x32: {  	s0 =	sadd.s32 @!p0 $0x100000, s0;
	[bflag:$0x2] =	sbarrier.arrive $0xFFFF  }
0x33: {  	[sflag:s0] =	ssyncadd.tile.s32 @!p0 $0x1;
	_ =	shalt  }
.Lfunc_end2:
_tile_overlayer_lowered:
.L_overlay_start_2:
0x34: {  	(tag) =	ssettag $0x2  }
0x35: {  	s0 =	rddreg [dreg:$0x0];
	s2 =	stileid.u32  }
0x36: {  	s1 =	rddreg [dreg:$0x1];
	p0 =	sne.s32 s2, $0x0  }
0x37: {  	s3 =	rddreg [dreg:$0x2];
	[bflag:$0x3] =	sbarrier.arrive $0xFFFF;
	s2 =	simm.s32 @!p0 $0x1C04  }
0x38: {  	[timem:s3], [sflag:s2] =	dma.local @!p0 [hbm:s0], s1  }
0x39: {  	s0 =	simm.s32 @!p0 $0x4  }
0x3a: {  	_ =	swait.ge @!p0 [sflag:s0], s1  }
0x3b: {  	s1 =	ssub.s32 @!p0 $0x0, s1;
	[sflag:s0] =	ssyncset.done @!p0 $0x0  }
0x3c: {  	[sflag:s0] =	ssyncadd.s32 @!p0 s1  }
0x3d: {  	[bflag:$0x3] =	sbarrier.arrive $0xFFFF  }
0x3e: {  	_ =	shalt  }

</sc_bundles>
